<compile_context>
chip_gen: v7x
topology: tpu7x:2x2x1
jax: 0.10.2.dev20260603
libtpu: 0.0.44.dev20260713+nightly
codegen_flags: <defaults>
</compile_context>

<pallas_src>
import math

import jax
import jax.numpy as jnp
from jax import lax
from jax.experimental import pallas as pl
from jax.experimental.pallas import tpu as pltpu
from jax.experimental.pallas import tpu_sc as plsc

D_MODEL = 1024
SCALE = math.sqrt(D_MODEL)

NC = 2
NS = 16
NW = NC * NS
LANES = 16

B_TOTAL = 4 * 4096
B_PER_W = B_TOTAL // NW
CHUNK = 32
NCHUNK = B_PER_W // CHUNK
NBUF = 3


def _body(x_hbm, table_hbm, out_hbm, idx_v, bufs, gsems, ssems):
    wid = lax.axis_index("s") * NC + lax.axis_index("c")
    base = wid * B_PER_W

    pltpu.sync_copy(x_hbm.at[wid, pl.ds(0, 8)], idx_v.at[pl.ds(0, 8)])

    def start_gather(g):
        return pltpu.async_copy(
            table_hbm.at[idx_v.at[g]], bufs[g % NBUF], gsems[g % NBUF])

    def start_scatter(g):
        return pltpu.async_copy(
            bufs[g % NBUF], out_hbm.at[pl.ds(base + g * CHUNK, CHUNK)],
            ssems[g % NBUF])

    def compute(b):
        buf = bufs[b]

        @pl.loop(0, CHUNK)
        def _rows(r):
            @pl.loop(0, D_MODEL // LANES, unroll=8)
            def _cols(j):
                sl = (r, pl.ds(j * LANES, LANES))
                buf[sl] = buf[sl] * SCALE

    gd = [None] * NCHUNK
    sd = [None] * NCHUNK
    for g in range(NBUF - 1):
        gd[g] = start_gather(g)
    pltpu.sync_copy(x_hbm.at[wid, pl.ds(8, NCHUNK - 8)],
                    idx_v.at[pl.ds(8, NCHUNK - 8)])
    for g in range(NCHUNK):
        gd[g].wait()
        n = g + NBUF - 1
        if n < NCHUNK:
            if g >= 1:
                sd[g - 1].wait()
            gd[n] = start_gather(n)
        compute(g % NBUF)
        sd[g] = start_scatter(g)
    for g in range(NCHUNK - NBUF + 1, NCHUNK):
        sd[g].wait()


@jax.jit
def _emb_lookup(x_idx, table):
    mesh = plsc.VectorSubcoreMesh(core_axis_name="c", subcore_axis_name="s")
    run = pl.kernel(
        _body,
        out_type=jax.ShapeDtypeStruct((B_TOTAL, D_MODEL), jnp.float32),
        mesh=mesh,
        scratch_types=[
            pltpu.VMEM((NCHUNK, CHUNK), jnp.int32),
            tuple(pltpu.VMEM((CHUNK, D_MODEL), jnp.float32)
                  for _ in range(NBUF)),
            tuple(pltpu.SemaphoreType.DMA for _ in range(NBUF)),
            tuple(pltpu.SemaphoreType.DMA for _ in range(NBUF)),
        ],
    )
    return run(x_idx, table)


def kernel(x, table):
    x_idx = x.reshape(NW, NCHUNK, CHUNK).astype(jnp.int32)
    out = _emb_lookup(x_idx, table)
    return out.reshape(x.shape + (D_MODEL,))

# --- scband reference (transcript-rebuilt; emitter-appended) ---
"""Pipeline reference for scband-embeddings-48103633715372 (READ-ONLY COPY).

The authoritative reference and input builder live on the scoring server;
editing this copy changes nothing except your own understanding.
"""

import jax, jax.numpy as jnp
import numpy as np
import math

D_MODEL = 1024
VOCAB = 100000

def setup_inputs(seed: int = 0) -> dict:
    key = jax.random.key(seed)
    k1, k2 = jax.random.split(key)
    x = jax.random.randint(k1, (4, 4096), 0, VOCAB, dtype=jnp.int64)
    table = jax.random.normal(k2, (VOCAB, D_MODEL), dtype=jnp.float32) * (D_MODEL ** -0.5)
    return {"x": x, "table": table}

def reference(x, table):
    emb = jnp.take(table, x, axis=0)
    return emb * math.sqrt(D_MODEL)

if __name__ == "__main__":
    import jax
    _d = setup_inputs()
    print(jax.jit(kernel)(*tuple(_d.values())))

</pallas_src>

<mosaic_0001>
#map = affine_map<(d0, d1) -> (0, 0, 0)>
#map1 = affine_map<(d0, d1) -> (0, 0)>
module attributes {stable_mosaic.version = 14 : i64} {
  func.func @_body(%arg0: i32, %arg1: i32, %arg2: memref<32x16x32xi32, #tpu.memory_space<hbm>>, %arg3: memref<100000x1024xf32, #tpu.memory_space<hbm>>, %arg4: memref<16384x1024xf32, #tpu.memory_space<hbm>>, %arg5: memref<16x32xi32, #tpu.memory_space<vmem>>, %arg6: memref<32x1024xf32, #tpu.memory_space<vmem>>, %arg7: memref<32x1024xf32, #tpu.memory_space<vmem>>, %arg8: memref<32x1024xf32, #tpu.memory_space<vmem>>, %arg9: memref<!tpu.dma_semaphore, #tpu.memory_space<semaphore_mem>>, %arg10: memref<!tpu.dma_semaphore, #tpu.memory_space<semaphore_mem>>, %arg11: memref<!tpu.dma_semaphore, #tpu.memory_space<semaphore_mem>>, %arg12: memref<!tpu.dma_semaphore, #tpu.memory_space<semaphore_mem>>, %arg13: memref<!tpu.dma_semaphore, #tpu.memory_space<semaphore_mem>>, %arg14: memref<!tpu.dma_semaphore, #tpu.memory_space<semaphore_mem>>) attributes {dimension_semantics = [#tpu.dimension_semantics<core_parallel>, #tpu.dimension_semantics<subcore_parallel>], iteration_bounds = array<i64: 2, 16>, scalar_prefetch = 0 : i64, scratch_operands = 10 : i64, tpu.core_type = #tpu.core_type<sc_vector_subcore>, window_params = [{transform_indices = #map}, {transform_indices = #map1}, {transform_indices = #map1}]} {
    %mul3A = arith.constant 2 : i32
    %mul3A_0 = arith.muli %arg1, %mul3A : i32
    %add3A = arith.addi %mul3A_0, %arg0 : i32
    %mul3A_1 = arith.constant 512 : i32
    %mul3A_2 = arith.muli %add3A, %mul3A_1 : i32
    "tpu.region"() ({
      %run_scoped3A = tpu.sem_alloc : memref<!tpu.dma_semaphore, #tpu.memory_space<semaphore_mem>>
      %dma_start3A_460 = arith.constant 0 : i32
      %dma_start3A_461 = arith.constant 0 : i32
      %dma_start3A_462 = tpu.memref_slice %arg5[%dma_start3A_460, %dma_start3A_461] : memref<16x32xi32, #tpu.memory_space<vmem>> -> memref<8x32xi32, #tpu.memory_space<vmem>>
      %dma_start3A_463 = arith.constant 0 : i32
      %dma_start3A_464 = arith.constant 0 : i32
      %dma_start3A_465 = tpu.memref_slice %arg2[%add3A, %dma_start3A_463, %dma_start3A_464] : memref<32x16x32xi32, #tpu.memory_space<hbm>> -> memref<1x8x32xi32, #tpu.memory_space<hbm>>
      %dma_start3A_466 = tpu.memref_squeeze %dma_start3A_465 : memref<1x8x32xi32, #tpu.memory_space<hbm>> -> memref<8x32xi32, #tpu.memory_space<hbm>>
      %dma_start3A_467 = arith.constant 0 : i32
      %dma_start3A_468 = arith.constant 0 : i32
      %dma_start3A_469 = tpu.memref_slice %arg5[%dma_start3A_467, %dma_start3A_468] : memref<16x32xi32, #tpu.memory_space<vmem>> -> memref<8x32xi32, #tpu.memory_space<vmem>>
      %dma_start3A_470 = arith.constant 0 : i32
      %dma_start3A_471 = arith.constant 0 : i32
      %dma_start3A_472 = tpu.memref_slice %arg2[%add3A, %dma_start3A_470, %dma_start3A_471] : memref<32x16x32xi32, #tpu.memory_space<hbm>> -> memref<1x8x32xi32, #tpu.memory_space<hbm>>
      %dma_start3A_473 = tpu.memref_squeeze %dma_start3A_472 : memref<1x8x32xi32, #tpu.memory_space<hbm>> -> memref<8x32xi32, #tpu.memory_space<hbm>>
      tpu.enqueue_dma source(%dma_start3A_473 : memref<8x32xi32, #tpu.memory_space<hbm>>) target(%dma_start3A_469 : memref<8x32xi32, #tpu.memory_space<vmem>>) target_semaphore(%run_scoped3A : memref<!tpu.dma_semaphore, #tpu.memory_space<semaphore_mem>>)
      %dma_wait3A_474 = arith.constant 0 : i32
      %dma_wait3A_475 = arith.constant 0 : i32
      %dma_wait3A_476 = tpu.memref_slice %arg5[%dma_wait3A_474, %dma_wait3A_475] : memref<16x32xi32, #tpu.memory_space<vmem>> -> memref<8x32xi32, #tpu.memory_space<vmem>>
      %dma_wait3A_477 = arith.constant 0 : i32
      %dma_wait3A_478 = arith.constant 0 : i32
      %dma_wait3A_479 = tpu.memref_slice %arg2[%add3A, %dma_wait3A_477, %dma_wait3A_478] : memref<32x16x32xi32, #tpu.memory_space<hbm>> -> memref<1x8x32xi32, #tpu.memory_space<hbm>>
      %dma_wait3A_480 = tpu.memref_squeeze %dma_wait3A_479 : memref<1x8x32xi32, #tpu.memory_space<hbm>> -> memref<8x32xi32, #tpu.memory_space<hbm>>
      %dma_wait3A_481 = arith.constant 0 : i32
      %dma_wait3A_482 = arith.constant 0 : i32
      %dma_wait3A_483 = tpu.memref_slice %arg5[%dma_wait3A_481, %dma_wait3A_482] : memref<16x32xi32, #tpu.memory_space<vmem>> -> memref<8x32xi32, #tpu.memory_space<vmem>>
      %dma_wait3A_484 = arith.constant 0 : i32
      %dma_wait3A_485 = arith.constant 0 : i32
      %dma_wait3A_486 = tpu.memref_slice %arg2[%add3A, %dma_wait3A_484, %dma_wait3A_485] : memref<32x16x32xi32, #tpu.memory_space<hbm>> -> memref<1x8x32xi32, #tpu.memory_space<hbm>>
      %dma_wait3A_487 = tpu.memref_squeeze %dma_wait3A_486 : memref<1x8x32xi32, #tpu.memory_space<hbm>> -> memref<8x32xi32, #tpu.memory_space<hbm>>
      tpu.wait_dma2 semaphore(%run_scoped3A : memref<!tpu.dma_semaphore, #tpu.memory_space<semaphore_mem>>) src(%dma_wait3A_487 : memref<8x32xi32, #tpu.memory_space<hbm>>) dst(%dma_wait3A_483 : memref<8x32xi32, #tpu.memory_space<vmem>>)
      tpu.yield
    }) : () -> ()
    %dma_start3A = arith.constant 0 : i32
    %dma_start3A_3 = arith.constant 0 : i32
    %dma_start3A_4 = tpu.memref_slice %arg5[%dma_start3A, %dma_start3A_3] : memref<16x32xi32, #tpu.memory_space<vmem>> -> memref<1x32xi32, #tpu.memory_space<vmem>>
    %dma_start3A_5 = tpu.memref_squeeze %dma_start3A_4 : memref<1x32xi32, #tpu.memory_space<vmem>> -> memref<32xi32, #tpu.memory_space<vmem>>
    %dma_start3A_6 = arith.constant 0 : i32
    %dma_start3A_7 = arith.constant 0 : i32
    %dma_start3A_8 = tpu.memref_slice %arg3[%dma_start3A_6, %dma_start3A_7] : memref<100000x1024xf32, #tpu.memory_space<hbm>> -> memref<100000x1024xf32, #tpu.memory_space<hbm>>
    tpu.enqueue_indirect_dma source(%dma_start3A_8 : memref<100000x1024xf32, #tpu.memory_space<hbm>>) target(%arg6 : memref<32x1024xf32, #tpu.memory_space<vmem>>) offsets(%dma_start3A_5 : memref<32xi32, #tpu.memory_space<vmem>>) semaphore(%arg9 : memref<!tpu.dma_semaphore, #tpu.memory_space<semaphore_mem>>)
    %dma_start3A_9 = arith.constant 1 : i32
    %dma_start3A_10 = arith.constant 0 : i32
    %dma_start3A_11 = tpu.memref_slice %arg5[%dma_start3A_9, %dma_start3A_10] : memref<16x32xi32, #tpu.memory_space<vmem>> -> memref<1x32xi32, #tpu.memory_space<vmem>>
    %dma_start3A_12 = tpu.memref_squeeze %dma_start3A_11 : memref<1x32xi32, #tpu.memory_space<vmem>> -> memref<32xi32, #tpu.memory_space<vmem>>
    %dma_start3A_13 = arith.constant 0 : i32
    %dma_start3A_14 = arith.constant 0 : i32
    %dma_start3A_15 = tpu.memref_slice %arg3[%dma_start3A_13, %dma_start3A_14] : memref<100000x1024xf32, #tpu.memory_space<hbm>> -> memref<100000x1024xf32, #tpu.memory_space<hbm>>
    tpu.enqueue_indirect_dma source(%dma_start3A_15 : memref<100000x1024xf32, #tpu.memory_space<hbm>>) target(%arg7 : memref<32x1024xf32, #tpu.memory_space<vmem>>) offsets(%dma_start3A_12 : memref<32xi32, #tpu.memory_space<vmem>>) semaphore(%arg10 : memref<!tpu.dma_semaphore, #tpu.memory_space<semaphore_mem>>)
    "tpu.region"() ({
      %run_scoped3A = tpu.sem_alloc : memref<!tpu.dma_semaphore, #tpu.memory_space<semaphore_mem>>
      %dma_start3A_460 = arith.constant 8 : i32
      %dma_start3A_461 = arith.constant 0 : i32
      %dma_start3A_462 = tpu.memref_slice %arg5[%dma_start3A_460, %dma_start3A_461] : memref<16x32xi32, #tpu.memory_space<vmem>> -> memref<8x32xi32, #tpu.memory_space<vmem>>
      %dma_start3A_463 = arith.constant 8 : i32
      %dma_start3A_464 = arith.constant 0 : i32
      %dma_start3A_465 = tpu.memref_slice %arg2[%add3A, %dma_start3A_463, %dma_start3A_464] : memref<32x16x32xi32, #tpu.memory_space<hbm>> -> memref<1x8x32xi32, #tpu.memory_space<hbm>>
      %dma_start3A_466 = tpu.memref_squeeze %dma_start3A_465 : memref<1x8x32xi32, #tpu.memory_space<hbm>> -> memref<8x32xi32, #tpu.memory_space<hbm>>
      %dma_start3A_467 = arith.constant 8 : i32
      %dma_start3A_468 = arith.constant 0 : i32
      %dma_start3A_469 = tpu.memref_slice %arg5[%dma_start3A_467, %dma_start3A_468] : memref<16x32xi32, #tpu.memory_space<vmem>> -> memref<8x32xi32, #tpu.memory_space<vmem>>
      %dma_start3A_470 = arith.constant 8 : i32
      %dma_start3A_471 = arith.constant 0 : i32
      %dma_start3A_472 = tpu.memref_slice %arg2[%add3A, %dma_start3A_470, %dma_start3A_471] : memref<32x16x32xi32, #tpu.memory_space<hbm>> -> memref<1x8x32xi32, #tpu.memory_space<hbm>>
      %dma_start3A_473 = tpu.memref_squeeze %dma_start3A_472 : memref<1x8x32xi32, #tpu.memory_space<hbm>> -> memref<8x32xi32, #tpu.memory_space<hbm>>
      tpu.enqueue_dma source(%dma_start3A_473 : memref<8x32xi32, #tpu.memory_space<hbm>>) target(%dma_start3A_469 : memref<8x32xi32, #tpu.memory_space<vmem>>) target_semaphore(%run_scoped3A : memref<!tpu.dma_semaphore, #tpu.memory_space<semaphore_mem>>)
      %dma_wait3A_474 = arith.constant 8 : i32
      %dma_wait3A_475 = arith.constant 0 : i32
      %dma_wait3A_476 = tpu.memref_slice %arg5[%dma_wait3A_474, %dma_wait3A_475] : memref<16x32xi32, #tpu.memory_space<vmem>> -> memref<8x32xi32, #tpu.memory_space<vmem>>
      %dma_wait3A_477 = arith.constant 8 : i32
      %dma_wait3A_478 = arith.constant 0 : i32
      %dma_wait3A_479 = tpu.memref_slice %arg2[%add3A, %dma_wait3A_477, %dma_wait3A_478] : memref<32x16x32xi32, #tpu.memory_space<hbm>> -> memref<1x8x32xi32, #tpu.memory_space<hbm>>
      %dma_wait3A_480 = tpu.memref_squeeze %dma_wait3A_479 : memref<1x8x32xi32, #tpu.memory_space<hbm>> -> memref<8x32xi32, #tpu.memory_space<hbm>>
      %dma_wait3A_481 = arith.constant 8 : i32
      %dma_wait3A_482 = arith.constant 0 : i32
      %dma_wait3A_483 = tpu.memref_slice %arg5[%dma_wait3A_481, %dma_wait3A_482] : memref<16x32xi32, #tpu.memory_space<vmem>> -> memref<8x32xi32, #tpu.memory_space<vmem>>
      %dma_wait3A_484 = arith.constant 8 : i32
      %dma_wait3A_485 = arith.constant 0 : i32
      %dma_wait3A_486 = tpu.memref_slice %arg2[%add3A, %dma_wait3A_484, %dma_wait3A_485] : memref<32x16x32xi32, #tpu.memory_space<hbm>> -> memref<1x8x32xi32, #tpu.memory_space<hbm>>
      %dma_wait3A_487 = tpu.memref_squeeze %dma_wait3A_486 : memref<1x8x32xi32, #tpu.memory_space<hbm>> -> memref<8x32xi32, #tpu.memory_space<hbm>>
      tpu.wait_dma2 semaphore(%run_scoped3A : memref<!tpu.dma_semaphore, #tpu.memory_space<semaphore_mem>>) src(%dma_wait3A_487 : memref<8x32xi32, #tpu.memory_space<hbm>>) dst(%dma_wait3A_483 : memref<8x32xi32, #tpu.memory_space<vmem>>)
      tpu.yield
    }) : () -> ()
    %dma_wait3A = arith.constant 0 : i32
    %dma_wait3A_16 = arith.constant 0 : i32
    %dma_wait3A_17 = tpu.memref_slice %arg5[%dma_wait3A, %dma_wait3A_16] : memref<16x32xi32, #tpu.memory_space<vmem>> -> memref<1x32xi32, #tpu.memory_space<vmem>>
    %dma_wait3A_18 = tpu.memref_squeeze %dma_wait3A_17 : memref<1x32xi32, #tpu.memory_space<vmem>> -> memref<32xi32, #tpu.memory_space<vmem>>
    %dma_wait3A_19 = arith.constant 0 : i32
    %dma_wait3A_20 = arith.constant 0 : i32
    %dma_wait3A_21 = tpu.memref_slice %arg3[%dma_wait3A_19, %dma_wait3A_20] : memref<100000x1024xf32, #tpu.memory_space<hbm>> -> memref<100000x1024xf32, #tpu.memory_space<hbm>>
    tpu.wait_indirect_dma semaphore(%arg9 : memref<!tpu.dma_semaphore, #tpu.memory_space<semaphore_mem>>) src(%dma_wait3A_21 : memref<100000x1024xf32, #tpu.memory_space<hbm>>) dst(%arg6 : memref<32x1024xf32, #tpu.memory_space<vmem>>)
    %dma_start3A_22 = arith.constant 2 : i32
    %dma_start3A_23 = arith.constant 0 : i32
    %dma_start3A_24 = tpu.memref_slice %arg5[%dma_start3A_22, %dma_start3A_23] : memref<16x32xi32, #tpu.memory_space<vmem>> -> memref<1x32xi32, #tpu.memory_space<vmem>>
    %dma_start3A_25 = tpu.memref_squeeze %dma_start3A_24 : memref<1x32xi32, #tpu.memory_space<vmem>> -> memref<32xi32, #tpu.memory_space<vmem>>
    %dma_start3A_26 = arith.constant 0 : i32
    %dma_start3A_27 = arith.constant 0 : i32
    %dma_start3A_28 = tpu.memref_slice %arg3[%dma_start3A_26, %dma_start3A_27] : memref<100000x1024xf32, #tpu.memory_space<hbm>> -> memref<100000x1024xf32, #tpu.memory_space<hbm>>
    tpu.enqueue_indirect_dma source(%dma_start3A_28 : memref<100000x1024xf32, #tpu.memory_space<hbm>>) target(%arg8 : memref<32x1024xf32, #tpu.memory_space<vmem>>) offsets(%dma_start3A_25 : memref<32xi32, #tpu.memory_space<vmem>>) semaphore(%arg11 : memref<!tpu.dma_semaphore, #tpu.memory_space<semaphore_mem>>)
    %scan3A = arith.constant 0 : i32
    %scan3A_29 = arith.constant 32 : i32
    %scan3A_30 = arith.addi %scan3A, %scan3A_29 : i32
    %scan3A_31 = arith.constant 1 : i32
    scf.for %scan3A_460 = %scan3A to %scan3A_30 step %scan3A_31  : i32 {
      %mul3A_461 = arith.constant 1 : i32
      %mul3A_462 = arith.muli %scan3A_460, %mul3A_461 : i32
      %add3A_463 = arith.constant 0 : i32
      %add3A_464 = arith.addi %add3A_463, %mul3A_462 : i32
      %scan3A_465 = arith.constant 0 : i32
      %scan3A_466 = arith.constant 64 : i32
      %scan3A_467 = arith.addi %scan3A_465, %scan3A_466 : i32
      %scan3A_468 = arith.constant 8 : i32
      scf.for %scan3A_470 = %scan3A_465 to %scan3A_467 step %scan3A_468  : i32 {
        %mul3A_471 = arith.constant 1 : i32
        %mul3A_472 = arith.muli %scan3A_470, %mul3A_471 : i32
        %add3A_473 = arith.constant 0 : i32
        %add3A_474 = arith.addi %add3A_473, %mul3A_472 : i32
        %mul3A_475 = arith.constant 16 : i32
        %mul3A_476 = arith.muli %add3A_474, %mul3A_475 : i32
        %get3A = arith.index_cast %add3A_464 : i32 to index
        %get3A_477 = arith.index_cast %mul3A_476 : i32 to index
        %get3A_478 = tpu.vector_load %arg6[%get3A, %get3A_477] {strides = array<i32>} : memref<32x1024xf32, #tpu.memory_space<vmem>>, vector<1x16xf32>,
        %get3A_479 = vector.shape_cast %get3A_478 : vector<1x16xf32> to vector<16xf32>
        %mul3A_480 = arith.constant 3.200000e+01 : f32
        %mul3A_481 = vector.broadcast %mul3A_480 : f32 to vector<16xf32>
        %mul3A_482 = arith.mulf %get3A_479, %mul3A_481 : vector<16xf32>
        %swap3A = arith.index_cast %add3A_464 : i32 to index
        %swap3A_483 = arith.index_cast %mul3A_476 : i32 to index
        %swap3A_484 = tpu.vector_load %arg6[%swap3A, %swap3A_483] {strides = array<i32>} : memref<32x1024xf32, #tpu.memory_space<vmem>>, vector<1x16xf32>,
        %swap3A_485 = vector.shape_cast %swap3A_484 : vector<1x16xf32> to vector<16xf32>
        %swap3A_486 = vector.shape_cast %mul3A_482 : vector<16xf32> to vector<1x16xf32>
        tpu.vector_store %arg6[%swap3A, %swap3A_483], %swap3A_486 {strides = array<i32>} : memref<32x1024xf32, #tpu.memory_space<vmem>>, vector<1x16xf32>,
        %scan3A_487 = arith.constant 1 : i32
        %scan3A_488 = arith.addi %scan3A_470, %scan3A_487 : i32
        %mul3A_489 = arith.constant 1 : i32
        %mul3A_490 = arith.muli %scan3A_488, %mul3A_489 : i32
        %add3A_491 = arith.constant 0 : i32
        %add3A_492 = arith.addi %add3A_491, %mul3A_490 : i32
        %mul3A_493 = arith.constant 16 : i32
        %mul3A_494 = arith.muli %add3A_492, %mul3A_493 : i32
        %get3A_495 = arith.index_cast %add3A_464 : i32 to index
        %get3A_496 = arith.index_cast %mul3A_494 : i32 to index
        %get3A_497 = tpu.vector_load %arg6[%get3A_495, %get3A_496] {strides = array<i32>} : memref<32x1024xf32, #tpu.memory_space<vmem>>, vector<1x16xf32>,
        %get3A_498 = vector.shape_cast %get3A_497 : vector<1x16xf32> to vector<16xf32>
        %mul3A_499 = arith.constant 3.200000e+01 : f32
        %mul3A_500 = vector.broadcast %mul3A_499 : f32 to vector<16xf32>
        %mul3A_501 = arith.mulf %get3A_498, %mul3A_500 : vector<16xf32>
        %swap3A_502 = arith.index_cast %add3A_464 : i32 to index
        %swap3A_503 = arith.index_cast %mul3A_494 : i32 to index
        %swap3A_504 = tpu.vector_load %arg6[%swap3A_502, %swap3A_503] {strides = array<i32>} : memref<32x1024xf32, #tpu.memory_space<vmem>>, vector<1x16xf32>,
        %swap3A_505 = vector.shape_cast %swap3A_504 : vector<1x16xf32> to vector<16xf32>
        %swap3A_506 = vector.shape_cast %mul3A_501 : vector<16xf32> to vector<1x16xf32>
        tpu.vector_store %arg6[%swap3A_502, %swap3A_503], %swap3A_506 {strides = array<i32>} : memref<32x1024xf32, #tpu.memory_space<vmem>>, vector<1x16xf32>,
        %scan3A_507 = arith.constant 2 : i32
        %scan3A_508 = arith.addi %scan3A_470, %scan3A_507 : i32
        %mul3A_509 = arith.constant 1 : i32
        %mul3A_510 = arith.muli %scan3A_508, %mul3A_509 : i32
        %add3A_511 = arith.constant 0 : i32
        %add3A_512 = arith.addi %add3A_511, %mul3A_510 : i32
        %mul3A_513 = arith.constant 16 : i32
        %mul3A_514 = arith.muli %add3A_512, %mul3A_513 : i32
        %get3A_515 = arith.index_cast %add3A_464 : i32 to index
        %get3A_516 = arith.index_cast %mul3A_514 : i32 to index
        %get3A_517 = tpu.vector_load %arg6[%get3A_515, %get3A_516] {strides = array<i32>} : memref<32x1024xf32, #tpu.memory_space<vmem>>, vector<1x16xf32>,
        %get3A_518 = vector.shape_cast %get3A_517 : vector<1x16xf32> to vector<16xf32>
        %mul3A_519 = arith.constant 3.200000e+01 : f32
        %mul3A_520 = vector.broadcast %mul3A_519 : f32 to vector<16xf32>
        %mul3A_521 = arith.mulf %get3A_518, %mul3A_520 : vector<16xf32>
        %swap3A_522 = arith.index_cast %add3A_464 : i32 to index
        %swap3A_523 = arith.index_cast %mul3A_514 : i32 to index
        %swap3A_524 = tpu.vector_load %arg6[%swap3A_522, %swap3A_523] {strides = array<i32>} : memref<32x1024xf32, #tpu.memory_space<vmem>>, vector<1x16xf32>,
        %swap3A_525 = vector.shape_cast %swap3A_524 : vector<1x16xf32> to vector<16xf32>
        %swap3A_526 = vector.shape_cast %mul3A_521 : vector<16xf32> to vector<1x16xf32>
        tpu.vector_store %arg6[%swap3A_522, %swap3A_523], %swap3A_526 {strides = array<i32>} : memref<32x1024xf32, #tpu.memory_space<vmem>>, vector<1x16xf32>,
        %scan3A_527 = arith.constant 3 : i32
        %scan3A_528 = arith.addi %scan3A_470, %scan3A_527 : i32
        %mul3A_529 = arith.constant 1 : i32
        %mul3A_530 = arith.muli %scan3A_528, %mul3A_529 : i32
        %add3A_531 = arith.constant 0 : i32
        %add3A_532 = arith.addi %add3A_531, %mul3A_530 : i32
        %mul3A_533 = arith.constant 16 : i32
        %mul3A_534 = arith.muli %add3A_532, %mul3A_533 : i32
        %get3A_535 = arith.index_cast %add3A_464 : i32 to index
        %get3A_536 = arith.index_cast %mul3A_534 : i32 to index
        %get3A_537 = tpu.vector_load %arg6[%get3A_535, %get3A_536] {strides = array<i32>} : memref<32x1024xf32, #tpu.memory_space<vmem>>, vector<1x16xf32>,
        %get3A_538 = vector.shape_cast %get3A_537 : vector<1x16xf32> to vector<16xf32>
        %mul3A_539 = arith.constant 3.200000e+01 : f32
        %mul3A_540 = vector.broadcast %mul3A_539 : f32 to vector<16xf32>
        %mul3A_541 = arith.mulf %get3A_538, %mul3A_540 : vector<16xf32>
        %swap3A_542 = arith.index_cast %add3A_464 : i32 to index
        %swap3A_543 = arith.index_cast %mul3A_534 : i32 to index
        %swap3A_544 = tpu.vector_load %arg6[%swap3A_542, %swap3A_543] {strides = array<i32>} : memref<32x1024xf32, #tpu.memory_space<vmem>>, vector<1x16xf32>,
        %swap3A_545 = vector.shape_cast %swap3A_544 : vector<1x16xf32> to vector<16xf32>
        %swap3A_546 = vector.shape_cast %mul3A_541 : vector<16xf32> to vector<1x16xf32>
        tpu.vector_store %arg6[%swap3A_542, %swap3A_543], %swap3A_546 {strides = array<i32>} : memref<32x1024xf32, #tpu.memory_space<vmem>>, vector<1x16xf32>,
        %scan3A_547 = arith.constant 4 : i32
        %scan3A_548 = arith.addi %scan3A_470, %scan3A_547 : i32
        %mul3A_549 = arith.constant 1 : i32
        %mul3A_550 = arith.muli %scan3A_548, %mul3A_549 : i32
        %add3A_551 = arith.constant 0 : i32
        %add3A_552 = arith.addi %add3A_551, %mul3A_550 : i32
        %mul3A_553 = arith.constant 16 : i32
        %mul3A_554 = arith.muli %add3A_552, %mul3A_553 : i32
        %get3A_555 = arith.index_cast %add3A_464 : i32 to index
        %get3A_556 = arith.index_cast %mul3A_554 : i32 to index
        %get3A_557 = tpu.vector_load %arg6[%get3A_555, %get3A_556] {strides = array<i32>} : memref<32x1024xf32, #tpu.memory_space<vmem>>, vector<1x16xf32>,
        %get3A_558 = vector.shape_cast %get3A_557 : vector<1x16xf32> to vector<16xf32>
        %mul3A_559 = arith.constant 3.200000e+01 : f32
        %mul3A_560 = vector.broadcast %mul3A_559 : f32 to vector<16xf32>
        %mul3A_561 = arith.mulf %get3A_558, %mul3A_560 : vector<16xf32>
        %swap3A_562 = arith.index_cast %add3A_464 : i32 to index
        %swap3A_563 = arith.index_cast %mul3A_554 : i32 to index
        %swap3A_564 = tpu.vector_load %arg6[%swap3A_562, %swap3A_563] {strides = array<i32>} : memref<32x1024xf32, #tpu.memory_space<vmem>>, vector<1x16xf32>,
        %swap3A_565 = vector.shape_cast %swap3A_564 : vector<1x16xf32> to vector<16xf32>
        %swap3A_566 = vector.shape_cast %mul3A_561 : vector<16xf32> to vector<1x16xf32>
        tpu.vector_store %arg6[%swap3A_562, %swap3A_563], %swap3A_566 {strides = array<i32>} : memref<32x1024xf32, #tpu.memory_space<vmem>>, vector<1x16xf32>,
        %scan3A_567 = arith.constant 5 : i32
        %scan3A_568 = arith.addi %scan3A_470, %scan3A_567 : i32
        %mul3A_569 = arith.constant 1 : i32
        %mul3A_570 = arith.muli %scan3A_568, %mul3A_569 : i32
        %add3A_571 = arith.constant 0 : i32
        %add3A_572 = arith.addi %add3A_571, %mul3A_570 : i32
        %mul3A_573 = arith.constant 16 : i32
        %mul3A_574 = arith.muli %add3A_572, %mul3A_573 : i32
        %get3A_575 = arith.index_cast %add3A_464 : i32 to index
        %get3A_576 = arith.index_cast %mul3A_574 : i32 to index
        %get3A_577 = tpu.vector_load %arg6[%get3A_575, %get3A_576] {strides = array<i32>} : memref<32x1024xf32, #tpu.memory_space<vmem>>, vector<1x16xf32>,
        %get3A_578 = vector.shape_cast %get3A_577 : vector<1x16xf32> to vector<16xf32>
        %mul3A_579 = arith.constant 3.200000e+01 : f32
        %mul3A_580 = vector.broadcast %mul3A_579 : f32 to vector<16xf32>
        %mul3A_581 = arith.mulf %get3A_578, %mul3A_580 : vector<16xf32>
        %swap3A_582 = arith.index_cast %add3A_464 : i32 to index
        %swap3A_583 = arith.index_cast %mul3A_574 : i32 to index
        %swap3A_584 = tpu.vector_load %arg6[%swap3A_582, %swap3A_583] {strides = array<i32>} : memref<32x1024xf32, #tpu.memory_space<vmem>>, vector<1x16xf32>,
        %swap3A_585 = vector.shape_cast %swap3A_584 : vector<1x16xf32> to vector<16xf32>
        %swap3A_586 = vector.shape_cast %mul3A_581 : vector<16xf32> to vector<1x16xf32>
        tpu.vector_store %arg6[%swap3A_582, %swap3A_583], %swap3A_586 {strides = array<i32>} : memref<32x1024xf32, #tpu.memory_space<vmem>>, vector<1x16xf32>,
        %scan3A_587 = arith.constant 6 : i32
        %scan3A_588 = arith.addi %scan3A_470, %scan3A_587 : i32
        %mul3A_589 = arith.constant 1 : i32
        %mul3A_590 = arith.muli %scan3A_588, %mul3A_589 : i32
        %add3A_591 = arith.constant 0 : i32
        %add3A_592 = arith.addi %add3A_591, %mul3A_590 : i32
        %mul3A_593 = arith.constant 16 : i32
        %mul3A_594 = arith.muli %add3A_592, %mul3A_593 : i32
        %get3A_595 = arith.index_cast %add3A_464 : i32 to index
        %get3A_596 = arith.index_cast %mul3A_594 : i32 to index
        %get3A_597 = tpu.vector_load %arg6[%get3A_595, %get3A_596] {strides = array<i32>} : memref<32x1024xf32, #tpu.memory_space<vmem>>, vector<1x16xf32>,
        %get3A_598 = vector.shape_cast %get3A_597 : vector<1x16xf32> to vector<16xf32>
        %mul3A_599 = arith.constant 3.200000e+01 : f32
        %mul3A_600 = vector.broadcast %mul3A_599 : f32 to vector<16xf32>
        %mul3A_601 = arith.mulf %get3A_598, %mul3A_600 : vector<16xf32>
        %swap3A_602 = arith.index_cast %add3A_464 : i32 to index
        %swap3A_603 = arith.index_cast %mul3A_594 : i32 to index
        %swap3A_604 = tpu.vector_load %arg6[%swap3A_602, %swap3A_603] {strides = array<i32>} : memref<32x1024xf32, #tpu.memory_space<vmem>>, vector<1x16xf32>,
        %swap3A_605 = vector.shape_cast %swap3A_604 : vector<1x16xf32> to vector<16xf32>
        %swap3A_606 = vector.shape_cast %mul3A_601 : vector<16xf32> to vector<1x16xf32>
        tpu.vector_store %arg6[%swap3A_602, %swap3A_603], %swap3A_606 {strides = array<i32>} : memref<32x1024xf32, #tpu.memory_space<vmem>>, vector<1x16xf32>,
        %scan3A_607 = arith.constant 7 : i32
        %scan3A_608 = arith.addi %scan3A_470, %scan3A_607 : i32
        %mul3A_609 = arith.constant 1 : i32
        %mul3A_610 = arith.muli %scan3A_608, %mul3A_609 : i32
        %add3A_611 = arith.constant 0 : i32
        %add3A_612 = arith.addi %add3A_611, %mul3A_610 : i32
        %mul3A_613 = arith.constant 16 : i32
        %mul3A_614 = arith.muli %add3A_612, %mul3A_613 : i32
        %get3A_615 = arith.index_cast %add3A_464 : i32 to index
        %get3A_616 = arith.index_cast %mul3A_614 : i32 to index
        %get3A_617 = tpu.vector_load %arg6[%get3A_615, %get3A_616] {strides = array<i32>} : memref<32x1024xf32, #tpu.memory_space<vmem>>, vector<1x16xf32>,
        %get3A_618 = vector.shape_cast %get3A_617 : vector<1x16xf32> to vector<16xf32>
        %mul3A_619 = arith.constant 3.200000e+01 : f32
        %mul3A_620 = vector.broadcast %mul3A_619 : f32 to vector<16xf32>
        %mul3A_621 = arith.mulf %get3A_618, %mul3A_620 : vector<16xf32>
        %swap3A_622 = arith.index_cast %add3A_464 : i32 to index
        %swap3A_623 = arith.index_cast %mul3A_614 : i32 to index
        %swap3A_624 = tpu.vector_load %arg6[%swap3A_622, %swap3A_623] {strides = array<i32>} : memref<32x1024xf32, #tpu.memory_space<vmem>>, vector<1x16xf32>,
        %swap3A_625 = vector.shape_cast %swap3A_624 : vector<1x16xf32> to vector<16xf32>
        %swap3A_626 = vector.shape_cast %mul3A_621 : vector<16xf32> to vector<1x16xf32>
        tpu.vector_store %arg6[%swap3A_622, %swap3A_623], %swap3A_626 {strides = array<i32>} : memref<32x1024xf32, #tpu.memory_space<vmem>>, vector<1x16xf32>,
      }
      %scan3A_469 = arith.constant 64 : i32
    }
    %scan3A_32 = arith.constant 32 : i32
    %add3A_33 = arith.constant 0 : i32
    %add3A_34 = arith.addi %mul3A_2, %add3A_33 : i32
    %dma_start3A_35 = arith.constant 0 : i32
    %dma_start3A_36 = tpu.memref_slice %arg4[%add3A_34, %dma_start3A_35] : memref<16384x1024xf32, #tpu.memory_space<hbm>> -> memref<32x1024xf32, #tpu.memory_space<hbm>>
    %dma_start3A_37 = arith.constant 0 : i32
    %dma_start3A_38 = tpu.memref_slice %arg4[%add3A_34, %dma_start3A_37] : memref<16384x1024xf32, #tpu.memory_space<hbm>> -> memref<32x1024xf32, #tpu.memory_space<hbm>>
    tpu.enqueue_dma source(%arg6 : memref<32x1024xf32, #tpu.memory_space<vmem>>) target(%dma_start3A_38 : memref<32x1024xf32, #tpu.memory_space<hbm>>) target_semaphore(%arg12 : memref<!tpu.dma_semaphore, #tpu.memory_space<semaphore_mem>>)
    %dma_wait3A_39 = arith.constant 1 : i32
    %dma_wait3A_40 = arith.constant 0 : i32
    %dma_wait3A_41 = tpu.memref_slice %arg5[%dma_wait3A_39, %dma_wait3A_40] : memref<16x32xi32, #tpu.memory_space<vmem>> -> memref<1x32xi32, #tpu.memory_space<vmem>>
    %dma_wait3A_42 = tpu.memref_squeeze %dma_wait3A_41 : memref<1x32xi32, #tpu.memory_space<vmem>> -> memref<32xi32, #tpu.memory_space<vmem>>
    %dma_wait3A_43 = arith.constant 0 : i32
    %dma_wait3A_44 = arith.constant 0 : i32
    %dma_wait3A_45 = tpu.memref_slice %arg3[%dma_wait3A_43, %dma_wait3A_44] : memref<100000x1024xf32, #tpu.memory_space<hbm>> -> memref<100000x1024xf32, #tpu.memory_space<hbm>>
    tpu.wait_indirect_dma semaphore(%arg10 : memref<!tpu.dma_semaphore, #tpu.memory_space<semaphore_mem>>) src(%dma_wait3A_45 : memref<100000x1024xf32, #tpu.memory_space<hbm>>) dst(%arg7 : memref<32x1024xf32, #tpu.memory_space<vmem>>)
    %dma_wait3A_46 = arith.constant 0 : i32
    %dma_wait3A_47 = tpu.memref_slice %arg4[%add3A_34, %dma_wait3A_46] : memref<16384x1024xf32, #tpu.memory_space<hbm>> -> memref<32x1024xf32, #tpu.memory_space<hbm>>
    %dma_wait3A_48 = arith.constant 0 : i32
    %dma_wait3A_49 = tpu.memref_slice %arg4[%add3A_34, %dma_wait3A_48] : memref<16384x1024xf32, #tpu.memory_space<hbm>> -> memref<32x1024xf32, #tpu.memory_space<hbm>>
    tpu.wait_dma2 semaphore(%arg12 : memref<!tpu.dma_semaphore, #tpu.memory_space<semaphore_mem>>) src(%arg6 : memref<32x1024xf32, #tpu.memory_space<vmem>>) dst(%dma_wait3A_49 : memref<32x1024xf32, #tpu.memory_space<hbm>>)
    %dma_start3A_50 = arith.constant 3 : i32
    %dma_start3A_51 = arith.constant 0 : i32
    %dma_start3A_52 = tpu.memref_slice %arg5[%dma_start3A_50, %dma_start3A_51] : memref<16x32xi32, #tpu.memory_space<vmem>> -> memref<1x32xi32, #tpu.memory_space<vmem>>
    %dma_start3A_53 = tpu.memref_squeeze %dma_start3A_52 : memref<1x32xi32, #tpu.memory_space<vmem>> -> memref<32xi32, #tpu.memory_space<vmem>>
    %dma_start3A_54 = arith.constant 0 : i32
    %dma_start3A_55 = arith.constant 0 : i32
    %dma_start3A_56 = tpu.memref_slice %arg3[%dma_start3A_54, %dma_start3A_55] : memref<100000x1024xf32, #tpu.memory_space<hbm>> -> memref<100000x1024xf32, #tpu.memory_space<hbm>>
    tpu.enqueue_indirect_dma source(%dma_start3A_56 : memref<100000x1024xf32, #tpu.memory_space<hbm>>) target(%arg6 : memref<32x1024xf32, #tpu.memory_space<vmem>>) offsets(%dma_start3A_53 : memref<32xi32, #tpu.memory_space<vmem>>) semaphore(%arg9 : memref<!tpu.dma_semaphore, #tpu.memory_space<semaphore_mem>>)
    %scan3A_57 = arith.constant 0 : i32
    %scan3A_58 = arith.constant 32 : i32
    %scan3A_59 = arith.addi %scan3A_57, %scan3A_58 : i32
    %scan3A_60 = arith.constant 1 : i32
    scf.for %scan3A_460 = %scan3A_57 to %scan3A_59 step %scan3A_60  : i32 {
      %mul3A_461 = arith.constant 1 : i32
      %mul3A_462 = arith.muli %scan3A_460, %mul3A_461 : i32
      %add3A_463 = arith.constant 0 : i32
      %add3A_464 = arith.addi %add3A_463, %mul3A_462 : i32
      %scan3A_465 = arith.constant 0 : i32
      %scan3A_466 = arith.constant 64 : i32
      %scan3A_467 = arith.addi %scan3A_465, %scan3A_466 : i32
      %scan3A_468 = arith.constant 8 : i32
      scf.for %scan3A_470 = %scan3A_465 to %scan3A_467 step %scan3A_468  : i32 {
        %mul3A_471 = arith.constant 1 : i32
        %mul3A_472 = arith.muli %scan3A_470, %mul3A_471 : i32
        %add3A_473 = arith.constant 0 : i32
        %add3A_474 = arith.addi %add3A_473, %mul3A_472 : i32
        %mul3A_475 = arith.constant 16 : i32
        %mul3A_476 = arith.muli %add3A_474, %mul3A_475 : i32
        %get3A = arith.index_cast %add3A_464 : i32 to index
        %get3A_477 = arith.index_cast %mul3A_476 : i32 to index
        %get3A_478 = tpu.vector_load %arg7[%get3A, %get3A_477] {strides = array<i32>} : memref<32x1024xf32, #tpu.memory_space<vmem>>, vector<1x16xf32>,
        %get3A_479 = vector.shape_cast %get3A_478 : vector<1x16xf32> to vector<16xf32>
        %mul3A_480 = arith.constant 3.200000e+01 : f32
        %mul3A_481 = vector.broadcast %mul3A_480 : f32 to vector<16xf32>
        %mul3A_482 = arith.mulf %get3A_479, %mul3A_481 : vector<16xf32>
        %swap3A = arith.index_cast %add3A_464 : i32 to index
        %swap3A_483 = arith.index_cast %mul3A_476 : i32 to index
        %swap3A_484 = tpu.vector_load %arg7[%swap3A, %swap3A_483] {strides = array<i32>} : memref<32x1024xf32, #tpu.memory_space<vmem>>, vector<1x16xf32>,
        %swap3A_485 = vector.shape_cast %swap3A_484 : vector<1x16xf32> to vector<16xf32>
        %swap3A_486 = vector.shape_cast %mul3A_482 : vector<16xf32> to vector<1x16xf32>
        tpu.vector_store %arg7[%swap3A, %swap3A_483], %swap3A_486 {strides = array<i32>} : memref<32x1024xf32, #tpu.memory_space<vmem>>, vector<1x16xf32>,
        %scan3A_487 = arith.constant 1 : i32
        %scan3A_488 = arith.addi %scan3A_470, %scan3A_487 : i32
        %mul3A_489 = arith.constant 1 : i32
        %mul3A_490 = arith.muli %scan3A_488, %mul3A_489 : i32
        %add3A_491 = arith.constant 0 : i32
        %add3A_492 = arith.addi %add3A_491, %mul3A_490 : i32
        %mul3A_493 = arith.constant 16 : i32
        %mul3A_494 = arith.muli %add3A_492, %mul3A_493 : i32
        %get3A_495 = arith.index_cast %add3A_464 : i32 to index
        %get3A_496 = arith.index_cast %mul3A_494 : i32 to index
        %get3A_497 = tpu.vector_load %arg7[%get3A_495, %get3A_496] {strides = array<i32>} : memref<32x1024xf32, #tpu.memory_space<vmem>>, vector<1x16xf32>,
        %get3A_498 = vector.shape_cast %get3A_497 : vector<1x16xf32> to vector<16xf32>
        %mul3A_499 = arith.constant 3.200000e+01 : f32
        %mul3A_500 = vector.broadcast %mul3A_499 : f32 to vector<16xf32>
        %mul3A_501 = arith.mulf %get3A_498, %mul3A_500 : vector<16xf32>
        %swap3A_502 = arith.index_cast %add3A_464 : i32 to index
        %swap3A_503 = arith.index_cast %mul3A_494 : i32 to index
        %swap3A_504 = tpu.vector_load %arg7[%swap3A_502, %swap3A_503] {strides = array<i32>} : memref<32x1024xf32, #tpu.memory_space<vmem>>, vector<1x16xf32>,
        %swap3A_505 = vector.shape_cast %swap3A_504 : vector<1x16xf32> to vector<16xf32>
        %swap3A_506 = vector.shape_cast %mul3A_501 : vector<16xf32> to vector<1x16xf32>
        tpu.vector_store %arg7[%swap3A_502, %swap3A_503], %swap3A_506 {strides = array<i32>} : memref<32x1024xf32, #tpu.memory_space<vmem>>, vector<1x16xf32>,
        %scan3A_507 = arith.constant 2 : i32
        %scan3A_508 = arith.addi %scan3A_470, %scan3A_507 : i32
        %mul3A_509 = arith.constant 1 : i32
        %mul3A_510 = arith.muli %scan3A_508, %mul3A_509 : i32
        %add3A_511 = arith.constant 0 : i32
        %add3A_512 = arith.addi %add3A_511, %mul3A_510 : i32
        %mul3A_513 = arith.constant 16 : i32
        %mul3A_514 = arith.muli %add3A_512, %mul3A_513 : i32
        %get3A_515 = arith.index_cast %add3A_464 : i32 to index
        %get3A_516 = arith.index_cast %mul3A_514 : i32 to index
        %get3A_517 = tpu.vector_load %arg7[%get3A_515, %get3A_516] {strides = array<i32>} : memref<32x1024xf32, #tpu.memory_space<vmem>>, vector<1x16xf32>,
        %get3A_518 = vector.shape_cast %get3A_517 : vector<1x16xf32> to vector<16xf32>
        %mul3A_519 = arith.constant 3.200000e+01 : f32
        %mul3A_520 = vector.broadcast %mul3A_519 : f32 to vector<16xf32>
        %mul3A_521 = arith.mulf %get3A_518, %mul3A_520 : vector<16xf32>
        %swap3A_522 = arith.index_cast %add3A_464 : i32 to index
        %swap3A_523 = arith.index_cast %mul3A_514 : i32 to index
        %swap3A_524 = tpu.vector_load %arg7[%swap3A_522, %swap3A_523] {strides = array<i32>} : memref<32x1024xf32, #tpu.memory_space<vmem>>, vector<1x16xf32>,
        %swap3A_525 = vector.shape_cast %swap3A_524 : vector<1x16xf32> to vector<16xf32>
        %swap3A_526 = vector.shape_cast %mul3A_521 : vector<16xf32> to vector<1x16xf32>
        tpu.vector_store %arg7[%swap3A_522, %swap3A_523], %swap3A_526 {strides = array<i32>} : memref<32x1024xf32, #tpu.memory_space<vmem>>, vector<1x16xf32>,
        %scan3A_527 = arith.constant 3 : i32
        %scan3A_528 = arith.addi %scan3A_470, %scan3A_527 : i32
        %mul3A_529 = arith.constant 1 : i32
        %mul3A_530 = arith.muli %scan3A_528, %mul3A_529 : i32
        %add3A_531 = arith.constant 0 : i32
        %add3A_532 = arith.addi %add3A_531, %mul3A_530 : i32
        %mul3A_533 = arith.constant 16 : i32
        %mul3A_534 = arith.muli %add3A_532, %mul3A_533 : i32
        %get3A_535 = arith.index_cast %add3A_464 : i32 to index
        %get3A_536 = arith.index_cast %mul3A_534 : i32 to index
        %get3A_537 = tpu.vector_load %arg7[%get3A_535, %get3A_536] {strides = array<i32>} : memref<32x1024xf32, #tpu.memory_space<vmem>>, vector<1x16xf32>,
        %get3A_538 = vector.shape_cast %get3A_537 : vector<1x16xf32> to vector<16xf32>
        %mul3A_539 = arith.constant 3.200000e+01 : f32
        %mul3A_540 = vector.broadcast %mul3A_539 : f32 to vector<16xf32>
        %mul3A_541 = arith.mulf %get3A_538, %mul3A_540 : vector<16xf32>
        %swap3A_542 = arith.index_cast %add3A_464 : i32 to index
        %swap3A_543 = arith.index_cast %mul3A_534 : i32 to index
        %swap3A_544 = tpu.vector_load %arg7[%swap3A_542, %swap3A_543] {strides = array<i32>} : memref<32x1024xf32, #tpu.memory_space<vmem>>, vector<1x16xf32>,
        %swap3A_545 = vector.shape_cast %swap3A_544 : vector<1x16xf32> to vector<16xf32>
        %swap3A_546 = vector.shape_cast %mul3A_541 : vector<16xf32> to vector<1x16xf32>
        tpu.vector_store %arg7[%swap3A_542, %swap3A_543], %swap3A_546 {strides = array<i32>} : memref<32x1024xf32, #tpu.memory_space<vmem>>, vector<1x16xf32>,
        %scan3A_547 = arith.constant 4 : i32
        %scan3A_548 = arith.addi %scan3A_470, %scan3A_547 : i32
        %mul3A_549 = arith.constant 1 : i32
        %mul3A_550 = arith.muli %scan3A_548, %mul3A_549 : i32
        %add3A_551 = arith.constant 0 : i32
        %add3A_552 = arith.addi %add3A_551, %mul3A_550 : i32
        %mul3A_553 = arith.constant 16 : i32
        %mul3A_554 = arith.muli %add3A_552, %mul3A_553 : i32
        %get3A_555 = arith.index_cast %add3A_464 : i32 to index
        %get3A_556 = arith.index_cast %mul3A_554 : i32 to index
        %get3A_557 = tpu.vector_load %arg7[%get3A_555, %get3A_556] {strides = array<i32>} : memref<32x1024xf32, #tpu.memory_space<vmem>>, vector<1x16xf32>,
        %get3A_558 = vector.shape_cast %get3A_557 : vector<1x16xf32> to vector<16xf32>
        %mul3A_559 = arith.constant 3.200000e+01 : f32
        %mul3A_560 = vector.broadcast %mul3A_559 : f32 to vector<16xf32>
        %mul3A_561 = arith.mulf %get3A_558, %mul3A_560 : vector<16xf32>
        %swap3A_562 = arith.index_cast %add3A_464 : i32 to index
        %swap3A_563 = arith.index_cast %mul3A_554 : i32 to index
        %swap3A_564 = tpu.vector_load %arg7[%swap3A_562, %swap3A_563] {strides = array<i32>} : memref<32x1024xf32, #tpu.memory_space<vmem>>, vector<1x16xf32>,
        %swap3A_565 = vector.shape_cast %swap3A_564 : vector<1x16xf32> to vector<16xf32>
        %swap3A_566 = vector.shape_cast %mul3A_561 : vector<16xf32> to vector<1x16xf32>
        tpu.vector_store %arg7[%swap3A_562, %swap3A_563], %swap3A_566 {strides = array<i32>} : memref<32x1024xf32, #tpu.memory_space<vmem>>, vector<1x16xf32>,
        %scan3A_567 = arith.constant 5 : i32
        %scan3A_568 = arith.addi %scan3A_470, %scan3A_567 : i32
        %mul3A_569 = arith.constant 1 : i32
        %mul3A_570 = arith.muli %scan3A_568, %mul3A_569 : i32
        %add3A_571 = arith.constant 0 : i32
        %add3A_572 = arith.addi %add3A_571, %mul3A_570 : i32
        %mul3A_573 = arith.constant 16 : i32
        %mul3A_574 = arith.muli %add3A_572, %mul3A_573 : i32
        %get3A_575 = arith.index_cast %add3A_464 : i32 to index
        %get3A_576 = arith.index_cast %mul3A_574 : i32 to index
        %get3A_577 = tpu.vector_load %arg7[%get3A_575, %get3A_576] {strides = array<i32>} : memref<32x1024xf32, #tpu.memory_space<vmem>>, vector<1x16xf32>,
        %get3A_578 = vector.shape_cast %get3A_577 : vector<1x16xf32> to vector<16xf32>
        %mul3A_579 = arith.constant 3.200000e+01 : f32
        %mul3A_580 = vector.broadcast %mul3A_579 : f32 to vector<16xf32>
        %mul3A_581 = arith.mulf %get3A_578, %mul3A_580 : vector<16xf32>
        %swap3A_582 = arith.index_cast %add3A_464 : i32 to index
        %swap3A_583 = arith.index_cast %mul3A_574 : i32 to index
        %swap3A_584 = tpu.vector_load %arg7[%swap3A_582, %swap3A_583] {strides = array<i32>} : memref<32x1024xf32, #tpu.memory_space<vmem>>, vector<1x16xf32>,
        %swap3A_585 = vector.shape_cast %swap3A_584 : vector<1x16xf32> to vector<16xf32>
        %swap3A_586 = vector.shape_cast %mul3A_581 : vector<16xf32> to vector<1x16xf32>
        tpu.vector_store %arg7[%swap3A_582, %swap3A_583], %swap3A_586 {strides = array<i32>} : memref<32x1024xf32, #tpu.memory_space<vmem>>, vector<1x16xf32>,
        %scan3A_587 = arith.constant 6 : i32
        %scan3A_588 = arith.addi %scan3A_470, %scan3A_587 : i32
        %mul3A_589 = arith.constant 1 : i32
        %mul3A_590 = arith.muli %scan3A_588, %mul3A_589 : i32
        %add3A_591 = arith.constant 0 : i32
        %add3A_592 = arith.addi %add3A_591, %mul3A_590 : i32
        %mul3A_593 = arith.constant 16 : i32
        %mul3A_594 = arith.muli %add3A_592, %mul3A_593 : i32
        %get3A_595 = arith.index_cast %add3A_464 : i32 to index
        %get3A_596 = arith.index_cast %mul3A_594 : i32 to index
        %get3A_597 = tpu.vector_load %arg7[%get3A_595, %get3A_596] {strides = array<i32>} : memref<32x1024xf32, #tpu.memory_space<vmem>>, vector<1x16xf32>,
        %get3A_598 = vector.shape_cast %get3A_597 : vector<1x16xf32> to vector<16xf32>
        %mul3A_599 = arith.constant 3.200000e+01 : f32
        %mul3A_600 = vector.broadcast %mul3A_599 : f32 to vector<16xf32>
        %mul3A_601 = arith.mulf %get3A_598, %mul3A_600 : vector<16xf32>
        %swap3A_602 = arith.index_cast %add3A_464 : i32 to index
        %swap3A_603 = arith.index_cast %mul3A_594 : i32 to index
        %swap3A_604 = tpu.vector_load %arg7[%swap3A_602, %swap3A_603] {strides = array<i32>} : memref<32x1024xf32, #tpu.memory_space<vmem>>, vector<1x16xf32>,
        %swap3A_605 = vector.shape_cast %swap3A_604 : vector<1x16xf32> to vector<16xf32>
        %swap3A_606 = vector.shape_cast %mul3A_601 : vector<16xf32> to vector<1x16xf32>
        tpu.vector_store %arg7[%swap3A_602, %swap3A_603], %swap3A_606 {strides = array<i32>} : memref<32x1024xf32, #tpu.memory_space<vmem>>, vector<1x16xf32>,
        %scan3A_607 = arith.constant 7 : i32
        %scan3A_608 = arith.addi %scan3A_470, %scan3A_607 : i32
        %mul3A_609 = arith.constant 1 : i32
        %mul3A_610 = arith.muli %scan3A_608, %mul3A_609 : i32
        %add3A_611 = arith.constant 0 : i32
        %add3A_612 = arith.addi %add3A_611, %mul3A_610 : i32
        %mul3A_613 = arith.constant 16 : i32
        %mul3A_614 = arith.muli %add3A_612, %mul3A_613 : i32
        %get3A_615 = arith.index_cast %add3A_464 : i32 to index
        %get3A_616 = arith.index_cast %mul3A_614 : i32 to index
        %get3A_617 = tpu.vector_load %arg7[%get3A_615, %get3A_616] {strides = array<i32>} : memref<32x1024xf32, #tpu.memory_space<vmem>>, vector<1x16xf32>,
        %get3A_618 = vector.shape_cast %get3A_617 : vector<1x16xf32> to vector<16xf32>
        %mul3A_619 = arith.constant 3.200000e+01 : f32
        %mul3A_620 = vector.broadcast %mul3A_619 : f32 to vector<16xf32>
        %mul3A_621 = arith.mulf %get3A_618, %mul3A_620 : vector<16xf32>
        %swap3A_622 = arith.index_cast %add3A_464 : i32 to index
        %swap3A_623 = arith.index_cast %mul3A_614 : i32 to index
        %swap3A_624 = tpu.vector_load %arg7[%swap3A_622, %swap3A_623] {strides = array<i32>} : memref<32x1024xf32, #tpu.memory_space<vmem>>, vector<1x16xf32>,
        %swap3A_625 = vector.shape_cast %swap3A_624 : vector<1x16xf32> to vector<16xf32>
        %swap3A_626 = vector.shape_cast %mul3A_621 : vector<16xf32> to vector<1x16xf32>
        tpu.vector_store %arg7[%swap3A_622, %swap3A_623], %swap3A_626 {strides = array<i32>} : memref<32x1024xf32, #tpu.memory_space<vmem>>, vector<1x16xf32>,
      }
      %scan3A_469 = arith.constant 64 : i32
    }
    %scan3A_61 = arith.constant 32 : i32
    %add3A_62 = arith.constant 32 : i32
    %add3A_63 = arith.addi %mul3A_2, %add3A_62 : i32
    %dma_start3A_64 = arith.constant 0 : i32
    %dma_start3A_65 = tpu.memref_slice %arg4[%add3A_63, %dma_start3A_64] : memref<16384x1024xf32, #tpu.memory_space<hbm>> -> memref<32x1024xf32, #tpu.memory_space<hbm>>
    %dma_start3A_66 = arith.constant 0 : i32
    %dma_start3A_67 = tpu.memref_slice %arg4[%add3A_63, %dma_start3A_66] : memref<16384x1024xf32, #tpu.memory_space<hbm>> -> memref<32x1024xf32, #tpu.memory_space<hbm>>
    tpu.enqueue_dma source(%arg7 : memref<32x1024xf32, #tpu.memory_space<vmem>>) target(%dma_start3A_67 : memref<32x1024xf32, #tpu.memory_space<hbm>>) target_semaphore(%arg13 : memref<!tpu.dma_semaphore, #tpu.memory_space<semaphore_mem>>)
    %dma_wait3A_68 = arith.constant 2 : i32
    %dma_wait3A_69 = arith.constant 0 : i32
    %dma_wait3A_70 = tpu.memref_slice %arg5[%dma_wait3A_68, %dma_wait3A_69] : memref<16x32xi32, #tpu.memory_space<vmem>> -> memref<1x32xi32, #tpu.memory_space<vmem>>
    %dma_wait3A_71 = tpu.memref_squeeze %dma_wait3A_70 : memref<1x32xi32, #tpu.memory_space<vmem>> -> memref<32xi32, #tpu.memory_space<vmem>>
    %dma_wait3A_72 = arith.constant 0 : i32
    %dma_wait3A_73 = arith.constant 0 : i32
    %dma_wait3A_74 = tpu.memref_slice %arg3[%dma_wait3A_72, %dma_wait3A_73] : memref<100000x1024xf32, #tpu.memory_space<hbm>> -> memref<100000x1024xf32, #tpu.memory_space<hbm>>
    tpu.wait_indirect_dma semaphore(%arg11 : memref<!tpu.dma_semaphore, #tpu.memory_space<semaphore_mem>>) src(%dma_wait3A_74 : memref<100000x1024xf32, #tpu.memory_space<hbm>>) dst(%arg8 : memref<32x1024xf32, #tpu.memory_space<vmem>>)
    %dma_wait3A_75 = arith.constant 0 : i32
    %dma_wait3A_76 = tpu.memref_slice %arg4[%add3A_63, %dma_wait3A_75] : memref<16384x1024xf32, #tpu.memory_space<hbm>> -> memref<32x1024xf32, #tpu.memory_space<hbm>>
    %dma_wait3A_77 = arith.constant 0 : i32
    %dma_wait3A_78 = tpu.memref_slice %arg4[%add3A_63, %dma_wait3A_77] : memref<16384x1024xf32, #tpu.memory_space<hbm>> -> memref<32x1024xf32, #tpu.memory_space<hbm>>
    tpu.wait_dma2 semaphore(%arg13 : memref<!tpu.dma_semaphore, #tpu.memory_space<semaphore_mem>>) src(%arg7 : memref<32x1024xf32, #tpu.memory_space<vmem>>) dst(%dma_wait3A_78 : memref<32x1024xf32, #tpu.memory_space<hbm>>)
    %dma_start3A_79 = arith.constant 4 : i32
    %dma_start3A_80 = arith.constant 0 : i32
    %dma_start3A_81 = tpu.memref_slice %arg5[%dma_start3A_79, %dma_start3A_80] : memref<16x32xi32, #tpu.memory_space<vmem>> -> memref<1x32xi32, #tpu.memory_space<vmem>>
    %dma_start3A_82 = tpu.memref_squeeze %dma_start3A_81 : memref<1x32xi32, #tpu.memory_space<vmem>> -> memref<32xi32, #tpu.memory_space<vmem>>
    %dma_start3A_83 = arith.constant 0 : i32
    %dma_start3A_84 = arith.constant 0 : i32
    %dma_start3A_85 = tpu.memref_slice %arg3[%dma_start3A_83, %dma_start3A_84] : memref<100000x1024xf32, #tpu.memory_space<hbm>> -> memref<100000x1024xf32, #tpu.memory_space<hbm>>
    tpu.enqueue_indirect_dma source(%dma_start3A_85 : memref<100000x1024xf32, #tpu.memory_space<hbm>>) target(%arg7 : memref<32x1024xf32, #tpu.memory_space<vmem>>) offsets(%dma_start3A_82 : memref<32xi32, #tpu.memory_space<vmem>>) semaphore(%arg10 : memref<!tpu.dma_semaphore, #tpu.memory_space<semaphore_mem>>)
    %scan3A_86 = arith.constant 0 : i32
    %scan3A_87 = arith.constant 32 : i32
    %scan3A_88 = arith.addi %scan3A_86, %scan3A_87 : i32
    %scan3A_89 = arith.constant 1 : i32
    scf.for %scan3A_460 = %scan3A_86 to %scan3A_88 step %scan3A_89  : i32 {
      %mul3A_461 = arith.constant 1 : i32
      %mul3A_462 = arith.muli %scan3A_460, %mul3A_461 : i32
      %add3A_463 = arith.constant 0 : i32
      %add3A_464 = arith.addi %add3A_463, %mul3A_462 : i32
      %scan3A_465 = arith.constant 0 : i32
      %scan3A_466 = arith.constant 64 : i32
      %scan3A_467 = arith.addi %scan3A_465, %scan3A_466 : i32
      %scan3A_468 = arith.constant 8 : i32
      scf.for %scan3A_470 = %scan3A_465 to %scan3A_467 step %scan3A_468  : i32 {
        %mul3A_471 = arith.constant 1 : i32
        %mul3A_472 = arith.muli %scan3A_470, %mul3A_471 : i32
        %add3A_473 = arith.constant 0 : i32
        %add3A_474 = arith.addi %add3A_473, %mul3A_472 : i32
        %mul3A_475 = arith.constant 16 : i32
        %mul3A_476 = arith.muli %add3A_474, %mul3A_475 : i32
        %get3A = arith.index_cast %add3A_464 : i32 to index
        %get3A_477 = arith.index_cast %mul3A_476 : i32 to index
        %get3A_478 = tpu.vector_load %arg8[%get3A, %get3A_477] {strides = array<i32>} : memref<32x1024xf32, #tpu.memory_space<vmem>>, vector<1x16xf32>,
        %get3A_479 = vector.shape_cast %get3A_478 : vector<1x16xf32> to vector<16xf32>
        %mul3A_480 = arith.constant 3.200000e+01 : f32
        %mul3A_481 = vector.broadcast %mul3A_480 : f32 to vector<16xf32>
        %mul3A_482 = arith.mulf %get3A_479, %mul3A_481 : vector<16xf32>
        %swap3A = arith.index_cast %add3A_464 : i32 to index
        %swap3A_483 = arith.index_cast %mul3A_476 : i32 to index
        %swap3A_484 = tpu.vector_load %arg8[%swap3A, %swap3A_483] {strides = array<i32>} : memref<32x1024xf32, #tpu.memory_space<vmem>>, vector<1x16xf32>,
        %swap3A_485 = vector.shape_cast %swap3A_484 : vector<1x16xf32> to vector<16xf32>
        %swap3A_486 = vector.shape_cast %mul3A_482 : vector<16xf32> to vector<1x16xf32>
        tpu.vector_store %arg8[%swap3A, %swap3A_483], %swap3A_486 {strides = array<i32>} : memref<32x1024xf32, #tpu.memory_space<vmem>>, vector<1x16xf32>,
        %scan3A_487 = arith.constant 1 : i32
        %scan3A_488 = arith.addi %scan3A_470, %scan3A_487 : i32
        %mul3A_489 = arith.constant 1 : i32
        %mul3A_490 = arith.muli %scan3A_488, %mul3A_489 : i32
        %add3A_491 = arith.constant 0 : i32
        %add3A_492 = arith.addi %add3A_491, %mul3A_490 : i32
        %mul3A_493 = arith.constant 16 : i32
        %mul3A_494 = arith.muli %add3A_492, %mul3A_493 : i32
        %get3A_495 = arith.index_cast %add3A_464 : i32 to index
        %get3A_496 = arith.index_cast %mul3A_494 : i32 to index
        %get3A_497 = tpu.vector_load %arg8[%get3A_495, %get3A_496] {strides = array<i32>} : memref<32x1024xf32, #tpu.memory_space<vmem>>, vector<1x16xf32>,
        %get3A_498 = vector.shape_cast %get3A_497 : vector<1x16xf32> to vector<16xf32>
        %mul3A_499 = arith.constant 3.200000e+01 : f32
        %mul3A_500 = vector.broadcast %mul3A_499 : f32 to vector<16xf32>
        %mul3A_501 = arith.mulf %get3A_498, %mul3A_500 : vector<16xf32>
        %swap3A_502 = arith.index_cast %add3A_464 : i32 to index
        %swap3A_503 = arith.index_cast %mul3A_494 : i32 to index
        %swap3A_504 = tpu.vector_load %arg8[%swap3A_502, %swap3A_503] {strides = array<i32>} : memref<32x1024xf32, #tpu.memory_space<vmem>>, vector<1x16xf32>,
        %swap3A_505 = vector.shape_cast %swap3A_504 : vector<1x16xf32> to vector<16xf32>
        %swap3A_506 = vector.shape_cast %mul3A_501 : vector<16xf32> to vector<1x16xf32>
        tpu.vector_store %arg8[%swap3A_502, %swap3A_503], %swap3A_506 {strides = array<i32>} : memref<32x1024xf32, #tpu.memory_space<vmem>>, vector<1x16xf32>,
        %scan3A_507 = arith.constant 2 : i32
        %scan3A_508 = arith.addi %scan3A_470, %scan3A_507 : i32
        %mul3A_509 = arith.constant 1 : i32
        %mul3A_510 = arith.muli %scan3A_508, %mul3A_509 : i32
        %add3A_511 = arith.constant 0 : i32
        %add3A_512 = arith.addi %add3A_511, %mul3A_510 : i32
        %mul3A_513 = arith.constant 16 : i32
        %mul3A_514 = arith.muli %add3A_512, %mul3A_513 : i32
        %get3A_515 = arith.index_cast %add3A_464 : i32 to index
        %get3A_516 = arith.index_cast %mul3A_514 : i32 to index
        %get3A_517 = tpu.vector_load %arg8[%get3A_515, %get3A_516] {strides = array<i32>} : memref<32x1024xf32, #tpu.memory_space<vmem>>, vector<1x16xf32>,
        %get3A_518 = vector.shape_cast %get3A_517 : vector<1x16xf32> to vector<16xf32>
        %mul3A_519 = arith.constant 3.200000e+01 : f32
        %mul3A_520 = vector.broadcast %mul3A_519 : f32 to vector<16xf32>
        %mul3A_521 = arith.mulf %get3A_518, %mul3A_520 : vector<16xf32>
        %swap3A_522 = arith.index_cast %add3A_464 : i32 to index
        %swap3A_523 = arith.index_cast %mul3A_514 : i32 to index
        %swap3A_524 = tpu.vector_load %arg8[%swap3A_522, %swap3A_523] {strides = array<i32>} : memref<32x1024xf32, #tpu.memory_space<vmem>>, vector<1x16xf32>,
        %swap3A_525 = vector.shape_cast %swap3A_524 : vector<1x16xf32> to vector<16xf32>
        %swap3A_526 = vector.shape_cast %mul3A_521 : vector<16xf32> to vector<1x16xf32>
        tpu.vector_store %arg8[%swap3A_522, %swap3A_523], %swap3A_526 {strides = array<i32>} : memref<32x1024xf32, #tpu.memory_space<vmem>>, vector<1x16xf32>,
        %scan3A_527 = arith.constant 3 : i32
        %scan3A_528 = arith.addi %scan3A_470, %scan3A_527 : i32
        %mul3A_529 = arith.constant 1 : i32
        %mul3A_530 = arith.muli %scan3A_528, %mul3A_529 : i32
        %add3A_531 = arith.constant 0 : i32
        %add3A_532 = arith.addi %add3A_531, %mul3A_530 : i32
        %mul3A_533 = arith.constant 16 : i32
        %mul3A_534 = arith.muli %add3A_532, %mul3A_533 : i32
        %get3A_535 = arith.index_cast %add3A_464 : i32 to index
        %get3A_536 = arith.index_cast %mul3A_534 : i32 to index
        %get3A_537 = tpu.vector_load %arg8[%get3A_535, %get3A_536] {strides = array<i32>} : memref<32x1024xf32, #tpu.memory_space<vmem>>, vector<1x16xf32>,
        %get3A_538 = vector.shape_cast %get3A_537 : vector<1x16xf32> to vector<16xf32>
        %mul3A_539 = arith.constant 3.200000e+01 : f32
        %mul3A_540 = vector.broadcast %mul3A_539 : f32 to vector<16xf32>
        %mul3A_541 = arith.mulf %get3A_538, %mul3A_540 : vector<16xf32>
        %swap3A_542 = arith.index_cast %add3A_464 : i32 to index
        %swap3A_543 = arith.index_cast %mul3A_534 : i32 to index
        %swap3A_544 = tpu.vector_load %arg8[%swap3A_542, %swap3A_543] {strides = array<i32>} : memref<32x1024xf32, #tpu.memory_space<vmem>>, vector<1x16xf32>,
        %swap3A_545 = vector.shape_cast %swap3A_544 : vector<1x16xf32> to vector<16xf32>
        %swap3A_546 = vector.shape_cast %mul3A_541 : vector<16xf32> to vector<1x16xf32>
        tpu.vector_store %arg8[%swap3A_542, %swap3A_543], %swap3A_546 {strides = array<i32>} : memref<32x1024xf32, #tpu.memory_space<vmem>>, vector<1x16xf32>,
        %scan3A_547 = arith.constant 4 : i32
        %scan3A_548 = arith.addi %scan3A_470, %scan3A_547 : i32
        %mul3A_549 = arith.constant 1 : i32
        %mul3A_550 = arith.muli %scan3A_548, %mul3A_549 : i32
        %add3A_551 = arith.constant 0 : i32
        %add3A_552 = arith.addi %add3A_551, %mul3A_550 : i32
        %mul3A_553 = arith.constant 16 : i32
        %mul3A_554 = arith.muli %add3A_552, %mul3A_553 : i32
        %get3A_555 = arith.index_cast %add3A_464 : i32 to index
        %get3A_556 = arith.index_cast %mul3A_554 : i32 to index
        %get3A_557 = tpu.vector_load %arg8[%get3A_555, %get3A_556] {strides = array<i32>} : memref<32x1024xf32, #tpu.memory_space<vmem>>, vector<1x16xf32>,
        %get3A_558 = vector.shape_cast %get3A_557 : vector<1x16xf32> to vector<16xf32>
        %mul3A_559 = arith.constant 3.200000e+01 : f32
        %mul3A_560 = vector.broadcast %mul3A_559 : f32 to vector<16xf32>
        %mul3A_561 = arith.mulf %get3A_558, %mul3A_560 : vector<16xf32>
        %swap3A_562 = arith.index_cast %add3A_464 : i32 to index
        %swap3A_563 = arith.index_cast %mul3A_554 : i32 to index
        %swap3A_564 = tpu.vector_load %arg8[%swap3A_562, %swap3A_563] {strides = array<i32>} : memref<32x1024xf32, #tpu.memory_space<vmem>>, vector<1x16xf32>,
        %swap3A_565 = vector.shape_cast %swap3A_564 : vector<1x16xf32> to vector<16xf32>
        %swap3A_566 = vector.shape_cast %mul3A_561 : vector<16xf32> to vector<1x16xf32>
        tpu.vector_store %arg8[%swap3A_562, %swap3A_563], %swap3A_566 {strides = array<i32>} : memref<32x1024xf32, #tpu.memory_space<vmem>>, vector<1x16xf32>,
        %scan3A_567 = arith.constant 5 : i32
        %scan3A_568 = arith.addi %scan3A_470, %scan3A_567 : i32
        %mul3A_569 = arith.constant 1 : i32
        %mul3A_570 = arith.muli %scan3A_568, %mul3A_569 : i32
        %add3A_571 = arith.constant 0 : i32
        %add3A_572 = arith.addi %add3A_571, %mul3A_570 : i32
        %mul3A_573 = arith.constant 16 : i32
        %mul3A_574 = arith.muli %add3A_572, %mul3A_573 : i32
        %get3A_575 = arith.index_cast %add3A_464 : i32 to index
        %get3A_576 = arith.index_cast %mul3A_574 : i32 to index
        %get3A_577 = tpu.vector_load %arg8[%get3A_575, %get3A_576] {strides = array<i32>} : memref<32x1024xf32, #tpu.memory_space<vmem>>, vector<1x16xf32>,
        %get3A_578 = vector.shape_cast %get3A_577 : vector<1x16xf32> to vector<16xf32>
        %mul3A_579 = arith.constant 3.200000e+01 : f32
        %mul3A_580 = vector.broadcast %mul3A_579 : f32 to vector<16xf32>
        %mul3A_581 = arith.mulf %get3A_578, %mul3A_580 : vector<16xf32>
        %swap3A_582 = arith.index_cast %add3A_464 : i32 to index
        %swap3A_583 = arith.index_cast %mul3A_574 : i32 to index
        %swap3A_584 = tpu.vector_load %arg8[%swap3A_582, %swap3A_583] {strides = array<i32>} : memref<32x1024xf32, #tpu.memory_space<vmem>>, vector<1x16xf32>,
        %swap3A_585 = vector.shape_cast %swap3A_584 : vector<1x16xf32> to vector<16xf32>
        %swap3A_586 = vector.shape_cast %mul3A_581 : vector<16xf32> to vector<1x16xf32>
        tpu.vector_store %arg8[%swap3A_582, %swap3A_583], %swap3A_586 {strides = array<i32>} : memref<32x1024xf32, #tpu.memory_space<vmem>>, vector<1x16xf32>,
        %scan3A_587 = arith.constant 6 : i32
        %scan3A_588 = arith.addi %scan3A_470, %scan3A_587 : i32
        %mul3A_589 = arith.constant 1 : i32
        %mul3A_590 = arith.muli %scan3A_588, %mul3A_589 : i32
        %add3A_591 = arith.constant 0 : i32
        %add3A_592 = arith.addi %add3A_591, %mul3A_590 : i32
        %mul3A_593 = arith.constant 16 : i32
        %mul3A_594 = arith.muli %add3A_592, %mul3A_593 : i32
        %get3A_595 = arith.index_cast %add3A_464 : i32 to index
        %get3A_596 = arith.index_cast %mul3A_594 : i32 to index
        %get3A_597 = tpu.vector_load %arg8[%get3A_595, %get3A_596] {strides = array<i32>} : memref<32x1024xf32, #tpu.memory_space<vmem>>, vector<1x16xf32>,
        %get3A_598 = vector.shape_cast %get3A_597 : vector<1x16xf32> to vector<16xf32>
        %mul3A_599 = arith.constant 3.200000e+01 : f32
        %mul3A_600 = vector.broadcast %mul3A_599 : f32 to vector<16xf32>
        %mul3A_601 = arith.mulf %get3A_598, %mul3A_600 : vector<16xf32>
        %swap3A_602 = arith.index_cast %add3A_464 : i32 to index
        %swap3A_603 = arith.index_cast %mul3A_594 : i32 to index
        %swap3A_604 = tpu.vector_load %arg8[%swap3A_602, %swap3A_603] {strides = array<i32>} : memref<32x1024xf32, #tpu.memory_space<vmem>>, vector<1x16xf32>,
        %swap3A_605 = vector.shape_cast %swap3A_604 : vector<1x16xf32> to vector<16xf32>
        %swap3A_606 = vector.shape_cast %mul3A_601 : vector<16xf32> to vector<1x16xf32>
        tpu.vector_store %arg8[%swap3A_602, %swap3A_603], %swap3A_606 {strides = array<i32>} : memref<32x1024xf32, #tpu.memory_space<vmem>>, vector<1x16xf32>,
        %scan3A_607 = arith.constant 7 : i32
        %scan3A_608 = arith.addi %scan3A_470, %scan3A_607 : i32
        %mul3A_609 = arith.constant 1 : i32
        %mul3A_610 = arith.muli %scan3A_608, %mul3A_609 : i32
        %add3A_611 = arith.constant 0 : i32
        %add3A_612 = arith.addi %add3A_611, %mul3A_610 : i32
        %mul3A_613 = arith.constant 16 : i32
        %mul3A_614 = arith.muli %add3A_612, %mul3A_613 : i32
        %get3A_615 = arith.index_cast %add3A_464 : i32 to index
        %get3A_616 = arith.index_cast %mul3A_614 : i32 to index
        %get3A_617 = tpu.vector_load %arg8[%get3A_615, %get3A_616] {strides = array<i32>} : memref<32x1024xf32, #tpu.memory_space<vmem>>, vector<1x16xf32>,
        %get3A_618 = vector.shape_cast %get3A_617 : vector<1x16xf32> to vector<16xf32>
        %mul3A_619 = arith.constant 3.200000e+01 : f32
        %mul3A_620 = vector.broadcast %mul3A_619 : f32 to vector<16xf32>
        %mul3A_621 = arith.mulf %get3A_618, %mul3A_620 : vector<16xf32>
        %swap3A_622 = arith.index_cast %add3A_464 : i32 to index
        %swap3A_623 = arith.index_cast %mul3A_614 : i32 to index
        %swap3A_624 = tpu.vector_load %arg8[%swap3A_622, %swap3A_623] {strides = array<i32>} : memref<32x1024xf32, #tpu.memory_space<vmem>>, vector<1x16xf32>,
        %swap3A_625 = vector.shape_cast %swap3A_624 : vector<1x16xf32> to vector<16xf32>
        %swap3A_626 = vector.shape_cast %mul3A_621 : vector<16xf32> to vector<1x16xf32>
        tpu.vector_store %arg8[%swap3A_622, %swap3A_623], %swap3A_626 {strides = array<i32>} : memref<32x1024xf32, #tpu.memory_space<vmem>>, vector<1x16xf32>,
      }
      %scan3A_469 = arith.constant 64 : i32
    }
    %scan3A_90 = arith.constant 32 : i32
    %add3A_91 = arith.constant 64 : i32
    %add3A_92 = arith.addi %mul3A_2, %add3A_91 : i32
    %dma_start3A_93 = arith.constant 0 : i32
    %dma_start3A_94 = tpu.memref_slice %arg4[%add3A_92, %dma_start3A_93] : memref<16384x1024xf32, #tpu.memory_space<hbm>> -> memref<32x1024xf32, #tpu.memory_space<hbm>>
    %dma_start3A_95 = arith.constant 0 : i32
    %dma_start3A_96 = tpu.memref_slice %arg4[%add3A_92, %dma_start3A_95] : memref<16384x1024xf32, #tpu.memory_space<hbm>> -> memref<32x1024xf32, #tpu.memory_space<hbm>>
    tpu.enqueue_dma source(%arg8 : memref<32x1024xf32, #tpu.memory_space<vmem>>) target(%dma_start3A_96 : memref<32x1024xf32, #tpu.memory_space<hbm>>) target_semaphore(%arg14 : memref<!tpu.dma_semaphore, #tpu.memory_space<semaphore_mem>>)
    %dma_wait3A_97 = arith.constant 3 : i32
    %dma_wait3A_98 = arith.constant 0 : i32
    %dma_wait3A_99 = tpu.memref_slice %arg5[%dma_wait3A_97, %dma_wait3A_98] : memref<16x32xi32, #tpu.memory_space<vmem>> -> memref<1x32xi32, #tpu.memory_space<vmem>>
    %dma_wait3A_100 = tpu.memref_squeeze %dma_wait3A_99 : memref<1x32xi32, #tpu.memory_space<vmem>> -> memref<32xi32, #tpu.memory_space<vmem>>
    %dma_wait3A_101 = arith.constant 0 : i32
    %dma_wait3A_102 = arith.constant 0 : i32
    %dma_wait3A_103 = tpu.memref_slice %arg3[%dma_wait3A_101, %dma_wait3A_102] : memref<100000x1024xf32, #tpu.memory_space<hbm>> -> memref<100000x1024xf32, #tpu.memory_space<hbm>>
    tpu.wait_indirect_dma semaphore(%arg9 : memref<!tpu.dma_semaphore, #tpu.memory_space<semaphore_mem>>) src(%dma_wait3A_103 : memref<100000x1024xf32, #tpu.memory_space<hbm>>) dst(%arg6 : memref<32x1024xf32, #tpu.memory_space<vmem>>)
    %dma_wait3A_104 = arith.constant 0 : i32
    %dma_wait3A_105 = tpu.memref_slice %arg4[%add3A_92, %dma_wait3A_104] : memref<16384x1024xf32, #tpu.memory_space<hbm>> -> memref<32x1024xf32, #tpu.memory_space<hbm>>
    %dma_wait3A_106 = arith.constant 0 : i32
    %dma_wait3A_107 = tpu.memref_slice %arg4[%add3A_92, %dma_wait3A_106] : memref<16384x1024xf32, #tpu.memory_space<hbm>> -> memref<32x1024xf32, #tpu.memory_space<hbm>>
    tpu.wait_dma2 semaphore(%arg14 : memref<!tpu.dma_semaphore, #tpu.memory_space<semaphore_mem>>) src(%arg8 : memref<32x1024xf32, #tpu.memory_space<vmem>>) dst(%dma_wait3A_107 : memref<32x1024xf32, #tpu.memory_space<hbm>>)
    %dma_start3A_108 = arith.constant 5 : i32
    %dma_start3A_109 = arith.constant 0 : i32
    %dma_start3A_110 = tpu.memref_slice %arg5[%dma_start3A_108, %dma_start3A_109] : memref<16x32xi32, #tpu.memory_space<vmem>> -> memref<1x32xi32, #tpu.memory_space<vmem>>
    %dma_start3A_111 = tpu.memref_squeeze %dma_start3A_110 : memref<1x32xi32, #tpu.memory_space<vmem>> -> memref<32xi32, #tpu.memory_space<vmem>>
    %dma_start3A_112 = arith.constant 0 : i32
    %dma_start3A_113 = arith.constant 0 : i32
    %dma_start3A_114 = tpu.memref_slice %arg3[%dma_start3A_112, %dma_start3A_113] : memref<100000x1024xf32, #tpu.memory_space<hbm>> -> memref<100000x1024xf32, #tpu.memory_space<hbm>>
    tpu.enqueue_indirect_dma source(%dma_start3A_114 : memref<100000x1024xf32, #tpu.memory_space<hbm>>) target(%arg8 : memref<32x1024xf32, #tpu.memory_space<vmem>>) offsets(%dma_start3A_111 : memref<32xi32, #tpu.memory_space<vmem>>) semaphore(%arg11 : memref<!tpu.dma_semaphore, #tpu.memory_space<semaphore_mem>>)
    %scan3A_115 = arith.constant 0 : i32
    %scan3A_116 = arith.constant 32 : i32
    %scan3A_117 = arith.addi %scan3A_115, %scan3A_116 : i32
    %scan3A_118 = arith.constant 1 : i32
    scf.for %scan3A_460 = %scan3A_115 to %scan3A_117 step %scan3A_118  : i32 {
      %mul3A_461 = arith.constant 1 : i32
      %mul3A_462 = arith.muli %scan3A_460, %mul3A_461 : i32
      %add3A_463 = arith.constant 0 : i32
      %add3A_464 = arith.addi %add3A_463, %mul3A_462 : i32
      %scan3A_465 = arith.constant 0 : i32
      %scan3A_466 = arith.constant 64 : i32
      %scan3A_467 = arith.addi %scan3A_465, %scan3A_466 : i32
      %scan3A_468 = arith.constant 8 : i32
      scf.for %scan3A_470 = %scan3A_465 to %scan3A_467 step %scan3A_468  : i32 {
        %mul3A_471 = arith.constant 1 : i32
        %mul3A_472 = arith.muli %scan3A_470, %mul3A_471 : i32
        %add3A_473 = arith.constant 0 : i32
        %add3A_474 = arith.addi %add3A_473, %mul3A_472 : i32
        %mul3A_475 = arith.constant 16 : i32
        %mul3A_476 = arith.muli %add3A_474, %mul3A_475 : i32
        %get3A = arith.index_cast %add3A_464 : i32 to index
        %get3A_477 = arith.index_cast %mul3A_476 : i32 to index
        %get3A_478 = tpu.vector_load %arg6[%get3A, %get3A_477] {strides = array<i32>} : memref<32x1024xf32, #tpu.memory_space<vmem>>, vector<1x16xf32>,
        %get3A_479 = vector.shape_cast %get3A_478 : vector<1x16xf32> to vector<16xf32>
        %mul3A_480 = arith.constant 3.200000e+01 : f32
        %mul3A_481 = vector.broadcast %mul3A_480 : f32 to vector<16xf32>
        %mul3A_482 = arith.mulf %get3A_479, %mul3A_481 : vector<16xf32>
        %swap3A = arith.index_cast %add3A_464 : i32 to index
        %swap3A_483 = arith.index_cast %mul3A_476 : i32 to index
        %swap3A_484 = tpu.vector_load %arg6[%swap3A, %swap3A_483] {strides = array<i32>} : memref<32x1024xf32, #tpu.memory_space<vmem>>, vector<1x16xf32>,
        %swap3A_485 = vector.shape_cast %swap3A_484 : vector<1x16xf32> to vector<16xf32>
        %swap3A_486 = vector.shape_cast %mul3A_482 : vector<16xf32> to vector<1x16xf32>
        tpu.vector_store %arg6[%swap3A, %swap3A_483], %swap3A_486 {strides = array<i32>} : memref<32x1024xf32, #tpu.memory_space<vmem>>, vector<1x16xf32>,
        %scan3A_487 = arith.constant 1 : i32
        %scan3A_488 = arith.addi %scan3A_470, %scan3A_487 : i32
        %mul3A_489 = arith.constant 1 : i32
        %mul3A_490 = arith.muli %scan3A_488, %mul3A_489 : i32
        %add3A_491 = arith.constant 0 : i32
        %add3A_492 = arith.addi %add3A_491, %mul3A_490 : i32
        %mul3A_493 = arith.constant 16 : i32
        %mul3A_494 = arith.muli %add3A_492, %mul3A_493 : i32
        %get3A_495 = arith.index_cast %add3A_464 : i32 to index
        %get3A_496 = arith.index_cast %mul3A_494 : i32 to index
        %get3A_497 = tpu.vector_load %arg6[%get3A_495, %get3A_496] {strides = array<i32>} : memref<32x1024xf32, #tpu.memory_space<vmem>>, vector<1x16xf32>,
        %get3A_498 = vector.shape_cast %get3A_497 : vector<1x16xf32> to vector<16xf32>
        %mul3A_499 = arith.constant 3.200000e+01 : f32
        %mul3A_500 = vector.broadcast %mul3A_499 : f32 to vector<16xf32>
        %mul3A_501 = arith.mulf %get3A_498, %mul3A_500 : vector<16xf32>
        %swap3A_502 = arith.index_cast %add3A_464 : i32 to index
        %swap3A_503 = arith.index_cast %mul3A_494 : i32 to index
        %swap3A_504 = tpu.vector_load %arg6[%swap3A_502, %swap3A_503] {strides = array<i32>} : memref<32x1024xf32, #tpu.memory_space<vmem>>, vector<1x16xf32>,
        %swap3A_505 = vector.shape_cast %swap3A_504 : vector<1x16xf32> to vector<16xf32>
        %swap3A_506 = vector.shape_cast %mul3A_501 : vector<16xf32> to vector<1x16xf32>
        tpu.vector_store %arg6[%swap3A_502, %swap3A_503], %swap3A_506 {strides = array<i32>} : memref<32x1024xf32, #tpu.memory_space<vmem>>, vector<1x16xf32>,
        %scan3A_507 = arith.constant 2 : i32
        %scan3A_508 = arith.addi %scan3A_470, %scan3A_507 : i32
        %mul3A_509 = arith.constant 1 : i32
        %mul3A_510 = arith.muli %scan3A_508, %mul3A_509 : i32
        %add3A_511 = arith.constant 0 : i32
        %add3A_512 = arith.addi %add3A_511, %mul3A_510 : i32
        %mul3A_513 = arith.constant 16 : i32
        %mul3A_514 = arith.muli %add3A_512, %mul3A_513 : i32
        %get3A_515 = arith.index_cast %add3A_464 : i32 to index
        %get3A_516 = arith.index_cast %mul3A_514 : i32 to index
        %get3A_517 = tpu.vector_load %arg6[%get3A_515, %get3A_516] {strides = array<i32>} : memref<32x1024xf32, #tpu.memory_space<vmem>>, vector<1x16xf32>,
        %get3A_518 = vector.shape_cast %get3A_517 : vector<1x16xf32> to vector<16xf32>
        %mul3A_519 = arith.constant 3.200000e+01 : f32
        %mul3A_520 = vector.broadcast %mul3A_519 : f32 to vector<16xf32>
        %mul3A_521 = arith.mulf %get3A_518, %mul3A_520 : vector<16xf32>
        %swap3A_522 = arith.index_cast %add3A_464 : i32 to index
        %swap3A_523 = arith.index_cast %mul3A_514 : i32 to index
        %swap3A_524 = tpu.vector_load %arg6[%swap3A_522, %swap3A_523] {strides = array<i32>} : memref<32x1024xf32, #tpu.memory_space<vmem>>, vector<1x16xf32>,
        %swap3A_525 = vector.shape_cast %swap3A_524 : vector<1x16xf32> to vector<16xf32>
        %swap3A_526 = vector.shape_cast %mul3A_521 : vector<16xf32> to vector<1x16xf32>
        tpu.vector_store %arg6[%swap3A_522, %swap3A_523], %swap3A_526 {strides = array<i32>} : memref<32x1024xf32, #tpu.memory_space<vmem>>, vector<1x16xf32>,
        %scan3A_527 = arith.constant 3 : i32
        %scan3A_528 = arith.addi %scan3A_470, %scan3A_527 : i32
        %mul3A_529 = arith.constant 1 : i32
        %mul3A_530 = arith.muli %scan3A_528, %mul3A_529 : i32
        %add3A_531 = arith.constant 0 : i32
        %add3A_532 = arith.addi %add3A_531, %mul3A_530 : i32
        %mul3A_533 = arith.constant 16 : i32
        %mul3A_534 = arith.muli %add3A_532, %mul3A_533 : i32
        %get3A_535 = arith.index_cast %add3A_464 : i32 to index
        %get3A_536 = arith.index_cast %mul3A_534 : i32 to index
        %get3A_537 = tpu.vector_load %arg6[%get3A_535, %get3A_536] {strides = array<i32>} : memref<32x1024xf32, #tpu.memory_space<vmem>>, vector<1x16xf32>,
        %get3A_538 = vector.shape_cast %get3A_537 : vector<1x16xf32> to vector<16xf32>
        %mul3A_539 = arith.constant 3.200000e+01 : f32
        %mul3A_540 = vector.broadcast %mul3A_539 : f32 to vector<16xf32>
        %mul3A_541 = arith.mulf %get3A_538, %mul3A_540 : vector<16xf32>
        %swap3A_542 = arith.index_cast %add3A_464 : i32 to index
        %swap3A_543 = arith.index_cast %mul3A_534 : i32 to index
        %swap3A_544 = tpu.vector_load %arg6[%swap3A_542, %swap3A_543] {strides = array<i32>} : memref<32x1024xf32, #tpu.memory_space<vmem>>, vector<1x16xf32>,
        %swap3A_545 = vector.shape_cast %swap3A_544 : vector<1x16xf32> to vector<16xf32>
        %swap3A_546 = vector.shape_cast %mul3A_541 : vector<16xf32> to vector<1x16xf32>
        tpu.vector_store %arg6[%swap3A_542, %swap3A_543], %swap3A_546 {strides = array<i32>} : memref<32x1024xf32, #tpu.memory_space<vmem>>, vector<1x16xf32>,
        %scan3A_547 = arith.constant 4 : i32
        %scan3A_548 = arith.addi %scan3A_470, %scan3A_547 : i32
        %mul3A_549 = arith.constant 1 : i32
        %mul3A_550 = arith.muli %scan3A_548, %mul3A_549 : i32
        %add3A_551 = arith.constant 0 : i32
        %add3A_552 = arith.addi %add3A_551, %mul3A_550 : i32
        %mul3A_553 = arith.constant 16 : i32
        %mul3A_554 = arith.muli %add3A_552, %mul3A_553 : i32
        %get3A_555 = arith.index_cast %add3A_464 : i32 to index
        %get3A_556 = arith.index_cast %mul3A_554 : i32 to index
        %get3A_557 = tpu.vector_load %arg6[%get3A_555, %get3A_556] {strides = array<i32>} : memref<32x1024xf32, #tpu.memory_space<vmem>>, vector<1x16xf32>,
        %get3A_558 = vector.shape_cast %get3A_557 : vector<1x16xf32> to vector<16xf32>
        %mul3A_559 = arith.constant 3.200000e+01 : f32
        %mul3A_560 = vector.broadcast %mul3A_559 : f32 to vector<16xf32>
        %mul3A_561 = arith.mulf %get3A_558, %mul3A_560 : vector<16xf32>
        %swap3A_562 = arith.index_cast %add3A_464 : i32 to index
        %swap3A_563 = arith.index_cast %mul3A_554 : i32 to index
        %swap3A_564 = tpu.vector_load %arg6[%swap3A_562, %swap3A_563] {strides = array<i32>} : memref<32x1024xf32, #tpu.memory_space<vmem>>, vector<1x16xf32>,
        %swap3A_565 = vector.shape_cast %swap3A_564 : vector<1x16xf32> to vector<16xf32>
        %swap3A_566 = vector.shape_cast %mul3A_561 : vector<16xf32> to vector<1x16xf32>
        tpu.vector_store %arg6[%swap3A_562, %swap3A_563], %swap3A_566 {strides = array<i32>} : memref<32x1024xf32, #tpu.memory_space<vmem>>, vector<1x16xf32>,
        %scan3A_567 = arith.constant 5 : i32
        %scan3A_568 = arith.addi %scan3A_470, %scan3A_567 : i32
        %mul3A_569 = arith.constant 1 : i32
        %mul3A_570 = arith.muli %scan3A_568, %mul3A_569 : i32
        %add3A_571 = arith.constant 0 : i32
        %add3A_572 = arith.addi %add3A_571, %mul3A_570 : i32
        %mul3A_573 = arith.constant 16 : i32
        %mul3A_574 = arith.muli %add3A_572, %mul3A_573 : i32
        %get3A_575 = arith.index_cast %add3A_464 : i32 to index
        %get3A_576 = arith.index_cast %mul3A_574 : i32 to index
        %get3A_577 = tpu.vector_load %arg6[%get3A_575, %get3A_576] {strides = array<i32>} : memref<32x1024xf32, #tpu.memory_space<vmem>>, vector<1x16xf32>,
        %get3A_578 = vector.shape_cast %get3A_577 : vector<1x16xf32> to vector<16xf32>
        %mul3A_579 = arith.constant 3.200000e+01 : f32
        %mul3A_580 = vector.broadcast %mul3A_579 : f32 to vector<16xf32>
        %mul3A_581 = arith.mulf %get3A_578, %mul3A_580 : vector<16xf32>
        %swap3A_582 = arith.index_cast %add3A_464 : i32 to index
        %swap3A_583 = arith.index_cast %mul3A_574 : i32 to index
        %swap3A_584 = tpu.vector_load %arg6[%swap3A_582, %swap3A_583] {strides = array<i32>} : memref<32x1024xf32, #tpu.memory_space<vmem>>, vector<1x16xf32>,
        %swap3A_585 = vector.shape_cast %swap3A_584 : vector<1x16xf32> to vector<16xf32>
        %swap3A_586 = vector.shape_cast %mul3A_581 : vector<16xf32> to vector<1x16xf32>
        tpu.vector_store %arg6[%swap3A_582, %swap3A_583], %swap3A_586 {strides = array<i32>} : memref<32x1024xf32, #tpu.memory_space<vmem>>, vector<1x16xf32>,
        %scan3A_587 = arith.constant 6 : i32
        %scan3A_588 = arith.addi %scan3A_470, %scan3A_587 : i32
        %mul3A_589 = arith.constant 1 : i32
        %mul3A_590 = arith.muli %scan3A_588, %mul3A_589 : i32
        %add3A_591 = arith.constant 0 : i32
        %add3A_592 = arith.addi %add3A_591, %mul3A_590 : i32
        %mul3A_593 = arith.constant 16 : i32
        %mul3A_594 = arith.muli %add3A_592, %mul3A_593 : i32
        %get3A_595 = arith.index_cast %add3A_464 : i32 to index
        %get3A_596 = arith.index_cast %mul3A_594 : i32 to index
        %get3A_597 = tpu.vector_load %arg6[%get3A_595, %get3A_596] {strides = array<i32>} : memref<32x1024xf32, #tpu.memory_space<vmem>>, vector<1x16xf32>,
        %get3A_598 = vector.shape_cast %get3A_597 : vector<1x16xf32> to vector<16xf32>
        %mul3A_599 = arith.constant 3.200000e+01 : f32
        %mul3A_600 = vector.broadcast %mul3A_599 : f32 to vector<16xf32>
        %mul3A_601 = arith.mulf %get3A_598, %mul3A_600 : vector<16xf32>
        %swap3A_602 = arith.index_cast %add3A_464 : i32 to index
        %swap3A_603 = arith.index_cast %mul3A_594 : i32 to index
        %swap3A_604 = tpu.vector_load %arg6[%swap3A_602, %swap3A_603] {strides = array<i32>} : memref<32x1024xf32, #tpu.memory_space<vmem>>, vector<1x16xf32>,
        %swap3A_605 = vector.shape_cast %swap3A_604 : vector<1x16xf32> to vector<16xf32>
        %swap3A_606 = vector.shape_cast %mul3A_601 : vector<16xf32> to vector<1x16xf32>
        tpu.vector_store %arg6[%swap3A_602, %swap3A_603], %swap3A_606 {strides = array<i32>} : memref<32x1024xf32, #tpu.memory_space<vmem>>, vector<1x16xf32>,
        %scan3A_607 = arith.constant 7 : i32
        %scan3A_608 = arith.addi %scan3A_470, %scan3A_607 : i32
        %mul3A_609 = arith.constant 1 : i32
        %mul3A_610 = arith.muli %scan3A_608, %mul3A_609 : i32
        %add3A_611 = arith.constant 0 : i32
        %add3A_612 = arith.addi %add3A_611, %mul3A_610 : i32
        %mul3A_613 = arith.constant 16 : i32
        %mul3A_614 = arith.muli %add3A_612, %mul3A_613 : i32
        %get3A_615 = arith.index_cast %add3A_464 : i32 to index
        %get3A_616 = arith.index_cast %mul3A_614 : i32 to index
        %get3A_617 = tpu.vector_load %arg6[%get3A_615, %get3A_616] {strides = array<i32>} : memref<32x1024xf32, #tpu.memory_space<vmem>>, vector<1x16xf32>,
        %get3A_618 = vector.shape_cast %get3A_617 : vector<1x16xf32> to vector<16xf32>
        %mul3A_619 = arith.constant 3.200000e+01 : f32
        %mul3A_620 = vector.broadcast %mul3A_619 : f32 to vector<16xf32>
        %mul3A_621 = arith.mulf %get3A_618, %mul3A_620 : vector<16xf32>
        %swap3A_622 = arith.index_cast %add3A_464 : i32 to index
        %swap3A_623 = arith.index_cast %mul3A_614 : i32 to index
        %swap3A_624 = tpu.vector_load %arg6[%swap3A_622, %swap3A_623] {strides = array<i32>} : memref<32x1024xf32, #tpu.memory_space<vmem>>, vector<1x16xf32>,
        %swap3A_625 = vector.shape_cast %swap3A_624 : vector<1x16xf32> to vector<16xf32>
        %swap3A_626 = vector.shape_cast %mul3A_621 : vector<16xf32> to vector<1x16xf32>
        tpu.vector_store %arg6[%swap3A_622, %swap3A_623], %swap3A_626 {strides = array<i32>} : memref<32x1024xf32, #tpu.memory_space<vmem>>, vector<1x16xf32>,
      }
      %scan3A_469 = arith.constant 64 : i32
    }
    %scan3A_119 = arith.constant 32 : i32
    %add3A_120 = arith.constant 96 : i32
    %add3A_121 = arith.addi %mul3A_2, %add3A_120 : i32
    %dma_start3A_122 = arith.constant 0 : i32
    %dma_start3A_123 = tpu.memref_slice %arg4[%add3A_121, %dma_start3A_122] : memref<16384x1024xf32, #tpu.memory_space<hbm>> -> memref<32x1024xf32, #tpu.memory_space<hbm>>
    %dma_start3A_124 = arith.constant 0 : i32
    %dma_start3A_125 = tpu.memref_slice %arg4[%add3A_121, %dma_start3A_124] : memref<16384x1024xf32, #tpu.memory_space<hbm>> -> memref<32x1024xf32, #tpu.memory_space<hbm>>
    tpu.enqueue_dma source(%arg6 : memref<32x1024xf32, #tpu.memory_space<vmem>>) target(%dma_start3A_125 : memref<32x1024xf32, #tpu.memory_space<hbm>>) target_semaphore(%arg12 : memref<!tpu.dma_semaphore, #tpu.memory_space<semaphore_mem>>)
    %dma_wait3A_126 = arith.constant 4 : i32
    %dma_wait3A_127 = arith.constant 0 : i32
    %dma_wait3A_128 = tpu.memref_slice %arg5[%dma_wait3A_126, %dma_wait3A_127] : memref<16x32xi32, #tpu.memory_space<vmem>> -> memref<1x32xi32, #tpu.memory_space<vmem>>
    %dma_wait3A_129 = tpu.memref_squeeze %dma_wait3A_128 : memref<1x32xi32, #tpu.memory_space<vmem>> -> memref<32xi32, #tpu.memory_space<vmem>>
    %dma_wait3A_130 = arith.constant 0 : i32
    %dma_wait3A_131 = arith.constant 0 : i32
    %dma_wait3A_132 = tpu.memref_slice %arg3[%dma_wait3A_130, %dma_wait3A_131] : memref<100000x1024xf32, #tpu.memory_space<hbm>> -> memref<100000x1024xf32, #tpu.memory_space<hbm>>
    tpu.wait_indirect_dma semaphore(%arg10 : memref<!tpu.dma_semaphore, #tpu.memory_space<semaphore_mem>>) src(%dma_wait3A_132 : memref<100000x1024xf32, #tpu.memory_space<hbm>>) dst(%arg7 : memref<32x1024xf32, #tpu.memory_space<vmem>>)
    %dma_wait3A_133 = arith.constant 0 : i32
    %dma_wait3A_134 = tpu.memref_slice %arg4[%add3A_121, %dma_wait3A_133] : memref<16384x1024xf32, #tpu.memory_space<hbm>> -> memref<32x1024xf32, #tpu.memory_space<hbm>>
    %dma_wait3A_135 = arith.constant 0 : i32
    %dma_wait3A_136 = tpu.memref_slice %arg4[%add3A_121, %dma_wait3A_135] : memref<16384x1024xf32, #tpu.memory_space<hbm>> -> memref<32x1024xf32, #tpu.memory_space<hbm>>
    tpu.wait_dma2 semaphore(%arg12 : memref<!tpu.dma_semaphore, #tpu.memory_space<semaphore_mem>>) src(%arg6 : memref<32x1024xf32, #tpu.memory_space<vmem>>) dst(%dma_wait3A_136 : memref<32x1024xf32, #tpu.memory_space<hbm>>)
    %dma_start3A_137 = arith.constant 6 : i32
    %dma_start3A_138 = arith.constant 0 : i32
    %dma_start3A_139 = tpu.memref_slice %arg5[%dma_start3A_137, %dma_start3A_138] : memref<16x32xi32, #tpu.memory_space<vmem>> -> memref<1x32xi32, #tpu.memory_space<vmem>>
    %dma_start3A_140 = tpu.memref_squeeze %dma_start3A_139 : memref<1x32xi32, #tpu.memory_space<vmem>> -> memref<32xi32, #tpu.memory_space<vmem>>
    %dma_start3A_141 = arith.constant 0 : i32
    %dma_start3A_142 = arith.constant 0 : i32
    %dma_start3A_143 = tpu.memref_slice %arg3[%dma_start3A_141, %dma_start3A_142] : memref<100000x1024xf32, #tpu.memory_space<hbm>> -> memref<100000x1024xf32, #tpu.memory_space<hbm>>
    tpu.enqueue_indirect_dma source(%dma_start3A_143 : memref<100000x1024xf32, #tpu.memory_space<hbm>>) target(%arg6 : memref<32x1024xf32, #tpu.memory_space<vmem>>) offsets(%dma_start3A_140 : memref<32xi32, #tpu.memory_space<vmem>>) semaphore(%arg9 : memref<!tpu.dma_semaphore, #tpu.memory_space<semaphore_mem>>)
    %scan3A_144 = arith.constant 0 : i32
    %scan3A_145 = arith.constant 32 : i32
    %scan3A_146 = arith.addi %scan3A_144, %scan3A_145 : i32
    %scan3A_147 = arith.constant 1 : i32
    scf.for %scan3A_460 = %scan3A_144 to %scan3A_146 step %scan3A_147  : i32 {
      %mul3A_461 = arith.constant 1 : i32
      %mul3A_462 = arith.muli %scan3A_460, %mul3A_461 : i32
      %add3A_463 = arith.constant 0 : i32
      %add3A_464 = arith.addi %add3A_463, %mul3A_462 : i32
      %scan3A_465 = arith.constant 0 : i32
      %scan3A_466 = arith.constant 64 : i32
      %scan3A_467 = arith.addi %scan3A_465, %scan3A_466 : i32
      %scan3A_468 = arith.constant 8 : i32
      scf.for %scan3A_470 = %scan3A_465 to %scan3A_467 step %scan3A_468  : i32 {
        %mul3A_471 = arith.constant 1 : i32
        %mul3A_472 = arith.muli %scan3A_470, %mul3A_471 : i32
        %add3A_473 = arith.constant 0 : i32
        %add3A_474 = arith.addi %add3A_473, %mul3A_472 : i32
        %mul3A_475 = arith.constant 16 : i32
        %mul3A_476 = arith.muli %add3A_474, %mul3A_475 : i32
        %get3A = arith.index_cast %add3A_464 : i32 to index
        %get3A_477 = arith.index_cast %mul3A_476 : i32 to index
        %get3A_478 = tpu.vector_load %arg7[%get3A, %get3A_477] {strides = array<i32>} : memref<32x1024xf32, #tpu.memory_space<vmem>>, vector<1x16xf32>,
        %get3A_479 = vector.shape_cast %get3A_478 : vector<1x16xf32> to vector<16xf32>
        %mul3A_480 = arith.constant 3.200000e+01 : f32
        %mul3A_481 = vector.broadcast %mul3A_480 : f32 to vector<16xf32>
        %mul3A_482 = arith.mulf %get3A_479, %mul3A_481 : vector<16xf32>
        %swap3A = arith.index_cast %add3A_464 : i32 to index
        %swap3A_483 = arith.index_cast %mul3A_476 : i32 to index
        %swap3A_484 = tpu.vector_load %arg7[%swap3A, %swap3A_483] {strides = array<i32>} : memref<32x1024xf32, #tpu.memory_space<vmem>>, vector<1x16xf32>,
        %swap3A_485 = vector.shape_cast %swap3A_484 : vector<1x16xf32> to vector<16xf32>
        %swap3A_486 = vector.shape_cast %mul3A_482 : vector<16xf32> to vector<1x16xf32>
        tpu.vector_store %arg7[%swap3A, %swap3A_483], %swap3A_486 {strides = array<i32>} : memref<32x1024xf32, #tpu.memory_space<vmem>>, vector<1x16xf32>,
        %scan3A_487 = arith.constant 1 : i32
        %scan3A_488 = arith.addi %scan3A_470, %scan3A_487 : i32
        %mul3A_489 = arith.constant 1 : i32
        %mul3A_490 = arith.muli %scan3A_488, %mul3A_489 : i32
        %add3A_491 = arith.constant 0 : i32
        %add3A_492 = arith.addi %add3A_491, %mul3A_490 : i32
        %mul3A_493 = arith.constant 16 : i32
        %mul3A_494 = arith.muli %add3A_492, %mul3A_493 : i32
        %get3A_495 = arith.index_cast %add3A_464 : i32 to index
        %get3A_496 = arith.index_cast %mul3A_494 : i32 to index
        %get3A_497 = tpu.vector_load %arg7[%get3A_495, %get3A_496] {strides = array<i32>} : memref<32x1024xf32, #tpu.memory_space<vmem>>, vector<1x16xf32>,
        %get3A_498 = vector.shape_cast %get3A_497 : vector<1x16xf32> to vector<16xf32>
        %mul3A_499 = arith.constant 3.200000e+01 : f32
        %mul3A_500 = vector.broadcast %mul3A_499 : f32 to vector<16xf32>
        %mul3A_501 = arith.mulf %get3A_498, %mul3A_500 : vector<16xf32>
        %swap3A_502 = arith.index_cast %add3A_464 : i32 to index
        %swap3A_503 = arith.index_cast %mul3A_494 : i32 to index
        %swap3A_504 = tpu.vector_load %arg7[%swap3A_502, %swap3A_503] {strides = array<i32>} : memref<32x1024xf32, #tpu.memory_space<vmem>>, vector<1x16xf32>,
        %swap3A_505 = vector.shape_cast %swap3A_504 : vector<1x16xf32> to vector<16xf32>
        %swap3A_506 = vector.shape_cast %mul3A_501 : vector<16xf32> to vector<1x16xf32>
        tpu.vector_store %arg7[%swap3A_502, %swap3A_503], %swap3A_506 {strides = array<i32>} : memref<32x1024xf32, #tpu.memory_space<vmem>>, vector<1x16xf32>,
        %scan3A_507 = arith.constant 2 : i32
        %scan3A_508 = arith.addi %scan3A_470, %scan3A_507 : i32
        %mul3A_509 = arith.constant 1 : i32
        %mul3A_510 = arith.muli %scan3A_508, %mul3A_509 : i32
        %add3A_511 = arith.constant 0 : i32
        %add3A_512 = arith.addi %add3A_511, %mul3A_510 : i32
        %mul3A_513 = arith.constant 16 : i32
        %mul3A_514 = arith.muli %add3A_512, %mul3A_513 : i32
        %get3A_515 = arith.index_cast %add3A_464 : i32 to index
        %get3A_516 = arith.index_cast %mul3A_514 : i32 to index
        %get3A_517 = tpu.vector_load %arg7[%get3A_515, %get3A_516] {strides = array<i32>} : memref<32x1024xf32, #tpu.memory_space<vmem>>, vector<1x16xf32>,
        %get3A_518 = vector.shape_cast %get3A_517 : vector<1x16xf32> to vector<16xf32>
        %mul3A_519 = arith.constant 3.200000e+01 : f32
        %mul3A_520 = vector.broadcast %mul3A_519 : f32 to vector<16xf32>
        %mul3A_521 = arith.mulf %get3A_518, %mul3A_520 : vector<16xf32>
        %swap3A_522 = arith.index_cast %add3A_464 : i32 to index
        %swap3A_523 = arith.index_cast %mul3A_514 : i32 to index
        %swap3A_524 = tpu.vector_load %arg7[%swap3A_522, %swap3A_523] {strides = array<i32>} : memref<32x1024xf32, #tpu.memory_space<vmem>>, vector<1x16xf32>,
        %swap3A_525 = vector.shape_cast %swap3A_524 : vector<1x16xf32> to vector<16xf32>
        %swap3A_526 = vector.shape_cast %mul3A_521 : vector<16xf32> to vector<1x16xf32>
        tpu.vector_store %arg7[%swap3A_522, %swap3A_523], %swap3A_526 {strides = array<i32>} : memref<32x1024xf32, #tpu.memory_space<vmem>>, vector<1x16xf32>,
        %scan3A_527 = arith.constant 3 : i32
        %scan3A_528 = arith.addi %scan3A_470, %scan3A_527 : i32
        %mul3A_529 = arith.constant 1 : i32
        %mul3A_530 = arith.muli %scan3A_528, %mul3A_529 : i32
        %add3A_531 = arith.constant 0 : i32
        %add3A_532 = arith.addi %add3A_531, %mul3A_530 : i32
        %mul3A_533 = arith.constant 16 : i32
        %mul3A_534 = arith.muli %add3A_532, %mul3A_533 : i32
        %get3A_535 = arith.index_cast %add3A_464 : i32 to index
        %get3A_536 = arith.index_cast %mul3A_534 : i32 to index
        %get3A_537 = tpu.vector_load %arg7[%get3A_535, %get3A_536] {strides = array<i32>} : memref<32x1024xf32, #tpu.memory_space<vmem>>, vector<1x16xf32>,
        %get3A_538 = vector.shape_cast %get3A_537 : vector<1x16xf32> to vector<16xf32>
        %mul3A_539 = arith.constant 3.200000e+01 : f32
        %mul3A_540 = vector.broadcast %mul3A_539 : f32 to vector<16xf32>
        %mul3A_541 = arith.mulf %get3A_538, %mul3A_540 : vector<16xf32>
        %swap3A_542 = arith.index_cast %add3A_464 : i32 to index
        %swap3A_543 = arith.index_cast %mul3A_534 : i32 to index
        %swap3A_544 = tpu.vector_load %arg7[%swap3A_542, %swap3A_543] {strides = array<i32>} : memref<32x1024xf32, #tpu.memory_space<vmem>>, vector<1x16xf32>,
        %swap3A_545 = vector.shape_cast %swap3A_544 : vector<1x16xf32> to vector<16xf32>
        %swap3A_546 = vector.shape_cast %mul3A_541 : vector<16xf32> to vector<1x16xf32>
        tpu.vector_store %arg7[%swap3A_542, %swap3A_543], %swap3A_546 {strides = array<i32>} : memref<32x1024xf32, #tpu.memory_space<vmem>>, vector<1x16xf32>,
        %scan3A_547 = arith.constant 4 : i32
        %scan3A_548 = arith.addi %scan3A_470, %scan3A_547 : i32
        %mul3A_549 = arith.constant 1 : i32
        %mul3A_550 = arith.muli %scan3A_548, %mul3A_549 : i32
        %add3A_551 = arith.constant 0 : i32
        %add3A_552 = arith.addi %add3A_551, %mul3A_550 : i32
        %mul3A_553 = arith.constant 16 : i32
        %mul3A_554 = arith.muli %add3A_552, %mul3A_553 : i32
        %get3A_555 = arith.index_cast %add3A_464 : i32 to index
        %get3A_556 = arith.index_cast %mul3A_554 : i32 to index
        %get3A_557 = tpu.vector_load %arg7[%get3A_555, %get3A_556] {strides = array<i32>} : memref<32x1024xf32, #tpu.memory_space<vmem>>, vector<1x16xf32>,
        %get3A_558 = vector.shape_cast %get3A_557 : vector<1x16xf32> to vector<16xf32>
        %mul3A_559 = arith.constant 3.200000e+01 : f32
        %mul3A_560 = vector.broadcast %mul3A_559 : f32 to vector<16xf32>
        %mul3A_561 = arith.mulf %get3A_558, %mul3A_560 : vector<16xf32>
        %swap3A_562 = arith.index_cast %add3A_464 : i32 to index
        %swap3A_563 = arith.index_cast %mul3A_554 : i32 to index
        %swap3A_564 = tpu.vector_load %arg7[%swap3A_562, %swap3A_563] {strides = array<i32>} : memref<32x1024xf32, #tpu.memory_space<vmem>>, vector<1x16xf32>,
        %swap3A_565 = vector.shape_cast %swap3A_564 : vector<1x16xf32> to vector<16xf32>
        %swap3A_566 = vector.shape_cast %mul3A_561 : vector<16xf32> to vector<1x16xf32>
        tpu.vector_store %arg7[%swap3A_562, %swap3A_563], %swap3A_566 {strides = array<i32>} : memref<32x1024xf32, #tpu.memory_space<vmem>>, vector<1x16xf32>,
        %scan3A_567 = arith.constant 5 : i32
        %scan3A_568 = arith.addi %scan3A_470, %scan3A_567 : i32
        %mul3A_569 = arith.constant 1 : i32
        %mul3A_570 = arith.muli %scan3A_568, %mul3A_569 : i32
        %add3A_571 = arith.constant 0 : i32
        %add3A_572 = arith.addi %add3A_571, %mul3A_570 : i32
        %mul3A_573 = arith.constant 16 : i32
        %mul3A_574 = arith.muli %add3A_572, %mul3A_573 : i32
        %get3A_575 = arith.index_cast %add3A_464 : i32 to index
        %get3A_576 = arith.index_cast %mul3A_574 : i32 to index
        %get3A_577 = tpu.vector_load %arg7[%get3A_575, %get3A_576] {strides = array<i32>} : memref<32x1024xf32, #tpu.memory_space<vmem>>, vector<1x16xf32>,
        %get3A_578 = vector.shape_cast %get3A_577 : vector<1x16xf32> to vector<16xf32>
        %mul3A_579 = arith.constant 3.200000e+01 : f32
        %mul3A_580 = vector.broadcast %mul3A_579 : f32 to vector<16xf32>
        %mul3A_581 = arith.mulf %get3A_578, %mul3A_580 : vector<16xf32>
        %swap3A_582 = arith.index_cast %add3A_464 : i32 to index
        %swap3A_583 = arith.index_cast %mul3A_574 : i32 to index
        %swap3A_584 = tpu.vector_load %arg7[%swap3A_582, %swap3A_583] {strides = array<i32>} : memref<32x1024xf32, #tpu.memory_space<vmem>>, vector<1x16xf32>,
        %swap3A_585 = vector.shape_cast %swap3A_584 : vector<1x16xf32> to vector<16xf32>
        %swap3A_586 = vector.shape_cast %mul3A_581 : vector<16xf32> to vector<1x16xf32>
        tpu.vector_store %arg7[%swap3A_582, %swap3A_583], %swap3A_586 {strides = array<i32>} : memref<32x1024xf32, #tpu.memory_space<vmem>>, vector<1x16xf32>,
        %scan3A_587 = arith.constant 6 : i32
        %scan3A_588 = arith.addi %scan3A_470, %scan3A_587 : i32
        %mul3A_589 = arith.constant 1 : i32
        %mul3A_590 = arith.muli %scan3A_588, %mul3A_589 : i32
        %add3A_591 = arith.constant 0 : i32
        %add3A_592 = arith.addi %add3A_591, %mul3A_590 : i32
        %mul3A_593 = arith.constant 16 : i32
        %mul3A_594 = arith.muli %add3A_592, %mul3A_593 : i32
        %get3A_595 = arith.index_cast %add3A_464 : i32 to index
        %get3A_596 = arith.index_cast %mul3A_594 : i32 to index
        %get3A_597 = tpu.vector_load %arg7[%get3A_595, %get3A_596] {strides = array<i32>} : memref<32x1024xf32, #tpu.memory_space<vmem>>, vector<1x16xf32>,
        %get3A_598 = vector.shape_cast %get3A_597 : vector<1x16xf32> to vector<16xf32>
        %mul3A_599 = arith.constant 3.200000e+01 : f32
        %mul3A_600 = vector.broadcast %mul3A_599 : f32 to vector<16xf32>
        %mul3A_601 = arith.mulf %get3A_598, %mul3A_600 : vector<16xf32>
        %swap3A_602 = arith.index_cast %add3A_464 : i32 to index
        %swap3A_603 = arith.index_cast %mul3A_594 : i32 to index
        %swap3A_604 = tpu.vector_load %arg7[%swap3A_602, %swap3A_603] {strides = array<i32>} : memref<32x1024xf32, #tpu.memory_space<vmem>>, vector<1x16xf32>,
        %swap3A_605 = vector.shape_cast %swap3A_604 : vector<1x16xf32> to vector<16xf32>
        %swap3A_606 = vector.shape_cast %mul3A_601 : vector<16xf32> to vector<1x16xf32>
        tpu.vector_store %arg7[%swap3A_602, %swap3A_603], %swap3A_606 {strides = array<i32>} : memref<32x1024xf32, #tpu.memory_space<vmem>>, vector<1x16xf32>,
        %scan3A_607 = arith.constant 7 : i32
        %scan3A_608 = arith.addi %scan3A_470, %scan3A_607 : i32
        %mul3A_609 = arith.constant 1 : i32
        %mul3A_610 = arith.muli %scan3A_608, %mul3A_609 : i32
        %add3A_611 = arith.constant 0 : i32
        %add3A_612 = arith.addi %add3A_611, %mul3A_610 : i32
        %mul3A_613 = arith.constant 16 : i32
        %mul3A_614 = arith.muli %add3A_612, %mul3A_613 : i32
        %get3A_615 = arith.index_cast %add3A_464 : i32 to index
        %get3A_616 = arith.index_cast %mul3A_614 : i32 to index
        %get3A_617 = tpu.vector_load %arg7[%get3A_615, %get3A_616] {strides = array<i32>} : memref<32x1024xf32, #tpu.memory_space<vmem>>, vector<1x16xf32>,
        %get3A_618 = vector.shape_cast %get3A_617 : vector<1x16xf32> to vector<16xf32>
        %mul3A_619 = arith.constant 3.200000e+01 : f32
        %mul3A_620 = vector.broadcast %mul3A_619 : f32 to vector<16xf32>
        %mul3A_621 = arith.mulf %get3A_618, %mul3A_620 : vector<16xf32>
        %swap3A_622 = arith.index_cast %add3A_464 : i32 to index
        %swap3A_623 = arith.index_cast %mul3A_614 : i32 to index
        %swap3A_624 = tpu.vector_load %arg7[%swap3A_622, %swap3A_623] {strides = array<i32>} : memref<32x1024xf32, #tpu.memory_space<vmem>>, vector<1x16xf32>,
        %swap3A_625 = vector.shape_cast %swap3A_624 : vector<1x16xf32> to vector<16xf32>
        %swap3A_626 = vector.shape_cast %mul3A_621 : vector<16xf32> to vector<1x16xf32>
        tpu.vector_store %arg7[%swap3A_622, %swap3A_623], %swap3A_626 {strides = array<i32>} : memref<32x1024xf32, #tpu.memory_space<vmem>>, vector<1x16xf32>,
      }
      %scan3A_469 = arith.constant 64 : i32
    }
    %scan3A_148 = arith.constant 32 : i32
    %add3A_149 = arith.constant 128 : i32
    %add3A_150 = arith.addi %mul3A_2, %add3A_149 : i32
    %dma_start3A_151 = arith.constant 0 : i32
    %dma_start3A_152 = tpu.memref_slice %arg4[%add3A_150, %dma_start3A_151] : memref<16384x1024xf32, #tpu.memory_space<hbm>> -> memref<32x1024xf32, #tpu.memory_space<hbm>>
    %dma_start3A_153 = arith.constant 0 : i32
    %dma_start3A_154 = tpu.memref_slice %arg4[%add3A_150, %dma_start3A_153] : memref<16384x1024xf32, #tpu.memory_space<hbm>> -> memref<32x1024xf32, #tpu.memory_space<hbm>>
    tpu.enqueue_dma source(%arg7 : memref<32x1024xf32, #tpu.memory_space<vmem>>) target(%dma_start3A_154 : memref<32x1024xf32, #tpu.memory_space<hbm>>) target_semaphore(%arg13 : memref<!tpu.dma_semaphore, #tpu.memory_space<semaphore_mem>>)
    %dma_wait3A_155 = arith.constant 5 : i32
    %dma_wait3A_156 = arith.constant 0 : i32
    %dma_wait3A_157 = tpu.memref_slice %arg5[%dma_wait3A_155, %dma_wait3A_156] : memref<16x32xi32, #tpu.memory_space<vmem>> -> memref<1x32xi32, #tpu.memory_space<vmem>>
    %dma_wait3A_158 = tpu.memref_squeeze %dma_wait3A_157 : memref<1x32xi32, #tpu.memory_space<vmem>> -> memref<32xi32, #tpu.memory_space<vmem>>
    %dma_wait3A_159 = arith.constant 0 : i32
    %dma_wait3A_160 = arith.constant 0 : i32
    %dma_wait3A_161 = tpu.memref_slice %arg3[%dma_wait3A_159, %dma_wait3A_160] : memref<100000x1024xf32, #tpu.memory_space<hbm>> -> memref<100000x1024xf32, #tpu.memory_space<hbm>>
    tpu.wait_indirect_dma semaphore(%arg11 : memref<!tpu.dma_semaphore, #tpu.memory_space<semaphore_mem>>) src(%dma_wait3A_161 : memref<100000x1024xf32, #tpu.memory_space<hbm>>) dst(%arg8 : memref<32x1024xf32, #tpu.memory_space<vmem>>)
    %dma_wait3A_162 = arith.constant 0 : i32
    %dma_wait3A_163 = tpu.memref_slice %arg4[%add3A_150, %dma_wait3A_162] : memref<16384x1024xf32, #tpu.memory_space<hbm>> -> memref<32x1024xf32, #tpu.memory_space<hbm>>
    %dma_wait3A_164 = arith.constant 0 : i32
    %dma_wait3A_165 = tpu.memref_slice %arg4[%add3A_150, %dma_wait3A_164] : memref<16384x1024xf32, #tpu.memory_space<hbm>> -> memref<32x1024xf32, #tpu.memory_space<hbm>>
    tpu.wait_dma2 semaphore(%arg13 : memref<!tpu.dma_semaphore, #tpu.memory_space<semaphore_mem>>) src(%arg7 : memref<32x1024xf32, #tpu.memory_space<vmem>>) dst(%dma_wait3A_165 : memref<32x1024xf32, #tpu.memory_space<hbm>>)
    %dma_start3A_166 = arith.constant 7 : i32
    %dma_start3A_167 = arith.constant 0 : i32
    %dma_start3A_168 = tpu.memref_slice %arg5[%dma_start3A_166, %dma_start3A_167] : memref<16x32xi32, #tpu.memory_space<vmem>> -> memref<1x32xi32, #tpu.memory_space<vmem>>
    %dma_start3A_169 = tpu.memref_squeeze %dma_start3A_168 : memref<1x32xi32, #tpu.memory_space<vmem>> -> memref<32xi32, #tpu.memory_space<vmem>>
    %dma_start3A_170 = arith.constant 0 : i32
    %dma_start3A_171 = arith.constant 0 : i32
    %dma_start3A_172 = tpu.memref_slice %arg3[%dma_start3A_170, %dma_start3A_171] : memref<100000x1024xf32, #tpu.memory_space<hbm>> -> memref<100000x1024xf32, #tpu.memory_space<hbm>>
    tpu.enqueue_indirect_dma source(%dma_start3A_172 : memref<100000x1024xf32, #tpu.memory_space<hbm>>) target(%arg7 : memref<32x1024xf32, #tpu.memory_space<vmem>>) offsets(%dma_start3A_169 : memref<32xi32, #tpu.memory_space<vmem>>) semaphore(%arg10 : memref<!tpu.dma_semaphore, #tpu.memory_space<semaphore_mem>>)
    %scan3A_173 = arith.constant 0 : i32
    %scan3A_174 = arith.constant 32 : i32
    %scan3A_175 = arith.addi %scan3A_173, %scan3A_174 : i32
    %scan3A_176 = arith.constant 1 : i32
    scf.for %scan3A_460 = %scan3A_173 to %scan3A_175 step %scan3A_176  : i32 {
      %mul3A_461 = arith.constant 1 : i32
      %mul3A_462 = arith.muli %scan3A_460, %mul3A_461 : i32
      %add3A_463 = arith.constant 0 : i32
      %add3A_464 = arith.addi %add3A_463, %mul3A_462 : i32
      %scan3A_465 = arith.constant 0 : i32
      %scan3A_466 = arith.constant 64 : i32
      %scan3A_467 = arith.addi %scan3A_465, %scan3A_466 : i32
      %scan3A_468 = arith.constant 8 : i32
      scf.for %scan3A_470 = %scan3A_465 to %scan3A_467 step %scan3A_468  : i32 {
        %mul3A_471 = arith.constant 1 : i32
        %mul3A_472 = arith.muli %scan3A_470, %mul3A_471 : i32
        %add3A_473 = arith.constant 0 : i32
        %add3A_474 = arith.addi %add3A_473, %mul3A_472 : i32
        %mul3A_475 = arith.constant 16 : i32
        %mul3A_476 = arith.muli %add3A_474, %mul3A_475 : i32
        %get3A = arith.index_cast %add3A_464 : i32 to index
        %get3A_477 = arith.index_cast %mul3A_476 : i32 to index
        %get3A_478 = tpu.vector_load %arg8[%get3A, %get3A_477] {strides = array<i32>} : memref<32x1024xf32, #tpu.memory_space<vmem>>, vector<1x16xf32>,
        %get3A_479 = vector.shape_cast %get3A_478 : vector<1x16xf32> to vector<16xf32>
        %mul3A_480 = arith.constant 3.200000e+01 : f32
        %mul3A_481 = vector.broadcast %mul3A_480 : f32 to vector<16xf32>
        %mul3A_482 = arith.mulf %get3A_479, %mul3A_481 : vector<16xf32>
        %swap3A = arith.index_cast %add3A_464 : i32 to index
        %swap3A_483 = arith.index_cast %mul3A_476 : i32 to index
        %swap3A_484 = tpu.vector_load %arg8[%swap3A, %swap3A_483] {strides = array<i32>} : memref<32x1024xf32, #tpu.memory_space<vmem>>, vector<1x16xf32>,
        %swap3A_485 = vector.shape_cast %swap3A_484 : vector<1x16xf32> to vector<16xf32>
        %swap3A_486 = vector.shape_cast %mul3A_482 : vector<16xf32> to vector<1x16xf32>
        tpu.vector_store %arg8[%swap3A, %swap3A_483], %swap3A_486 {strides = array<i32>} : memref<32x1024xf32, #tpu.memory_space<vmem>>, vector<1x16xf32>,
        %scan3A_487 = arith.constant 1 : i32
        %scan3A_488 = arith.addi %scan3A_470, %scan3A_487 : i32
        %mul3A_489 = arith.constant 1 : i32
        %mul3A_490 = arith.muli %scan3A_488, %mul3A_489 : i32
        %add3A_491 = arith.constant 0 : i32
        %add3A_492 = arith.addi %add3A_491, %mul3A_490 : i32
        %mul3A_493 = arith.constant 16 : i32
        %mul3A_494 = arith.muli %add3A_492, %mul3A_493 : i32
        %get3A_495 = arith.index_cast %add3A_464 : i32 to index
        %get3A_496 = arith.index_cast %mul3A_494 : i32 to index
        %get3A_497 = tpu.vector_load %arg8[%get3A_495, %get3A_496] {strides = array<i32>} : memref<32x1024xf32, #tpu.memory_space<vmem>>, vector<1x16xf32>,
        %get3A_498 = vector.shape_cast %get3A_497 : vector<1x16xf32> to vector<16xf32>
        %mul3A_499 = arith.constant 3.200000e+01 : f32
        %mul3A_500 = vector.broadcast %mul3A_499 : f32 to vector<16xf32>
        %mul3A_501 = arith.mulf %get3A_498, %mul3A_500 : vector<16xf32>
        %swap3A_502 = arith.index_cast %add3A_464 : i32 to index
        %swap3A_503 = arith.index_cast %mul3A_494 : i32 to index
        %swap3A_504 = tpu.vector_load %arg8[%swap3A_502, %swap3A_503] {strides = array<i32>} : memref<32x1024xf32, #tpu.memory_space<vmem>>, vector<1x16xf32>,
        %swap3A_505 = vector.shape_cast %swap3A_504 : vector<1x16xf32> to vector<16xf32>
        %swap3A_506 = vector.shape_cast %mul3A_501 : vector<16xf32> to vector<1x16xf32>
        tpu.vector_store %arg8[%swap3A_502, %swap3A_503], %swap3A_506 {strides = array<i32>} : memref<32x1024xf32, #tpu.memory_space<vmem>>, vector<1x16xf32>,
        %scan3A_507 = arith.constant 2 : i32
        %scan3A_508 = arith.addi %scan3A_470, %scan3A_507 : i32
        %mul3A_509 = arith.constant 1 : i32
        %mul3A_510 = arith.muli %scan3A_508, %mul3A_509 : i32
        %add3A_511 = arith.constant 0 : i32
        %add3A_512 = arith.addi %add3A_511, %mul3A_510 : i32
        %mul3A_513 = arith.constant 16 : i32
        %mul3A_514 = arith.muli %add3A_512, %mul3A_513 : i32
        %get3A_515 = arith.index_cast %add3A_464 : i32 to index
        %get3A_516 = arith.index_cast %mul3A_514 : i32 to index
        %get3A_517 = tpu.vector_load %arg8[%get3A_515, %get3A_516] {strides = array<i32>} : memref<32x1024xf32, #tpu.memory_space<vmem>>, vector<1x16xf32>,
        %get3A_518 = vector.shape_cast %get3A_517 : vector<1x16xf32> to vector<16xf32>
        %mul3A_519 = arith.constant 3.200000e+01 : f32
        %mul3A_520 = vector.broadcast %mul3A_519 : f32 to vector<16xf32>
        %mul3A_521 = arith.mulf %get3A_518, %mul3A_520 : vector<16xf32>
        %swap3A_522 = arith.index_cast %add3A_464 : i32 to index
        %swap3A_523 = arith.index_cast %mul3A_514 : i32 to index
        %swap3A_524 = tpu.vector_load %arg8[%swap3A_522, %swap3A_523] {strides = array<i32>} : memref<32x1024xf32, #tpu.memory_space<vmem>>, vector<1x16xf32>,
        %swap3A_525 = vector.shape_cast %swap3A_524 : vector<1x16xf32> to vector<16xf32>
        %swap3A_526 = vector.shape_cast %mul3A_521 : vector<16xf32> to vector<1x16xf32>
        tpu.vector_store %arg8[%swap3A_522, %swap3A_523], %swap3A_526 {strides = array<i32>} : memref<32x1024xf32, #tpu.memory_space<vmem>>, vector<1x16xf32>,
        %scan3A_527 = arith.constant 3 : i32
        %scan3A_528 = arith.addi %scan3A_470, %scan3A_527 : i32
        %mul3A_529 = arith.constant 1 : i32
        %mul3A_530 = arith.muli %scan3A_528, %mul3A_529 : i32
        %add3A_531 = arith.constant 0 : i32
        %add3A_532 = arith.addi %add3A_531, %mul3A_530 : i32
        %mul3A_533 = arith.constant 16 : i32
        %mul3A_534 = arith.muli %add3A_532, %mul3A_533 : i32
        %get3A_535 = arith.index_cast %add3A_464 : i32 to index
        %get3A_536 = arith.index_cast %mul3A_534 : i32 to index
        %get3A_537 = tpu.vector_load %arg8[%get3A_535, %get3A_536] {strides = array<i32>} : memref<32x1024xf32, #tpu.memory_space<vmem>>, vector<1x16xf32>,
        %get3A_538 = vector.shape_cast %get3A_537 : vector<1x16xf32> to vector<16xf32>
        %mul3A_539 = arith.constant 3.200000e+01 : f32
        %mul3A_540 = vector.broadcast %mul3A_539 : f32 to vector<16xf32>
        %mul3A_541 = arith.mulf %get3A_538, %mul3A_540 : vector<16xf32>
        %swap3A_542 = arith.index_cast %add3A_464 : i32 to index
        %swap3A_543 = arith.index_cast %mul3A_534 : i32 to index
        %swap3A_544 = tpu.vector_load %arg8[%swap3A_542, %swap3A_543] {strides = array<i32>} : memref<32x1024xf32, #tpu.memory_space<vmem>>, vector<1x16xf32>,
        %swap3A_545 = vector.shape_cast %swap3A_544 : vector<1x16xf32> to vector<16xf32>
        %swap3A_546 = vector.shape_cast %mul3A_541 : vector<16xf32> to vector<1x16xf32>
        tpu.vector_store %arg8[%swap3A_542, %swap3A_543], %swap3A_546 {strides = array<i32>} : memref<32x1024xf32, #tpu.memory_space<vmem>>, vector<1x16xf32>,
        %scan3A_547 = arith.constant 4 : i32
        %scan3A_548 = arith.addi %scan3A_470, %scan3A_547 : i32
        %mul3A_549 = arith.constant 1 : i32
        %mul3A_550 = arith.muli %scan3A_548, %mul3A_549 : i32
        %add3A_551 = arith.constant 0 : i32
        %add3A_552 = arith.addi %add3A_551, %mul3A_550 : i32
        %mul3A_553 = arith.constant 16 : i32
        %mul3A_554 = arith.muli %add3A_552, %mul3A_553 : i32
        %get3A_555 = arith.index_cast %add3A_464 : i32 to index
        %get3A_556 = arith.index_cast %mul3A_554 : i32 to index
        %get3A_557 = tpu.vector_load %arg8[%get3A_555, %get3A_556] {strides = array<i32>} : memref<32x1024xf32, #tpu.memory_space<vmem>>, vector<1x16xf32>,
        %get3A_558 = vector.shape_cast %get3A_557 : vector<1x16xf32> to vector<16xf32>
        %mul3A_559 = arith.constant 3.200000e+01 : f32
        %mul3A_560 = vector.broadcast %mul3A_559 : f32 to vector<16xf32>
        %mul3A_561 = arith.mulf %get3A_558, %mul3A_560 : vector<16xf32>
        %swap3A_562 = arith.index_cast %add3A_464 : i32 to index
        %swap3A_563 = arith.index_cast %mul3A_554 : i32 to index
        %swap3A_564 = tpu.vector_load %arg8[%swap3A_562, %swap3A_563] {strides = array<i32>} : memref<32x1024xf32, #tpu.memory_space<vmem>>, vector<1x16xf32>,
        %swap3A_565 = vector.shape_cast %swap3A_564 : vector<1x16xf32> to vector<16xf32>
        %swap3A_566 = vector.shape_cast %mul3A_561 : vector<16xf32> to vector<1x16xf32>
        tpu.vector_store %arg8[%swap3A_562, %swap3A_563], %swap3A_566 {strides = array<i32>} : memref<32x1024xf32, #tpu.memory_space<vmem>>, vector<1x16xf32>,
        %scan3A_567 = arith.constant 5 : i32
        %scan3A_568 = arith.addi %scan3A_470, %scan3A_567 : i32
        %mul3A_569 = arith.constant 1 : i32
        %mul3A_570 = arith.muli %scan3A_568, %mul3A_569 : i32
        %add3A_571 = arith.constant 0 : i32
        %add3A_572 = arith.addi %add3A_571, %mul3A_570 : i32
        %mul3A_573 = arith.constant 16 : i32
        %mul3A_574 = arith.muli %add3A_572, %mul3A_573 : i32
        %get3A_575 = arith.index_cast %add3A_464 : i32 to index
        %get3A_576 = arith.index_cast %mul3A_574 : i32 to index
        %get3A_577 = tpu.vector_load %arg8[%get3A_575, %get3A_576] {strides = array<i32>} : memref<32x1024xf32, #tpu.memory_space<vmem>>, vector<1x16xf32>,
        %get3A_578 = vector.shape_cast %get3A_577 : vector<1x16xf32> to vector<16xf32>
        %mul3A_579 = arith.constant 3.200000e+01 : f32
        %mul3A_580 = vector.broadcast %mul3A_579 : f32 to vector<16xf32>
        %mul3A_581 = arith.mulf %get3A_578, %mul3A_580 : vector<16xf32>
        %swap3A_582 = arith.index_cast %add3A_464 : i32 to index
        %swap3A_583 = arith.index_cast %mul3A_574 : i32 to index
        %swap3A_584 = tpu.vector_load %arg8[%swap3A_582, %swap3A_583] {strides = array<i32>} : memref<32x1024xf32, #tpu.memory_space<vmem>>, vector<1x16xf32>,
        %swap3A_585 = vector.shape_cast %swap3A_584 : vector<1x16xf32> to vector<16xf32>
        %swap3A_586 = vector.shape_cast %mul3A_581 : vector<16xf32> to vector<1x16xf32>
        tpu.vector_store %arg8[%swap3A_582, %swap3A_583], %swap3A_586 {strides = array<i32>} : memref<32x1024xf32, #tpu.memory_space<vmem>>, vector<1x16xf32>,
        %scan3A_587 = arith.constant 6 : i32
        %scan3A_588 = arith.addi %scan3A_470, %scan3A_587 : i32
        %mul3A_589 = arith.constant 1 : i32
        %mul3A_590 = arith.muli %scan3A_588, %mul3A_589 : i32
        %add3A_591 = arith.constant 0 : i32
        %add3A_592 = arith.addi %add3A_591, %mul3A_590 : i32
        %mul3A_593 = arith.constant 16 : i32
        %mul3A_594 = arith.muli %add3A_592, %mul3A_593 : i32
        %get3A_595 = arith.index_cast %add3A_464 : i32 to index
        %get3A_596 = arith.index_cast %mul3A_594 : i32 to index
        %get3A_597 = tpu.vector_load %arg8[%get3A_595, %get3A_596] {strides = array<i32>} : memref<32x1024xf32, #tpu.memory_space<vmem>>, vector<1x16xf32>,
        %get3A_598 = vector.shape_cast %get3A_597 : vector<1x16xf32> to vector<16xf32>
        %mul3A_599 = arith.constant 3.200000e+01 : f32
        %mul3A_600 = vector.broadcast %mul3A_599 : f32 to vector<16xf32>
        %mul3A_601 = arith.mulf %get3A_598, %mul3A_600 : vector<16xf32>
        %swap3A_602 = arith.index_cast %add3A_464 : i32 to index
        %swap3A_603 = arith.index_cast %mul3A_594 : i32 to index
        %swap3A_604 = tpu.vector_load %arg8[%swap3A_602, %swap3A_603] {strides = array<i32>} : memref<32x1024xf32, #tpu.memory_space<vmem>>, vector<1x16xf32>,
        %swap3A_605 = vector.shape_cast %swap3A_604 : vector<1x16xf32> to vector<16xf32>
        %swap3A_606 = vector.shape_cast %mul3A_601 : vector<16xf32> to vector<1x16xf32>
        tpu.vector_store %arg8[%swap3A_602, %swap3A_603], %swap3A_606 {strides = array<i32>} : memref<32x1024xf32, #tpu.memory_space<vmem>>, vector<1x16xf32>,
        %scan3A_607 = arith.constant 7 : i32
        %scan3A_608 = arith.addi %scan3A_470, %scan3A_607 : i32
        %mul3A_609 = arith.constant 1 : i32
        %mul3A_610 = arith.muli %scan3A_608, %mul3A_609 : i32
        %add3A_611 = arith.constant 0 : i32
        %add3A_612 = arith.addi %add3A_611, %mul3A_610 : i32
        %mul3A_613 = arith.constant 16 : i32
        %mul3A_614 = arith.muli %add3A_612, %mul3A_613 : i32
        %get3A_615 = arith.index_cast %add3A_464 : i32 to index
        %get3A_616 = arith.index_cast %mul3A_614 : i32 to index
        %get3A_617 = tpu.vector_load %arg8[%get3A_615, %get3A_616] {strides = array<i32>} : memref<32x1024xf32, #tpu.memory_space<vmem>>, vector<1x16xf32>,
        %get3A_618 = vector.shape_cast %get3A_617 : vector<1x16xf32> to vector<16xf32>
        %mul3A_619 = arith.constant 3.200000e+01 : f32
        %mul3A_620 = vector.broadcast %mul3A_619 : f32 to vector<16xf32>
        %mul3A_621 = arith.mulf %get3A_618, %mul3A_620 : vector<16xf32>
        %swap3A_622 = arith.index_cast %add3A_464 : i32 to index
        %swap3A_623 = arith.index_cast %mul3A_614 : i32 to index
        %swap3A_624 = tpu.vector_load %arg8[%swap3A_622, %swap3A_623] {strides = array<i32>} : memref<32x1024xf32, #tpu.memory_space<vmem>>, vector<1x16xf32>,
        %swap3A_625 = vector.shape_cast %swap3A_624 : vector<1x16xf32> to vector<16xf32>
        %swap3A_626 = vector.shape_cast %mul3A_621 : vector<16xf32> to vector<1x16xf32>
        tpu.vector_store %arg8[%swap3A_622, %swap3A_623], %swap3A_626 {strides = array<i32>} : memref<32x1024xf32, #tpu.memory_space<vmem>>, vector<1x16xf32>,
      }
      %scan3A_469 = arith.constant 64 : i32
    }
    %scan3A_177 = arith.constant 32 : i32
    %add3A_178 = arith.constant 160 : i32
    %add3A_179 = arith.addi %mul3A_2, %add3A_178 : i32
    %dma_start3A_180 = arith.constant 0 : i32
    %dma_start3A_181 = tpu.memref_slice %arg4[%add3A_179, %dma_start3A_180] : memref<16384x1024xf32, #tpu.memory_space<hbm>> -> memref<32x1024xf32, #tpu.memory_space<hbm>>
    %dma_start3A_182 = arith.constant 0 : i32
    %dma_start3A_183 = tpu.memref_slice %arg4[%add3A_179, %dma_start3A_182] : memref<16384x1024xf32, #tpu.memory_space<hbm>> -> memref<32x1024xf32, #tpu.memory_space<hbm>>
    tpu.enqueue_dma source(%arg8 : memref<32x1024xf32, #tpu.memory_space<vmem>>) target(%dma_start3A_183 : memref<32x1024xf32, #tpu.memory_space<hbm>>) target_semaphore(%arg14 : memref<!tpu.dma_semaphore, #tpu.memory_space<semaphore_mem>>)
    %dma_wait3A_184 = arith.constant 6 : i32
    %dma_wait3A_185 = arith.constant 0 : i32
    %dma_wait3A_186 = tpu.memref_slice %arg5[%dma_wait3A_184, %dma_wait3A_185] : memref<16x32xi32, #tpu.memory_space<vmem>> -> memref<1x32xi32, #tpu.memory_space<vmem>>
    %dma_wait3A_187 = tpu.memref_squeeze %dma_wait3A_186 : memref<1x32xi32, #tpu.memory_space<vmem>> -> memref<32xi32, #tpu.memory_space<vmem>>
    %dma_wait3A_188 = arith.constant 0 : i32
    %dma_wait3A_189 = arith.constant 0 : i32
    %dma_wait3A_190 = tpu.memref_slice %arg3[%dma_wait3A_188, %dma_wait3A_189] : memref<100000x1024xf32, #tpu.memory_space<hbm>> -> memref<100000x1024xf32, #tpu.memory_space<hbm>>
    tpu.wait_indirect_dma semaphore(%arg9 : memref<!tpu.dma_semaphore, #tpu.memory_space<semaphore_mem>>) src(%dma_wait3A_190 : memref<100000x1024xf32, #tpu.memory_space<hbm>>) dst(%arg6 : memref<32x1024xf32, #tpu.memory_space<vmem>>)
    %dma_wait3A_191 = arith.constant 0 : i32
    %dma_wait3A_192 = tpu.memref_slice %arg4[%add3A_179, %dma_wait3A_191] : memref<16384x1024xf32, #tpu.memory_space<hbm>> -> memref<32x1024xf32, #tpu.memory_space<hbm>>
    %dma_wait3A_193 = arith.constant 0 : i32
    %dma_wait3A_194 = tpu.memref_slice %arg4[%add3A_179, %dma_wait3A_193] : memref<16384x1024xf32, #tpu.memory_space<hbm>> -> memref<32x1024xf32, #tpu.memory_space<hbm>>
    tpu.wait_dma2 semaphore(%arg14 : memref<!tpu.dma_semaphore, #tpu.memory_space<semaphore_mem>>) src(%arg8 : memref<32x1024xf32, #tpu.memory_space<vmem>>) dst(%dma_wait3A_194 : memref<32x1024xf32, #tpu.memory_space<hbm>>)
    %dma_start3A_195 = arith.constant 8 : i32
    %dma_start3A_196 = arith.constant 0 : i32
    %dma_start3A_197 = tpu.memref_slice %arg5[%dma_start3A_195, %dma_start3A_196] : memref<16x32xi32, #tpu.memory_space<vmem>> -> memref<1x32xi32, #tpu.memory_space<vmem>>
    %dma_start3A_198 = tpu.memref_squeeze %dma_start3A_197 : memref<1x32xi32, #tpu.memory_space<vmem>> -> memref<32xi32, #tpu.memory_space<vmem>>
    %dma_start3A_199 = arith.constant 0 : i32
    %dma_start3A_200 = arith.constant 0 : i32
    %dma_start3A_201 = tpu.memref_slice %arg3[%dma_start3A_199, %dma_start3A_200] : memref<100000x1024xf32, #tpu.memory_space<hbm>> -> memref<100000x1024xf32, #tpu.memory_space<hbm>>
    tpu.enqueue_indirect_dma source(%dma_start3A_201 : memref<100000x1024xf32, #tpu.memory_space<hbm>>) target(%arg8 : memref<32x1024xf32, #tpu.memory_space<vmem>>) offsets(%dma_start3A_198 : memref<32xi32, #tpu.memory_space<vmem>>) semaphore(%arg11 : memref<!tpu.dma_semaphore, #tpu.memory_space<semaphore_mem>>)
    %scan3A_202 = arith.constant 0 : i32
    %scan3A_203 = arith.constant 32 : i32
    %scan3A_204 = arith.addi %scan3A_202, %scan3A_203 : i32
    %scan3A_205 = arith.constant 1 : i32
    scf.for %scan3A_460 = %scan3A_202 to %scan3A_204 step %scan3A_205  : i32 {
      %mul3A_461 = arith.constant 1 : i32
      %mul3A_462 = arith.muli %scan3A_460, %mul3A_461 : i32
      %add3A_463 = arith.constant 0 : i32
      %add3A_464 = arith.addi %add3A_463, %mul3A_462 : i32
      %scan3A_465 = arith.constant 0 : i32
      %scan3A_466 = arith.constant 64 : i32
      %scan3A_467 = arith.addi %scan3A_465, %scan3A_466 : i32
      %scan3A_468 = arith.constant 8 : i32
      scf.for %scan3A_470 = %scan3A_465 to %scan3A_467 step %scan3A_468  : i32 {
        %mul3A_471 = arith.constant 1 : i32
        %mul3A_472 = arith.muli %scan3A_470, %mul3A_471 : i32
        %add3A_473 = arith.constant 0 : i32
        %add3A_474 = arith.addi %add3A_473, %mul3A_472 : i32
        %mul3A_475 = arith.constant 16 : i32
        %mul3A_476 = arith.muli %add3A_474, %mul3A_475 : i32
        %get3A = arith.index_cast %add3A_464 : i32 to index
        %get3A_477 = arith.index_cast %mul3A_476 : i32 to index
        %get3A_478 = tpu.vector_load %arg6[%get3A, %get3A_477] {strides = array<i32>} : memref<32x1024xf32, #tpu.memory_space<vmem>>, vector<1x16xf32>,
        %get3A_479 = vector.shape_cast %get3A_478 : vector<1x16xf32> to vector<16xf32>
        %mul3A_480 = arith.constant 3.200000e+01 : f32
        %mul3A_481 = vector.broadcast %mul3A_480 : f32 to vector<16xf32>
        %mul3A_482 = arith.mulf %get3A_479, %mul3A_481 : vector<16xf32>
        %swap3A = arith.index_cast %add3A_464 : i32 to index
        %swap3A_483 = arith.index_cast %mul3A_476 : i32 to index
        %swap3A_484 = tpu.vector_load %arg6[%swap3A, %swap3A_483] {strides = array<i32>} : memref<32x1024xf32, #tpu.memory_space<vmem>>, vector<1x16xf32>,
        %swap3A_485 = vector.shape_cast %swap3A_484 : vector<1x16xf32> to vector<16xf32>
        %swap3A_486 = vector.shape_cast %mul3A_482 : vector<16xf32> to vector<1x16xf32>
        tpu.vector_store %arg6[%swap3A, %swap3A_483], %swap3A_486 {strides = array<i32>} : memref<32x1024xf32, #tpu.memory_space<vmem>>, vector<1x16xf32>,
        %scan3A_487 = arith.constant 1 : i32
        %scan3A_488 = arith.addi %scan3A_470, %scan3A_487 : i32
        %mul3A_489 = arith.constant 1 : i32
        %mul3A_490 = arith.muli %scan3A_488, %mul3A_489 : i32
        %add3A_491 = arith.constant 0 : i32
        %add3A_492 = arith.addi %add3A_491, %mul3A_490 : i32
        %mul3A_493 = arith.constant 16 : i32
        %mul3A_494 = arith.muli %add3A_492, %mul3A_493 : i32
        %get3A_495 = arith.index_cast %add3A_464 : i32 to index
        %get3A_496 = arith.index_cast %mul3A_494 : i32 to index
        %get3A_497 = tpu.vector_load %arg6[%get3A_495, %get3A_496] {strides = array<i32>} : memref<32x1024xf32, #tpu.memory_space<vmem>>, vector<1x16xf32>,
        %get3A_498 = vector.shape_cast %get3A_497 : vector<1x16xf32> to vector<16xf32>
        %mul3A_499 = arith.constant 3.200000e+01 : f32
        %mul3A_500 = vector.broadcast %mul3A_499 : f32 to vector<16xf32>
        %mul3A_501 = arith.mulf %get3A_498, %mul3A_500 : vector<16xf32>
        %swap3A_502 = arith.index_cast %add3A_464 : i32 to index
        %swap3A_503 = arith.index_cast %mul3A_494 : i32 to index
        %swap3A_504 = tpu.vector_load %arg6[%swap3A_502, %swap3A_503] {strides = array<i32>} : memref<32x1024xf32, #tpu.memory_space<vmem>>, vector<1x16xf32>,
        %swap3A_505 = vector.shape_cast %swap3A_504 : vector<1x16xf32> to vector<16xf32>
        %swap3A_506 = vector.shape_cast %mul3A_501 : vector<16xf32> to vector<1x16xf32>
        tpu.vector_store %arg6[%swap3A_502, %swap3A_503], %swap3A_506 {strides = array<i32>} : memref<32x1024xf32, #tpu.memory_space<vmem>>, vector<1x16xf32>,
        %scan3A_507 = arith.constant 2 : i32
        %scan3A_508 = arith.addi %scan3A_470, %scan3A_507 : i32
        %mul3A_509 = arith.constant 1 : i32
        %mul3A_510 = arith.muli %scan3A_508, %mul3A_509 : i32
        %add3A_511 = arith.constant 0 : i32
        %add3A_512 = arith.addi %add3A_511, %mul3A_510 : i32
        %mul3A_513 = arith.constant 16 : i32
        %mul3A_514 = arith.muli %add3A_512, %mul3A_513 : i32
        %get3A_515 = arith.index_cast %add3A_464 : i32 to index
        %get3A_516 = arith.index_cast %mul3A_514 : i32 to index
        %get3A_517 = tpu.vector_load %arg6[%get3A_515, %get3A_516] {strides = array<i32>} : memref<32x1024xf32, #tpu.memory_space<vmem>>, vector<1x16xf32>,
        %get3A_518 = vector.shape_cast %get3A_517 : vector<1x16xf32> to vector<16xf32>
        %mul3A_519 = arith.constant 3.200000e+01 : f32
        %mul3A_520 = vector.broadcast %mul3A_519 : f32 to vector<16xf32>
        %mul3A_521 = arith.mulf %get3A_518, %mul3A_520 : vector<16xf32>
        %swap3A_522 = arith.index_cast %add3A_464 : i32 to index
        %swap3A_523 = arith.index_cast %mul3A_514 : i32 to index
        %swap3A_524 = tpu.vector_load %arg6[%swap3A_522, %swap3A_523] {strides = array<i32>} : memref<32x1024xf32, #tpu.memory_space<vmem>>, vector<1x16xf32>,
        %swap3A_525 = vector.shape_cast %swap3A_524 : vector<1x16xf32> to vector<16xf32>
        %swap3A_526 = vector.shape_cast %mul3A_521 : vector<16xf32> to vector<1x16xf32>
        tpu.vector_store %arg6[%swap3A_522, %swap3A_523], %swap3A_526 {strides = array<i32>} : memref<32x1024xf32, #tpu.memory_space<vmem>>, vector<1x16xf32>,
        %scan3A_527 = arith.constant 3 : i32
        %scan3A_528 = arith.addi %scan3A_470, %scan3A_527 : i32
        %mul3A_529 = arith.constant 1 : i32
        %mul3A_530 = arith.muli %scan3A_528, %mul3A_529 : i32
        %add3A_531 = arith.constant 0 : i32
        %add3A_532 = arith.addi %add3A_531, %mul3A_530 : i32
        %mul3A_533 = arith.constant 16 : i32
        %mul3A_534 = arith.muli %add3A_532, %mul3A_533 : i32
        %get3A_535 = arith.index_cast %add3A_464 : i32 to index
        %get3A_536 = arith.index_cast %mul3A_534 : i32 to index
        %get3A_537 = tpu.vector_load %arg6[%get3A_535, %get3A_536] {strides = array<i32>} : memref<32x1024xf32, #tpu.memory_space<vmem>>, vector<1x16xf32>,
        %get3A_538 = vector.shape_cast %get3A_537 : vector<1x16xf32> to vector<16xf32>
        %mul3A_539 = arith.constant 3.200000e+01 : f32
        %mul3A_540 = vector.broadcast %mul3A_539 : f32 to vector<16xf32>
        %mul3A_541 = arith.mulf %get3A_538, %mul3A_540 : vector<16xf32>
        %swap3A_542 = arith.index_cast %add3A_464 : i32 to index
        %swap3A_543 = arith.index_cast %mul3A_534 : i32 to index
        %swap3A_544 = tpu.vector_load %arg6[%swap3A_542, %swap3A_543] {strides = array<i32>} : memref<32x1024xf32, #tpu.memory_space<vmem>>, vector<1x16xf32>,
        %swap3A_545 = vector.shape_cast %swap3A_544 : vector<1x16xf32> to vector<16xf32>
        %swap3A_546 = vector.shape_cast %mul3A_541 : vector<16xf32> to vector<1x16xf32>
        tpu.vector_store %arg6[%swap3A_542, %swap3A_543], %swap3A_546 {strides = array<i32>} : memref<32x1024xf32, #tpu.memory_space<vmem>>, vector<1x16xf32>,
        %scan3A_547 = arith.constant 4 : i32
        %scan3A_548 = arith.addi %scan3A_470, %scan3A_547 : i32
        %mul3A_549 = arith.constant 1 : i32
        %mul3A_550 = arith.muli %scan3A_548, %mul3A_549 : i32
        %add3A_551 = arith.constant 0 : i32
        %add3A_552 = arith.addi %add3A_551, %mul3A_550 : i32
        %mul3A_553 = arith.constant 16 : i32
        %mul3A_554 = arith.muli %add3A_552, %mul3A_553 : i32
        %get3A_555 = arith.index_cast %add3A_464 : i32 to index
        %get3A_556 = arith.index_cast %mul3A_554 : i32 to index
        %get3A_557 = tpu.vector_load %arg6[%get3A_555, %get3A_556] {strides = array<i32>} : memref<32x1024xf32, #tpu.memory_space<vmem>>, vector<1x16xf32>,
        %get3A_558 = vector.shape_cast %get3A_557 : vector<1x16xf32> to vector<16xf32>
        %mul3A_559 = arith.constant 3.200000e+01 : f32
        %mul3A_560 = vector.broadcast %mul3A_559 : f32 to vector<16xf32>
        %mul3A_561 = arith.mulf %get3A_558, %mul3A_560 : vector<16xf32>
        %swap3A_562 = arith.index_cast %add3A_464 : i32 to index
        %swap3A_563 = arith.index_cast %mul3A_554 : i32 to index
        %swap3A_564 = tpu.vector_load %arg6[%swap3A_562, %swap3A_563] {strides = array<i32>} : memref<32x1024xf32, #tpu.memory_space<vmem>>, vector<1x16xf32>,
        %swap3A_565 = vector.shape_cast %swap3A_564 : vector<1x16xf32> to vector<16xf32>
        %swap3A_566 = vector.shape_cast %mul3A_561 : vector<16xf32> to vector<1x16xf32>
        tpu.vector_store %arg6[%swap3A_562, %swap3A_563], %swap3A_566 {strides = array<i32>} : memref<32x1024xf32, #tpu.memory_space<vmem>>, vector<1x16xf32>,
        %scan3A_567 = arith.constant 5 : i32
        %scan3A_568 = arith.addi %scan3A_470, %scan3A_567 : i32
        %mul3A_569 = arith.constant 1 : i32
        %mul3A_570 = arith.muli %scan3A_568, %mul3A_569 : i32
        %add3A_571 = arith.constant 0 : i32
        %add3A_572 = arith.addi %add3A_571, %mul3A_570 : i32
        %mul3A_573 = arith.constant 16 : i32
        %mul3A_574 = arith.muli %add3A_572, %mul3A_573 : i32
        %get3A_575 = arith.index_cast %add3A_464 : i32 to index
        %get3A_576 = arith.index_cast %mul3A_574 : i32 to index
        %get3A_577 = tpu.vector_load %arg6[%get3A_575, %get3A_576] {strides = array<i32>} : memref<32x1024xf32, #tpu.memory_space<vmem>>, vector<1x16xf32>,
        %get3A_578 = vector.shape_cast %get3A_577 : vector<1x16xf32> to vector<16xf32>
        %mul3A_579 = arith.constant 3.200000e+01 : f32
        %mul3A_580 = vector.broadcast %mul3A_579 : f32 to vector<16xf32>
        %mul3A_581 = arith.mulf %get3A_578, %mul3A_580 : vector<16xf32>
        %swap3A_582 = arith.index_cast %add3A_464 : i32 to index
        %swap3A_583 = arith.index_cast %mul3A_574 : i32 to index
        %swap3A_584 = tpu.vector_load %arg6[%swap3A_582, %swap3A_583] {strides = array<i32>} : memref<32x1024xf32, #tpu.memory_space<vmem>>, vector<1x16xf32>,
        %swap3A_585 = vector.shape_cast %swap3A_584 : vector<1x16xf32> to vector<16xf32>
        %swap3A_586 = vector.shape_cast %mul3A_581 : vector<16xf32> to vector<1x16xf32>
        tpu.vector_store %arg6[%swap3A_582, %swap3A_583], %swap3A_586 {strides = array<i32>} : memref<32x1024xf32, #tpu.memory_space<vmem>>, vector<1x16xf32>,
        %scan3A_587 = arith.constant 6 : i32
        %scan3A_588 = arith.addi %scan3A_470, %scan3A_587 : i32
        %mul3A_589 = arith.constant 1 : i32
        %mul3A_590 = arith.muli %scan3A_588, %mul3A_589 : i32
        %add3A_591 = arith.constant 0 : i32
        %add3A_592 = arith.addi %add3A_591, %mul3A_590 : i32
        %mul3A_593 = arith.constant 16 : i32
        %mul3A_594 = arith.muli %add3A_592, %mul3A_593 : i32
        %get3A_595 = arith.index_cast %add3A_464 : i32 to index
        %get3A_596 = arith.index_cast %mul3A_594 : i32 to index
        %get3A_597 = tpu.vector_load %arg6[%get3A_595, %get3A_596] {strides = array<i32>} : memref<32x1024xf32, #tpu.memory_space<vmem>>, vector<1x16xf32>,
        %get3A_598 = vector.shape_cast %get3A_597 : vector<1x16xf32> to vector<16xf32>
        %mul3A_599 = arith.constant 3.200000e+01 : f32
        %mul3A_600 = vector.broadcast %mul3A_599 : f32 to vector<16xf32>
        %mul3A_601 = arith.mulf %get3A_598, %mul3A_600 : vector<16xf32>
        %swap3A_602 = arith.index_cast %add3A_464 : i32 to index
        %swap3A_603 = arith.index_cast %mul3A_594 : i32 to index
        %swap3A_604 = tpu.vector_load %arg6[%swap3A_602, %swap3A_603] {strides = array<i32>} : memref<32x1024xf32, #tpu.memory_space<vmem>>, vector<1x16xf32>,
        %swap3A_605 = vector.shape_cast %swap3A_604 : vector<1x16xf32> to vector<16xf32>
        %swap3A_606 = vector.shape_cast %mul3A_601 : vector<16xf32> to vector<1x16xf32>
        tpu.vector_store %arg6[%swap3A_602, %swap3A_603], %swap3A_606 {strides = array<i32>} : memref<32x1024xf32, #tpu.memory_space<vmem>>, vector<1x16xf32>,
        %scan3A_607 = arith.constant 7 : i32
        %scan3A_608 = arith.addi %scan3A_470, %scan3A_607 : i32
        %mul3A_609 = arith.constant 1 : i32
        %mul3A_610 = arith.muli %scan3A_608, %mul3A_609 : i32
        %add3A_611 = arith.constant 0 : i32
        %add3A_612 = arith.addi %add3A_611, %mul3A_610 : i32
        %mul3A_613 = arith.constant 16 : i32
        %mul3A_614 = arith.muli %add3A_612, %mul3A_613 : i32
        %get3A_615 = arith.index_cast %add3A_464 : i32 to index
        %get3A_616 = arith.index_cast %mul3A_614 : i32 to index
        %get3A_617 = tpu.vector_load %arg6[%get3A_615, %get3A_616] {strides = array<i32>} : memref<32x1024xf32, #tpu.memory_space<vmem>>, vector<1x16xf32>,
        %get3A_618 = vector.shape_cast %get3A_617 : vector<1x16xf32> to vector<16xf32>
        %mul3A_619 = arith.constant 3.200000e+01 : f32
        %mul3A_620 = vector.broadcast %mul3A_619 : f32 to vector<16xf32>
        %mul3A_621 = arith.mulf %get3A_618, %mul3A_620 : vector<16xf32>
        %swap3A_622 = arith.index_cast %add3A_464 : i32 to index
        %swap3A_623 = arith.index_cast %mul3A_614 : i32 to index
        %swap3A_624 = tpu.vector_load %arg6[%swap3A_622, %swap3A_623] {strides = array<i32>} : memref<32x1024xf32, #tpu.memory_space<vmem>>, vector<1x16xf32>,
        %swap3A_625 = vector.shape_cast %swap3A_624 : vector<1x16xf32> to vector<16xf32>
        %swap3A_626 = vector.shape_cast %mul3A_621 : vector<16xf32> to vector<1x16xf32>
        tpu.vector_store %arg6[%swap3A_622, %swap3A_623], %swap3A_626 {strides = array<i32>} : memref<32x1024xf32, #tpu.memory_space<vmem>>, vector<1x16xf32>,
      }
      %scan3A_469 = arith.constant 64 : i32
    }
    %scan3A_206 = arith.constant 32 : i32
    %add3A_207 = arith.constant 192 : i32
    %add3A_208 = arith.addi %mul3A_2, %add3A_207 : i32
    %dma_start3A_209 = arith.constant 0 : i32
    %dma_start3A_210 = tpu.memref_slice %arg4[%add3A_208, %dma_start3A_209] : memref<16384x1024xf32, #tpu.memory_space<hbm>> -> memref<32x1024xf32, #tpu.memory_space<hbm>>
    %dma_start3A_211 = arith.constant 0 : i32
    %dma_start3A_212 = tpu.memref_slice %arg4[%add3A_208, %dma_start3A_211] : memref<16384x1024xf32, #tpu.memory_space<hbm>> -> memref<32x1024xf32, #tpu.memory_space<hbm>>
    tpu.enqueue_dma source(%arg6 : memref<32x1024xf32, #tpu.memory_space<vmem>>) target(%dma_start3A_212 : memref<32x1024xf32, #tpu.memory_space<hbm>>) target_semaphore(%arg12 : memref<!tpu.dma_semaphore, #tpu.memory_space<semaphore_mem>>)
    %dma_wait3A_213 = arith.constant 7 : i32
    %dma_wait3A_214 = arith.constant 0 : i32
    %dma_wait3A_215 = tpu.memref_slice %arg5[%dma_wait3A_213, %dma_wait3A_214] : memref<16x32xi32, #tpu.memory_space<vmem>> -> memref<1x32xi32, #tpu.memory_space<vmem>>
    %dma_wait3A_216 = tpu.memref_squeeze %dma_wait3A_215 : memref<1x32xi32, #tpu.memory_space<vmem>> -> memref<32xi32, #tpu.memory_space<vmem>>
    %dma_wait3A_217 = arith.constant 0 : i32
    %dma_wait3A_218 = arith.constant 0 : i32
    %dma_wait3A_219 = tpu.memref_slice %arg3[%dma_wait3A_217, %dma_wait3A_218] : memref<100000x1024xf32, #tpu.memory_space<hbm>> -> memref<100000x1024xf32, #tpu.memory_space<hbm>>
    tpu.wait_indirect_dma semaphore(%arg10 : memref<!tpu.dma_semaphore, #tpu.memory_space<semaphore_mem>>) src(%dma_wait3A_219 : memref<100000x1024xf32, #tpu.memory_space<hbm>>) dst(%arg7 : memref<32x1024xf32, #tpu.memory_space<vmem>>)
    %dma_wait3A_220 = arith.constant 0 : i32
    %dma_wait3A_221 = tpu.memref_slice %arg4[%add3A_208, %dma_wait3A_220] : memref<16384x1024xf32, #tpu.memory_space<hbm>> -> memref<32x1024xf32, #tpu.memory_space<hbm>>
    %dma_wait3A_222 = arith.constant 0 : i32
    %dma_wait3A_223 = tpu.memref_slice %arg4[%add3A_208, %dma_wait3A_222] : memref<16384x1024xf32, #tpu.memory_space<hbm>> -> memref<32x1024xf32, #tpu.memory_space<hbm>>
    tpu.wait_dma2 semaphore(%arg12 : memref<!tpu.dma_semaphore, #tpu.memory_space<semaphore_mem>>) src(%arg6 : memref<32x1024xf32, #tpu.memory_space<vmem>>) dst(%dma_wait3A_223 : memref<32x1024xf32, #tpu.memory_space<hbm>>)
    %dma_start3A_224 = arith.constant 9 : i32
    %dma_start3A_225 = arith.constant 0 : i32
    %dma_start3A_226 = tpu.memref_slice %arg5[%dma_start3A_224, %dma_start3A_225] : memref<16x32xi32, #tpu.memory_space<vmem>> -> memref<1x32xi32, #tpu.memory_space<vmem>>
    %dma_start3A_227 = tpu.memref_squeeze %dma_start3A_226 : memref<1x32xi32, #tpu.memory_space<vmem>> -> memref<32xi32, #tpu.memory_space<vmem>>
    %dma_start3A_228 = arith.constant 0 : i32
    %dma_start3A_229 = arith.constant 0 : i32
    %dma_start3A_230 = tpu.memref_slice %arg3[%dma_start3A_228, %dma_start3A_229] : memref<100000x1024xf32, #tpu.memory_space<hbm>> -> memref<100000x1024xf32, #tpu.memory_space<hbm>>
    tpu.enqueue_indirect_dma source(%dma_start3A_230 : memref<100000x1024xf32, #tpu.memory_space<hbm>>) target(%arg6 : memref<32x1024xf32, #tpu.memory_space<vmem>>) offsets(%dma_start3A_227 : memref<32xi32, #tpu.memory_space<vmem>>) semaphore(%arg9 : memref<!tpu.dma_semaphore, #tpu.memory_space<semaphore_mem>>)
    %scan3A_231 = arith.constant 0 : i32
    %scan3A_232 = arith.constant 32 : i32
    %scan3A_233 = arith.addi %scan3A_231, %scan3A_232 : i32
    %scan3A_234 = arith.constant 1 : i32
    scf.for %scan3A_460 = %scan3A_231 to %scan3A_233 step %scan3A_234  : i32 {
      %mul3A_461 = arith.constant 1 : i32
      %mul3A_462 = arith.muli %scan3A_460, %mul3A_461 : i32
      %add3A_463 = arith.constant 0 : i32
      %add3A_464 = arith.addi %add3A_463, %mul3A_462 : i32
      %scan3A_465 = arith.constant 0 : i32
      %scan3A_466 = arith.constant 64 : i32
      %scan3A_467 = arith.addi %scan3A_465, %scan3A_466 : i32
      %scan3A_468 = arith.constant 8 : i32
      scf.for %scan3A_470 = %scan3A_465 to %scan3A_467 step %scan3A_468  : i32 {
        %mul3A_471 = arith.constant 1 : i32
        %mul3A_472 = arith.muli %scan3A_470, %mul3A_471 : i32
        %add3A_473 = arith.constant 0 : i32
        %add3A_474 = arith.addi %add3A_473, %mul3A_472 : i32
        %mul3A_475 = arith.constant 16 : i32
        %mul3A_476 = arith.muli %add3A_474, %mul3A_475 : i32
        %get3A = arith.index_cast %add3A_464 : i32 to index
        %get3A_477 = arith.index_cast %mul3A_476 : i32 to index
        %get3A_478 = tpu.vector_load %arg7[%get3A, %get3A_477] {strides = array<i32>} : memref<32x1024xf32, #tpu.memory_space<vmem>>, vector<1x16xf32>,
        %get3A_479 = vector.shape_cast %get3A_478 : vector<1x16xf32> to vector<16xf32>
        %mul3A_480 = arith.constant 3.200000e+01 : f32
        %mul3A_481 = vector.broadcast %mul3A_480 : f32 to vector<16xf32>
        %mul3A_482 = arith.mulf %get3A_479, %mul3A_481 : vector<16xf32>
        %swap3A = arith.index_cast %add3A_464 : i32 to index
        %swap3A_483 = arith.index_cast %mul3A_476 : i32 to index
        %swap3A_484 = tpu.vector_load %arg7[%swap3A, %swap3A_483] {strides = array<i32>} : memref<32x1024xf32, #tpu.memory_space<vmem>>, vector<1x16xf32>,
        %swap3A_485 = vector.shape_cast %swap3A_484 : vector<1x16xf32> to vector<16xf32>
        %swap3A_486 = vector.shape_cast %mul3A_482 : vector<16xf32> to vector<1x16xf32>
        tpu.vector_store %arg7[%swap3A, %swap3A_483], %swap3A_486 {strides = array<i32>} : memref<32x1024xf32, #tpu.memory_space<vmem>>, vector<1x16xf32>,
        %scan3A_487 = arith.constant 1 : i32
        %scan3A_488 = arith.addi %scan3A_470, %scan3A_487 : i32
        %mul3A_489 = arith.constant 1 : i32
        %mul3A_490 = arith.muli %scan3A_488, %mul3A_489 : i32
        %add3A_491 = arith.constant 0 : i32
        %add3A_492 = arith.addi %add3A_491, %mul3A_490 : i32
        %mul3A_493 = arith.constant 16 : i32
        %mul3A_494 = arith.muli %add3A_492, %mul3A_493 : i32
        %get3A_495 = arith.index_cast %add3A_464 : i32 to index
        %get3A_496 = arith.index_cast %mul3A_494 : i32 to index
        %get3A_497 = tpu.vector_load %arg7[%get3A_495, %get3A_496] {strides = array<i32>} : memref<32x1024xf32, #tpu.memory_space<vmem>>, vector<1x16xf32>,
        %get3A_498 = vector.shape_cast %get3A_497 : vector<1x16xf32> to vector<16xf32>
        %mul3A_499 = arith.constant 3.200000e+01 : f32
        %mul3A_500 = vector.broadcast %mul3A_499 : f32 to vector<16xf32>
        %mul3A_501 = arith.mulf %get3A_498, %mul3A_500 : vector<16xf32>
        %swap3A_502 = arith.index_cast %add3A_464 : i32 to index
        %swap3A_503 = arith.index_cast %mul3A_494 : i32 to index
        %swap3A_504 = tpu.vector_load %arg7[%swap3A_502, %swap3A_503] {strides = array<i32>} : memref<32x1024xf32, #tpu.memory_space<vmem>>, vector<1x16xf32>,
        %swap3A_505 = vector.shape_cast %swap3A_504 : vector<1x16xf32> to vector<16xf32>
        %swap3A_506 = vector.shape_cast %mul3A_501 : vector<16xf32> to vector<1x16xf32>
        tpu.vector_store %arg7[%swap3A_502, %swap3A_503], %swap3A_506 {strides = array<i32>} : memref<32x1024xf32, #tpu.memory_space<vmem>>, vector<1x16xf32>,
        %scan3A_507 = arith.constant 2 : i32
        %scan3A_508 = arith.addi %scan3A_470, %scan3A_507 : i32
        %mul3A_509 = arith.constant 1 : i32
        %mul3A_510 = arith.muli %scan3A_508, %mul3A_509 : i32
        %add3A_511 = arith.constant 0 : i32
        %add3A_512 = arith.addi %add3A_511, %mul3A_510 : i32
        %mul3A_513 = arith.constant 16 : i32
        %mul3A_514 = arith.muli %add3A_512, %mul3A_513 : i32
        %get3A_515 = arith.index_cast %add3A_464 : i32 to index
        %get3A_516 = arith.index_cast %mul3A_514 : i32 to index
        %get3A_517 = tpu.vector_load %arg7[%get3A_515, %get3A_516] {strides = array<i32>} : memref<32x1024xf32, #tpu.memory_space<vmem>>, vector<1x16xf32>,
        %get3A_518 = vector.shape_cast %get3A_517 : vector<1x16xf32> to vector<16xf32>
        %mul3A_519 = arith.constant 3.200000e+01 : f32
        %mul3A_520 = vector.broadcast %mul3A_519 : f32 to vector<16xf32>
        %mul3A_521 = arith.mulf %get3A_518, %mul3A_520 : vector<16xf32>
        %swap3A_522 = arith.index_cast %add3A_464 : i32 to index
        %swap3A_523 = arith.index_cast %mul3A_514 : i32 to index
        %swap3A_524 = tpu.vector_load %arg7[%swap3A_522, %swap3A_523] {strides = array<i32>} : memref<32x1024xf32, #tpu.memory_space<vmem>>, vector<1x16xf32>,
        %swap3A_525 = vector.shape_cast %swap3A_524 : vector<1x16xf32> to vector<16xf32>
        %swap3A_526 = vector.shape_cast %mul3A_521 : vector<16xf32> to vector<1x16xf32>
        tpu.vector_store %arg7[%swap3A_522, %swap3A_523], %swap3A_526 {strides = array<i32>} : memref<32x1024xf32, #tpu.memory_space<vmem>>, vector<1x16xf32>,
        %scan3A_527 = arith.constant 3 : i32
        %scan3A_528 = arith.addi %scan3A_470, %scan3A_527 : i32
        %mul3A_529 = arith.constant 1 : i32
        %mul3A_530 = arith.muli %scan3A_528, %mul3A_529 : i32
        %add3A_531 = arith.constant 0 : i32
        %add3A_532 = arith.addi %add3A_531, %mul3A_530 : i32
        %mul3A_533 = arith.constant 16 : i32
        %mul3A_534 = arith.muli %add3A_532, %mul3A_533 : i32
        %get3A_535 = arith.index_cast %add3A_464 : i32 to index
        %get3A_536 = arith.index_cast %mul3A_534 : i32 to index
        %get3A_537 = tpu.vector_load %arg7[%get3A_535, %get3A_536] {strides = array<i32>} : memref<32x1024xf32, #tpu.memory_space<vmem>>, vector<1x16xf32>,
        %get3A_538 = vector.shape_cast %get3A_537 : vector<1x16xf32> to vector<16xf32>
        %mul3A_539 = arith.constant 3.200000e+01 : f32
        %mul3A_540 = vector.broadcast %mul3A_539 : f32 to vector<16xf32>
        %mul3A_541 = arith.mulf %get3A_538, %mul3A_540 : vector<16xf32>
        %swap3A_542 = arith.index_cast %add3A_464 : i32 to index
        %swap3A_543 = arith.index_cast %mul3A_534 : i32 to index
        %swap3A_544 = tpu.vector_load %arg7[%swap3A_542, %swap3A_543] {strides = array<i32>} : memref<32x1024xf32, #tpu.memory_space<vmem>>, vector<1x16xf32>,
        %swap3A_545 = vector.shape_cast %swap3A_544 : vector<1x16xf32> to vector<16xf32>
        %swap3A_546 = vector.shape_cast %mul3A_541 : vector<16xf32> to vector<1x16xf32>
        tpu.vector_store %arg7[%swap3A_542, %swap3A_543], %swap3A_546 {strides = array<i32>} : memref<32x1024xf32, #tpu.memory_space<vmem>>, vector<1x16xf32>,
        %scan3A_547 = arith.constant 4 : i32
        %scan3A_548 = arith.addi %scan3A_470, %scan3A_547 : i32
        %mul3A_549 = arith.constant 1 : i32
        %mul3A_550 = arith.muli %scan3A_548, %mul3A_549 : i32
        %add3A_551 = arith.constant 0 : i32
        %add3A_552 = arith.addi %add3A_551, %mul3A_550 : i32
        %mul3A_553 = arith.constant 16 : i32
        %mul3A_554 = arith.muli %add3A_552, %mul3A_553 : i32
        %get3A_555 = arith.index_cast %add3A_464 : i32 to index
        %get3A_556 = arith.index_cast %mul3A_554 : i32 to index
        %get3A_557 = tpu.vector_load %arg7[%get3A_555, %get3A_556] {strides = array<i32>} : memref<32x1024xf32, #tpu.memory_space<vmem>>, vector<1x16xf32>,
        %get3A_558 = vector.shape_cast %get3A_557 : vector<1x16xf32> to vector<16xf32>
        %mul3A_559 = arith.constant 3.200000e+01 : f32
        %mul3A_560 = vector.broadcast %mul3A_559 : f32 to vector<16xf32>
        %mul3A_561 = arith.mulf %get3A_558, %mul3A_560 : vector<16xf32>
        %swap3A_562 = arith.index_cast %add3A_464 : i32 to index
        %swap3A_563 = arith.index_cast %mul3A_554 : i32 to index
        %swap3A_564 = tpu.vector_load %arg7[%swap3A_562, %swap3A_563] {strides = array<i32>} : memref<32x1024xf32, #tpu.memory_space<vmem>>, vector<1x16xf32>,
        %swap3A_565 = vector.shape_cast %swap3A_564 : vector<1x16xf32> to vector<16xf32>
        %swap3A_566 = vector.shape_cast %mul3A_561 : vector<16xf32> to vector<1x16xf32>
        tpu.vector_store %arg7[%swap3A_562, %swap3A_563], %swap3A_566 {strides = array<i32>} : memref<32x1024xf32, #tpu.memory_space<vmem>>, vector<1x16xf32>,
        %scan3A_567 = arith.constant 5 : i32
        %scan3A_568 = arith.addi %scan3A_470, %scan3A_567 : i32
        %mul3A_569 = arith.constant 1 : i32
        %mul3A_570 = arith.muli %scan3A_568, %mul3A_569 : i32
        %add3A_571 = arith.constant 0 : i32
        %add3A_572 = arith.addi %add3A_571, %mul3A_570 : i32
        %mul3A_573 = arith.constant 16 : i32
        %mul3A_574 = arith.muli %add3A_572, %mul3A_573 : i32
        %get3A_575 = arith.index_cast %add3A_464 : i32 to index
        %get3A_576 = arith.index_cast %mul3A_574 : i32 to index
        %get3A_577 = tpu.vector_load %arg7[%get3A_575, %get3A_576] {strides = array<i32>} : memref<32x1024xf32, #tpu.memory_space<vmem>>, vector<1x16xf32>,
        %get3A_578 = vector.shape_cast %get3A_577 : vector<1x16xf32> to vector<16xf32>
        %mul3A_579 = arith.constant 3.200000e+01 : f32
        %mul3A_580 = vector.broadcast %mul3A_579 : f32 to vector<16xf32>
        %mul3A_581 = arith.mulf %get3A_578, %mul3A_580 : vector<16xf32>
        %swap3A_582 = arith.index_cast %add3A_464 : i32 to index
        %swap3A_583 = arith.index_cast %mul3A_574 : i32 to index
        %swap3A_584 = tpu.vector_load %arg7[%swap3A_582, %swap3A_583] {strides = array<i32>} : memref<32x1024xf32, #tpu.memory_space<vmem>>, vector<1x16xf32>,
        %swap3A_585 = vector.shape_cast %swap3A_584 : vector<1x16xf32> to vector<16xf32>
        %swap3A_586 = vector.shape_cast %mul3A_581 : vector<16xf32> to vector<1x16xf32>
        tpu.vector_store %arg7[%swap3A_582, %swap3A_583], %swap3A_586 {strides = array<i32>} : memref<32x1024xf32, #tpu.memory_space<vmem>>, vector<1x16xf32>,
        %scan3A_587 = arith.constant 6 : i32
        %scan3A_588 = arith.addi %scan3A_470, %scan3A_587 : i32
        %mul3A_589 = arith.constant 1 : i32
        %mul3A_590 = arith.muli %scan3A_588, %mul3A_589 : i32
        %add3A_591 = arith.constant 0 : i32
        %add3A_592 = arith.addi %add3A_591, %mul3A_590 : i32
        %mul3A_593 = arith.constant 16 : i32
        %mul3A_594 = arith.muli %add3A_592, %mul3A_593 : i32
        %get3A_595 = arith.index_cast %add3A_464 : i32 to index
        %get3A_596 = arith.index_cast %mul3A_594 : i32 to index
        %get3A_597 = tpu.vector_load %arg7[%get3A_595, %get3A_596] {strides = array<i32>} : memref<32x1024xf32, #tpu.memory_space<vmem>>, vector<1x16xf32>,
        %get3A_598 = vector.shape_cast %get3A_597 : vector<1x16xf32> to vector<16xf32>
        %mul3A_599 = arith.constant 3.200000e+01 : f32
        %mul3A_600 = vector.broadcast %mul3A_599 : f32 to vector<16xf32>
        %mul3A_601 = arith.mulf %get3A_598, %mul3A_600 : vector<16xf32>
        %swap3A_602 = arith.index_cast %add3A_464 : i32 to index
        %swap3A_603 = arith.index_cast %mul3A_594 : i32 to index
        %swap3A_604 = tpu.vector_load %arg7[%swap3A_602, %swap3A_603] {strides = array<i32>} : memref<32x1024xf32, #tpu.memory_space<vmem>>, vector<1x16xf32>,
        %swap3A_605 = vector.shape_cast %swap3A_604 : vector<1x16xf32> to vector<16xf32>
        %swap3A_606 = vector.shape_cast %mul3A_601 : vector<16xf32> to vector<1x16xf32>
        tpu.vector_store %arg7[%swap3A_602, %swap3A_603], %swap3A_606 {strides = array<i32>} : memref<32x1024xf32, #tpu.memory_space<vmem>>, vector<1x16xf32>,
        %scan3A_607 = arith.constant 7 : i32
        %scan3A_608 = arith.addi %scan3A_470, %scan3A_607 : i32
        %mul3A_609 = arith.constant 1 : i32
        %mul3A_610 = arith.muli %scan3A_608, %mul3A_609 : i32
        %add3A_611 = arith.constant 0 : i32
        %add3A_612 = arith.addi %add3A_611, %mul3A_610 : i32
        %mul3A_613 = arith.constant 16 : i32
        %mul3A_614 = arith.muli %add3A_612, %mul3A_613 : i32
        %get3A_615 = arith.index_cast %add3A_464 : i32 to index
        %get3A_616 = arith.index_cast %mul3A_614 : i32 to index
        %get3A_617 = tpu.vector_load %arg7[%get3A_615, %get3A_616] {strides = array<i32>} : memref<32x1024xf32, #tpu.memory_space<vmem>>, vector<1x16xf32>,
        %get3A_618 = vector.shape_cast %get3A_617 : vector<1x16xf32> to vector<16xf32>
        %mul3A_619 = arith.constant 3.200000e+01 : f32
        %mul3A_620 = vector.broadcast %mul3A_619 : f32 to vector<16xf32>
        %mul3A_621 = arith.mulf %get3A_618, %mul3A_620 : vector<16xf32>
        %swap3A_622 = arith.index_cast %add3A_464 : i32 to index
        %swap3A_623 = arith.index_cast %mul3A_614 : i32 to index
        %swap3A_624 = tpu.vector_load %arg7[%swap3A_622, %swap3A_623] {strides = array<i32>} : memref<32x1024xf32, #tpu.memory_space<vmem>>, vector<1x16xf32>,
        %swap3A_625 = vector.shape_cast %swap3A_624 : vector<1x16xf32> to vector<16xf32>
        %swap3A_626 = vector.shape_cast %mul3A_621 : vector<16xf32> to vector<1x16xf32>
        tpu.vector_store %arg7[%swap3A_622, %swap3A_623], %swap3A_626 {strides = array<i32>} : memref<32x1024xf32, #tpu.memory_space<vmem>>, vector<1x16xf32>,
      }
      %scan3A_469 = arith.constant 64 : i32
    }
    %scan3A_235 = arith.constant 32 : i32
    %add3A_236 = arith.constant 224 : i32
    %add3A_237 = arith.addi %mul3A_2, %add3A_236 : i32
    %dma_start3A_238 = arith.constant 0 : i32
    %dma_start3A_239 = tpu.memref_slice %arg4[%add3A_237, %dma_start3A_238] : memref<16384x1024xf32, #tpu.memory_space<hbm>> -> memref<32x1024xf32, #tpu.memory_space<hbm>>
    %dma_start3A_240 = arith.constant 0 : i32
    %dma_start3A_241 = tpu.memref_slice %arg4[%add3A_237, %dma_start3A_240] : memref<16384x1024xf32, #tpu.memory_space<hbm>> -> memref<32x1024xf32, #tpu.memory_space<hbm>>
    tpu.enqueue_dma source(%arg7 : memref<32x1024xf32, #tpu.memory_space<vmem>>) target(%dma_start3A_241 : memref<32x1024xf32, #tpu.memory_space<hbm>>) target_semaphore(%arg13 : memref<!tpu.dma_semaphore, #tpu.memory_space<semaphore_mem>>)
    %dma_wait3A_242 = arith.constant 8 : i32
    %dma_wait3A_243 = arith.constant 0 : i32
    %dma_wait3A_244 = tpu.memref_slice %arg5[%dma_wait3A_242, %dma_wait3A_243] : memref<16x32xi32, #tpu.memory_space<vmem>> -> memref<1x32xi32, #tpu.memory_space<vmem>>
    %dma_wait3A_245 = tpu.memref_squeeze %dma_wait3A_244 : memref<1x32xi32, #tpu.memory_space<vmem>> -> memref<32xi32, #tpu.memory_space<vmem>>
    %dma_wait3A_246 = arith.constant 0 : i32
    %dma_wait3A_247 = arith.constant 0 : i32
    %dma_wait3A_248 = tpu.memref_slice %arg3[%dma_wait3A_246, %dma_wait3A_247] : memref<100000x1024xf32, #tpu.memory_space<hbm>> -> memref<100000x1024xf32, #tpu.memory_space<hbm>>
    tpu.wait_indirect_dma semaphore(%arg11 : memref<!tpu.dma_semaphore, #tpu.memory_space<semaphore_mem>>) src(%dma_wait3A_248 : memref<100000x1024xf32, #tpu.memory_space<hbm>>) dst(%arg8 : memref<32x1024xf32, #tpu.memory_space<vmem>>)
    %dma_wait3A_249 = arith.constant 0 : i32
    %dma_wait3A_250 = tpu.memref_slice %arg4[%add3A_237, %dma_wait3A_249] : memref<16384x1024xf32, #tpu.memory_space<hbm>> -> memref<32x1024xf32, #tpu.memory_space<hbm>>
    %dma_wait3A_251 = arith.constant 0 : i32
    %dma_wait3A_252 = tpu.memref_slice %arg4[%add3A_237, %dma_wait3A_251] : memref<16384x1024xf32, #tpu.memory_space<hbm>> -> memref<32x1024xf32, #tpu.memory_space<hbm>>
    tpu.wait_dma2 semaphore(%arg13 : memref<!tpu.dma_semaphore, #tpu.memory_space<semaphore_mem>>) src(%arg7 : memref<32x1024xf32, #tpu.memory_space<vmem>>) dst(%dma_wait3A_252 : memref<32x1024xf32, #tpu.memory_space<hbm>>)
    %dma_start3A_253 = arith.constant 10 : i32
    %dma_start3A_254 = arith.constant 0 : i32
    %dma_start3A_255 = tpu.memref_slice %arg5[%dma_start3A_253, %dma_start3A_254] : memref<16x32xi32, #tpu.memory_space<vmem>> -> memref<1x32xi32, #tpu.memory_space<vmem>>
    %dma_start3A_256 = tpu.memref_squeeze %dma_start3A_255 : memref<1x32xi32, #tpu.memory_space<vmem>> -> memref<32xi32, #tpu.memory_space<vmem>>
    %dma_start3A_257 = arith.constant 0 : i32
    %dma_start3A_258 = arith.constant 0 : i32
    %dma_start3A_259 = tpu.memref_slice %arg3[%dma_start3A_257, %dma_start3A_258] : memref<100000x1024xf32, #tpu.memory_space<hbm>> -> memref<100000x1024xf32, #tpu.memory_space<hbm>>
    tpu.enqueue_indirect_dma source(%dma_start3A_259 : memref<100000x1024xf32, #tpu.memory_space<hbm>>) target(%arg7 : memref<32x1024xf32, #tpu.memory_space<vmem>>) offsets(%dma_start3A_256 : memref<32xi32, #tpu.memory_space<vmem>>) semaphore(%arg10 : memref<!tpu.dma_semaphore, #tpu.memory_space<semaphore_mem>>)
    %scan3A_260 = arith.constant 0 : i32
    %scan3A_261 = arith.constant 32 : i32
    %scan3A_262 = arith.addi %scan3A_260, %scan3A_261 : i32
    %scan3A_263 = arith.constant 1 : i32
    scf.for %scan3A_460 = %scan3A_260 to %scan3A_262 step %scan3A_263  : i32 {
      %mul3A_461 = arith.constant 1 : i32
      %mul3A_462 = arith.muli %scan3A_460, %mul3A_461 : i32
      %add3A_463 = arith.constant 0 : i32
      %add3A_464 = arith.addi %add3A_463, %mul3A_462 : i32
      %scan3A_465 = arith.constant 0 : i32
      %scan3A_466 = arith.constant 64 : i32
      %scan3A_467 = arith.addi %scan3A_465, %scan3A_466 : i32
      %scan3A_468 = arith.constant 8 : i32
      scf.for %scan3A_470 = %scan3A_465 to %scan3A_467 step %scan3A_468  : i32 {
        %mul3A_471 = arith.constant 1 : i32
        %mul3A_472 = arith.muli %scan3A_470, %mul3A_471 : i32
        %add3A_473 = arith.constant 0 : i32
        %add3A_474 = arith.addi %add3A_473, %mul3A_472 : i32
        %mul3A_475 = arith.constant 16 : i32
        %mul3A_476 = arith.muli %add3A_474, %mul3A_475 : i32
        %get3A = arith.index_cast %add3A_464 : i32 to index
        %get3A_477 = arith.index_cast %mul3A_476 : i32 to index
        %get3A_478 = tpu.vector_load %arg8[%get3A, %get3A_477] {strides = array<i32>} : memref<32x1024xf32, #tpu.memory_space<vmem>>, vector<1x16xf32>,
        %get3A_479 = vector.shape_cast %get3A_478 : vector<1x16xf32> to vector<16xf32>
        %mul3A_480 = arith.constant 3.200000e+01 : f32
        %mul3A_481 = vector.broadcast %mul3A_480 : f32 to vector<16xf32>
        %mul3A_482 = arith.mulf %get3A_479, %mul3A_481 : vector<16xf32>
        %swap3A = arith.index_cast %add3A_464 : i32 to index
        %swap3A_483 = arith.index_cast %mul3A_476 : i32 to index
        %swap3A_484 = tpu.vector_load %arg8[%swap3A, %swap3A_483] {strides = array<i32>} : memref<32x1024xf32, #tpu.memory_space<vmem>>, vector<1x16xf32>,
        %swap3A_485 = vector.shape_cast %swap3A_484 : vector<1x16xf32> to vector<16xf32>
        %swap3A_486 = vector.shape_cast %mul3A_482 : vector<16xf32> to vector<1x16xf32>
        tpu.vector_store %arg8[%swap3A, %swap3A_483], %swap3A_486 {strides = array<i32>} : memref<32x1024xf32, #tpu.memory_space<vmem>>, vector<1x16xf32>,
        %scan3A_487 = arith.constant 1 : i32
        %scan3A_488 = arith.addi %scan3A_470, %scan3A_487 : i32
        %mul3A_489 = arith.constant 1 : i32
        %mul3A_490 = arith.muli %scan3A_488, %mul3A_489 : i32
        %add3A_491 = arith.constant 0 : i32
        %add3A_492 = arith.addi %add3A_491, %mul3A_490 : i32
        %mul3A_493 = arith.constant 16 : i32
        %mul3A_494 = arith.muli %add3A_492, %mul3A_493 : i32
        %get3A_495 = arith.index_cast %add3A_464 : i32 to index
        %get3A_496 = arith.index_cast %mul3A_494 : i32 to index
        %get3A_497 = tpu.vector_load %arg8[%get3A_495, %get3A_496] {strides = array<i32>} : memref<32x1024xf32, #tpu.memory_space<vmem>>, vector<1x16xf32>,
        %get3A_498 = vector.shape_cast %get3A_497 : vector<1x16xf32> to vector<16xf32>
        %mul3A_499 = arith.constant 3.200000e+01 : f32
        %mul3A_500 = vector.broadcast %mul3A_499 : f32 to vector<16xf32>
        %mul3A_501 = arith.mulf %get3A_498, %mul3A_500 : vector<16xf32>
        %swap3A_502 = arith.index_cast %add3A_464 : i32 to index
        %swap3A_503 = arith.index_cast %mul3A_494 : i32 to index
        %swap3A_504 = tpu.vector_load %arg8[%swap3A_502, %swap3A_503] {strides = array<i32>} : memref<32x1024xf32, #tpu.memory_space<vmem>>, vector<1x16xf32>,
        %swap3A_505 = vector.shape_cast %swap3A_504 : vector<1x16xf32> to vector<16xf32>
        %swap3A_506 = vector.shape_cast %mul3A_501 : vector<16xf32> to vector<1x16xf32>
        tpu.vector_store %arg8[%swap3A_502, %swap3A_503], %swap3A_506 {strides = array<i32>} : memref<32x1024xf32, #tpu.memory_space<vmem>>, vector<1x16xf32>,
        %scan3A_507 = arith.constant 2 : i32
        %scan3A_508 = arith.addi %scan3A_470, %scan3A_507 : i32
        %mul3A_509 = arith.constant 1 : i32
        %mul3A_510 = arith.muli %scan3A_508, %mul3A_509 : i32
        %add3A_511 = arith.constant 0 : i32
        %add3A_512 = arith.addi %add3A_511, %mul3A_510 : i32
        %mul3A_513 = arith.constant 16 : i32
        %mul3A_514 = arith.muli %add3A_512, %mul3A_513 : i32
        %get3A_515 = arith.index_cast %add3A_464 : i32 to index
        %get3A_516 = arith.index_cast %mul3A_514 : i32 to index
        %get3A_517 = tpu.vector_load %arg8[%get3A_515, %get3A_516] {strides = array<i32>} : memref<32x1024xf32, #tpu.memory_space<vmem>>, vector<1x16xf32>,
        %get3A_518 = vector.shape_cast %get3A_517 : vector<1x16xf32> to vector<16xf32>
        %mul3A_519 = arith.constant 3.200000e+01 : f32
        %mul3A_520 = vector.broadcast %mul3A_519 : f32 to vector<16xf32>
        %mul3A_521 = arith.mulf %get3A_518, %mul3A_520 : vector<16xf32>
        %swap3A_522 = arith.index_cast %add3A_464 : i32 to index
        %swap3A_523 = arith.index_cast %mul3A_514 : i32 to index
        %swap3A_524 = tpu.vector_load %arg8[%swap3A_522, %swap3A_523] {strides = array<i32>} : memref<32x1024xf32, #tpu.memory_space<vmem>>, vector<1x16xf32>,
        %swap3A_525 = vector.shape_cast %swap3A_524 : vector<1x16xf32> to vector<16xf32>
        %swap3A_526 = vector.shape_cast %mul3A_521 : vector<16xf32> to vector<1x16xf32>
        tpu.vector_store %arg8[%swap3A_522, %swap3A_523], %swap3A_526 {strides = array<i32>} : memref<32x1024xf32, #tpu.memory_space<vmem>>, vector<1x16xf32>,
        %scan3A_527 = arith.constant 3 : i32
        %scan3A_528 = arith.addi %scan3A_470, %scan3A_527 : i32
        %mul3A_529 = arith.constant 1 : i32
        %mul3A_530 = arith.muli %scan3A_528, %mul3A_529 : i32
        %add3A_531 = arith.constant 0 : i32
        %add3A_532 = arith.addi %add3A_531, %mul3A_530 : i32
        %mul3A_533 = arith.constant 16 : i32
        %mul3A_534 = arith.muli %add3A_532, %mul3A_533 : i32
        %get3A_535 = arith.index_cast %add3A_464 : i32 to index
        %get3A_536 = arith.index_cast %mul3A_534 : i32 to index
        %get3A_537 = tpu.vector_load %arg8[%get3A_535, %get3A_536] {strides = array<i32>} : memref<32x1024xf32, #tpu.memory_space<vmem>>, vector<1x16xf32>,
        %get3A_538 = vector.shape_cast %get3A_537 : vector<1x16xf32> to vector<16xf32>
        %mul3A_539 = arith.constant 3.200000e+01 : f32
        %mul3A_540 = vector.broadcast %mul3A_539 : f32 to vector<16xf32>
        %mul3A_541 = arith.mulf %get3A_538, %mul3A_540 : vector<16xf32>
        %swap3A_542 = arith.index_cast %add3A_464 : i32 to index
        %swap3A_543 = arith.index_cast %mul3A_534 : i32 to index
        %swap3A_544 = tpu.vector_load %arg8[%swap3A_542, %swap3A_543] {strides = array<i32>} : memref<32x1024xf32, #tpu.memory_space<vmem>>, vector<1x16xf32>,
        %swap3A_545 = vector.shape_cast %swap3A_544 : vector<1x16xf32> to vector<16xf32>
        %swap3A_546 = vector.shape_cast %mul3A_541 : vector<16xf32> to vector<1x16xf32>
        tpu.vector_store %arg8[%swap3A_542, %swap3A_543], %swap3A_546 {strides = array<i32>} : memref<32x1024xf32, #tpu.memory_space<vmem>>, vector<1x16xf32>,
        %scan3A_547 = arith.constant 4 : i32
        %scan3A_548 = arith.addi %scan3A_470, %scan3A_547 : i32
        %mul3A_549 = arith.constant 1 : i32
        %mul3A_550 = arith.muli %scan3A_548, %mul3A_549 : i32
        %add3A_551 = arith.constant 0 : i32
        %add3A_552 = arith.addi %add3A_551, %mul3A_550 : i32
        %mul3A_553 = arith.constant 16 : i32
        %mul3A_554 = arith.muli %add3A_552, %mul3A_553 : i32
        %get3A_555 = arith.index_cast %add3A_464 : i32 to index
        %get3A_556 = arith.index_cast %mul3A_554 : i32 to index
        %get3A_557 = tpu.vector_load %arg8[%get3A_555, %get3A_556] {strides = array<i32>} : memref<32x1024xf32, #tpu.memory_space<vmem>>, vector<1x16xf32>,
        %get3A_558 = vector.shape_cast %get3A_557 : vector<1x16xf32> to vector<16xf32>
        %mul3A_559 = arith.constant 3.200000e+01 : f32
        %mul3A_560 = vector.broadcast %mul3A_559 : f32 to vector<16xf32>
        %mul3A_561 = arith.mulf %get3A_558, %mul3A_560 : vector<16xf32>
        %swap3A_562 = arith.index_cast %add3A_464 : i32 to index
        %swap3A_563 = arith.index_cast %mul3A_554 : i32 to index
        %swap3A_564 = tpu.vector_load %arg8[%swap3A_562, %swap3A_563] {strides = array<i32>} : memref<32x1024xf32, #tpu.memory_space<vmem>>, vector<1x16xf32>,
        %swap3A_565 = vector.shape_cast %swap3A_564 : vector<1x16xf32> to vector<16xf32>
        %swap3A_566 = vector.shape_cast %mul3A_561 : vector<16xf32> to vector<1x16xf32>
        tpu.vector_store %arg8[%swap3A_562, %swap3A_563], %swap3A_566 {strides = array<i32>} : memref<32x1024xf32, #tpu.memory_space<vmem>>, vector<1x16xf32>,
        %scan3A_567 = arith.constant 5 : i32
        %scan3A_568 = arith.addi %scan3A_470, %scan3A_567 : i32
        %mul3A_569 = arith.constant 1 : i32
        %mul3A_570 = arith.muli %scan3A_568, %mul3A_569 : i32
        %add3A_571 = arith.constant 0 : i32
        %add3A_572 = arith.addi %add3A_571, %mul3A_570 : i32
        %mul3A_573 = arith.constant 16 : i32
        %mul3A_574 = arith.muli %add3A_572, %mul3A_573 : i32
        %get3A_575 = arith.index_cast %add3A_464 : i32 to index
        %get3A_576 = arith.index_cast %mul3A_574 : i32 to index
        %get3A_577 = tpu.vector_load %arg8[%get3A_575, %get3A_576] {strides = array<i32>} : memref<32x1024xf32, #tpu.memory_space<vmem>>, vector<1x16xf32>,
        %get3A_578 = vector.shape_cast %get3A_577 : vector<1x16xf32> to vector<16xf32>
        %mul3A_579 = arith.constant 3.200000e+01 : f32
        %mul3A_580 = vector.broadcast %mul3A_579 : f32 to vector<16xf32>
        %mul3A_581 = arith.mulf %get3A_578, %mul3A_580 : vector<16xf32>
        %swap3A_582 = arith.index_cast %add3A_464 : i32 to index
        %swap3A_583 = arith.index_cast %mul3A_574 : i32 to index
        %swap3A_584 = tpu.vector_load %arg8[%swap3A_582, %swap3A_583] {strides = array<i32>} : memref<32x1024xf32, #tpu.memory_space<vmem>>, vector<1x16xf32>,
        %swap3A_585 = vector.shape_cast %swap3A_584 : vector<1x16xf32> to vector<16xf32>
        %swap3A_586 = vector.shape_cast %mul3A_581 : vector<16xf32> to vector<1x16xf32>
        tpu.vector_store %arg8[%swap3A_582, %swap3A_583], %swap3A_586 {strides = array<i32>} : memref<32x1024xf32, #tpu.memory_space<vmem>>, vector<1x16xf32>,
        %scan3A_587 = arith.constant 6 : i32
        %scan3A_588 = arith.addi %scan3A_470, %scan3A_587 : i32
        %mul3A_589 = arith.constant 1 : i32
        %mul3A_590 = arith.muli %scan3A_588, %mul3A_589 : i32
        %add3A_591 = arith.constant 0 : i32
        %add3A_592 = arith.addi %add3A_591, %mul3A_590 : i32
        %mul3A_593 = arith.constant 16 : i32
        %mul3A_594 = arith.muli %add3A_592, %mul3A_593 : i32
        %get3A_595 = arith.index_cast %add3A_464 : i32 to index
        %get3A_596 = arith.index_cast %mul3A_594 : i32 to index
        %get3A_597 = tpu.vector_load %arg8[%get3A_595, %get3A_596] {strides = array<i32>} : memref<32x1024xf32, #tpu.memory_space<vmem>>, vector<1x16xf32>,
        %get3A_598 = vector.shape_cast %get3A_597 : vector<1x16xf32> to vector<16xf32>
        %mul3A_599 = arith.constant 3.200000e+01 : f32
        %mul3A_600 = vector.broadcast %mul3A_599 : f32 to vector<16xf32>
        %mul3A_601 = arith.mulf %get3A_598, %mul3A_600 : vector<16xf32>
        %swap3A_602 = arith.index_cast %add3A_464 : i32 to index
        %swap3A_603 = arith.index_cast %mul3A_594 : i32 to index
        %swap3A_604 = tpu.vector_load %arg8[%swap3A_602, %swap3A_603] {strides = array<i32>} : memref<32x1024xf32, #tpu.memory_space<vmem>>, vector<1x16xf32>,
        %swap3A_605 = vector.shape_cast %swap3A_604 : vector<1x16xf32> to vector<16xf32>
        %swap3A_606 = vector.shape_cast %mul3A_601 : vector<16xf32> to vector<1x16xf32>
        tpu.vector_store %arg8[%swap3A_602, %swap3A_603], %swap3A_606 {strides = array<i32>} : memref<32x1024xf32, #tpu.memory_space<vmem>>, vector<1x16xf32>,
        %scan3A_607 = arith.constant 7 : i32
        %scan3A_608 = arith.addi %scan3A_470, %scan3A_607 : i32
        %mul3A_609 = arith.constant 1 : i32
        %mul3A_610 = arith.muli %scan3A_608, %mul3A_609 : i32
        %add3A_611 = arith.constant 0 : i32
        %add3A_612 = arith.addi %add3A_611, %mul3A_610 : i32
        %mul3A_613 = arith.constant 16 : i32
        %mul3A_614 = arith.muli %add3A_612, %mul3A_613 : i32
        %get3A_615 = arith.index_cast %add3A_464 : i32 to index
        %get3A_616 = arith.index_cast %mul3A_614 : i32 to index
        %get3A_617 = tpu.vector_load %arg8[%get3A_615, %get3A_616] {strides = array<i32>} : memref<32x1024xf32, #tpu.memory_space<vmem>>, vector<1x16xf32>,
        %get3A_618 = vector.shape_cast %get3A_617 : vector<1x16xf32> to vector<16xf32>
        %mul3A_619 = arith.constant 3.200000e+01 : f32
        %mul3A_620 = vector.broadcast %mul3A_619 : f32 to vector<16xf32>
        %mul3A_621 = arith.mulf %get3A_618, %mul3A_620 : vector<16xf32>
        %swap3A_622 = arith.index_cast %add3A_464 : i32 to index
        %swap3A_623 = arith.index_cast %mul3A_614 : i32 to index
        %swap3A_624 = tpu.vector_load %arg8[%swap3A_622, %swap3A_623] {strides = array<i32>} : memref<32x1024xf32, #tpu.memory_space<vmem>>, vector<1x16xf32>,
        %swap3A_625 = vector.shape_cast %swap3A_624 : vector<1x16xf32> to vector<16xf32>
        %swap3A_626 = vector.shape_cast %mul3A_621 : vector<16xf32> to vector<1x16xf32>
        tpu.vector_store %arg8[%swap3A_622, %swap3A_623], %swap3A_626 {strides = array<i32>} : memref<32x1024xf32, #tpu.memory_space<vmem>>, vector<1x16xf32>,
      }
      %scan3A_469 = arith.constant 64 : i32
    }
    %scan3A_264 = arith.constant 32 : i32
    %add3A_265 = arith.constant 256 : i32
    %add3A_266 = arith.addi %mul3A_2, %add3A_265 : i32
    %dma_start3A_267 = arith.constant 0 : i32
    %dma_start3A_268 = tpu.memref_slice %arg4[%add3A_266, %dma_start3A_267] : memref<16384x1024xf32, #tpu.memory_space<hbm>> -> memref<32x1024xf32, #tpu.memory_space<hbm>>
    %dma_start3A_269 = arith.constant 0 : i32
    %dma_start3A_270 = tpu.memref_slice %arg4[%add3A_266, %dma_start3A_269] : memref<16384x1024xf32, #tpu.memory_space<hbm>> -> memref<32x1024xf32, #tpu.memory_space<hbm>>
    tpu.enqueue_dma source(%arg8 : memref<32x1024xf32, #tpu.memory_space<vmem>>) target(%dma_start3A_270 : memref<32x1024xf32, #tpu.memory_space<hbm>>) target_semaphore(%arg14 : memref<!tpu.dma_semaphore, #tpu.memory_space<semaphore_mem>>)
    %dma_wait3A_271 = arith.constant 9 : i32
    %dma_wait3A_272 = arith.constant 0 : i32
    %dma_wait3A_273 = tpu.memref_slice %arg5[%dma_wait3A_271, %dma_wait3A_272] : memref<16x32xi32, #tpu.memory_space<vmem>> -> memref<1x32xi32, #tpu.memory_space<vmem>>
    %dma_wait3A_274 = tpu.memref_squeeze %dma_wait3A_273 : memref<1x32xi32, #tpu.memory_space<vmem>> -> memref<32xi32, #tpu.memory_space<vmem>>
    %dma_wait3A_275 = arith.constant 0 : i32
    %dma_wait3A_276 = arith.constant 0 : i32
    %dma_wait3A_277 = tpu.memref_slice %arg3[%dma_wait3A_275, %dma_wait3A_276] : memref<100000x1024xf32, #tpu.memory_space<hbm>> -> memref<100000x1024xf32, #tpu.memory_space<hbm>>
    tpu.wait_indirect_dma semaphore(%arg9 : memref<!tpu.dma_semaphore, #tpu.memory_space<semaphore_mem>>) src(%dma_wait3A_277 : memref<100000x1024xf32, #tpu.memory_space<hbm>>) dst(%arg6 : memref<32x1024xf32, #tpu.memory_space<vmem>>)
    %dma_wait3A_278 = arith.constant 0 : i32
    %dma_wait3A_279 = tpu.memref_slice %arg4[%add3A_266, %dma_wait3A_278] : memref<16384x1024xf32, #tpu.memory_space<hbm>> -> memref<32x1024xf32, #tpu.memory_space<hbm>>
    %dma_wait3A_280 = arith.constant 0 : i32
    %dma_wait3A_281 = tpu.memref_slice %arg4[%add3A_266, %dma_wait3A_280] : memref<16384x1024xf32, #tpu.memory_space<hbm>> -> memref<32x1024xf32, #tpu.memory_space<hbm>>
    tpu.wait_dma2 semaphore(%arg14 : memref<!tpu.dma_semaphore, #tpu.memory_space<semaphore_mem>>) src(%arg8 : memref<32x1024xf32, #tpu.memory_space<vmem>>) dst(%dma_wait3A_281 : memref<32x1024xf32, #tpu.memory_space<hbm>>)
    %dma_start3A_282 = arith.constant 11 : i32
    %dma_start3A_283 = arith.constant 0 : i32
    %dma_start3A_284 = tpu.memref_slice %arg5[%dma_start3A_282, %dma_start3A_283] : memref<16x32xi32, #tpu.memory_space<vmem>> -> memref<1x32xi32, #tpu.memory_space<vmem>>
    %dma_start3A_285 = tpu.memref_squeeze %dma_start3A_284 : memref<1x32xi32, #tpu.memory_space<vmem>> -> memref<32xi32, #tpu.memory_space<vmem>>
    %dma_start3A_286 = arith.constant 0 : i32
    %dma_start3A_287 = arith.constant 0 : i32
    %dma_start3A_288 = tpu.memref_slice %arg3[%dma_start3A_286, %dma_start3A_287] : memref<100000x1024xf32, #tpu.memory_space<hbm>> -> memref<100000x1024xf32, #tpu.memory_space<hbm>>
    tpu.enqueue_indirect_dma source(%dma_start3A_288 : memref<100000x1024xf32, #tpu.memory_space<hbm>>) target(%arg8 : memref<32x1024xf32, #tpu.memory_space<vmem>>) offsets(%dma_start3A_285 : memref<32xi32, #tpu.memory_space<vmem>>) semaphore(%arg11 : memref<!tpu.dma_semaphore, #tpu.memory_space<semaphore_mem>>)
    %scan3A_289 = arith.constant 0 : i32
    %scan3A_290 = arith.constant 32 : i32
    %scan3A_291 = arith.addi %scan3A_289, %scan3A_290 : i32
    %scan3A_292 = arith.constant 1 : i32
    scf.for %scan3A_460 = %scan3A_289 to %scan3A_291 step %scan3A_292  : i32 {
      %mul3A_461 = arith.constant 1 : i32
      %mul3A_462 = arith.muli %scan3A_460, %mul3A_461 : i32
      %add3A_463 = arith.constant 0 : i32
      %add3A_464 = arith.addi %add3A_463, %mul3A_462 : i32
      %scan3A_465 = arith.constant 0 : i32
      %scan3A_466 = arith.constant 64 : i32
      %scan3A_467 = arith.addi %scan3A_465, %scan3A_466 : i32
      %scan3A_468 = arith.constant 8 : i32
      scf.for %scan3A_470 = %scan3A_465 to %scan3A_467 step %scan3A_468  : i32 {
        %mul3A_471 = arith.constant 1 : i32
        %mul3A_472 = arith.muli %scan3A_470, %mul3A_471 : i32
        %add3A_473 = arith.constant 0 : i32
        %add3A_474 = arith.addi %add3A_473, %mul3A_472 : i32
        %mul3A_475 = arith.constant 16 : i32
        %mul3A_476 = arith.muli %add3A_474, %mul3A_475 : i32
        %get3A = arith.index_cast %add3A_464 : i32 to index
        %get3A_477 = arith.index_cast %mul3A_476 : i32 to index
        %get3A_478 = tpu.vector_load %arg6[%get3A, %get3A_477] {strides = array<i32>} : memref<32x1024xf32, #tpu.memory_space<vmem>>, vector<1x16xf32>,
        %get3A_479 = vector.shape_cast %get3A_478 : vector<1x16xf32> to vector<16xf32>
        %mul3A_480 = arith.constant 3.200000e+01 : f32
        %mul3A_481 = vector.broadcast %mul3A_480 : f32 to vector<16xf32>
        %mul3A_482 = arith.mulf %get3A_479, %mul3A_481 : vector<16xf32>
        %swap3A = arith.index_cast %add3A_464 : i32 to index
        %swap3A_483 = arith.index_cast %mul3A_476 : i32 to index
        %swap3A_484 = tpu.vector_load %arg6[%swap3A, %swap3A_483] {strides = array<i32>} : memref<32x1024xf32, #tpu.memory_space<vmem>>, vector<1x16xf32>,
        %swap3A_485 = vector.shape_cast %swap3A_484 : vector<1x16xf32> to vector<16xf32>
        %swap3A_486 = vector.shape_cast %mul3A_482 : vector<16xf32> to vector<1x16xf32>
        tpu.vector_store %arg6[%swap3A, %swap3A_483], %swap3A_486 {strides = array<i32>} : memref<32x1024xf32, #tpu.memory_space<vmem>>, vector<1x16xf32>,
        %scan3A_487 = arith.constant 1 : i32
        %scan3A_488 = arith.addi %scan3A_470, %scan3A_487 : i32
        %mul3A_489 = arith.constant 1 : i32
        %mul3A_490 = arith.muli %scan3A_488, %mul3A_489 : i32
        %add3A_491 = arith.constant 0 : i32
        %add3A_492 = arith.addi %add3A_491, %mul3A_490 : i32
        %mul3A_493 = arith.constant 16 : i32
        %mul3A_494 = arith.muli %add3A_492, %mul3A_493 : i32
        %get3A_495 = arith.index_cast %add3A_464 : i32 to index
        %get3A_496 = arith.index_cast %mul3A_494 : i32 to index
        %get3A_497 = tpu.vector_load %arg6[%get3A_495, %get3A_496] {strides = array<i32>} : memref<32x1024xf32, #tpu.memory_space<vmem>>, vector<1x16xf32>,
        %get3A_498 = vector.shape_cast %get3A_497 : vector<1x16xf32> to vector<16xf32>
        %mul3A_499 = arith.constant 3.200000e+01 : f32
        %mul3A_500 = vector.broadcast %mul3A_499 : f32 to vector<16xf32>
        %mul3A_501 = arith.mulf %get3A_498, %mul3A_500 : vector<16xf32>
        %swap3A_502 = arith.index_cast %add3A_464 : i32 to index
        %swap3A_503 = arith.index_cast %mul3A_494 : i32 to index
        %swap3A_504 = tpu.vector_load %arg6[%swap3A_502, %swap3A_503] {strides = array<i32>} : memref<32x1024xf32, #tpu.memory_space<vmem>>, vector<1x16xf32>,
        %swap3A_505 = vector.shape_cast %swap3A_504 : vector<1x16xf32> to vector<16xf32>
        %swap3A_506 = vector.shape_cast %mul3A_501 : vector<16xf32> to vector<1x16xf32>
        tpu.vector_store %arg6[%swap3A_502, %swap3A_503], %swap3A_506 {strides = array<i32>} : memref<32x1024xf32, #tpu.memory_space<vmem>>, vector<1x16xf32>,
        %scan3A_507 = arith.constant 2 : i32
        %scan3A_508 = arith.addi %scan3A_470, %scan3A_507 : i32
        %mul3A_509 = arith.constant 1 : i32
        %mul3A_510 = arith.muli %scan3A_508, %mul3A_509 : i32
        %add3A_511 = arith.constant 0 : i32
        %add3A_512 = arith.addi %add3A_511, %mul3A_510 : i32
        %mul3A_513 = arith.constant 16 : i32
        %mul3A_514 = arith.muli %add3A_512, %mul3A_513 : i32
        %get3A_515 = arith.index_cast %add3A_464 : i32 to index
        %get3A_516 = arith.index_cast %mul3A_514 : i32 to index
        %get3A_517 = tpu.vector_load %arg6[%get3A_515, %get3A_516] {strides = array<i32>} : memref<32x1024xf32, #tpu.memory_space<vmem>>, vector<1x16xf32>,
        %get3A_518 = vector.shape_cast %get3A_517 : vector<1x16xf32> to vector<16xf32>
        %mul3A_519 = arith.constant 3.200000e+01 : f32
        %mul3A_520 = vector.broadcast %mul3A_519 : f32 to vector<16xf32>
        %mul3A_521 = arith.mulf %get3A_518, %mul3A_520 : vector<16xf32>
        %swap3A_522 = arith.index_cast %add3A_464 : i32 to index
        %swap3A_523 = arith.index_cast %mul3A_514 : i32 to index
        %swap3A_524 = tpu.vector_load %arg6[%swap3A_522, %swap3A_523] {strides = array<i32>} : memref<32x1024xf32, #tpu.memory_space<vmem>>, vector<1x16xf32>,
        %swap3A_525 = vector.shape_cast %swap3A_524 : vector<1x16xf32> to vector<16xf32>
        %swap3A_526 = vector.shape_cast %mul3A_521 : vector<16xf32> to vector<1x16xf32>
        tpu.vector_store %arg6[%swap3A_522, %swap3A_523], %swap3A_526 {strides = array<i32>} : memref<32x1024xf32, #tpu.memory_space<vmem>>, vector<1x16xf32>,
        %scan3A_527 = arith.constant 3 : i32
        %scan3A_528 = arith.addi %scan3A_470, %scan3A_527 : i32
        %mul3A_529 = arith.constant 1 : i32
        %mul3A_530 = arith.muli %scan3A_528, %mul3A_529 : i32
        %add3A_531 = arith.constant 0 : i32
        %add3A_532 = arith.addi %add3A_531, %mul3A_530 : i32
        %mul3A_533 = arith.constant 16 : i32
        %mul3A_534 = arith.muli %add3A_532, %mul3A_533 : i32
        %get3A_535 = arith.index_cast %add3A_464 : i32 to index
        %get3A_536 = arith.index_cast %mul3A_534 : i32 to index
        %get3A_537 = tpu.vector_load %arg6[%get3A_535, %get3A_536] {strides = array<i32>} : memref<32x1024xf32, #tpu.memory_space<vmem>>, vector<1x16xf32>,
        %get3A_538 = vector.shape_cast %get3A_537 : vector<1x16xf32> to vector<16xf32>
        %mul3A_539 = arith.constant 3.200000e+01 : f32
        %mul3A_540 = vector.broadcast %mul3A_539 : f32 to vector<16xf32>
        %mul3A_541 = arith.mulf %get3A_538, %mul3A_540 : vector<16xf32>
        %swap3A_542 = arith.index_cast %add3A_464 : i32 to index
        %swap3A_543 = arith.index_cast %mul3A_534 : i32 to index
        %swap3A_544 = tpu.vector_load %arg6[%swap3A_542, %swap3A_543] {strides = array<i32>} : memref<32x1024xf32, #tpu.memory_space<vmem>>, vector<1x16xf32>,
        %swap3A_545 = vector.shape_cast %swap3A_544 : vector<1x16xf32> to vector<16xf32>
        %swap3A_546 = vector.shape_cast %mul3A_541 : vector<16xf32> to vector<1x16xf32>
        tpu.vector_store %arg6[%swap3A_542, %swap3A_543], %swap3A_546 {strides = array<i32>} : memref<32x1024xf32, #tpu.memory_space<vmem>>, vector<1x16xf32>,
        %scan3A_547 = arith.constant 4 : i32
        %scan3A_548 = arith.addi %scan3A_470, %scan3A_547 : i32
        %mul3A_549 = arith.constant 1 : i32
        %mul3A_550 = arith.muli %scan3A_548, %mul3A_549 : i32
        %add3A_551 = arith.constant 0 : i32
        %add3A_552 = arith.addi %add3A_551, %mul3A_550 : i32
        %mul3A_553 = arith.constant 16 : i32
        %mul3A_554 = arith.muli %add3A_552, %mul3A_553 : i32
        %get3A_555 = arith.index_cast %add3A_464 : i32 to index
        %get3A_556 = arith.index_cast %mul3A_554 : i32 to index
        %get3A_557 = tpu.vector_load %arg6[%get3A_555, %get3A_556] {strides = array<i32>} : memref<32x1024xf32, #tpu.memory_space<vmem>>, vector<1x16xf32>,
        %get3A_558 = vector.shape_cast %get3A_557 : vector<1x16xf32> to vector<16xf32>
        %mul3A_559 = arith.constant 3.200000e+01 : f32
        %mul3A_560 = vector.broadcast %mul3A_559 : f32 to vector<16xf32>
        %mul3A_561 = arith.mulf %get3A_558, %mul3A_560 : vector<16xf32>
        %swap3A_562 = arith.index_cast %add3A_464 : i32 to index
        %swap3A_563 = arith.index_cast %mul3A_554 : i32 to index
        %swap3A_564 = tpu.vector_load %arg6[%swap3A_562, %swap3A_563] {strides = array<i32>} : memref<32x1024xf32, #tpu.memory_space<vmem>>, vector<1x16xf32>,
        %swap3A_565 = vector.shape_cast %swap3A_564 : vector<1x16xf32> to vector<16xf32>
        %swap3A_566 = vector.shape_cast %mul3A_561 : vector<16xf32> to vector<1x16xf32>
        tpu.vector_store %arg6[%swap3A_562, %swap3A_563], %swap3A_566 {strides = array<i32>} : memref<32x1024xf32, #tpu.memory_space<vmem>>, vector<1x16xf32>,
        %scan3A_567 = arith.constant 5 : i32
        %scan3A_568 = arith.addi %scan3A_470, %scan3A_567 : i32
        %mul3A_569 = arith.constant 1 : i32
        %mul3A_570 = arith.muli %scan3A_568, %mul3A_569 : i32
        %add3A_571 = arith.constant 0 : i32
        %add3A_572 = arith.addi %add3A_571, %mul3A_570 : i32
        %mul3A_573 = arith.constant 16 : i32
        %mul3A_574 = arith.muli %add3A_572, %mul3A_573 : i32
        %get3A_575 = arith.index_cast %add3A_464 : i32 to index
        %get3A_576 = arith.index_cast %mul3A_574 : i32 to index
        %get3A_577 = tpu.vector_load %arg6[%get3A_575, %get3A_576] {strides = array<i32>} : memref<32x1024xf32, #tpu.memory_space<vmem>>, vector<1x16xf32>,
        %get3A_578 = vector.shape_cast %get3A_577 : vector<1x16xf32> to vector<16xf32>
        %mul3A_579 = arith.constant 3.200000e+01 : f32
        %mul3A_580 = vector.broadcast %mul3A_579 : f32 to vector<16xf32>
        %mul3A_581 = arith.mulf %get3A_578, %mul3A_580 : vector<16xf32>
        %swap3A_582 = arith.index_cast %add3A_464 : i32 to index
        %swap3A_583 = arith.index_cast %mul3A_574 : i32 to index
        %swap3A_584 = tpu.vector_load %arg6[%swap3A_582, %swap3A_583] {strides = array<i32>} : memref<32x1024xf32, #tpu.memory_space<vmem>>, vector<1x16xf32>,
        %swap3A_585 = vector.shape_cast %swap3A_584 : vector<1x16xf32> to vector<16xf32>
        %swap3A_586 = vector.shape_cast %mul3A_581 : vector<16xf32> to vector<1x16xf32>
        tpu.vector_store %arg6[%swap3A_582, %swap3A_583], %swap3A_586 {strides = array<i32>} : memref<32x1024xf32, #tpu.memory_space<vmem>>, vector<1x16xf32>,
        %scan3A_587 = arith.constant 6 : i32
        %scan3A_588 = arith.addi %scan3A_470, %scan3A_587 : i32
        %mul3A_589 = arith.constant 1 : i32
        %mul3A_590 = arith.muli %scan3A_588, %mul3A_589 : i32
        %add3A_591 = arith.constant 0 : i32
        %add3A_592 = arith.addi %add3A_591, %mul3A_590 : i32
        %mul3A_593 = arith.constant 16 : i32
        %mul3A_594 = arith.muli %add3A_592, %mul3A_593 : i32
        %get3A_595 = arith.index_cast %add3A_464 : i32 to index
        %get3A_596 = arith.index_cast %mul3A_594 : i32 to index
        %get3A_597 = tpu.vector_load %arg6[%get3A_595, %get3A_596] {strides = array<i32>} : memref<32x1024xf32, #tpu.memory_space<vmem>>, vector<1x16xf32>,
        %get3A_598 = vector.shape_cast %get3A_597 : vector<1x16xf32> to vector<16xf32>
        %mul3A_599 = arith.constant 3.200000e+01 : f32
        %mul3A_600 = vector.broadcast %mul3A_599 : f32 to vector<16xf32>
        %mul3A_601 = arith.mulf %get3A_598, %mul3A_600 : vector<16xf32>
        %swap3A_602 = arith.index_cast %add3A_464 : i32 to index
        %swap3A_603 = arith.index_cast %mul3A_594 : i32 to index
        %swap3A_604 = tpu.vector_load %arg6[%swap3A_602, %swap3A_603] {strides = array<i32>} : memref<32x1024xf32, #tpu.memory_space<vmem>>, vector<1x16xf32>,
        %swap3A_605 = vector.shape_cast %swap3A_604 : vector<1x16xf32> to vector<16xf32>
        %swap3A_606 = vector.shape_cast %mul3A_601 : vector<16xf32> to vector<1x16xf32>
        tpu.vector_store %arg6[%swap3A_602, %swap3A_603], %swap3A_606 {strides = array<i32>} : memref<32x1024xf32, #tpu.memory_space<vmem>>, vector<1x16xf32>,
        %scan3A_607 = arith.constant 7 : i32
        %scan3A_608 = arith.addi %scan3A_470, %scan3A_607 : i32
        %mul3A_609 = arith.constant 1 : i32
        %mul3A_610 = arith.muli %scan3A_608, %mul3A_609 : i32
        %add3A_611 = arith.constant 0 : i32
        %add3A_612 = arith.addi %add3A_611, %mul3A_610 : i32
        %mul3A_613 = arith.constant 16 : i32
        %mul3A_614 = arith.muli %add3A_612, %mul3A_613 : i32
        %get3A_615 = arith.index_cast %add3A_464 : i32 to index
        %get3A_616 = arith.index_cast %mul3A_614 : i32 to index
        %get3A_617 = tpu.vector_load %arg6[%get3A_615, %get3A_616] {strides = array<i32>} : memref<32x1024xf32, #tpu.memory_space<vmem>>, vector<1x16xf32>,
        %get3A_618 = vector.shape_cast %get3A_617 : vector<1x16xf32> to vector<16xf32>
        %mul3A_619 = arith.constant 3.200000e+01 : f32
        %mul3A_620 = vector.broadcast %mul3A_619 : f32 to vector<16xf32>
        %mul3A_621 = arith.mulf %get3A_618, %mul3A_620 : vector<16xf32>
        %swap3A_622 = arith.index_cast %add3A_464 : i32 to index
        %swap3A_623 = arith.index_cast %mul3A_614 : i32 to index
        %swap3A_624 = tpu.vector_load %arg6[%swap3A_622, %swap3A_623] {strides = array<i32>} : memref<32x1024xf32, #tpu.memory_space<vmem>>, vector<1x16xf32>,
        %swap3A_625 = vector.shape_cast %swap3A_624 : vector<1x16xf32> to vector<16xf32>
        %swap3A_626 = vector.shape_cast %mul3A_621 : vector<16xf32> to vector<1x16xf32>
        tpu.vector_store %arg6[%swap3A_622, %swap3A_623], %swap3A_626 {strides = array<i32>} : memref<32x1024xf32, #tpu.memory_space<vmem>>, vector<1x16xf32>,
      }
      %scan3A_469 = arith.constant 64 : i32
    }
    %scan3A_293 = arith.constant 32 : i32
    %add3A_294 = arith.constant 288 : i32
    %add3A_295 = arith.addi %mul3A_2, %add3A_294 : i32
    %dma_start3A_296 = arith.constant 0 : i32
    %dma_start3A_297 = tpu.memref_slice %arg4[%add3A_295, %dma_start3A_296] : memref<16384x1024xf32, #tpu.memory_space<hbm>> -> memref<32x1024xf32, #tpu.memory_space<hbm>>
    %dma_start3A_298 = arith.constant 0 : i32
    %dma_start3A_299 = tpu.memref_slice %arg4[%add3A_295, %dma_start3A_298] : memref<16384x1024xf32, #tpu.memory_space<hbm>> -> memref<32x1024xf32, #tpu.memory_space<hbm>>
    tpu.enqueue_dma source(%arg6 : memref<32x1024xf32, #tpu.memory_space<vmem>>) target(%dma_start3A_299 : memref<32x1024xf32, #tpu.memory_space<hbm>>) target_semaphore(%arg12 : memref<!tpu.dma_semaphore, #tpu.memory_space<semaphore_mem>>)
    %dma_wait3A_300 = arith.constant 10 : i32
    %dma_wait3A_301 = arith.constant 0 : i32
    %dma_wait3A_302 = tpu.memref_slice %arg5[%dma_wait3A_300, %dma_wait3A_301] : memref<16x32xi32, #tpu.memory_space<vmem>> -> memref<1x32xi32, #tpu.memory_space<vmem>>
    %dma_wait3A_303 = tpu.memref_squeeze %dma_wait3A_302 : memref<1x32xi32, #tpu.memory_space<vmem>> -> memref<32xi32, #tpu.memory_space<vmem>>
    %dma_wait3A_304 = arith.constant 0 : i32
    %dma_wait3A_305 = arith.constant 0 : i32
    %dma_wait3A_306 = tpu.memref_slice %arg3[%dma_wait3A_304, %dma_wait3A_305] : memref<100000x1024xf32, #tpu.memory_space<hbm>> -> memref<100000x1024xf32, #tpu.memory_space<hbm>>
    tpu.wait_indirect_dma semaphore(%arg10 : memref<!tpu.dma_semaphore, #tpu.memory_space<semaphore_mem>>) src(%dma_wait3A_306 : memref<100000x1024xf32, #tpu.memory_space<hbm>>) dst(%arg7 : memref<32x1024xf32, #tpu.memory_space<vmem>>)
    %dma_wait3A_307 = arith.constant 0 : i32
    %dma_wait3A_308 = tpu.memref_slice %arg4[%add3A_295, %dma_wait3A_307] : memref<16384x1024xf32, #tpu.memory_space<hbm>> -> memref<32x1024xf32, #tpu.memory_space<hbm>>
    %dma_wait3A_309 = arith.constant 0 : i32
    %dma_wait3A_310 = tpu.memref_slice %arg4[%add3A_295, %dma_wait3A_309] : memref<16384x1024xf32, #tpu.memory_space<hbm>> -> memref<32x1024xf32, #tpu.memory_space<hbm>>
    tpu.wait_dma2 semaphore(%arg12 : memref<!tpu.dma_semaphore, #tpu.memory_space<semaphore_mem>>) src(%arg6 : memref<32x1024xf32, #tpu.memory_space<vmem>>) dst(%dma_wait3A_310 : memref<32x1024xf32, #tpu.memory_space<hbm>>)
    %dma_start3A_311 = arith.constant 12 : i32
    %dma_start3A_312 = arith.constant 0 : i32
    %dma_start3A_313 = tpu.memref_slice %arg5[%dma_start3A_311, %dma_start3A_312] : memref<16x32xi32, #tpu.memory_space<vmem>> -> memref<1x32xi32, #tpu.memory_space<vmem>>
    %dma_start3A_314 = tpu.memref_squeeze %dma_start3A_313 : memref<1x32xi32, #tpu.memory_space<vmem>> -> memref<32xi32, #tpu.memory_space<vmem>>
    %dma_start3A_315 = arith.constant 0 : i32
    %dma_start3A_316 = arith.constant 0 : i32
    %dma_start3A_317 = tpu.memref_slice %arg3[%dma_start3A_315, %dma_start3A_316] : memref<100000x1024xf32, #tpu.memory_space<hbm>> -> memref<100000x1024xf32, #tpu.memory_space<hbm>>
    tpu.enqueue_indirect_dma source(%dma_start3A_317 : memref<100000x1024xf32, #tpu.memory_space<hbm>>) target(%arg6 : memref<32x1024xf32, #tpu.memory_space<vmem>>) offsets(%dma_start3A_314 : memref<32xi32, #tpu.memory_space<vmem>>) semaphore(%arg9 : memref<!tpu.dma_semaphore, #tpu.memory_space<semaphore_mem>>)
    %scan3A_318 = arith.constant 0 : i32
    %scan3A_319 = arith.constant 32 : i32
    %scan3A_320 = arith.addi %scan3A_318, %scan3A_319 : i32
    %scan3A_321 = arith.constant 1 : i32
    scf.for %scan3A_460 = %scan3A_318 to %scan3A_320 step %scan3A_321  : i32 {
      %mul3A_461 = arith.constant 1 : i32
      %mul3A_462 = arith.muli %scan3A_460, %mul3A_461 : i32
      %add3A_463 = arith.constant 0 : i32
      %add3A_464 = arith.addi %add3A_463, %mul3A_462 : i32
      %scan3A_465 = arith.constant 0 : i32
      %scan3A_466 = arith.constant 64 : i32
      %scan3A_467 = arith.addi %scan3A_465, %scan3A_466 : i32
      %scan3A_468 = arith.constant 8 : i32
      scf.for %scan3A_470 = %scan3A_465 to %scan3A_467 step %scan3A_468  : i32 {
        %mul3A_471 = arith.constant 1 : i32
        %mul3A_472 = arith.muli %scan3A_470, %mul3A_471 : i32
        %add3A_473 = arith.constant 0 : i32
        %add3A_474 = arith.addi %add3A_473, %mul3A_472 : i32
        %mul3A_475 = arith.constant 16 : i32
        %mul3A_476 = arith.muli %add3A_474, %mul3A_475 : i32
        %get3A = arith.index_cast %add3A_464 : i32 to index
        %get3A_477 = arith.index_cast %mul3A_476 : i32 to index
        %get3A_478 = tpu.vector_load %arg7[%get3A, %get3A_477] {strides = array<i32>} : memref<32x1024xf32, #tpu.memory_space<vmem>>, vector<1x16xf32>,
        %get3A_479 = vector.shape_cast %get3A_478 : vector<1x16xf32> to vector<16xf32>
        %mul3A_480 = arith.constant 3.200000e+01 : f32
        %mul3A_481 = vector.broadcast %mul3A_480 : f32 to vector<16xf32>
        %mul3A_482 = arith.mulf %get3A_479, %mul3A_481 : vector<16xf32>
        %swap3A = arith.index_cast %add3A_464 : i32 to index
        %swap3A_483 = arith.index_cast %mul3A_476 : i32 to index
        %swap3A_484 = tpu.vector_load %arg7[%swap3A, %swap3A_483] {strides = array<i32>} : memref<32x1024xf32, #tpu.memory_space<vmem>>, vector<1x16xf32>,
        %swap3A_485 = vector.shape_cast %swap3A_484 : vector<1x16xf32> to vector<16xf32>
        %swap3A_486 = vector.shape_cast %mul3A_482 : vector<16xf32> to vector<1x16xf32>
        tpu.vector_store %arg7[%swap3A, %swap3A_483], %swap3A_486 {strides = array<i32>} : memref<32x1024xf32, #tpu.memory_space<vmem>>, vector<1x16xf32>,
        %scan3A_487 = arith.constant 1 : i32
        %scan3A_488 = arith.addi %scan3A_470, %scan3A_487 : i32
        %mul3A_489 = arith.constant 1 : i32
        %mul3A_490 = arith.muli %scan3A_488, %mul3A_489 : i32
        %add3A_491 = arith.constant 0 : i32
        %add3A_492 = arith.addi %add3A_491, %mul3A_490 : i32
        %mul3A_493 = arith.constant 16 : i32
        %mul3A_494 = arith.muli %add3A_492, %mul3A_493 : i32
        %get3A_495 = arith.index_cast %add3A_464 : i32 to index
        %get3A_496 = arith.index_cast %mul3A_494 : i32 to index
        %get3A_497 = tpu.vector_load %arg7[%get3A_495, %get3A_496] {strides = array<i32>} : memref<32x1024xf32, #tpu.memory_space<vmem>>, vector<1x16xf32>,
        %get3A_498 = vector.shape_cast %get3A_497 : vector<1x16xf32> to vector<16xf32>
        %mul3A_499 = arith.constant 3.200000e+01 : f32
        %mul3A_500 = vector.broadcast %mul3A_499 : f32 to vector<16xf32>
        %mul3A_501 = arith.mulf %get3A_498, %mul3A_500 : vector<16xf32>
        %swap3A_502 = arith.index_cast %add3A_464 : i32 to index
        %swap3A_503 = arith.index_cast %mul3A_494 : i32 to index
        %swap3A_504 = tpu.vector_load %arg7[%swap3A_502, %swap3A_503] {strides = array<i32>} : memref<32x1024xf32, #tpu.memory_space<vmem>>, vector<1x16xf32>,
        %swap3A_505 = vector.shape_cast %swap3A_504 : vector<1x16xf32> to vector<16xf32>
        %swap3A_506 = vector.shape_cast %mul3A_501 : vector<16xf32> to vector<1x16xf32>
        tpu.vector_store %arg7[%swap3A_502, %swap3A_503], %swap3A_506 {strides = array<i32>} : memref<32x1024xf32, #tpu.memory_space<vmem>>, vector<1x16xf32>,
        %scan3A_507 = arith.constant 2 : i32
        %scan3A_508 = arith.addi %scan3A_470, %scan3A_507 : i32
        %mul3A_509 = arith.constant 1 : i32
        %mul3A_510 = arith.muli %scan3A_508, %mul3A_509 : i32
        %add3A_511 = arith.constant 0 : i32
        %add3A_512 = arith.addi %add3A_511, %mul3A_510 : i32
        %mul3A_513 = arith.constant 16 : i32
        %mul3A_514 = arith.muli %add3A_512, %mul3A_513 : i32
        %get3A_515 = arith.index_cast %add3A_464 : i32 to index
        %get3A_516 = arith.index_cast %mul3A_514 : i32 to index
        %get3A_517 = tpu.vector_load %arg7[%get3A_515, %get3A_516] {strides = array<i32>} : memref<32x1024xf32, #tpu.memory_space<vmem>>, vector<1x16xf32>,
        %get3A_518 = vector.shape_cast %get3A_517 : vector<1x16xf32> to vector<16xf32>
        %mul3A_519 = arith.constant 3.200000e+01 : f32
        %mul3A_520 = vector.broadcast %mul3A_519 : f32 to vector<16xf32>
        %mul3A_521 = arith.mulf %get3A_518, %mul3A_520 : vector<16xf32>
        %swap3A_522 = arith.index_cast %add3A_464 : i32 to index
        %swap3A_523 = arith.index_cast %mul3A_514 : i32 to index
        %swap3A_524 = tpu.vector_load %arg7[%swap3A_522, %swap3A_523] {strides = array<i32>} : memref<32x1024xf32, #tpu.memory_space<vmem>>, vector<1x16xf32>,
        %swap3A_525 = vector.shape_cast %swap3A_524 : vector<1x16xf32> to vector<16xf32>
        %swap3A_526 = vector.shape_cast %mul3A_521 : vector<16xf32> to vector<1x16xf32>
        tpu.vector_store %arg7[%swap3A_522, %swap3A_523], %swap3A_526 {strides = array<i32>} : memref<32x1024xf32, #tpu.memory_space<vmem>>, vector<1x16xf32>,
        %scan3A_527 = arith.constant 3 : i32
        %scan3A_528 = arith.addi %scan3A_470, %scan3A_527 : i32
        %mul3A_529 = arith.constant 1 : i32
        %mul3A_530 = arith.muli %scan3A_528, %mul3A_529 : i32
        %add3A_531 = arith.constant 0 : i32
        %add3A_532 = arith.addi %add3A_531, %mul3A_530 : i32
        %mul3A_533 = arith.constant 16 : i32
        %mul3A_534 = arith.muli %add3A_532, %mul3A_533 : i32
        %get3A_535 = arith.index_cast %add3A_464 : i32 to index
        %get3A_536 = arith.index_cast %mul3A_534 : i32 to index
        %get3A_537 = tpu.vector_load %arg7[%get3A_535, %get3A_536] {strides = array<i32>} : memref<32x1024xf32, #tpu.memory_space<vmem>>, vector<1x16xf32>,
        %get3A_538 = vector.shape_cast %get3A_537 : vector<1x16xf32> to vector<16xf32>
        %mul3A_539 = arith.constant 3.200000e+01 : f32
        %mul3A_540 = vector.broadcast %mul3A_539 : f32 to vector<16xf32>
        %mul3A_541 = arith.mulf %get3A_538, %mul3A_540 : vector<16xf32>
        %swap3A_542 = arith.index_cast %add3A_464 : i32 to index
        %swap3A_543 = arith.index_cast %mul3A_534 : i32 to index
        %swap3A_544 = tpu.vector_load %arg7[%swap3A_542, %swap3A_543] {strides = array<i32>} : memref<32x1024xf32, #tpu.memory_space<vmem>>, vector<1x16xf32>,
        %swap3A_545 = vector.shape_cast %swap3A_544 : vector<1x16xf32> to vector<16xf32>
        %swap3A_546 = vector.shape_cast %mul3A_541 : vector<16xf32> to vector<1x16xf32>
        tpu.vector_store %arg7[%swap3A_542, %swap3A_543], %swap3A_546 {strides = array<i32>} : memref<32x1024xf32, #tpu.memory_space<vmem>>, vector<1x16xf32>,
        %scan3A_547 = arith.constant 4 : i32
        %scan3A_548 = arith.addi %scan3A_470, %scan3A_547 : i32
        %mul3A_549 = arith.constant 1 : i32
        %mul3A_550 = arith.muli %scan3A_548, %mul3A_549 : i32
        %add3A_551 = arith.constant 0 : i32
        %add3A_552 = arith.addi %add3A_551, %mul3A_550 : i32
        %mul3A_553 = arith.constant 16 : i32
        %mul3A_554 = arith.muli %add3A_552, %mul3A_553 : i32
        %get3A_555 = arith.index_cast %add3A_464 : i32 to index
        %get3A_556 = arith.index_cast %mul3A_554 : i32 to index
        %get3A_557 = tpu.vector_load %arg7[%get3A_555, %get3A_556] {strides = array<i32>} : memref<32x1024xf32, #tpu.memory_space<vmem>>, vector<1x16xf32>,
        %get3A_558 = vector.shape_cast %get3A_557 : vector<1x16xf32> to vector<16xf32>
        %mul3A_559 = arith.constant 3.200000e+01 : f32
        %mul3A_560 = vector.broadcast %mul3A_559 : f32 to vector<16xf32>
        %mul3A_561 = arith.mulf %get3A_558, %mul3A_560 : vector<16xf32>
        %swap3A_562 = arith.index_cast %add3A_464 : i32 to index
        %swap3A_563 = arith.index_cast %mul3A_554 : i32 to index
        %swap3A_564 = tpu.vector_load %arg7[%swap3A_562, %swap3A_563] {strides = array<i32>} : memref<32x1024xf32, #tpu.memory_space<vmem>>, vector<1x16xf32>,
        %swap3A_565 = vector.shape_cast %swap3A_564 : vector<1x16xf32> to vector<16xf32>
        %swap3A_566 = vector.shape_cast %mul3A_561 : vector<16xf32> to vector<1x16xf32>
        tpu.vector_store %arg7[%swap3A_562, %swap3A_563], %swap3A_566 {strides = array<i32>} : memref<32x1024xf32, #tpu.memory_space<vmem>>, vector<1x16xf32>,
        %scan3A_567 = arith.constant 5 : i32
        %scan3A_568 = arith.addi %scan3A_470, %scan3A_567 : i32
        %mul3A_569 = arith.constant 1 : i32
        %mul3A_570 = arith.muli %scan3A_568, %mul3A_569 : i32
        %add3A_571 = arith.constant 0 : i32
        %add3A_572 = arith.addi %add3A_571, %mul3A_570 : i32
        %mul3A_573 = arith.constant 16 : i32
        %mul3A_574 = arith.muli %add3A_572, %mul3A_573 : i32
        %get3A_575 = arith.index_cast %add3A_464 : i32 to index
        %get3A_576 = arith.index_cast %mul3A_574 : i32 to index
        %get3A_577 = tpu.vector_load %arg7[%get3A_575, %get3A_576] {strides = array<i32>} : memref<32x1024xf32, #tpu.memory_space<vmem>>, vector<1x16xf32>,
        %get3A_578 = vector.shape_cast %get3A_577 : vector<1x16xf32> to vector<16xf32>
        %mul3A_579 = arith.constant 3.200000e+01 : f32
        %mul3A_580 = vector.broadcast %mul3A_579 : f32 to vector<16xf32>
        %mul3A_581 = arith.mulf %get3A_578, %mul3A_580 : vector<16xf32>
        %swap3A_582 = arith.index_cast %add3A_464 : i32 to index
        %swap3A_583 = arith.index_cast %mul3A_574 : i32 to index
        %swap3A_584 = tpu.vector_load %arg7[%swap3A_582, %swap3A_583] {strides = array<i32>} : memref<32x1024xf32, #tpu.memory_space<vmem>>, vector<1x16xf32>,
        %swap3A_585 = vector.shape_cast %swap3A_584 : vector<1x16xf32> to vector<16xf32>
        %swap3A_586 = vector.shape_cast %mul3A_581 : vector<16xf32> to vector<1x16xf32>
        tpu.vector_store %arg7[%swap3A_582, %swap3A_583], %swap3A_586 {strides = array<i32>} : memref<32x1024xf32, #tpu.memory_space<vmem>>, vector<1x16xf32>,
        %scan3A_587 = arith.constant 6 : i32
        %scan3A_588 = arith.addi %scan3A_470, %scan3A_587 : i32
        %mul3A_589 = arith.constant 1 : i32
        %mul3A_590 = arith.muli %scan3A_588, %mul3A_589 : i32
        %add3A_591 = arith.constant 0 : i32
        %add3A_592 = arith.addi %add3A_591, %mul3A_590 : i32
        %mul3A_593 = arith.constant 16 : i32
        %mul3A_594 = arith.muli %add3A_592, %mul3A_593 : i32
        %get3A_595 = arith.index_cast %add3A_464 : i32 to index
        %get3A_596 = arith.index_cast %mul3A_594 : i32 to index
        %get3A_597 = tpu.vector_load %arg7[%get3A_595, %get3A_596] {strides = array<i32>} : memref<32x1024xf32, #tpu.memory_space<vmem>>, vector<1x16xf32>,
        %get3A_598 = vector.shape_cast %get3A_597 : vector<1x16xf32> to vector<16xf32>
        %mul3A_599 = arith.constant 3.200000e+01 : f32
        %mul3A_600 = vector.broadcast %mul3A_599 : f32 to vector<16xf32>
        %mul3A_601 = arith.mulf %get3A_598, %mul3A_600 : vector<16xf32>
        %swap3A_602 = arith.index_cast %add3A_464 : i32 to index
        %swap3A_603 = arith.index_cast %mul3A_594 : i32 to index
        %swap3A_604 = tpu.vector_load %arg7[%swap3A_602, %swap3A_603] {strides = array<i32>} : memref<32x1024xf32, #tpu.memory_space<vmem>>, vector<1x16xf32>,
        %swap3A_605 = vector.shape_cast %swap3A_604 : vector<1x16xf32> to vector<16xf32>
        %swap3A_606 = vector.shape_cast %mul3A_601 : vector<16xf32> to vector<1x16xf32>
        tpu.vector_store %arg7[%swap3A_602, %swap3A_603], %swap3A_606 {strides = array<i32>} : memref<32x1024xf32, #tpu.memory_space<vmem>>, vector<1x16xf32>,
        %scan3A_607 = arith.constant 7 : i32
        %scan3A_608 = arith.addi %scan3A_470, %scan3A_607 : i32
        %mul3A_609 = arith.constant 1 : i32
        %mul3A_610 = arith.muli %scan3A_608, %mul3A_609 : i32
        %add3A_611 = arith.constant 0 : i32
        %add3A_612 = arith.addi %add3A_611, %mul3A_610 : i32
        %mul3A_613 = arith.constant 16 : i32
        %mul3A_614 = arith.muli %add3A_612, %mul3A_613 : i32
        %get3A_615 = arith.index_cast %add3A_464 : i32 to index
        %get3A_616 = arith.index_cast %mul3A_614 : i32 to index
        %get3A_617 = tpu.vector_load %arg7[%get3A_615, %get3A_616] {strides = array<i32>} : memref<32x1024xf32, #tpu.memory_space<vmem>>, vector<1x16xf32>,
        %get3A_618 = vector.shape_cast %get3A_617 : vector<1x16xf32> to vector<16xf32>
        %mul3A_619 = arith.constant 3.200000e+01 : f32
        %mul3A_620 = vector.broadcast %mul3A_619 : f32 to vector<16xf32>
        %mul3A_621 = arith.mulf %get3A_618, %mul3A_620 : vector<16xf32>
        %swap3A_622 = arith.index_cast %add3A_464 : i32 to index
        %swap3A_623 = arith.index_cast %mul3A_614 : i32 to index
        %swap3A_624 = tpu.vector_load %arg7[%swap3A_622, %swap3A_623] {strides = array<i32>} : memref<32x1024xf32, #tpu.memory_space<vmem>>, vector<1x16xf32>,
        %swap3A_625 = vector.shape_cast %swap3A_624 : vector<1x16xf32> to vector<16xf32>
        %swap3A_626 = vector.shape_cast %mul3A_621 : vector<16xf32> to vector<1x16xf32>
        tpu.vector_store %arg7[%swap3A_622, %swap3A_623], %swap3A_626 {strides = array<i32>} : memref<32x1024xf32, #tpu.memory_space<vmem>>, vector<1x16xf32>,
      }
      %scan3A_469 = arith.constant 64 : i32
    }
    %scan3A_322 = arith.constant 32 : i32
    %add3A_323 = arith.constant 320 : i32
    %add3A_324 = arith.addi %mul3A_2, %add3A_323 : i32
    %dma_start3A_325 = arith.constant 0 : i32
    %dma_start3A_326 = tpu.memref_slice %arg4[%add3A_324, %dma_start3A_325] : memref<16384x1024xf32, #tpu.memory_space<hbm>> -> memref<32x1024xf32, #tpu.memory_space<hbm>>
    %dma_start3A_327 = arith.constant 0 : i32
    %dma_start3A_328 = tpu.memref_slice %arg4[%add3A_324, %dma_start3A_327] : memref<16384x1024xf32, #tpu.memory_space<hbm>> -> memref<32x1024xf32, #tpu.memory_space<hbm>>
    tpu.enqueue_dma source(%arg7 : memref<32x1024xf32, #tpu.memory_space<vmem>>) target(%dma_start3A_328 : memref<32x1024xf32, #tpu.memory_space<hbm>>) target_semaphore(%arg13 : memref<!tpu.dma_semaphore, #tpu.memory_space<semaphore_mem>>)
    %dma_wait3A_329 = arith.constant 11 : i32
    %dma_wait3A_330 = arith.constant 0 : i32
    %dma_wait3A_331 = tpu.memref_slice %arg5[%dma_wait3A_329, %dma_wait3A_330] : memref<16x32xi32, #tpu.memory_space<vmem>> -> memref<1x32xi32, #tpu.memory_space<vmem>>
    %dma_wait3A_332 = tpu.memref_squeeze %dma_wait3A_331 : memref<1x32xi32, #tpu.memory_space<vmem>> -> memref<32xi32, #tpu.memory_space<vmem>>
    %dma_wait3A_333 = arith.constant 0 : i32
    %dma_wait3A_334 = arith.constant 0 : i32
    %dma_wait3A_335 = tpu.memref_slice %arg3[%dma_wait3A_333, %dma_wait3A_334] : memref<100000x1024xf32, #tpu.memory_space<hbm>> -> memref<100000x1024xf32, #tpu.memory_space<hbm>>
    tpu.wait_indirect_dma semaphore(%arg11 : memref<!tpu.dma_semaphore, #tpu.memory_space<semaphore_mem>>) src(%dma_wait3A_335 : memref<100000x1024xf32, #tpu.memory_space<hbm>>) dst(%arg8 : memref<32x1024xf32, #tpu.memory_space<vmem>>)
    %dma_wait3A_336 = arith.constant 0 : i32
    %dma_wait3A_337 = tpu.memref_slice %arg4[%add3A_324, %dma_wait3A_336] : memref<16384x1024xf32, #tpu.memory_space<hbm>> -> memref<32x1024xf32, #tpu.memory_space<hbm>>
    %dma_wait3A_338 = arith.constant 0 : i32
    %dma_wait3A_339 = tpu.memref_slice %arg4[%add3A_324, %dma_wait3A_338] : memref<16384x1024xf32, #tpu.memory_space<hbm>> -> memref<32x1024xf32, #tpu.memory_space<hbm>>
    tpu.wait_dma2 semaphore(%arg13 : memref<!tpu.dma_semaphore, #tpu.memory_space<semaphore_mem>>) src(%arg7 : memref<32x1024xf32, #tpu.memory_space<vmem>>) dst(%dma_wait3A_339 : memref<32x1024xf32, #tpu.memory_space<hbm>>)
    %dma_start3A_340 = arith.constant 13 : i32
    %dma_start3A_341 = arith.constant 0 : i32
    %dma_start3A_342 = tpu.memref_slice %arg5[%dma_start3A_340, %dma_start3A_341] : memref<16x32xi32, #tpu.memory_space<vmem>> -> memref<1x32xi32, #tpu.memory_space<vmem>>
    %dma_start3A_343 = tpu.memref_squeeze %dma_start3A_342 : memref<1x32xi32, #tpu.memory_space<vmem>> -> memref<32xi32, #tpu.memory_space<vmem>>
    %dma_start3A_344 = arith.constant 0 : i32
    %dma_start3A_345 = arith.constant 0 : i32
    %dma_start3A_346 = tpu.memref_slice %arg3[%dma_start3A_344, %dma_start3A_345] : memref<100000x1024xf32, #tpu.memory_space<hbm>> -> memref<100000x1024xf32, #tpu.memory_space<hbm>>
    tpu.enqueue_indirect_dma source(%dma_start3A_346 : memref<100000x1024xf32, #tpu.memory_space<hbm>>) target(%arg7 : memref<32x1024xf32, #tpu.memory_space<vmem>>) offsets(%dma_start3A_343 : memref<32xi32, #tpu.memory_space<vmem>>) semaphore(%arg10 : memref<!tpu.dma_semaphore, #tpu.memory_space<semaphore_mem>>)
    %scan3A_347 = arith.constant 0 : i32
    %scan3A_348 = arith.constant 32 : i32
    %scan3A_349 = arith.addi %scan3A_347, %scan3A_348 : i32
    %scan3A_350 = arith.constant 1 : i32
    scf.for %scan3A_460 = %scan3A_347 to %scan3A_349 step %scan3A_350  : i32 {
      %mul3A_461 = arith.constant 1 : i32
      %mul3A_462 = arith.muli %scan3A_460, %mul3A_461 : i32
      %add3A_463 = arith.constant 0 : i32
      %add3A_464 = arith.addi %add3A_463, %mul3A_462 : i32
      %scan3A_465 = arith.constant 0 : i32
      %scan3A_466 = arith.constant 64 : i32
      %scan3A_467 = arith.addi %scan3A_465, %scan3A_466 : i32
      %scan3A_468 = arith.constant 8 : i32
      scf.for %scan3A_470 = %scan3A_465 to %scan3A_467 step %scan3A_468  : i32 {
        %mul3A_471 = arith.constant 1 : i32
        %mul3A_472 = arith.muli %scan3A_470, %mul3A_471 : i32
        %add3A_473 = arith.constant 0 : i32
        %add3A_474 = arith.addi %add3A_473, %mul3A_472 : i32
        %mul3A_475 = arith.constant 16 : i32
        %mul3A_476 = arith.muli %add3A_474, %mul3A_475 : i32
        %get3A = arith.index_cast %add3A_464 : i32 to index
        %get3A_477 = arith.index_cast %mul3A_476 : i32 to index
        %get3A_478 = tpu.vector_load %arg8[%get3A, %get3A_477] {strides = array<i32>} : memref<32x1024xf32, #tpu.memory_space<vmem>>, vector<1x16xf32>,
        %get3A_479 = vector.shape_cast %get3A_478 : vector<1x16xf32> to vector<16xf32>
        %mul3A_480 = arith.constant 3.200000e+01 : f32
        %mul3A_481 = vector.broadcast %mul3A_480 : f32 to vector<16xf32>
        %mul3A_482 = arith.mulf %get3A_479, %mul3A_481 : vector<16xf32>
        %swap3A = arith.index_cast %add3A_464 : i32 to index
        %swap3A_483 = arith.index_cast %mul3A_476 : i32 to index
        %swap3A_484 = tpu.vector_load %arg8[%swap3A, %swap3A_483] {strides = array<i32>} : memref<32x1024xf32, #tpu.memory_space<vmem>>, vector<1x16xf32>,
        %swap3A_485 = vector.shape_cast %swap3A_484 : vector<1x16xf32> to vector<16xf32>
        %swap3A_486 = vector.shape_cast %mul3A_482 : vector<16xf32> to vector<1x16xf32>
        tpu.vector_store %arg8[%swap3A, %swap3A_483], %swap3A_486 {strides = array<i32>} : memref<32x1024xf32, #tpu.memory_space<vmem>>, vector<1x16xf32>,
        %scan3A_487 = arith.constant 1 : i32
        %scan3A_488 = arith.addi %scan3A_470, %scan3A_487 : i32
        %mul3A_489 = arith.constant 1 : i32
        %mul3A_490 = arith.muli %scan3A_488, %mul3A_489 : i32
        %add3A_491 = arith.constant 0 : i32
        %add3A_492 = arith.addi %add3A_491, %mul3A_490 : i32
        %mul3A_493 = arith.constant 16 : i32
        %mul3A_494 = arith.muli %add3A_492, %mul3A_493 : i32
        %get3A_495 = arith.index_cast %add3A_464 : i32 to index
        %get3A_496 = arith.index_cast %mul3A_494 : i32 to index
        %get3A_497 = tpu.vector_load %arg8[%get3A_495, %get3A_496] {strides = array<i32>} : memref<32x1024xf32, #tpu.memory_space<vmem>>, vector<1x16xf32>,
        %get3A_498 = vector.shape_cast %get3A_497 : vector<1x16xf32> to vector<16xf32>
        %mul3A_499 = arith.constant 3.200000e+01 : f32
        %mul3A_500 = vector.broadcast %mul3A_499 : f32 to vector<16xf32>
        %mul3A_501 = arith.mulf %get3A_498, %mul3A_500 : vector<16xf32>
        %swap3A_502 = arith.index_cast %add3A_464 : i32 to index
        %swap3A_503 = arith.index_cast %mul3A_494 : i32 to index
        %swap3A_504 = tpu.vector_load %arg8[%swap3A_502, %swap3A_503] {strides = array<i32>} : memref<32x1024xf32, #tpu.memory_space<vmem>>, vector<1x16xf32>,
        %swap3A_505 = vector.shape_cast %swap3A_504 : vector<1x16xf32> to vector<16xf32>
        %swap3A_506 = vector.shape_cast %mul3A_501 : vector<16xf32> to vector<1x16xf32>
        tpu.vector_store %arg8[%swap3A_502, %swap3A_503], %swap3A_506 {strides = array<i32>} : memref<32x1024xf32, #tpu.memory_space<vmem>>, vector<1x16xf32>,
        %scan3A_507 = arith.constant 2 : i32
        %scan3A_508 = arith.addi %scan3A_470, %scan3A_507 : i32
        %mul3A_509 = arith.constant 1 : i32
        %mul3A_510 = arith.muli %scan3A_508, %mul3A_509 : i32
        %add3A_511 = arith.constant 0 : i32
        %add3A_512 = arith.addi %add3A_511, %mul3A_510 : i32
        %mul3A_513 = arith.constant 16 : i32
        %mul3A_514 = arith.muli %add3A_512, %mul3A_513 : i32
        %get3A_515 = arith.index_cast %add3A_464 : i32 to index
        %get3A_516 = arith.index_cast %mul3A_514 : i32 to index
        %get3A_517 = tpu.vector_load %arg8[%get3A_515, %get3A_516] {strides = array<i32>} : memref<32x1024xf32, #tpu.memory_space<vmem>>, vector<1x16xf32>,
        %get3A_518 = vector.shape_cast %get3A_517 : vector<1x16xf32> to vector<16xf32>
        %mul3A_519 = arith.constant 3.200000e+01 : f32
        %mul3A_520 = vector.broadcast %mul3A_519 : f32 to vector<16xf32>
        %mul3A_521 = arith.mulf %get3A_518, %mul3A_520 : vector<16xf32>
        %swap3A_522 = arith.index_cast %add3A_464 : i32 to index
        %swap3A_523 = arith.index_cast %mul3A_514 : i32 to index
        %swap3A_524 = tpu.vector_load %arg8[%swap3A_522, %swap3A_523] {strides = array<i32>} : memref<32x1024xf32, #tpu.memory_space<vmem>>, vector<1x16xf32>,
        %swap3A_525 = vector.shape_cast %swap3A_524 : vector<1x16xf32> to vector<16xf32>
        %swap3A_526 = vector.shape_cast %mul3A_521 : vector<16xf32> to vector<1x16xf32>
        tpu.vector_store %arg8[%swap3A_522, %swap3A_523], %swap3A_526 {strides = array<i32>} : memref<32x1024xf32, #tpu.memory_space<vmem>>, vector<1x16xf32>,
        %scan3A_527 = arith.constant 3 : i32
        %scan3A_528 = arith.addi %scan3A_470, %scan3A_527 : i32
        %mul3A_529 = arith.constant 1 : i32
        %mul3A_530 = arith.muli %scan3A_528, %mul3A_529 : i32
        %add3A_531 = arith.constant 0 : i32
        %add3A_532 = arith.addi %add3A_531, %mul3A_530 : i32
        %mul3A_533 = arith.constant 16 : i32
        %mul3A_534 = arith.muli %add3A_532, %mul3A_533 : i32
        %get3A_535 = arith.index_cast %add3A_464 : i32 to index
        %get3A_536 = arith.index_cast %mul3A_534 : i32 to index
        %get3A_537 = tpu.vector_load %arg8[%get3A_535, %get3A_536] {strides = array<i32>} : memref<32x1024xf32, #tpu.memory_space<vmem>>, vector<1x16xf32>,
        %get3A_538 = vector.shape_cast %get3A_537 : vector<1x16xf32> to vector<16xf32>
        %mul3A_539 = arith.constant 3.200000e+01 : f32
        %mul3A_540 = vector.broadcast %mul3A_539 : f32 to vector<16xf32>
        %mul3A_541 = arith.mulf %get3A_538, %mul3A_540 : vector<16xf32>
        %swap3A_542 = arith.index_cast %add3A_464 : i32 to index
        %swap3A_543 = arith.index_cast %mul3A_534 : i32 to index
        %swap3A_544 = tpu.vector_load %arg8[%swap3A_542, %swap3A_543] {strides = array<i32>} : memref<32x1024xf32, #tpu.memory_space<vmem>>, vector<1x16xf32>,
        %swap3A_545 = vector.shape_cast %swap3A_544 : vector<1x16xf32> to vector<16xf32>
        %swap3A_546 = vector.shape_cast %mul3A_541 : vector<16xf32> to vector<1x16xf32>
        tpu.vector_store %arg8[%swap3A_542, %swap3A_543], %swap3A_546 {strides = array<i32>} : memref<32x1024xf32, #tpu.memory_space<vmem>>, vector<1x16xf32>,
        %scan3A_547 = arith.constant 4 : i32
        %scan3A_548 = arith.addi %scan3A_470, %scan3A_547 : i32
        %mul3A_549 = arith.constant 1 : i32
        %mul3A_550 = arith.muli %scan3A_548, %mul3A_549 : i32
        %add3A_551 = arith.constant 0 : i32
        %add3A_552 = arith.addi %add3A_551, %mul3A_550 : i32
        %mul3A_553 = arith.constant 16 : i32
        %mul3A_554 = arith.muli %add3A_552, %mul3A_553 : i32
        %get3A_555 = arith.index_cast %add3A_464 : i32 to index
        %get3A_556 = arith.index_cast %mul3A_554 : i32 to index
        %get3A_557 = tpu.vector_load %arg8[%get3A_555, %get3A_556] {strides = array<i32>} : memref<32x1024xf32, #tpu.memory_space<vmem>>, vector<1x16xf32>,
        %get3A_558 = vector.shape_cast %get3A_557 : vector<1x16xf32> to vector<16xf32>
        %mul3A_559 = arith.constant 3.200000e+01 : f32
        %mul3A_560 = vector.broadcast %mul3A_559 : f32 to vector<16xf32>
        %mul3A_561 = arith.mulf %get3A_558, %mul3A_560 : vector<16xf32>
        %swap3A_562 = arith.index_cast %add3A_464 : i32 to index
        %swap3A_563 = arith.index_cast %mul3A_554 : i32 to index
        %swap3A_564 = tpu.vector_load %arg8[%swap3A_562, %swap3A_563] {strides = array<i32>} : memref<32x1024xf32, #tpu.memory_space<vmem>>, vector<1x16xf32>,
        %swap3A_565 = vector.shape_cast %swap3A_564 : vector<1x16xf32> to vector<16xf32>
        %swap3A_566 = vector.shape_cast %mul3A_561 : vector<16xf32> to vector<1x16xf32>
        tpu.vector_store %arg8[%swap3A_562, %swap3A_563], %swap3A_566 {strides = array<i32>} : memref<32x1024xf32, #tpu.memory_space<vmem>>, vector<1x16xf32>,
        %scan3A_567 = arith.constant 5 : i32
        %scan3A_568 = arith.addi %scan3A_470, %scan3A_567 : i32
        %mul3A_569 = arith.constant 1 : i32
        %mul3A_570 = arith.muli %scan3A_568, %mul3A_569 : i32
        %add3A_571 = arith.constant 0 : i32
        %add3A_572 = arith.addi %add3A_571, %mul3A_570 : i32
        %mul3A_573 = arith.constant 16 : i32
        %mul3A_574 = arith.muli %add3A_572, %mul3A_573 : i32
        %get3A_575 = arith.index_cast %add3A_464 : i32 to index
        %get3A_576 = arith.index_cast %mul3A_574 : i32 to index
        %get3A_577 = tpu.vector_load %arg8[%get3A_575, %get3A_576] {strides = array<i32>} : memref<32x1024xf32, #tpu.memory_space<vmem>>, vector<1x16xf32>,
        %get3A_578 = vector.shape_cast %get3A_577 : vector<1x16xf32> to vector<16xf32>
        %mul3A_579 = arith.constant 3.200000e+01 : f32
        %mul3A_580 = vector.broadcast %mul3A_579 : f32 to vector<16xf32>
        %mul3A_581 = arith.mulf %get3A_578, %mul3A_580 : vector<16xf32>
        %swap3A_582 = arith.index_cast %add3A_464 : i32 to index
        %swap3A_583 = arith.index_cast %mul3A_574 : i32 to index
        %swap3A_584 = tpu.vector_load %arg8[%swap3A_582, %swap3A_583] {strides = array<i32>} : memref<32x1024xf32, #tpu.memory_space<vmem>>, vector<1x16xf32>,
        %swap3A_585 = vector.shape_cast %swap3A_584 : vector<1x16xf32> to vector<16xf32>
        %swap3A_586 = vector.shape_cast %mul3A_581 : vector<16xf32> to vector<1x16xf32>
        tpu.vector_store %arg8[%swap3A_582, %swap3A_583], %swap3A_586 {strides = array<i32>} : memref<32x1024xf32, #tpu.memory_space<vmem>>, vector<1x16xf32>,
        %scan3A_587 = arith.constant 6 : i32
        %scan3A_588 = arith.addi %scan3A_470, %scan3A_587 : i32
        %mul3A_589 = arith.constant 1 : i32
        %mul3A_590 = arith.muli %scan3A_588, %mul3A_589 : i32
        %add3A_591 = arith.constant 0 : i32
        %add3A_592 = arith.addi %add3A_591, %mul3A_590 : i32
        %mul3A_593 = arith.constant 16 : i32
        %mul3A_594 = arith.muli %add3A_592, %mul3A_593 : i32
        %get3A_595 = arith.index_cast %add3A_464 : i32 to index
        %get3A_596 = arith.index_cast %mul3A_594 : i32 to index
        %get3A_597 = tpu.vector_load %arg8[%get3A_595, %get3A_596] {strides = array<i32>} : memref<32x1024xf32, #tpu.memory_space<vmem>>, vector<1x16xf32>,
        %get3A_598 = vector.shape_cast %get3A_597 : vector<1x16xf32> to vector<16xf32>
        %mul3A_599 = arith.constant 3.200000e+01 : f32
        %mul3A_600 = vector.broadcast %mul3A_599 : f32 to vector<16xf32>
        %mul3A_601 = arith.mulf %get3A_598, %mul3A_600 : vector<16xf32>
        %swap3A_602 = arith.index_cast %add3A_464 : i32 to index
        %swap3A_603 = arith.index_cast %mul3A_594 : i32 to index
        %swap3A_604 = tpu.vector_load %arg8[%swap3A_602, %swap3A_603] {strides = array<i32>} : memref<32x1024xf32, #tpu.memory_space<vmem>>, vector<1x16xf32>,
        %swap3A_605 = vector.shape_cast %swap3A_604 : vector<1x16xf32> to vector<16xf32>
        %swap3A_606 = vector.shape_cast %mul3A_601 : vector<16xf32> to vector<1x16xf32>
        tpu.vector_store %arg8[%swap3A_602, %swap3A_603], %swap3A_606 {strides = array<i32>} : memref<32x1024xf32, #tpu.memory_space<vmem>>, vector<1x16xf32>,
        %scan3A_607 = arith.constant 7 : i32
        %scan3A_608 = arith.addi %scan3A_470, %scan3A_607 : i32
        %mul3A_609 = arith.constant 1 : i32
        %mul3A_610 = arith.muli %scan3A_608, %mul3A_609 : i32
        %add3A_611 = arith.constant 0 : i32
        %add3A_612 = arith.addi %add3A_611, %mul3A_610 : i32
        %mul3A_613 = arith.constant 16 : i32
        %mul3A_614 = arith.muli %add3A_612, %mul3A_613 : i32
        %get3A_615 = arith.index_cast %add3A_464 : i32 to index
        %get3A_616 = arith.index_cast %mul3A_614 : i32 to index
        %get3A_617 = tpu.vector_load %arg8[%get3A_615, %get3A_616] {strides = array<i32>} : memref<32x1024xf32, #tpu.memory_space<vmem>>, vector<1x16xf32>,
        %get3A_618 = vector.shape_cast %get3A_617 : vector<1x16xf32> to vector<16xf32>
        %mul3A_619 = arith.constant 3.200000e+01 : f32
        %mul3A_620 = vector.broadcast %mul3A_619 : f32 to vector<16xf32>
        %mul3A_621 = arith.mulf %get3A_618, %mul3A_620 : vector<16xf32>
        %swap3A_622 = arith.index_cast %add3A_464 : i32 to index
        %swap3A_623 = arith.index_cast %mul3A_614 : i32 to index
        %swap3A_624 = tpu.vector_load %arg8[%swap3A_622, %swap3A_623] {strides = array<i32>} : memref<32x1024xf32, #tpu.memory_space<vmem>>, vector<1x16xf32>,
        %swap3A_625 = vector.shape_cast %swap3A_624 : vector<1x16xf32> to vector<16xf32>
        %swap3A_626 = vector.shape_cast %mul3A_621 : vector<16xf32> to vector<1x16xf32>
        tpu.vector_store %arg8[%swap3A_622, %swap3A_623], %swap3A_626 {strides = array<i32>} : memref<32x1024xf32, #tpu.memory_space<vmem>>, vector<1x16xf32>,
      }
      %scan3A_469 = arith.constant 64 : i32
    }
    %scan3A_351 = arith.constant 32 : i32
    %add3A_352 = arith.constant 352 : i32
    %add3A_353 = arith.addi %mul3A_2, %add3A_352 : i32
    %dma_start3A_354 = arith.constant 0 : i32
    %dma_start3A_355 = tpu.memref_slice %arg4[%add3A_353, %dma_start3A_354] : memref<16384x1024xf32, #tpu.memory_space<hbm>> -> memref<32x1024xf32, #tpu.memory_space<hbm>>
    %dma_start3A_356 = arith.constant 0 : i32
    %dma_start3A_357 = tpu.memref_slice %arg4[%add3A_353, %dma_start3A_356] : memref<16384x1024xf32, #tpu.memory_space<hbm>> -> memref<32x1024xf32, #tpu.memory_space<hbm>>
    tpu.enqueue_dma source(%arg8 : memref<32x1024xf32, #tpu.memory_space<vmem>>) target(%dma_start3A_357 : memref<32x1024xf32, #tpu.memory_space<hbm>>) target_semaphore(%arg14 : memref<!tpu.dma_semaphore, #tpu.memory_space<semaphore_mem>>)
    %dma_wait3A_358 = arith.constant 12 : i32
    %dma_wait3A_359 = arith.constant 0 : i32
    %dma_wait3A_360 = tpu.memref_slice %arg5[%dma_wait3A_358, %dma_wait3A_359] : memref<16x32xi32, #tpu.memory_space<vmem>> -> memref<1x32xi32, #tpu.memory_space<vmem>>
    %dma_wait3A_361 = tpu.memref_squeeze %dma_wait3A_360 : memref<1x32xi32, #tpu.memory_space<vmem>> -> memref<32xi32, #tpu.memory_space<vmem>>
    %dma_wait3A_362 = arith.constant 0 : i32
    %dma_wait3A_363 = arith.constant 0 : i32
    %dma_wait3A_364 = tpu.memref_slice %arg3[%dma_wait3A_362, %dma_wait3A_363] : memref<100000x1024xf32, #tpu.memory_space<hbm>> -> memref<100000x1024xf32, #tpu.memory_space<hbm>>
    tpu.wait_indirect_dma semaphore(%arg9 : memref<!tpu.dma_semaphore, #tpu.memory_space<semaphore_mem>>) src(%dma_wait3A_364 : memref<100000x1024xf32, #tpu.memory_space<hbm>>) dst(%arg6 : memref<32x1024xf32, #tpu.memory_space<vmem>>)
    %dma_wait3A_365 = arith.constant 0 : i32
    %dma_wait3A_366 = tpu.memref_slice %arg4[%add3A_353, %dma_wait3A_365] : memref<16384x1024xf32, #tpu.memory_space<hbm>> -> memref<32x1024xf32, #tpu.memory_space<hbm>>
    %dma_wait3A_367 = arith.constant 0 : i32
    %dma_wait3A_368 = tpu.memref_slice %arg4[%add3A_353, %dma_wait3A_367] : memref<16384x1024xf32, #tpu.memory_space<hbm>> -> memref<32x1024xf32, #tpu.memory_space<hbm>>
    tpu.wait_dma2 semaphore(%arg14 : memref<!tpu.dma_semaphore, #tpu.memory_space<semaphore_mem>>) src(%arg8 : memref<32x1024xf32, #tpu.memory_space<vmem>>) dst(%dma_wait3A_368 : memref<32x1024xf32, #tpu.memory_space<hbm>>)
    %dma_start3A_369 = arith.constant 14 : i32
    %dma_start3A_370 = arith.constant 0 : i32
    %dma_start3A_371 = tpu.memref_slice %arg5[%dma_start3A_369, %dma_start3A_370] : memref<16x32xi32, #tpu.memory_space<vmem>> -> memref<1x32xi32, #tpu.memory_space<vmem>>
    %dma_start3A_372 = tpu.memref_squeeze %dma_start3A_371 : memref<1x32xi32, #tpu.memory_space<vmem>> -> memref<32xi32, #tpu.memory_space<vmem>>
    %dma_start3A_373 = arith.constant 0 : i32
    %dma_start3A_374 = arith.constant 0 : i32
    %dma_start3A_375 = tpu.memref_slice %arg3[%dma_start3A_373, %dma_start3A_374] : memref<100000x1024xf32, #tpu.memory_space<hbm>> -> memref<100000x1024xf32, #tpu.memory_space<hbm>>
    tpu.enqueue_indirect_dma source(%dma_start3A_375 : memref<100000x1024xf32, #tpu.memory_space<hbm>>) target(%arg8 : memref<32x1024xf32, #tpu.memory_space<vmem>>) offsets(%dma_start3A_372 : memref<32xi32, #tpu.memory_space<vmem>>) semaphore(%arg11 : memref<!tpu.dma_semaphore, #tpu.memory_space<semaphore_mem>>)
    %scan3A_376 = arith.constant 0 : i32
    %scan3A_377 = arith.constant 32 : i32
    %scan3A_378 = arith.addi %scan3A_376, %scan3A_377 : i32
    %scan3A_379 = arith.constant 1 : i32
    scf.for %scan3A_460 = %scan3A_376 to %scan3A_378 step %scan3A_379  : i32 {
      %mul3A_461 = arith.constant 1 : i32
      %mul3A_462 = arith.muli %scan3A_460, %mul3A_461 : i32
      %add3A_463 = arith.constant 0 : i32
      %add3A_464 = arith.addi %add3A_463, %mul3A_462 : i32
      %scan3A_465 = arith.constant 0 : i32
      %scan3A_466 = arith.constant 64 : i32
      %scan3A_467 = arith.addi %scan3A_465, %scan3A_466 : i32
      %scan3A_468 = arith.constant 8 : i32
      scf.for %scan3A_470 = %scan3A_465 to %scan3A_467 step %scan3A_468  : i32 {
        %mul3A_471 = arith.constant 1 : i32
        %mul3A_472 = arith.muli %scan3A_470, %mul3A_471 : i32
        %add3A_473 = arith.constant 0 : i32
        %add3A_474 = arith.addi %add3A_473, %mul3A_472 : i32
        %mul3A_475 = arith.constant 16 : i32
        %mul3A_476 = arith.muli %add3A_474, %mul3A_475 : i32
        %get3A = arith.index_cast %add3A_464 : i32 to index
        %get3A_477 = arith.index_cast %mul3A_476 : i32 to index
        %get3A_478 = tpu.vector_load %arg6[%get3A, %get3A_477] {strides = array<i32>} : memref<32x1024xf32, #tpu.memory_space<vmem>>, vector<1x16xf32>,
        %get3A_479 = vector.shape_cast %get3A_478 : vector<1x16xf32> to vector<16xf32>
        %mul3A_480 = arith.constant 3.200000e+01 : f32
        %mul3A_481 = vector.broadcast %mul3A_480 : f32 to vector<16xf32>
        %mul3A_482 = arith.mulf %get3A_479, %mul3A_481 : vector<16xf32>
        %swap3A = arith.index_cast %add3A_464 : i32 to index
        %swap3A_483 = arith.index_cast %mul3A_476 : i32 to index
        %swap3A_484 = tpu.vector_load %arg6[%swap3A, %swap3A_483] {strides = array<i32>} : memref<32x1024xf32, #tpu.memory_space<vmem>>, vector<1x16xf32>,
        %swap3A_485 = vector.shape_cast %swap3A_484 : vector<1x16xf32> to vector<16xf32>
        %swap3A_486 = vector.shape_cast %mul3A_482 : vector<16xf32> to vector<1x16xf32>
        tpu.vector_store %arg6[%swap3A, %swap3A_483], %swap3A_486 {strides = array<i32>} : memref<32x1024xf32, #tpu.memory_space<vmem>>, vector<1x16xf32>,
        %scan3A_487 = arith.constant 1 : i32
        %scan3A_488 = arith.addi %scan3A_470, %scan3A_487 : i32
        %mul3A_489 = arith.constant 1 : i32
        %mul3A_490 = arith.muli %scan3A_488, %mul3A_489 : i32
        %add3A_491 = arith.constant 0 : i32
        %add3A_492 = arith.addi %add3A_491, %mul3A_490 : i32
        %mul3A_493 = arith.constant 16 : i32
        %mul3A_494 = arith.muli %add3A_492, %mul3A_493 : i32
        %get3A_495 = arith.index_cast %add3A_464 : i32 to index
        %get3A_496 = arith.index_cast %mul3A_494 : i32 to index
        %get3A_497 = tpu.vector_load %arg6[%get3A_495, %get3A_496] {strides = array<i32>} : memref<32x1024xf32, #tpu.memory_space<vmem>>, vector<1x16xf32>,
        %get3A_498 = vector.shape_cast %get3A_497 : vector<1x16xf32> to vector<16xf32>
        %mul3A_499 = arith.constant 3.200000e+01 : f32
        %mul3A_500 = vector.broadcast %mul3A_499 : f32 to vector<16xf32>
        %mul3A_501 = arith.mulf %get3A_498, %mul3A_500 : vector<16xf32>
        %swap3A_502 = arith.index_cast %add3A_464 : i32 to index
        %swap3A_503 = arith.index_cast %mul3A_494 : i32 to index
        %swap3A_504 = tpu.vector_load %arg6[%swap3A_502, %swap3A_503] {strides = array<i32>} : memref<32x1024xf32, #tpu.memory_space<vmem>>, vector<1x16xf32>,
        %swap3A_505 = vector.shape_cast %swap3A_504 : vector<1x16xf32> to vector<16xf32>
        %swap3A_506 = vector.shape_cast %mul3A_501 : vector<16xf32> to vector<1x16xf32>
        tpu.vector_store %arg6[%swap3A_502, %swap3A_503], %swap3A_506 {strides = array<i32>} : memref<32x1024xf32, #tpu.memory_space<vmem>>, vector<1x16xf32>,
        %scan3A_507 = arith.constant 2 : i32
        %scan3A_508 = arith.addi %scan3A_470, %scan3A_507 : i32
        %mul3A_509 = arith.constant 1 : i32
        %mul3A_510 = arith.muli %scan3A_508, %mul3A_509 : i32
        %add3A_511 = arith.constant 0 : i32
        %add3A_512 = arith.addi %add3A_511, %mul3A_510 : i32
        %mul3A_513 = arith.constant 16 : i32
        %mul3A_514 = arith.muli %add3A_512, %mul3A_513 : i32
        %get3A_515 = arith.index_cast %add3A_464 : i32 to index
        %get3A_516 = arith.index_cast %mul3A_514 : i32 to index
        %get3A_517 = tpu.vector_load %arg6[%get3A_515, %get3A_516] {strides = array<i32>} : memref<32x1024xf32, #tpu.memory_space<vmem>>, vector<1x16xf32>,
        %get3A_518 = vector.shape_cast %get3A_517 : vector<1x16xf32> to vector<16xf32>
        %mul3A_519 = arith.constant 3.200000e+01 : f32
        %mul3A_520 = vector.broadcast %mul3A_519 : f32 to vector<16xf32>
        %mul3A_521 = arith.mulf %get3A_518, %mul3A_520 : vector<16xf32>
        %swap3A_522 = arith.index_cast %add3A_464 : i32 to index
        %swap3A_523 = arith.index_cast %mul3A_514 : i32 to index
        %swap3A_524 = tpu.vector_load %arg6[%swap3A_522, %swap3A_523] {strides = array<i32>} : memref<32x1024xf32, #tpu.memory_space<vmem>>, vector<1x16xf32>,
        %swap3A_525 = vector.shape_cast %swap3A_524 : vector<1x16xf32> to vector<16xf32>
        %swap3A_526 = vector.shape_cast %mul3A_521 : vector<16xf32> to vector<1x16xf32>
        tpu.vector_store %arg6[%swap3A_522, %swap3A_523], %swap3A_526 {strides = array<i32>} : memref<32x1024xf32, #tpu.memory_space<vmem>>, vector<1x16xf32>,
        %scan3A_527 = arith.constant 3 : i32
        %scan3A_528 = arith.addi %scan3A_470, %scan3A_527 : i32
        %mul3A_529 = arith.constant 1 : i32
        %mul3A_530 = arith.muli %scan3A_528, %mul3A_529 : i32
        %add3A_531 = arith.constant 0 : i32
        %add3A_532 = arith.addi %add3A_531, %mul3A_530 : i32
        %mul3A_533 = arith.constant 16 : i32
        %mul3A_534 = arith.muli %add3A_532, %mul3A_533 : i32
        %get3A_535 = arith.index_cast %add3A_464 : i32 to index
        %get3A_536 = arith.index_cast %mul3A_534 : i32 to index
        %get3A_537 = tpu.vector_load %arg6[%get3A_535, %get3A_536] {strides = array<i32>} : memref<32x1024xf32, #tpu.memory_space<vmem>>, vector<1x16xf32>,
        %get3A_538 = vector.shape_cast %get3A_537 : vector<1x16xf32> to vector<16xf32>
        %mul3A_539 = arith.constant 3.200000e+01 : f32
        %mul3A_540 = vector.broadcast %mul3A_539 : f32 to vector<16xf32>
        %mul3A_541 = arith.mulf %get3A_538, %mul3A_540 : vector<16xf32>
        %swap3A_542 = arith.index_cast %add3A_464 : i32 to index
        %swap3A_543 = arith.index_cast %mul3A_534 : i32 to index
        %swap3A_544 = tpu.vector_load %arg6[%swap3A_542, %swap3A_543] {strides = array<i32>} : memref<32x1024xf32, #tpu.memory_space<vmem>>, vector<1x16xf32>,
        %swap3A_545 = vector.shape_cast %swap3A_544 : vector<1x16xf32> to vector<16xf32>
        %swap3A_546 = vector.shape_cast %mul3A_541 : vector<16xf32> to vector<1x16xf32>
        tpu.vector_store %arg6[%swap3A_542, %swap3A_543], %swap3A_546 {strides = array<i32>} : memref<32x1024xf32, #tpu.memory_space<vmem>>, vector<1x16xf32>,
        %scan3A_547 = arith.constant 4 : i32
        %scan3A_548 = arith.addi %scan3A_470, %scan3A_547 : i32
        %mul3A_549 = arith.constant 1 : i32
        %mul3A_550 = arith.muli %scan3A_548, %mul3A_549 : i32
        %add3A_551 = arith.constant 0 : i32
        %add3A_552 = arith.addi %add3A_551, %mul3A_550 : i32
        %mul3A_553 = arith.constant 16 : i32
        %mul3A_554 = arith.muli %add3A_552, %mul3A_553 : i32
        %get3A_555 = arith.index_cast %add3A_464 : i32 to index
        %get3A_556 = arith.index_cast %mul3A_554 : i32 to index
        %get3A_557 = tpu.vector_load %arg6[%get3A_555, %get3A_556] {strides = array<i32>} : memref<32x1024xf32, #tpu.memory_space<vmem>>, vector<1x16xf32>,
        %get3A_558 = vector.shape_cast %get3A_557 : vector<1x16xf32> to vector<16xf32>
        %mul3A_559 = arith.constant 3.200000e+01 : f32
        %mul3A_560 = vector.broadcast %mul3A_559 : f32 to vector<16xf32>
        %mul3A_561 = arith.mulf %get3A_558, %mul3A_560 : vector<16xf32>
        %swap3A_562 = arith.index_cast %add3A_464 : i32 to index
        %swap3A_563 = arith.index_cast %mul3A_554 : i32 to index
        %swap3A_564 = tpu.vector_load %arg6[%swap3A_562, %swap3A_563] {strides = array<i32>} : memref<32x1024xf32, #tpu.memory_space<vmem>>, vector<1x16xf32>,
        %swap3A_565 = vector.shape_cast %swap3A_564 : vector<1x16xf32> to vector<16xf32>
        %swap3A_566 = vector.shape_cast %mul3A_561 : vector<16xf32> to vector<1x16xf32>
        tpu.vector_store %arg6[%swap3A_562, %swap3A_563], %swap3A_566 {strides = array<i32>} : memref<32x1024xf32, #tpu.memory_space<vmem>>, vector<1x16xf32>,
        %scan3A_567 = arith.constant 5 : i32
        %scan3A_568 = arith.addi %scan3A_470, %scan3A_567 : i32
        %mul3A_569 = arith.constant 1 : i32
        %mul3A_570 = arith.muli %scan3A_568, %mul3A_569 : i32
        %add3A_571 = arith.constant 0 : i32
        %add3A_572 = arith.addi %add3A_571, %mul3A_570 : i32
        %mul3A_573 = arith.constant 16 : i32
        %mul3A_574 = arith.muli %add3A_572, %mul3A_573 : i32
        %get3A_575 = arith.index_cast %add3A_464 : i32 to index
        %get3A_576 = arith.index_cast %mul3A_574 : i32 to index
        %get3A_577 = tpu.vector_load %arg6[%get3A_575, %get3A_576] {strides = array<i32>} : memref<32x1024xf32, #tpu.memory_space<vmem>>, vector<1x16xf32>,
        %get3A_578 = vector.shape_cast %get3A_577 : vector<1x16xf32> to vector<16xf32>
        %mul3A_579 = arith.constant 3.200000e+01 : f32
        %mul3A_580 = vector.broadcast %mul3A_579 : f32 to vector<16xf32>
        %mul3A_581 = arith.mulf %get3A_578, %mul3A_580 : vector<16xf32>
        %swap3A_582 = arith.index_cast %add3A_464 : i32 to index
        %swap3A_583 = arith.index_cast %mul3A_574 : i32 to index
        %swap3A_584 = tpu.vector_load %arg6[%swap3A_582, %swap3A_583] {strides = array<i32>} : memref<32x1024xf32, #tpu.memory_space<vmem>>, vector<1x16xf32>,
        %swap3A_585 = vector.shape_cast %swap3A_584 : vector<1x16xf32> to vector<16xf32>
        %swap3A_586 = vector.shape_cast %mul3A_581 : vector<16xf32> to vector<1x16xf32>
        tpu.vector_store %arg6[%swap3A_582, %swap3A_583], %swap3A_586 {strides = array<i32>} : memref<32x1024xf32, #tpu.memory_space<vmem>>, vector<1x16xf32>,
        %scan3A_587 = arith.constant 6 : i32
        %scan3A_588 = arith.addi %scan3A_470, %scan3A_587 : i32
        %mul3A_589 = arith.constant 1 : i32
        %mul3A_590 = arith.muli %scan3A_588, %mul3A_589 : i32
        %add3A_591 = arith.constant 0 : i32
        %add3A_592 = arith.addi %add3A_591, %mul3A_590 : i32
        %mul3A_593 = arith.constant 16 : i32
        %mul3A_594 = arith.muli %add3A_592, %mul3A_593 : i32
        %get3A_595 = arith.index_cast %add3A_464 : i32 to index
        %get3A_596 = arith.index_cast %mul3A_594 : i32 to index
        %get3A_597 = tpu.vector_load %arg6[%get3A_595, %get3A_596] {strides = array<i32>} : memref<32x1024xf32, #tpu.memory_space<vmem>>, vector<1x16xf32>,
        %get3A_598 = vector.shape_cast %get3A_597 : vector<1x16xf32> to vector<16xf32>
        %mul3A_599 = arith.constant 3.200000e+01 : f32
        %mul3A_600 = vector.broadcast %mul3A_599 : f32 to vector<16xf32>
        %mul3A_601 = arith.mulf %get3A_598, %mul3A_600 : vector<16xf32>
        %swap3A_602 = arith.index_cast %add3A_464 : i32 to index
        %swap3A_603 = arith.index_cast %mul3A_594 : i32 to index
        %swap3A_604 = tpu.vector_load %arg6[%swap3A_602, %swap3A_603] {strides = array<i32>} : memref<32x1024xf32, #tpu.memory_space<vmem>>, vector<1x16xf32>,
        %swap3A_605 = vector.shape_cast %swap3A_604 : vector<1x16xf32> to vector<16xf32>
        %swap3A_606 = vector.shape_cast %mul3A_601 : vector<16xf32> to vector<1x16xf32>
        tpu.vector_store %arg6[%swap3A_602, %swap3A_603], %swap3A_606 {strides = array<i32>} : memref<32x1024xf32, #tpu.memory_space<vmem>>, vector<1x16xf32>,
        %scan3A_607 = arith.constant 7 : i32
        %scan3A_608 = arith.addi %scan3A_470, %scan3A_607 : i32
        %mul3A_609 = arith.constant 1 : i32
        %mul3A_610 = arith.muli %scan3A_608, %mul3A_609 : i32
        %add3A_611 = arith.constant 0 : i32
        %add3A_612 = arith.addi %add3A_611, %mul3A_610 : i32
        %mul3A_613 = arith.constant 16 : i32
        %mul3A_614 = arith.muli %add3A_612, %mul3A_613 : i32
        %get3A_615 = arith.index_cast %add3A_464 : i32 to index
        %get3A_616 = arith.index_cast %mul3A_614 : i32 to index
        %get3A_617 = tpu.vector_load %arg6[%get3A_615, %get3A_616] {strides = array<i32>} : memref<32x1024xf32, #tpu.memory_space<vmem>>, vector<1x16xf32>,
        %get3A_618 = vector.shape_cast %get3A_617 : vector<1x16xf32> to vector<16xf32>
        %mul3A_619 = arith.constant 3.200000e+01 : f32
        %mul3A_620 = vector.broadcast %mul3A_619 : f32 to vector<16xf32>
        %mul3A_621 = arith.mulf %get3A_618, %mul3A_620 : vector<16xf32>
        %swap3A_622 = arith.index_cast %add3A_464 : i32 to index
        %swap3A_623 = arith.index_cast %mul3A_614 : i32 to index
        %swap3A_624 = tpu.vector_load %arg6[%swap3A_622, %swap3A_623] {strides = array<i32>} : memref<32x1024xf32, #tpu.memory_space<vmem>>, vector<1x16xf32>,
        %swap3A_625 = vector.shape_cast %swap3A_624 : vector<1x16xf32> to vector<16xf32>
        %swap3A_626 = vector.shape_cast %mul3A_621 : vector<16xf32> to vector<1x16xf32>
        tpu.vector_store %arg6[%swap3A_622, %swap3A_623], %swap3A_626 {strides = array<i32>} : memref<32x1024xf32, #tpu.memory_space<vmem>>, vector<1x16xf32>,
      }
      %scan3A_469 = arith.constant 64 : i32
    }
    %scan3A_380 = arith.constant 32 : i32
    %add3A_381 = arith.constant 384 : i32
    %add3A_382 = arith.addi %mul3A_2, %add3A_381 : i32
    %dma_start3A_383 = arith.constant 0 : i32
    %dma_start3A_384 = tpu.memref_slice %arg4[%add3A_382, %dma_start3A_383] : memref<16384x1024xf32, #tpu.memory_space<hbm>> -> memref<32x1024xf32, #tpu.memory_space<hbm>>
    %dma_start3A_385 = arith.constant 0 : i32
    %dma_start3A_386 = tpu.memref_slice %arg4[%add3A_382, %dma_start3A_385] : memref<16384x1024xf32, #tpu.memory_space<hbm>> -> memref<32x1024xf32, #tpu.memory_space<hbm>>
    tpu.enqueue_dma source(%arg6 : memref<32x1024xf32, #tpu.memory_space<vmem>>) target(%dma_start3A_386 : memref<32x1024xf32, #tpu.memory_space<hbm>>) target_semaphore(%arg12 : memref<!tpu.dma_semaphore, #tpu.memory_space<semaphore_mem>>)
    %dma_wait3A_387 = arith.constant 13 : i32
    %dma_wait3A_388 = arith.constant 0 : i32
    %dma_wait3A_389 = tpu.memref_slice %arg5[%dma_wait3A_387, %dma_wait3A_388] : memref<16x32xi32, #tpu.memory_space<vmem>> -> memref<1x32xi32, #tpu.memory_space<vmem>>
    %dma_wait3A_390 = tpu.memref_squeeze %dma_wait3A_389 : memref<1x32xi32, #tpu.memory_space<vmem>> -> memref<32xi32, #tpu.memory_space<vmem>>
    %dma_wait3A_391 = arith.constant 0 : i32
    %dma_wait3A_392 = arith.constant 0 : i32
    %dma_wait3A_393 = tpu.memref_slice %arg3[%dma_wait3A_391, %dma_wait3A_392] : memref<100000x1024xf32, #tpu.memory_space<hbm>> -> memref<100000x1024xf32, #tpu.memory_space<hbm>>
    tpu.wait_indirect_dma semaphore(%arg10 : memref<!tpu.dma_semaphore, #tpu.memory_space<semaphore_mem>>) src(%dma_wait3A_393 : memref<100000x1024xf32, #tpu.memory_space<hbm>>) dst(%arg7 : memref<32x1024xf32, #tpu.memory_space<vmem>>)
    %dma_wait3A_394 = arith.constant 0 : i32
    %dma_wait3A_395 = tpu.memref_slice %arg4[%add3A_382, %dma_wait3A_394] : memref<16384x1024xf32, #tpu.memory_space<hbm>> -> memref<32x1024xf32, #tpu.memory_space<hbm>>
    %dma_wait3A_396 = arith.constant 0 : i32
    %dma_wait3A_397 = tpu.memref_slice %arg4[%add3A_382, %dma_wait3A_396] : memref<16384x1024xf32, #tpu.memory_space<hbm>> -> memref<32x1024xf32, #tpu.memory_space<hbm>>
    tpu.wait_dma2 semaphore(%arg12 : memref<!tpu.dma_semaphore, #tpu.memory_space<semaphore_mem>>) src(%arg6 : memref<32x1024xf32, #tpu.memory_space<vmem>>) dst(%dma_wait3A_397 : memref<32x1024xf32, #tpu.memory_space<hbm>>)
    %dma_start3A_398 = arith.constant 15 : i32
    %dma_start3A_399 = arith.constant 0 : i32
    %dma_start3A_400 = tpu.memref_slice %arg5[%dma_start3A_398, %dma_start3A_399] : memref<16x32xi32, #tpu.memory_space<vmem>> -> memref<1x32xi32, #tpu.memory_space<vmem>>
    %dma_start3A_401 = tpu.memref_squeeze %dma_start3A_400 : memref<1x32xi32, #tpu.memory_space<vmem>> -> memref<32xi32, #tpu.memory_space<vmem>>
    %dma_start3A_402 = arith.constant 0 : i32
    %dma_start3A_403 = arith.constant 0 : i32
    %dma_start3A_404 = tpu.memref_slice %arg3[%dma_start3A_402, %dma_start3A_403] : memref<100000x1024xf32, #tpu.memory_space<hbm>> -> memref<100000x1024xf32, #tpu.memory_space<hbm>>
    tpu.enqueue_indirect_dma source(%dma_start3A_404 : memref<100000x1024xf32, #tpu.memory_space<hbm>>) target(%arg6 : memref<32x1024xf32, #tpu.memory_space<vmem>>) offsets(%dma_start3A_401 : memref<32xi32, #tpu.memory_space<vmem>>) semaphore(%arg9 : memref<!tpu.dma_semaphore, #tpu.memory_space<semaphore_mem>>)
    %scan3A_405 = arith.constant 0 : i32
    %scan3A_406 = arith.constant 32 : i32
    %scan3A_407 = arith.addi %scan3A_405, %scan3A_406 : i32
    %scan3A_408 = arith.constant 1 : i32
    scf.for %scan3A_460 = %scan3A_405 to %scan3A_407 step %scan3A_408  : i32 {
      %mul3A_461 = arith.constant 1 : i32
      %mul3A_462 = arith.muli %scan3A_460, %mul3A_461 : i32
      %add3A_463 = arith.constant 0 : i32
      %add3A_464 = arith.addi %add3A_463, %mul3A_462 : i32
      %scan3A_465 = arith.constant 0 : i32
      %scan3A_466 = arith.constant 64 : i32
      %scan3A_467 = arith.addi %scan3A_465, %scan3A_466 : i32
      %scan3A_468 = arith.constant 8 : i32
      scf.for %scan3A_470 = %scan3A_465 to %scan3A_467 step %scan3A_468  : i32 {
        %mul3A_471 = arith.constant 1 : i32
        %mul3A_472 = arith.muli %scan3A_470, %mul3A_471 : i32
        %add3A_473 = arith.constant 0 : i32
        %add3A_474 = arith.addi %add3A_473, %mul3A_472 : i32
        %mul3A_475 = arith.constant 16 : i32
        %mul3A_476 = arith.muli %add3A_474, %mul3A_475 : i32
        %get3A = arith.index_cast %add3A_464 : i32 to index
        %get3A_477 = arith.index_cast %mul3A_476 : i32 to index
        %get3A_478 = tpu.vector_load %arg7[%get3A, %get3A_477] {strides = array<i32>} : memref<32x1024xf32, #tpu.memory_space<vmem>>, vector<1x16xf32>,
        %get3A_479 = vector.shape_cast %get3A_478 : vector<1x16xf32> to vector<16xf32>
        %mul3A_480 = arith.constant 3.200000e+01 : f32
        %mul3A_481 = vector.broadcast %mul3A_480 : f32 to vector<16xf32>
        %mul3A_482 = arith.mulf %get3A_479, %mul3A_481 : vector<16xf32>
        %swap3A = arith.index_cast %add3A_464 : i32 to index
        %swap3A_483 = arith.index_cast %mul3A_476 : i32 to index
        %swap3A_484 = tpu.vector_load %arg7[%swap3A, %swap3A_483] {strides = array<i32>} : memref<32x1024xf32, #tpu.memory_space<vmem>>, vector<1x16xf32>,
        %swap3A_485 = vector.shape_cast %swap3A_484 : vector<1x16xf32> to vector<16xf32>
        %swap3A_486 = vector.shape_cast %mul3A_482 : vector<16xf32> to vector<1x16xf32>
        tpu.vector_store %arg7[%swap3A, %swap3A_483], %swap3A_486 {strides = array<i32>} : memref<32x1024xf32, #tpu.memory_space<vmem>>, vector<1x16xf32>,
        %scan3A_487 = arith.constant 1 : i32
        %scan3A_488 = arith.addi %scan3A_470, %scan3A_487 : i32
        %mul3A_489 = arith.constant 1 : i32
        %mul3A_490 = arith.muli %scan3A_488, %mul3A_489 : i32
        %add3A_491 = arith.constant 0 : i32
        %add3A_492 = arith.addi %add3A_491, %mul3A_490 : i32
        %mul3A_493 = arith.constant 16 : i32
        %mul3A_494 = arith.muli %add3A_492, %mul3A_493 : i32
        %get3A_495 = arith.index_cast %add3A_464 : i32 to index
        %get3A_496 = arith.index_cast %mul3A_494 : i32 to index
        %get3A_497 = tpu.vector_load %arg7[%get3A_495, %get3A_496] {strides = array<i32>} : memref<32x1024xf32, #tpu.memory_space<vmem>>, vector<1x16xf32>,
        %get3A_498 = vector.shape_cast %get3A_497 : vector<1x16xf32> to vector<16xf32>
        %mul3A_499 = arith.constant 3.200000e+01 : f32
        %mul3A_500 = vector.broadcast %mul3A_499 : f32 to vector<16xf32>
        %mul3A_501 = arith.mulf %get3A_498, %mul3A_500 : vector<16xf32>
        %swap3A_502 = arith.index_cast %add3A_464 : i32 to index
        %swap3A_503 = arith.index_cast %mul3A_494 : i32 to index
        %swap3A_504 = tpu.vector_load %arg7[%swap3A_502, %swap3A_503] {strides = array<i32>} : memref<32x1024xf32, #tpu.memory_space<vmem>>, vector<1x16xf32>,
        %swap3A_505 = vector.shape_cast %swap3A_504 : vector<1x16xf32> to vector<16xf32>
        %swap3A_506 = vector.shape_cast %mul3A_501 : vector<16xf32> to vector<1x16xf32>
        tpu.vector_store %arg7[%swap3A_502, %swap3A_503], %swap3A_506 {strides = array<i32>} : memref<32x1024xf32, #tpu.memory_space<vmem>>, vector<1x16xf32>,
        %scan3A_507 = arith.constant 2 : i32
        %scan3A_508 = arith.addi %scan3A_470, %scan3A_507 : i32
        %mul3A_509 = arith.constant 1 : i32
        %mul3A_510 = arith.muli %scan3A_508, %mul3A_509 : i32
        %add3A_511 = arith.constant 0 : i32
        %add3A_512 = arith.addi %add3A_511, %mul3A_510 : i32
        %mul3A_513 = arith.constant 16 : i32
        %mul3A_514 = arith.muli %add3A_512, %mul3A_513 : i32
        %get3A_515 = arith.index_cast %add3A_464 : i32 to index
        %get3A_516 = arith.index_cast %mul3A_514 : i32 to index
        %get3A_517 = tpu.vector_load %arg7[%get3A_515, %get3A_516] {strides = array<i32>} : memref<32x1024xf32, #tpu.memory_space<vmem>>, vector<1x16xf32>,
        %get3A_518 = vector.shape_cast %get3A_517 : vector<1x16xf32> to vector<16xf32>
        %mul3A_519 = arith.constant 3.200000e+01 : f32
        %mul3A_520 = vector.broadcast %mul3A_519 : f32 to vector<16xf32>
        %mul3A_521 = arith.mulf %get3A_518, %mul3A_520 : vector<16xf32>
        %swap3A_522 = arith.index_cast %add3A_464 : i32 to index
        %swap3A_523 = arith.index_cast %mul3A_514 : i32 to index
        %swap3A_524 = tpu.vector_load %arg7[%swap3A_522, %swap3A_523] {strides = array<i32>} : memref<32x1024xf32, #tpu.memory_space<vmem>>, vector<1x16xf32>,
        %swap3A_525 = vector.shape_cast %swap3A_524 : vector<1x16xf32> to vector<16xf32>
        %swap3A_526 = vector.shape_cast %mul3A_521 : vector<16xf32> to vector<1x16xf32>
        tpu.vector_store %arg7[%swap3A_522, %swap3A_523], %swap3A_526 {strides = array<i32>} : memref<32x1024xf32, #tpu.memory_space<vmem>>, vector<1x16xf32>,
        %scan3A_527 = arith.constant 3 : i32
        %scan3A_528 = arith.addi %scan3A_470, %scan3A_527 : i32
        %mul3A_529 = arith.constant 1 : i32
        %mul3A_530 = arith.muli %scan3A_528, %mul3A_529 : i32
        %add3A_531 = arith.constant 0 : i32
        %add3A_532 = arith.addi %add3A_531, %mul3A_530 : i32
        %mul3A_533 = arith.constant 16 : i32
        %mul3A_534 = arith.muli %add3A_532, %mul3A_533 : i32
        %get3A_535 = arith.index_cast %add3A_464 : i32 to index
        %get3A_536 = arith.index_cast %mul3A_534 : i32 to index
        %get3A_537 = tpu.vector_load %arg7[%get3A_535, %get3A_536] {strides = array<i32>} : memref<32x1024xf32, #tpu.memory_space<vmem>>, vector<1x16xf32>,
        %get3A_538 = vector.shape_cast %get3A_537 : vector<1x16xf32> to vector<16xf32>
        %mul3A_539 = arith.constant 3.200000e+01 : f32
        %mul3A_540 = vector.broadcast %mul3A_539 : f32 to vector<16xf32>
        %mul3A_541 = arith.mulf %get3A_538, %mul3A_540 : vector<16xf32>
        %swap3A_542 = arith.index_cast %add3A_464 : i32 to index
        %swap3A_543 = arith.index_cast %mul3A_534 : i32 to index
        %swap3A_544 = tpu.vector_load %arg7[%swap3A_542, %swap3A_543] {strides = array<i32>} : memref<32x1024xf32, #tpu.memory_space<vmem>>, vector<1x16xf32>,
        %swap3A_545 = vector.shape_cast %swap3A_544 : vector<1x16xf32> to vector<16xf32>
        %swap3A_546 = vector.shape_cast %mul3A_541 : vector<16xf32> to vector<1x16xf32>
        tpu.vector_store %arg7[%swap3A_542, %swap3A_543], %swap3A_546 {strides = array<i32>} : memref<32x1024xf32, #tpu.memory_space<vmem>>, vector<1x16xf32>,
        %scan3A_547 = arith.constant 4 : i32
        %scan3A_548 = arith.addi %scan3A_470, %scan3A_547 : i32
        %mul3A_549 = arith.constant 1 : i32
        %mul3A_550 = arith.muli %scan3A_548, %mul3A_549 : i32
        %add3A_551 = arith.constant 0 : i32
        %add3A_552 = arith.addi %add3A_551, %mul3A_550 : i32
        %mul3A_553 = arith.constant 16 : i32
        %mul3A_554 = arith.muli %add3A_552, %mul3A_553 : i32
        %get3A_555 = arith.index_cast %add3A_464 : i32 to index
        %get3A_556 = arith.index_cast %mul3A_554 : i32 to index
        %get3A_557 = tpu.vector_load %arg7[%get3A_555, %get3A_556] {strides = array<i32>} : memref<32x1024xf32, #tpu.memory_space<vmem>>, vector<1x16xf32>,
        %get3A_558 = vector.shape_cast %get3A_557 : vector<1x16xf32> to vector<16xf32>
        %mul3A_559 = arith.constant 3.200000e+01 : f32
        %mul3A_560 = vector.broadcast %mul3A_559 : f32 to vector<16xf32>
        %mul3A_561 = arith.mulf %get3A_558, %mul3A_560 : vector<16xf32>
        %swap3A_562 = arith.index_cast %add3A_464 : i32 to index
        %swap3A_563 = arith.index_cast %mul3A_554 : i32 to index
        %swap3A_564 = tpu.vector_load %arg7[%swap3A_562, %swap3A_563] {strides = array<i32>} : memref<32x1024xf32, #tpu.memory_space<vmem>>, vector<1x16xf32>,
        %swap3A_565 = vector.shape_cast %swap3A_564 : vector<1x16xf32> to vector<16xf32>
        %swap3A_566 = vector.shape_cast %mul3A_561 : vector<16xf32> to vector<1x16xf32>
        tpu.vector_store %arg7[%swap3A_562, %swap3A_563], %swap3A_566 {strides = array<i32>} : memref<32x1024xf32, #tpu.memory_space<vmem>>, vector<1x16xf32>,
        %scan3A_567 = arith.constant 5 : i32
        %scan3A_568 = arith.addi %scan3A_470, %scan3A_567 : i32
        %mul3A_569 = arith.constant 1 : i32
        %mul3A_570 = arith.muli %scan3A_568, %mul3A_569 : i32
        %add3A_571 = arith.constant 0 : i32
        %add3A_572 = arith.addi %add3A_571, %mul3A_570 : i32
        %mul3A_573 = arith.constant 16 : i32
        %mul3A_574 = arith.muli %add3A_572, %mul3A_573 : i32
        %get3A_575 = arith.index_cast %add3A_464 : i32 to index
        %get3A_576 = arith.index_cast %mul3A_574 : i32 to index
        %get3A_577 = tpu.vector_load %arg7[%get3A_575, %get3A_576] {strides = array<i32>} : memref<32x1024xf32, #tpu.memory_space<vmem>>, vector<1x16xf32>,
        %get3A_578 = vector.shape_cast %get3A_577 : vector<1x16xf32> to vector<16xf32>
        %mul3A_579 = arith.constant 3.200000e+01 : f32
        %mul3A_580 = vector.broadcast %mul3A_579 : f32 to vector<16xf32>
        %mul3A_581 = arith.mulf %get3A_578, %mul3A_580 : vector<16xf32>
        %swap3A_582 = arith.index_cast %add3A_464 : i32 to index
        %swap3A_583 = arith.index_cast %mul3A_574 : i32 to index
        %swap3A_584 = tpu.vector_load %arg7[%swap3A_582, %swap3A_583] {strides = array<i32>} : memref<32x1024xf32, #tpu.memory_space<vmem>>, vector<1x16xf32>,
        %swap3A_585 = vector.shape_cast %swap3A_584 : vector<1x16xf32> to vector<16xf32>
        %swap3A_586 = vector.shape_cast %mul3A_581 : vector<16xf32> to vector<1x16xf32>
        tpu.vector_store %arg7[%swap3A_582, %swap3A_583], %swap3A_586 {strides = array<i32>} : memref<32x1024xf32, #tpu.memory_space<vmem>>, vector<1x16xf32>,
        %scan3A_587 = arith.constant 6 : i32
        %scan3A_588 = arith.addi %scan3A_470, %scan3A_587 : i32
        %mul3A_589 = arith.constant 1 : i32
        %mul3A_590 = arith.muli %scan3A_588, %mul3A_589 : i32
        %add3A_591 = arith.constant 0 : i32
        %add3A_592 = arith.addi %add3A_591, %mul3A_590 : i32
        %mul3A_593 = arith.constant 16 : i32
        %mul3A_594 = arith.muli %add3A_592, %mul3A_593 : i32
        %get3A_595 = arith.index_cast %add3A_464 : i32 to index
        %get3A_596 = arith.index_cast %mul3A_594 : i32 to index
        %get3A_597 = tpu.vector_load %arg7[%get3A_595, %get3A_596] {strides = array<i32>} : memref<32x1024xf32, #tpu.memory_space<vmem>>, vector<1x16xf32>,
        %get3A_598 = vector.shape_cast %get3A_597 : vector<1x16xf32> to vector<16xf32>
        %mul3A_599 = arith.constant 3.200000e+01 : f32
        %mul3A_600 = vector.broadcast %mul3A_599 : f32 to vector<16xf32>
        %mul3A_601 = arith.mulf %get3A_598, %mul3A_600 : vector<16xf32>
        %swap3A_602 = arith.index_cast %add3A_464 : i32 to index
        %swap3A_603 = arith.index_cast %mul3A_594 : i32 to index
        %swap3A_604 = tpu.vector_load %arg7[%swap3A_602, %swap3A_603] {strides = array<i32>} : memref<32x1024xf32, #tpu.memory_space<vmem>>, vector<1x16xf32>,
        %swap3A_605 = vector.shape_cast %swap3A_604 : vector<1x16xf32> to vector<16xf32>
        %swap3A_606 = vector.shape_cast %mul3A_601 : vector<16xf32> to vector<1x16xf32>
        tpu.vector_store %arg7[%swap3A_602, %swap3A_603], %swap3A_606 {strides = array<i32>} : memref<32x1024xf32, #tpu.memory_space<vmem>>, vector<1x16xf32>,
        %scan3A_607 = arith.constant 7 : i32
        %scan3A_608 = arith.addi %scan3A_470, %scan3A_607 : i32
        %mul3A_609 = arith.constant 1 : i32
        %mul3A_610 = arith.muli %scan3A_608, %mul3A_609 : i32
        %add3A_611 = arith.constant 0 : i32
        %add3A_612 = arith.addi %add3A_611, %mul3A_610 : i32
        %mul3A_613 = arith.constant 16 : i32
        %mul3A_614 = arith.muli %add3A_612, %mul3A_613 : i32
        %get3A_615 = arith.index_cast %add3A_464 : i32 to index
        %get3A_616 = arith.index_cast %mul3A_614 : i32 to index
        %get3A_617 = tpu.vector_load %arg7[%get3A_615, %get3A_616] {strides = array<i32>} : memref<32x1024xf32, #tpu.memory_space<vmem>>, vector<1x16xf32>,
        %get3A_618 = vector.shape_cast %get3A_617 : vector<1x16xf32> to vector<16xf32>
        %mul3A_619 = arith.constant 3.200000e+01 : f32
        %mul3A_620 = vector.broadcast %mul3A_619 : f32 to vector<16xf32>
        %mul3A_621 = arith.mulf %get3A_618, %mul3A_620 : vector<16xf32>
        %swap3A_622 = arith.index_cast %add3A_464 : i32 to index
        %swap3A_623 = arith.index_cast %mul3A_614 : i32 to index
        %swap3A_624 = tpu.vector_load %arg7[%swap3A_622, %swap3A_623] {strides = array<i32>} : memref<32x1024xf32, #tpu.memory_space<vmem>>, vector<1x16xf32>,
        %swap3A_625 = vector.shape_cast %swap3A_624 : vector<1x16xf32> to vector<16xf32>
        %swap3A_626 = vector.shape_cast %mul3A_621 : vector<16xf32> to vector<1x16xf32>
        tpu.vector_store %arg7[%swap3A_622, %swap3A_623], %swap3A_626 {strides = array<i32>} : memref<32x1024xf32, #tpu.memory_space<vmem>>, vector<1x16xf32>,
      }
      %scan3A_469 = arith.constant 64 : i32
    }
    %scan3A_409 = arith.constant 32 : i32
    %add3A_410 = arith.constant 416 : i32
    %add3A_411 = arith.addi %mul3A_2, %add3A_410 : i32
    %dma_start3A_412 = arith.constant 0 : i32
    %dma_start3A_413 = tpu.memref_slice %arg4[%add3A_411, %dma_start3A_412] : memref<16384x1024xf32, #tpu.memory_space<hbm>> -> memref<32x1024xf32, #tpu.memory_space<hbm>>
    %dma_start3A_414 = arith.constant 0 : i32
    %dma_start3A_415 = tpu.memref_slice %arg4[%add3A_411, %dma_start3A_414] : memref<16384x1024xf32, #tpu.memory_space<hbm>> -> memref<32x1024xf32, #tpu.memory_space<hbm>>
    tpu.enqueue_dma source(%arg7 : memref<32x1024xf32, #tpu.memory_space<vmem>>) target(%dma_start3A_415 : memref<32x1024xf32, #tpu.memory_space<hbm>>) target_semaphore(%arg13 : memref<!tpu.dma_semaphore, #tpu.memory_space<semaphore_mem>>)
    %dma_wait3A_416 = arith.constant 14 : i32
    %dma_wait3A_417 = arith.constant 0 : i32
    %dma_wait3A_418 = tpu.memref_slice %arg5[%dma_wait3A_416, %dma_wait3A_417] : memref<16x32xi32, #tpu.memory_space<vmem>> -> memref<1x32xi32, #tpu.memory_space<vmem>>
    %dma_wait3A_419 = tpu.memref_squeeze %dma_wait3A_418 : memref<1x32xi32, #tpu.memory_space<vmem>> -> memref<32xi32, #tpu.memory_space<vmem>>
    %dma_wait3A_420 = arith.constant 0 : i32
    %dma_wait3A_421 = arith.constant 0 : i32
    %dma_wait3A_422 = tpu.memref_slice %arg3[%dma_wait3A_420, %dma_wait3A_421] : memref<100000x1024xf32, #tpu.memory_space<hbm>> -> memref<100000x1024xf32, #tpu.memory_space<hbm>>
    tpu.wait_indirect_dma semaphore(%arg11 : memref<!tpu.dma_semaphore, #tpu.memory_space<semaphore_mem>>) src(%dma_wait3A_422 : memref<100000x1024xf32, #tpu.memory_space<hbm>>) dst(%arg8 : memref<32x1024xf32, #tpu.memory_space<vmem>>)
    %scan3A_423 = arith.constant 0 : i32
    %scan3A_424 = arith.constant 32 : i32
    %scan3A_425 = arith.addi %scan3A_423, %scan3A_424 : i32
    %scan3A_426 = arith.constant 1 : i32
    scf.for %scan3A_460 = %scan3A_423 to %scan3A_425 step %scan3A_426  : i32 {
      %mul3A_461 = arith.constant 1 : i32
      %mul3A_462 = arith.muli %scan3A_460, %mul3A_461 : i32
      %add3A_463 = arith.constant 0 : i32
      %add3A_464 = arith.addi %add3A_463, %mul3A_462 : i32
      %scan3A_465 = arith.constant 0 : i32
      %scan3A_466 = arith.constant 64 : i32
      %scan3A_467 = arith.addi %scan3A_465, %scan3A_466 : i32
      %scan3A_468 = arith.constant 8 : i32
      scf.for %scan3A_470 = %scan3A_465 to %scan3A_467 step %scan3A_468  : i32 {
        %mul3A_471 = arith.constant 1 : i32
        %mul3A_472 = arith.muli %scan3A_470, %mul3A_471 : i32
        %add3A_473 = arith.constant 0 : i32
        %add3A_474 = arith.addi %add3A_473, %mul3A_472 : i32
        %mul3A_475 = arith.constant 16 : i32
        %mul3A_476 = arith.muli %add3A_474, %mul3A_475 : i32
        %get3A = arith.index_cast %add3A_464 : i32 to index
        %get3A_477 = arith.index_cast %mul3A_476 : i32 to index
        %get3A_478 = tpu.vector_load %arg8[%get3A, %get3A_477] {strides = array<i32>} : memref<32x1024xf32, #tpu.memory_space<vmem>>, vector<1x16xf32>,
        %get3A_479 = vector.shape_cast %get3A_478 : vector<1x16xf32> to vector<16xf32>
        %mul3A_480 = arith.constant 3.200000e+01 : f32
        %mul3A_481 = vector.broadcast %mul3A_480 : f32 to vector<16xf32>
        %mul3A_482 = arith.mulf %get3A_479, %mul3A_481 : vector<16xf32>
        %swap3A = arith.index_cast %add3A_464 : i32 to index
        %swap3A_483 = arith.index_cast %mul3A_476 : i32 to index
        %swap3A_484 = tpu.vector_load %arg8[%swap3A, %swap3A_483] {strides = array<i32>} : memref<32x1024xf32, #tpu.memory_space<vmem>>, vector<1x16xf32>,
        %swap3A_485 = vector.shape_cast %swap3A_484 : vector<1x16xf32> to vector<16xf32>
        %swap3A_486 = vector.shape_cast %mul3A_482 : vector<16xf32> to vector<1x16xf32>
        tpu.vector_store %arg8[%swap3A, %swap3A_483], %swap3A_486 {strides = array<i32>} : memref<32x1024xf32, #tpu.memory_space<vmem>>, vector<1x16xf32>,
        %scan3A_487 = arith.constant 1 : i32
        %scan3A_488 = arith.addi %scan3A_470, %scan3A_487 : i32
        %mul3A_489 = arith.constant 1 : i32
        %mul3A_490 = arith.muli %scan3A_488, %mul3A_489 : i32
        %add3A_491 = arith.constant 0 : i32
        %add3A_492 = arith.addi %add3A_491, %mul3A_490 : i32
        %mul3A_493 = arith.constant 16 : i32
        %mul3A_494 = arith.muli %add3A_492, %mul3A_493 : i32
        %get3A_495 = arith.index_cast %add3A_464 : i32 to index
        %get3A_496 = arith.index_cast %mul3A_494 : i32 to index
        %get3A_497 = tpu.vector_load %arg8[%get3A_495, %get3A_496] {strides = array<i32>} : memref<32x1024xf32, #tpu.memory_space<vmem>>, vector<1x16xf32>,
        %get3A_498 = vector.shape_cast %get3A_497 : vector<1x16xf32> to vector<16xf32>
        %mul3A_499 = arith.constant 3.200000e+01 : f32
        %mul3A_500 = vector.broadcast %mul3A_499 : f32 to vector<16xf32>
        %mul3A_501 = arith.mulf %get3A_498, %mul3A_500 : vector<16xf32>
        %swap3A_502 = arith.index_cast %add3A_464 : i32 to index
        %swap3A_503 = arith.index_cast %mul3A_494 : i32 to index
        %swap3A_504 = tpu.vector_load %arg8[%swap3A_502, %swap3A_503] {strides = array<i32>} : memref<32x1024xf32, #tpu.memory_space<vmem>>, vector<1x16xf32>,
        %swap3A_505 = vector.shape_cast %swap3A_504 : vector<1x16xf32> to vector<16xf32>
        %swap3A_506 = vector.shape_cast %mul3A_501 : vector<16xf32> to vector<1x16xf32>
        tpu.vector_store %arg8[%swap3A_502, %swap3A_503], %swap3A_506 {strides = array<i32>} : memref<32x1024xf32, #tpu.memory_space<vmem>>, vector<1x16xf32>,
        %scan3A_507 = arith.constant 2 : i32
        %scan3A_508 = arith.addi %scan3A_470, %scan3A_507 : i32
        %mul3A_509 = arith.constant 1 : i32
        %mul3A_510 = arith.muli %scan3A_508, %mul3A_509 : i32
        %add3A_511 = arith.constant 0 : i32
        %add3A_512 = arith.addi %add3A_511, %mul3A_510 : i32
        %mul3A_513 = arith.constant 16 : i32
        %mul3A_514 = arith.muli %add3A_512, %mul3A_513 : i32
        %get3A_515 = arith.index_cast %add3A_464 : i32 to index
        %get3A_516 = arith.index_cast %mul3A_514 : i32 to index
        %get3A_517 = tpu.vector_load %arg8[%get3A_515, %get3A_516] {strides = array<i32>} : memref<32x1024xf32, #tpu.memory_space<vmem>>, vector<1x16xf32>,
        %get3A_518 = vector.shape_cast %get3A_517 : vector<1x16xf32> to vector<16xf32>
        %mul3A_519 = arith.constant 3.200000e+01 : f32
        %mul3A_520 = vector.broadcast %mul3A_519 : f32 to vector<16xf32>
        %mul3A_521 = arith.mulf %get3A_518, %mul3A_520 : vector<16xf32>
        %swap3A_522 = arith.index_cast %add3A_464 : i32 to index
        %swap3A_523 = arith.index_cast %mul3A_514 : i32 to index
        %swap3A_524 = tpu.vector_load %arg8[%swap3A_522, %swap3A_523] {strides = array<i32>} : memref<32x1024xf32, #tpu.memory_space<vmem>>, vector<1x16xf32>,
        %swap3A_525 = vector.shape_cast %swap3A_524 : vector<1x16xf32> to vector<16xf32>
        %swap3A_526 = vector.shape_cast %mul3A_521 : vector<16xf32> to vector<1x16xf32>
        tpu.vector_store %arg8[%swap3A_522, %swap3A_523], %swap3A_526 {strides = array<i32>} : memref<32x1024xf32, #tpu.memory_space<vmem>>, vector<1x16xf32>,
        %scan3A_527 = arith.constant 3 : i32
        %scan3A_528 = arith.addi %scan3A_470, %scan3A_527 : i32
        %mul3A_529 = arith.constant 1 : i32
        %mul3A_530 = arith.muli %scan3A_528, %mul3A_529 : i32
        %add3A_531 = arith.constant 0 : i32
        %add3A_532 = arith.addi %add3A_531, %mul3A_530 : i32
        %mul3A_533 = arith.constant 16 : i32
        %mul3A_534 = arith.muli %add3A_532, %mul3A_533 : i32
        %get3A_535 = arith.index_cast %add3A_464 : i32 to index
        %get3A_536 = arith.index_cast %mul3A_534 : i32 to index
        %get3A_537 = tpu.vector_load %arg8[%get3A_535, %get3A_536] {strides = array<i32>} : memref<32x1024xf32, #tpu.memory_space<vmem>>, vector<1x16xf32>,
        %get3A_538 = vector.shape_cast %get3A_537 : vector<1x16xf32> to vector<16xf32>
        %mul3A_539 = arith.constant 3.200000e+01 : f32
        %mul3A_540 = vector.broadcast %mul3A_539 : f32 to vector<16xf32>
        %mul3A_541 = arith.mulf %get3A_538, %mul3A_540 : vector<16xf32>
        %swap3A_542 = arith.index_cast %add3A_464 : i32 to index
        %swap3A_543 = arith.index_cast %mul3A_534 : i32 to index
        %swap3A_544 = tpu.vector_load %arg8[%swap3A_542, %swap3A_543] {strides = array<i32>} : memref<32x1024xf32, #tpu.memory_space<vmem>>, vector<1x16xf32>,
        %swap3A_545 = vector.shape_cast %swap3A_544 : vector<1x16xf32> to vector<16xf32>
        %swap3A_546 = vector.shape_cast %mul3A_541 : vector<16xf32> to vector<1x16xf32>
        tpu.vector_store %arg8[%swap3A_542, %swap3A_543], %swap3A_546 {strides = array<i32>} : memref<32x1024xf32, #tpu.memory_space<vmem>>, vector<1x16xf32>,
        %scan3A_547 = arith.constant 4 : i32
        %scan3A_548 = arith.addi %scan3A_470, %scan3A_547 : i32
        %mul3A_549 = arith.constant 1 : i32
        %mul3A_550 = arith.muli %scan3A_548, %mul3A_549 : i32
        %add3A_551 = arith.constant 0 : i32
        %add3A_552 = arith.addi %add3A_551, %mul3A_550 : i32
        %mul3A_553 = arith.constant 16 : i32
        %mul3A_554 = arith.muli %add3A_552, %mul3A_553 : i32
        %get3A_555 = arith.index_cast %add3A_464 : i32 to index
        %get3A_556 = arith.index_cast %mul3A_554 : i32 to index
        %get3A_557 = tpu.vector_load %arg8[%get3A_555, %get3A_556] {strides = array<i32>} : memref<32x1024xf32, #tpu.memory_space<vmem>>, vector<1x16xf32>,
        %get3A_558 = vector.shape_cast %get3A_557 : vector<1x16xf32> to vector<16xf32>
        %mul3A_559 = arith.constant 3.200000e+01 : f32
        %mul3A_560 = vector.broadcast %mul3A_559 : f32 to vector<16xf32>
        %mul3A_561 = arith.mulf %get3A_558, %mul3A_560 : vector<16xf32>
        %swap3A_562 = arith.index_cast %add3A_464 : i32 to index
        %swap3A_563 = arith.index_cast %mul3A_554 : i32 to index
        %swap3A_564 = tpu.vector_load %arg8[%swap3A_562, %swap3A_563] {strides = array<i32>} : memref<32x1024xf32, #tpu.memory_space<vmem>>, vector<1x16xf32>,
        %swap3A_565 = vector.shape_cast %swap3A_564 : vector<1x16xf32> to vector<16xf32>
        %swap3A_566 = vector.shape_cast %mul3A_561 : vector<16xf32> to vector<1x16xf32>
        tpu.vector_store %arg8[%swap3A_562, %swap3A_563], %swap3A_566 {strides = array<i32>} : memref<32x1024xf32, #tpu.memory_space<vmem>>, vector<1x16xf32>,
        %scan3A_567 = arith.constant 5 : i32
        %scan3A_568 = arith.addi %scan3A_470, %scan3A_567 : i32
        %mul3A_569 = arith.constant 1 : i32
        %mul3A_570 = arith.muli %scan3A_568, %mul3A_569 : i32
        %add3A_571 = arith.constant 0 : i32
        %add3A_572 = arith.addi %add3A_571, %mul3A_570 : i32
        %mul3A_573 = arith.constant 16 : i32
        %mul3A_574 = arith.muli %add3A_572, %mul3A_573 : i32
        %get3A_575 = arith.index_cast %add3A_464 : i32 to index
        %get3A_576 = arith.index_cast %mul3A_574 : i32 to index
        %get3A_577 = tpu.vector_load %arg8[%get3A_575, %get3A_576] {strides = array<i32>} : memref<32x1024xf32, #tpu.memory_space<vmem>>, vector<1x16xf32>,
        %get3A_578 = vector.shape_cast %get3A_577 : vector<1x16xf32> to vector<16xf32>
        %mul3A_579 = arith.constant 3.200000e+01 : f32
        %mul3A_580 = vector.broadcast %mul3A_579 : f32 to vector<16xf32>
        %mul3A_581 = arith.mulf %get3A_578, %mul3A_580 : vector<16xf32>
        %swap3A_582 = arith.index_cast %add3A_464 : i32 to index
        %swap3A_583 = arith.index_cast %mul3A_574 : i32 to index
        %swap3A_584 = tpu.vector_load %arg8[%swap3A_582, %swap3A_583] {strides = array<i32>} : memref<32x1024xf32, #tpu.memory_space<vmem>>, vector<1x16xf32>,
        %swap3A_585 = vector.shape_cast %swap3A_584 : vector<1x16xf32> to vector<16xf32>
        %swap3A_586 = vector.shape_cast %mul3A_581 : vector<16xf32> to vector<1x16xf32>
        tpu.vector_store %arg8[%swap3A_582, %swap3A_583], %swap3A_586 {strides = array<i32>} : memref<32x1024xf32, #tpu.memory_space<vmem>>, vector<1x16xf32>,
        %scan3A_587 = arith.constant 6 : i32
        %scan3A_588 = arith.addi %scan3A_470, %scan3A_587 : i32
        %mul3A_589 = arith.constant 1 : i32
        %mul3A_590 = arith.muli %scan3A_588, %mul3A_589 : i32
        %add3A_591 = arith.constant 0 : i32
        %add3A_592 = arith.addi %add3A_591, %mul3A_590 : i32
        %mul3A_593 = arith.constant 16 : i32
        %mul3A_594 = arith.muli %add3A_592, %mul3A_593 : i32
        %get3A_595 = arith.index_cast %add3A_464 : i32 to index
        %get3A_596 = arith.index_cast %mul3A_594 : i32 to index
        %get3A_597 = tpu.vector_load %arg8[%get3A_595, %get3A_596] {strides = array<i32>} : memref<32x1024xf32, #tpu.memory_space<vmem>>, vector<1x16xf32>,
        %get3A_598 = vector.shape_cast %get3A_597 : vector<1x16xf32> to vector<16xf32>
        %mul3A_599 = arith.constant 3.200000e+01 : f32
        %mul3A_600 = vector.broadcast %mul3A_599 : f32 to vector<16xf32>
        %mul3A_601 = arith.mulf %get3A_598, %mul3A_600 : vector<16xf32>
        %swap3A_602 = arith.index_cast %add3A_464 : i32 to index
        %swap3A_603 = arith.index_cast %mul3A_594 : i32 to index
        %swap3A_604 = tpu.vector_load %arg8[%swap3A_602, %swap3A_603] {strides = array<i32>} : memref<32x1024xf32, #tpu.memory_space<vmem>>, vector<1x16xf32>,
        %swap3A_605 = vector.shape_cast %swap3A_604 : vector<1x16xf32> to vector<16xf32>
        %swap3A_606 = vector.shape_cast %mul3A_601 : vector<16xf32> to vector<1x16xf32>
        tpu.vector_store %arg8[%swap3A_602, %swap3A_603], %swap3A_606 {strides = array<i32>} : memref<32x1024xf32, #tpu.memory_space<vmem>>, vector<1x16xf32>,
        %scan3A_607 = arith.constant 7 : i32
        %scan3A_608 = arith.addi %scan3A_470, %scan3A_607 : i32
        %mul3A_609 = arith.constant 1 : i32
        %mul3A_610 = arith.muli %scan3A_608, %mul3A_609 : i32
        %add3A_611 = arith.constant 0 : i32
        %add3A_612 = arith.addi %add3A_611, %mul3A_610 : i32
        %mul3A_613 = arith.constant 16 : i32
        %mul3A_614 = arith.muli %add3A_612, %mul3A_613 : i32
        %get3A_615 = arith.index_cast %add3A_464 : i32 to index
        %get3A_616 = arith.index_cast %mul3A_614 : i32 to index
        %get3A_617 = tpu.vector_load %arg8[%get3A_615, %get3A_616] {strides = array<i32>} : memref<32x1024xf32, #tpu.memory_space<vmem>>, vector<1x16xf32>,
        %get3A_618 = vector.shape_cast %get3A_617 : vector<1x16xf32> to vector<16xf32>
        %mul3A_619 = arith.constant 3.200000e+01 : f32
        %mul3A_620 = vector.broadcast %mul3A_619 : f32 to vector<16xf32>
        %mul3A_621 = arith.mulf %get3A_618, %mul3A_620 : vector<16xf32>
        %swap3A_622 = arith.index_cast %add3A_464 : i32 to index
        %swap3A_623 = arith.index_cast %mul3A_614 : i32 to index
        %swap3A_624 = tpu.vector_load %arg8[%swap3A_622, %swap3A_623] {strides = array<i32>} : memref<32x1024xf32, #tpu.memory_space<vmem>>, vector<1x16xf32>,
        %swap3A_625 = vector.shape_cast %swap3A_624 : vector<1x16xf32> to vector<16xf32>
        %swap3A_626 = vector.shape_cast %mul3A_621 : vector<16xf32> to vector<1x16xf32>
        tpu.vector_store %arg8[%swap3A_622, %swap3A_623], %swap3A_626 {strides = array<i32>} : memref<32x1024xf32, #tpu.memory_space<vmem>>, vector<1x16xf32>,
      }
      %scan3A_469 = arith.constant 64 : i32
    }
    %scan3A_427 = arith.constant 32 : i32
    %add3A_428 = arith.constant 448 : i32
    %add3A_429 = arith.addi %mul3A_2, %add3A_428 : i32
    %dma_start3A_430 = arith.constant 0 : i32
    %dma_start3A_431 = tpu.memref_slice %arg4[%add3A_429, %dma_start3A_430] : memref<16384x1024xf32, #tpu.memory_space<hbm>> -> memref<32x1024xf32, #tpu.memory_space<hbm>>
    %dma_start3A_432 = arith.constant 0 : i32
    %dma_start3A_433 = tpu.memref_slice %arg4[%add3A_429, %dma_start3A_432] : memref<16384x1024xf32, #tpu.memory_space<hbm>> -> memref<32x1024xf32, #tpu.memory_space<hbm>>
    tpu.enqueue_dma source(%arg8 : memref<32x1024xf32, #tpu.memory_space<vmem>>) target(%dma_start3A_433 : memref<32x1024xf32, #tpu.memory_space<hbm>>) target_semaphore(%arg14 : memref<!tpu.dma_semaphore, #tpu.memory_space<semaphore_mem>>)
    %dma_wait3A_434 = arith.constant 15 : i32
    %dma_wait3A_435 = arith.constant 0 : i32
    %dma_wait3A_436 = tpu.memref_slice %arg5[%dma_wait3A_434, %dma_wait3A_435] : memref<16x32xi32, #tpu.memory_space<vmem>> -> memref<1x32xi32, #tpu.memory_space<vmem>>
    %dma_wait3A_437 = tpu.memref_squeeze %dma_wait3A_436 : memref<1x32xi32, #tpu.memory_space<vmem>> -> memref<32xi32, #tpu.memory_space<vmem>>
    %dma_wait3A_438 = arith.constant 0 : i32
    %dma_wait3A_439 = arith.constant 0 : i32
    %dma_wait3A_440 = tpu.memref_slice %arg3[%dma_wait3A_438, %dma_wait3A_439] : memref<100000x1024xf32, #tpu.memory_space<hbm>> -> memref<100000x1024xf32, #tpu.memory_space<hbm>>
    tpu.wait_indirect_dma semaphore(%arg9 : memref<!tpu.dma_semaphore, #tpu.memory_space<semaphore_mem>>) src(%dma_wait3A_440 : memref<100000x1024xf32, #tpu.memory_space<hbm>>) dst(%arg6 : memref<32x1024xf32, #tpu.memory_space<vmem>>)
    %scan3A_441 = arith.constant 0 : i32
    %scan3A_442 = arith.constant 32 : i32
    %scan3A_443 = arith.addi %scan3A_441, %scan3A_442 : i32
    %scan3A_444 = arith.constant 1 : i32
    scf.for %scan3A_460 = %scan3A_441 to %scan3A_443 step %scan3A_444  : i32 {
      %mul3A_461 = arith.constant 1 : i32
      %mul3A_462 = arith.muli %scan3A_460, %mul3A_461 : i32
      %add3A_463 = arith.constant 0 : i32
      %add3A_464 = arith.addi %add3A_463, %mul3A_462 : i32
      %scan3A_465 = arith.constant 0 : i32
      %scan3A_466 = arith.constant 64 : i32
      %scan3A_467 = arith.addi %scan3A_465, %scan3A_466 : i32
      %scan3A_468 = arith.constant 8 : i32
      scf.for %scan3A_470 = %scan3A_465 to %scan3A_467 step %scan3A_468  : i32 {
        %mul3A_471 = arith.constant 1 : i32
        %mul3A_472 = arith.muli %scan3A_470, %mul3A_471 : i32
        %add3A_473 = arith.constant 0 : i32
        %add3A_474 = arith.addi %add3A_473, %mul3A_472 : i32
        %mul3A_475 = arith.constant 16 : i32
        %mul3A_476 = arith.muli %add3A_474, %mul3A_475 : i32
        %get3A = arith.index_cast %add3A_464 : i32 to index
        %get3A_477 = arith.index_cast %mul3A_476 : i32 to index
        %get3A_478 = tpu.vector_load %arg6[%get3A, %get3A_477] {strides = array<i32>} : memref<32x1024xf32, #tpu.memory_space<vmem>>, vector<1x16xf32>,
        %get3A_479 = vector.shape_cast %get3A_478 : vector<1x16xf32> to vector<16xf32>
        %mul3A_480 = arith.constant 3.200000e+01 : f32
        %mul3A_481 = vector.broadcast %mul3A_480 : f32 to vector<16xf32>
        %mul3A_482 = arith.mulf %get3A_479, %mul3A_481 : vector<16xf32>
        %swap3A = arith.index_cast %add3A_464 : i32 to index
        %swap3A_483 = arith.index_cast %mul3A_476 : i32 to index
        %swap3A_484 = tpu.vector_load %arg6[%swap3A, %swap3A_483] {strides = array<i32>} : memref<32x1024xf32, #tpu.memory_space<vmem>>, vector<1x16xf32>,
        %swap3A_485 = vector.shape_cast %swap3A_484 : vector<1x16xf32> to vector<16xf32>
        %swap3A_486 = vector.shape_cast %mul3A_482 : vector<16xf32> to vector<1x16xf32>
        tpu.vector_store %arg6[%swap3A, %swap3A_483], %swap3A_486 {strides = array<i32>} : memref<32x1024xf32, #tpu.memory_space<vmem>>, vector<1x16xf32>,
        %scan3A_487 = arith.constant 1 : i32
        %scan3A_488 = arith.addi %scan3A_470, %scan3A_487 : i32
        %mul3A_489 = arith.constant 1 : i32
        %mul3A_490 = arith.muli %scan3A_488, %mul3A_489 : i32
        %add3A_491 = arith.constant 0 : i32
        %add3A_492 = arith.addi %add3A_491, %mul3A_490 : i32
        %mul3A_493 = arith.constant 16 : i32
        %mul3A_494 = arith.muli %add3A_492, %mul3A_493 : i32
        %get3A_495 = arith.index_cast %add3A_464 : i32 to index
        %get3A_496 = arith.index_cast %mul3A_494 : i32 to index
        %get3A_497 = tpu.vector_load %arg6[%get3A_495, %get3A_496] {strides = array<i32>} : memref<32x1024xf32, #tpu.memory_space<vmem>>, vector<1x16xf32>,
        %get3A_498 = vector.shape_cast %get3A_497 : vector<1x16xf32> to vector<16xf32>
        %mul3A_499 = arith.constant 3.200000e+01 : f32
        %mul3A_500 = vector.broadcast %mul3A_499 : f32 to vector<16xf32>
        %mul3A_501 = arith.mulf %get3A_498, %mul3A_500 : vector<16xf32>
        %swap3A_502 = arith.index_cast %add3A_464 : i32 to index
        %swap3A_503 = arith.index_cast %mul3A_494 : i32 to index
        %swap3A_504 = tpu.vector_load %arg6[%swap3A_502, %swap3A_503] {strides = array<i32>} : memref<32x1024xf32, #tpu.memory_space<vmem>>, vector<1x16xf32>,
        %swap3A_505 = vector.shape_cast %swap3A_504 : vector<1x16xf32> to vector<16xf32>
        %swap3A_506 = vector.shape_cast %mul3A_501 : vector<16xf32> to vector<1x16xf32>
        tpu.vector_store %arg6[%swap3A_502, %swap3A_503], %swap3A_506 {strides = array<i32>} : memref<32x1024xf32, #tpu.memory_space<vmem>>, vector<1x16xf32>,
        %scan3A_507 = arith.constant 2 : i32
        %scan3A_508 = arith.addi %scan3A_470, %scan3A_507 : i32
        %mul3A_509 = arith.constant 1 : i32
        %mul3A_510 = arith.muli %scan3A_508, %mul3A_509 : i32
        %add3A_511 = arith.constant 0 : i32
        %add3A_512 = arith.addi %add3A_511, %mul3A_510 : i32
        %mul3A_513 = arith.constant 16 : i32
        %mul3A_514 = arith.muli %add3A_512, %mul3A_513 : i32
        %get3A_515 = arith.index_cast %add3A_464 : i32 to index
        %get3A_516 = arith.index_cast %mul3A_514 : i32 to index
        %get3A_517 = tpu.vector_load %arg6[%get3A_515, %get3A_516] {strides = array<i32>} : memref<32x1024xf32, #tpu.memory_space<vmem>>, vector<1x16xf32>,
        %get3A_518 = vector.shape_cast %get3A_517 : vector<1x16xf32> to vector<16xf32>
        %mul3A_519 = arith.constant 3.200000e+01 : f32
        %mul3A_520 = vector.broadcast %mul3A_519 : f32 to vector<16xf32>
        %mul3A_521 = arith.mulf %get3A_518, %mul3A_520 : vector<16xf32>
        %swap3A_522 = arith.index_cast %add3A_464 : i32 to index
        %swap3A_523 = arith.index_cast %mul3A_514 : i32 to index
        %swap3A_524 = tpu.vector_load %arg6[%swap3A_522, %swap3A_523] {strides = array<i32>} : memref<32x1024xf32, #tpu.memory_space<vmem>>, vector<1x16xf32>,
        %swap3A_525 = vector.shape_cast %swap3A_524 : vector<1x16xf32> to vector<16xf32>
        %swap3A_526 = vector.shape_cast %mul3A_521 : vector<16xf32> to vector<1x16xf32>
        tpu.vector_store %arg6[%swap3A_522, %swap3A_523], %swap3A_526 {strides = array<i32>} : memref<32x1024xf32, #tpu.memory_space<vmem>>, vector<1x16xf32>,
        %scan3A_527 = arith.constant 3 : i32
        %scan3A_528 = arith.addi %scan3A_470, %scan3A_527 : i32
        %mul3A_529 = arith.constant 1 : i32
        %mul3A_530 = arith.muli %scan3A_528, %mul3A_529 : i32
        %add3A_531 = arith.constant 0 : i32
        %add3A_532 = arith.addi %add3A_531, %mul3A_530 : i32
        %mul3A_533 = arith.constant 16 : i32
        %mul3A_534 = arith.muli %add3A_532, %mul3A_533 : i32
        %get3A_535 = arith.index_cast %add3A_464 : i32 to index
        %get3A_536 = arith.index_cast %mul3A_534 : i32 to index
        %get3A_537 = tpu.vector_load %arg6[%get3A_535, %get3A_536] {strides = array<i32>} : memref<32x1024xf32, #tpu.memory_space<vmem>>, vector<1x16xf32>,
        %get3A_538 = vector.shape_cast %get3A_537 : vector<1x16xf32> to vector<16xf32>
        %mul3A_539 = arith.constant 3.200000e+01 : f32
        %mul3A_540 = vector.broadcast %mul3A_539 : f32 to vector<16xf32>
        %mul3A_541 = arith.mulf %get3A_538, %mul3A_540 : vector<16xf32>
        %swap3A_542 = arith.index_cast %add3A_464 : i32 to index
        %swap3A_543 = arith.index_cast %mul3A_534 : i32 to index
        %swap3A_544 = tpu.vector_load %arg6[%swap3A_542, %swap3A_543] {strides = array<i32>} : memref<32x1024xf32, #tpu.memory_space<vmem>>, vector<1x16xf32>,
        %swap3A_545 = vector.shape_cast %swap3A_544 : vector<1x16xf32> to vector<16xf32>
        %swap3A_546 = vector.shape_cast %mul3A_541 : vector<16xf32> to vector<1x16xf32>
        tpu.vector_store %arg6[%swap3A_542, %swap3A_543], %swap3A_546 {strides = array<i32>} : memref<32x1024xf32, #tpu.memory_space<vmem>>, vector<1x16xf32>,
        %scan3A_547 = arith.constant 4 : i32
        %scan3A_548 = arith.addi %scan3A_470, %scan3A_547 : i32
        %mul3A_549 = arith.constant 1 : i32
        %mul3A_550 = arith.muli %scan3A_548, %mul3A_549 : i32
        %add3A_551 = arith.constant 0 : i32
        %add3A_552 = arith.addi %add3A_551, %mul3A_550 : i32
        %mul3A_553 = arith.constant 16 : i32
        %mul3A_554 = arith.muli %add3A_552, %mul3A_553 : i32
        %get3A_555 = arith.index_cast %add3A_464 : i32 to index
        %get3A_556 = arith.index_cast %mul3A_554 : i32 to index
        %get3A_557 = tpu.vector_load %arg6[%get3A_555, %get3A_556] {strides = array<i32>} : memref<32x1024xf32, #tpu.memory_space<vmem>>, vector<1x16xf32>,
        %get3A_558 = vector.shape_cast %get3A_557 : vector<1x16xf32> to vector<16xf32>
        %mul3A_559 = arith.constant 3.200000e+01 : f32
        %mul3A_560 = vector.broadcast %mul3A_559 : f32 to vector<16xf32>
        %mul3A_561 = arith.mulf %get3A_558, %mul3A_560 : vector<16xf32>
        %swap3A_562 = arith.index_cast %add3A_464 : i32 to index
        %swap3A_563 = arith.index_cast %mul3A_554 : i32 to index
        %swap3A_564 = tpu.vector_load %arg6[%swap3A_562, %swap3A_563] {strides = array<i32>} : memref<32x1024xf32, #tpu.memory_space<vmem>>, vector<1x16xf32>,
        %swap3A_565 = vector.shape_cast %swap3A_564 : vector<1x16xf32> to vector<16xf32>
        %swap3A_566 = vector.shape_cast %mul3A_561 : vector<16xf32> to vector<1x16xf32>
        tpu.vector_store %arg6[%swap3A_562, %swap3A_563], %swap3A_566 {strides = array<i32>} : memref<32x1024xf32, #tpu.memory_space<vmem>>, vector<1x16xf32>,
        %scan3A_567 = arith.constant 5 : i32
        %scan3A_568 = arith.addi %scan3A_470, %scan3A_567 : i32
        %mul3A_569 = arith.constant 1 : i32
        %mul3A_570 = arith.muli %scan3A_568, %mul3A_569 : i32
        %add3A_571 = arith.constant 0 : i32
        %add3A_572 = arith.addi %add3A_571, %mul3A_570 : i32
        %mul3A_573 = arith.constant 16 : i32
        %mul3A_574 = arith.muli %add3A_572, %mul3A_573 : i32
        %get3A_575 = arith.index_cast %add3A_464 : i32 to index
        %get3A_576 = arith.index_cast %mul3A_574 : i32 to index
        %get3A_577 = tpu.vector_load %arg6[%get3A_575, %get3A_576] {strides = array<i32>} : memref<32x1024xf32, #tpu.memory_space<vmem>>, vector<1x16xf32>,
        %get3A_578 = vector.shape_cast %get3A_577 : vector<1x16xf32> to vector<16xf32>
        %mul3A_579 = arith.constant 3.200000e+01 : f32
        %mul3A_580 = vector.broadcast %mul3A_579 : f32 to vector<16xf32>
        %mul3A_581 = arith.mulf %get3A_578, %mul3A_580 : vector<16xf32>
        %swap3A_582 = arith.index_cast %add3A_464 : i32 to index
        %swap3A_583 = arith.index_cast %mul3A_574 : i32 to index
        %swap3A_584 = tpu.vector_load %arg6[%swap3A_582, %swap3A_583] {strides = array<i32>} : memref<32x1024xf32, #tpu.memory_space<vmem>>, vector<1x16xf32>,
        %swap3A_585 = vector.shape_cast %swap3A_584 : vector<1x16xf32> to vector<16xf32>
        %swap3A_586 = vector.shape_cast %mul3A_581 : vector<16xf32> to vector<1x16xf32>
        tpu.vector_store %arg6[%swap3A_582, %swap3A_583], %swap3A_586 {strides = array<i32>} : memref<32x1024xf32, #tpu.memory_space<vmem>>, vector<1x16xf32>,
        %scan3A_587 = arith.constant 6 : i32
        %scan3A_588 = arith.addi %scan3A_470, %scan3A_587 : i32
        %mul3A_589 = arith.constant 1 : i32
        %mul3A_590 = arith.muli %scan3A_588, %mul3A_589 : i32
        %add3A_591 = arith.constant 0 : i32
        %add3A_592 = arith.addi %add3A_591, %mul3A_590 : i32
        %mul3A_593 = arith.constant 16 : i32
        %mul3A_594 = arith.muli %add3A_592, %mul3A_593 : i32
        %get3A_595 = arith.index_cast %add3A_464 : i32 to index
        %get3A_596 = arith.index_cast %mul3A_594 : i32 to index
        %get3A_597 = tpu.vector_load %arg6[%get3A_595, %get3A_596] {strides = array<i32>} : memref<32x1024xf32, #tpu.memory_space<vmem>>, vector<1x16xf32>,
        %get3A_598 = vector.shape_cast %get3A_597 : vector<1x16xf32> to vector<16xf32>
        %mul3A_599 = arith.constant 3.200000e+01 : f32
        %mul3A_600 = vector.broadcast %mul3A_599 : f32 to vector<16xf32>
        %mul3A_601 = arith.mulf %get3A_598, %mul3A_600 : vector<16xf32>
        %swap3A_602 = arith.index_cast %add3A_464 : i32 to index
        %swap3A_603 = arith.index_cast %mul3A_594 : i32 to index
        %swap3A_604 = tpu.vector_load %arg6[%swap3A_602, %swap3A_603] {strides = array<i32>} : memref<32x1024xf32, #tpu.memory_space<vmem>>, vector<1x16xf32>,
        %swap3A_605 = vector.shape_cast %swap3A_604 : vector<1x16xf32> to vector<16xf32>
        %swap3A_606 = vector.shape_cast %mul3A_601 : vector<16xf32> to vector<1x16xf32>
        tpu.vector_store %arg6[%swap3A_602, %swap3A_603], %swap3A_606 {strides = array<i32>} : memref<32x1024xf32, #tpu.memory_space<vmem>>, vector<1x16xf32>,
        %scan3A_607 = arith.constant 7 : i32
        %scan3A_608 = arith.addi %scan3A_470, %scan3A_607 : i32
        %mul3A_609 = arith.constant 1 : i32
        %mul3A_610 = arith.muli %scan3A_608, %mul3A_609 : i32
        %add3A_611 = arith.constant 0 : i32
        %add3A_612 = arith.addi %add3A_611, %mul3A_610 : i32
        %mul3A_613 = arith.constant 16 : i32
        %mul3A_614 = arith.muli %add3A_612, %mul3A_613 : i32
        %get3A_615 = arith.index_cast %add3A_464 : i32 to index
        %get3A_616 = arith.index_cast %mul3A_614 : i32 to index
        %get3A_617 = tpu.vector_load %arg6[%get3A_615, %get3A_616] {strides = array<i32>} : memref<32x1024xf32, #tpu.memory_space<vmem>>, vector<1x16xf32>,
        %get3A_618 = vector.shape_cast %get3A_617 : vector<1x16xf32> to vector<16xf32>
        %mul3A_619 = arith.constant 3.200000e+01 : f32
        %mul3A_620 = vector.broadcast %mul3A_619 : f32 to vector<16xf32>
        %mul3A_621 = arith.mulf %get3A_618, %mul3A_620 : vector<16xf32>
        %swap3A_622 = arith.index_cast %add3A_464 : i32 to index
        %swap3A_623 = arith.index_cast %mul3A_614 : i32 to index
        %swap3A_624 = tpu.vector_load %arg6[%swap3A_622, %swap3A_623] {strides = array<i32>} : memref<32x1024xf32, #tpu.memory_space<vmem>>, vector<1x16xf32>,
        %swap3A_625 = vector.shape_cast %swap3A_624 : vector<1x16xf32> to vector<16xf32>
        %swap3A_626 = vector.shape_cast %mul3A_621 : vector<16xf32> to vector<1x16xf32>
        tpu.vector_store %arg6[%swap3A_622, %swap3A_623], %swap3A_626 {strides = array<i32>} : memref<32x1024xf32, #tpu.memory_space<vmem>>, vector<1x16xf32>,
      }
      %scan3A_469 = arith.constant 64 : i32
    }
    %scan3A_445 = arith.constant 32 : i32
    %add3A_446 = arith.constant 480 : i32
    %add3A_447 = arith.addi %mul3A_2, %add3A_446 : i32
    %dma_start3A_448 = arith.constant 0 : i32
    %dma_start3A_449 = tpu.memref_slice %arg4[%add3A_447, %dma_start3A_448] : memref<16384x1024xf32, #tpu.memory_space<hbm>> -> memref<32x1024xf32, #tpu.memory_space<hbm>>
    %dma_start3A_450 = arith.constant 0 : i32
    %dma_start3A_451 = tpu.memref_slice %arg4[%add3A_447, %dma_start3A_450] : memref<16384x1024xf32, #tpu.memory_space<hbm>> -> memref<32x1024xf32, #tpu.memory_space<hbm>>
    tpu.enqueue_dma source(%arg6 : memref<32x1024xf32, #tpu.memory_space<vmem>>) target(%dma_start3A_451 : memref<32x1024xf32, #tpu.memory_space<hbm>>) target_semaphore(%arg12 : memref<!tpu.dma_semaphore, #tpu.memory_space<semaphore_mem>>)
    %dma_wait3A_452 = arith.constant 0 : i32
    %dma_wait3A_453 = tpu.memref_slice %arg4[%add3A_429, %dma_wait3A_452] : memref<16384x1024xf32, #tpu.memory_space<hbm>> -> memref<32x1024xf32, #tpu.memory_space<hbm>>
    %dma_wait3A_454 = arith.constant 0 : i32
    %dma_wait3A_455 = tpu.memref_slice %arg4[%add3A_429, %dma_wait3A_454] : memref<16384x1024xf32, #tpu.memory_space<hbm>> -> memref<32x1024xf32, #tpu.memory_space<hbm>>
    tpu.wait_dma2 semaphore(%arg14 : memref<!tpu.dma_semaphore, #tpu.memory_space<semaphore_mem>>) src(%arg8 : memref<32x1024xf32, #tpu.memory_space<vmem>>) dst(%dma_wait3A_455 : memref<32x1024xf32, #tpu.memory_space<hbm>>)
    %dma_wait3A_456 = arith.constant 0 : i32
    %dma_wait3A_457 = tpu.memref_slice %arg4[%add3A_447, %dma_wait3A_456] : memref<16384x1024xf32, #tpu.memory_space<hbm>> -> memref<32x1024xf32, #tpu.memory_space<hbm>>
    %dma_wait3A_458 = arith.constant 0 : i32
    %dma_wait3A_459 = tpu.memref_slice %arg4[%add3A_447, %dma_wait3A_458] : memref<16384x1024xf32, #tpu.memory_space<hbm>> -> memref<32x1024xf32, #tpu.memory_space<hbm>>
    tpu.wait_dma2 semaphore(%arg12 : memref<!tpu.dma_semaphore, #tpu.memory_space<semaphore_mem>>) src(%arg6 : memref<32x1024xf32, #tpu.memory_space<vmem>>) dst(%dma_wait3A_459 : memref<32x1024xf32, #tpu.memory_space<hbm>>)
    return
  }
}

</mosaic_0001>

<sc_bundles>
// kernel: _emb_lookup.3.cloned.1.call-start
scs
__scs_entry_jumppad:
0x0: {  	(pc) =	sbr.rel $0x88, $3  }
0x1: {  	(tag) =	ssettag $0x0;
	lr =	simm.s32 $0x1  }
0x2: {  	[smem:$0x3F9F] =	sst lr;
	_ =	strace $0xD0000000  }
0x3: {  	_ = 	snop  }
0x4: {  	_ = 	snop  }
0x5: {  	_ = 	snop  }
0x6: {  	_ = 	snop  }
0x7: {  	_ = 	snop  }
__scs_overlays_trampoline_lowered:
0x8: {  	[smem:$0x3FAE] =	sst s0  }
0x9: {  	[smem:$0x3FAF] =	sst s1  }
0xa: {  	[smem:$0x3FB0] =	sst s2  }
0xb: {  	[smem:$0x3FB1] =	sst s3  }
0xc: {  	[smem:$0x3FB2] =	sst s4  }
0xd: {  	[smem:$0x3FB3] =	sst s5  }
0xe: {  	[smem:$0x3FB4] =	sst s6  }
0xf: {  	[smem:$0x3FB5] =	sst s7  }
0x10: {  	[smem:$0x3FB6] =	sst s8  }
0x11: {  	[smem:$0x3FB7] =	sst s9;
	s0 =	simm.s32 @!p0 $0x0  }
0x12: {  	s1 =	sld [smem:$0x3F9D];
	s0 =	simm.s32 @p0 $0x1  }
0x13: {  	[smem:$0x3FB8] =	sst s0;
	s0 =	simm.s32 @!p1 $0x0  }
0x14: {  	s2 =	sld [smem:$0x3F9C];
	s0 =	simm.s32 @p1 $0x1  }
0x15: {  	[smem:$0x3FB9] =	sst s0;
	s0 =	simm.s32 @!p2 $0x0  }
0x16: {  	s3 =	sld [smem:$0x3FDB];
	s0 =	simm.s32 @p2 $0x1  }
0x17: {  	s4 =	simm.s32 $0x1BF5;
	[smem:$0x3FBB] =	sst s0  }
0x18: {  	s0 =	sld [smem:$0x3F9E];
	_ =	swait.ge [sflag:s4], $0x0  }
0x19: {  	s7 =	sld [smem:$0x3F9F]  }
0x1a: {  	s8 =	sadd.s32 $0xFFFFE003, lr  }
0x1b: {  	s9 =	sadd.s32 $0xFFFFFEF7, lr;
	s5 =	simm.s32 $0xFFFFFFFF;
	p2 =	slt.u32 s8, $0xFFFFF086  }
0x1c: {  	p1 =	slt.u32 s9, $0xF7A;
	s5 =	simm.s32 @!p2 $0x0  }
0x1d: {  	s5 =	simm.s32 @p1 $0x1;
	p0 =	seq.s32 s7, s2  }
0x1e: {  	s7 =	smul.u32 @!p0 $0xF7A, s2;
	p2 =	seq.s32 @!p0 s5, $0x0  }
0x1f: {  	s9 =	smul.u32 $0xF7A, s1;
	s8 =	simm.s32 @!p0 $0x1BF5;
	p2 =	por !p2, p0  }
0x20: {  	[sflag:s8] =	ssyncset.s32 @!p0 $0xFFFFF086;
	s6 =	sadd.s32 @!p0 s3, s7;
	s7 =	simm.s32 @!p0 $0x108  }
0x21: {  	s3 =	sadd.s32 s3, s9;
	s6 =	sadd.s32 @!p0 $0x88, s6;
	s7 =	simm.s32 @p2 $0x1082  }
0x22: {  	[simem:s7], [sflag:s8] =	dma.local @!p0 [hbm:s6], $0xF7A  }
0x23: {  	s9 =	sor.u32 $0xD0000000, s2;
	s6 =	simm.s32 $0x108;
	_ =	swait.ge @!p0 [sflag:s8], $0x0  }
0x24: {  	s3 =	sadd.s32 $0x88, s3;
	s6 =	simm.s32 @!p1 $0x1082;
	[sflag:s4] =	ssyncset.s32 $0xFFFFF086  }
0x25: {  	[simem:s6], [sflag:s4] =	dma.local [hbm:s3], $0xF7A  }
0x26: {  	[smem:$0x3F9F] =	sst s1;
	(tag) =	ssettag s2;
	_ =	strace s9  }
0x27: {  	s1 =	sld [smem:$0x3FAF]  }
0x28: {  	s2 =	sld [smem:$0x3FB0]  }
0x29: {  	s4 =	sld [smem:$0x3FB2]  }
0x2a: {  	p0 =	seq.s32 s5, $0x0;
	s5 =	sld [smem:$0x3FB3]  }
0x2b: {  	s6 =	sld [smem:$0x3FB4]  }
0x2c: {  	s7 =	sld [smem:$0x3FB5]  }
0x2d: {  	s3 =	simm.s32 $0x108;
	s8 =	sld [smem:$0x3FB6]  }
0x2e: {  	s3 =	simm.s32 @!p0 $0x1082;
	s9 =	sld [smem:$0x3FB7]  }
0x2f: {  	lr =	sadd.s32 s0, s3;
	s0 =	sld [smem:$0x3FAE]  }
0x30: {  	s3 =	sld [smem:$0x3FB1]  }
0x31: {  	[smem:$0x3FBA] =	sst s10  }
0x32: {  	s10 =	sld [smem:$0x3FB8];
	_ =	sdelay $0x3  }
0x33: {  	p0 =	seq.s32 s10, $0x1;
	s10 =	sld [smem:$0x3FBA];
	_ =	sdelay $0x3  }
0x34: {  	[smem:$0x3FBA] =	sst s10  }
0x35: {  	s10 =	sld [smem:$0x3FB9];
	_ =	sdelay $0x3  }
0x36: {  	p1 =	seq.s32 s10, $0x1;
	s10 =	sld [smem:$0x3FBA];
	_ =	sdelay $0x3  }
0x37: {  	[smem:$0x3FBA] =	sst s10  }
0x38: {  	s10 =	sld [smem:$0x3FBB]  }
0x39: {  	_ = 	snop;
	(pc) =	sbr.ind lr, $3  }
0x3a: {  	_ = 	snop  }
0x3b: {  	_ = 	snop  }
0x3c: {  	p2 =	seq.s32 s10, $0x1;
	s10 =	sld [smem:$0x3FBA]  }
0x3d: {  	_ =	shalt  }
0x3e: {  	_ =	shalt  }
0x3f: {  	_ =	shalt  }
0x40: {  	_ =	shalt  }
0x41: {  	_ =	shalt  }
0x42: {  	_ =	shalt  }
0x43: {  	_ =	shalt  }
0x44: {  	_ =	shalt  }
0x45: {  	_ =	shalt  }
0x46: {  	_ =	shalt  }
0x47: {  	_ =	shalt  }
0x48: {  	_ =	shalt  }
0x49: {  	_ =	shalt  }
0x4a: {  	_ =	shalt  }
0x4b: {  	_ =	shalt  }
0x4c: {  	_ =	shalt  }
0x4d: {  	_ =	shalt  }
0x4e: {  	_ =	shalt  }
0x4f: {  	_ =	shalt  }
0x50: {  	_ =	shalt  }
0x51: {  	_ =	shalt  }
0x52: {  	_ =	shalt  }
0x53: {  	_ =	shalt  }
0x54: {  	_ =	shalt  }
0x55: {  	_ =	shalt  }
0x56: {  	_ =	shalt  }
0x57: {  	_ =	shalt  }
0x58: {  	_ =	shalt  }
0x59: {  	_ =	shalt  }
0x5a: {  	_ =	shalt  }
0x5b: {  	_ =	shalt  }
0x5c: {  	_ =	shalt  }
0x5d: {  	_ =	shalt  }
0x5e: {  	_ =	shalt  }
0x5f: {  	_ =	shalt  }
0x60: {  	_ =	shalt  }
0x61: {  	_ =	shalt  }
0x62: {  	_ =	shalt  }
0x63: {  	_ =	shalt  }
0x64: {  	_ =	shalt  }
0x65: {  	_ =	shalt  }
0x66: {  	_ =	shalt  }
0x67: {  	_ =	shalt  }
0x68: {  	_ =	shalt  }
0x69: {  	_ =	shalt  }
0x6a: {  	_ =	shalt  }
0x6b: {  	_ =	shalt  }
0x6c: {  	_ =	shalt  }
0x6d: {  	_ =	shalt  }
0x6e: {  	_ =	shalt  }
0x6f: {  	_ =	shalt  }
0x70: {  	_ =	shalt  }
0x71: {  	_ =	shalt  }
0x72: {  	_ =	shalt  }
0x73: {  	_ =	shalt  }
0x74: {  	_ =	shalt  }
0x75: {  	_ =	shalt  }
0x76: {  	_ =	shalt  }
0x77: {  	_ =	shalt  }
0x78: {  	_ =	shalt  }
0x79: {  	_ =	shalt  }
0x7a: {  	_ =	shalt  }
0x7b: {  	_ =	shalt  }
0x7c: {  	_ =	shalt  }
0x7d: {  	_ =	shalt  }
0x7e: {  	_ =	shalt  }
0x7f: {  	_ =	shalt  }
0x80: {  	_ =	shalt  }
0x81: {  	_ =	shalt  }
0x82: {  	_ =	shalt  }
0x83: {  	_ =	shalt  }
0x84: {  	_ =	shalt  }
0x85: {  	_ =	shalt  }
0x86: {  	_ =	shalt  }
0x87: {  	_ =	shalt  }
.Lfunc_end0:
.L_simem_size_0:
called_computation_lowered:
.L_overlay_start_0:
0x88: {  	s2 =	sld [smem:$0x3FD9]  }
0x89: {  	s3 =	sld [smem:$0x3FFE];
	_ =	sdelay $0x1  }
0x8a: {  	s1 =	srdreg.scid  }
0x8b: {  	s0 =	sand.u32 $0x1, s1  }
0x8c: {  	s18 =	sshll.u32 s0, $0xA;
	s2 =	sadd.s32 s3, s2  }
0x8d: {  	s2 =	sadd.s32 s2, s18  }
0x8e: {  	[smem:$0x3FC6] =	sst s2  }
0x8f: {  	_ = 	snop  }
0x90: {  	s2 =	sld [smem:$0x3FC9]  }
0x91: {  	s19 =	sld [smem:$0x3FC8]  }
0x92: {  	s4 =	sld [smem:$0x3FD0];
	(tm) =	ssettm $0x1  }
0x93: {  	s5 =	sld [smem:$0x3FFB];
	_ =	sdelay $0x3  }
0x94: {  	_ =	strace s5  }
0x95: {  	s5 =	sld [smem:$0x3FFC];
	_ =	sdelay $0x3  }
0x96: {  	_ =	strace s5  }
0x97: {  	s5 =	sld [smem:$0x3FFD];
	_ =	sdelay $0x3  }
0x98: {  	_ =	strace s5  }
0x99: {  	_ =	strace $0x8FFFFFFF  }
0x9a: {  	s20 =	sld [smem:$0x3FDB];
	_ =	sdelay $0x1  }
0x9b: {  	s6 =	simm.s32 $_scs_section_size  }
0x9c: {  	s7 =	simm.s32 $_size__tile_overlayer_lowered;
	s8 =	simm.s32 $_tile_overlayer_lowered  }
0x9d: {  	s23 =	simm.s32 $0x1BFF;
	s22 =	sshll.u32 s8, $0x1;
	s5 =	sadd.s32 s6, s20  }
0x9e: {  	s9 =	simm.s32 $0x0;
	s21 =	sshll.u32 s7, $0x1;
	s7 =	sadd.s32 s22, s5  }
0x9f: {  	[timem:s9], [sflag:s23] =	dma.local [hbm:s7], s21  }
0xa0: {  	_ =	swait.ge [sflag:s23], s21  }
0xa1: {  	s6 =	ssub.s32 $0x0, s21;
	[sflag:s23] =	ssyncset.done $0x0  }
0xa2: {  	[sflag:s23] =	ssyncadd.s32 s6;
	_ =	sdelay $0x1  }
0xa3: {  	s24 =	simm.s32 $0x1B8B  }
0xa4: {  	_ =	swait.ge [sflag:s24], $0x1  }
0xa5: {  	[sflag:s24] =	ssyncset.done $0x0  }
0xa6: {  	s25 =	simm.s32 $0x1B8E;
	[sflag:s24] =	ssyncadd.s32 $0xFFFFFFFF  }
0xa7: {  	s26 =	simm.s32 $execute0_lowered;
	[smem:$0x3FD2] =	sst s25  }
0xa8: {  	s6 =	sshll.u32 s26, $0x1;
	_ =	strace $0x80000046;
	[dreg:$0x1] =	wrdreg $0xFFFFFFFF  }
0xa9: {  	s28 =	simm.s32 $_size_execute0_lowered;
	s5 =	sadd.s32 s5, s6;
	[dreg:$0x0] =	wrdreg $0x0  }
0xaa: {  	s6 =	sshll.u32 s28, $0x1;
	[dreg:$0x2] =	wrdreg s5  }
0xab: {  	[dreg:$0x3] =	wrdreg s6  }
0xac: {  	[dreg:$0x4] =	wrdreg $0xC0  }
0xad: {  	_ =	task [dreg:s9], $0x5FFFF  }
0xae: {  	[dreg:$0x1] =	wrdreg $0xFFFFFFFF  }
0xaf: {  	[dreg:$0x0] =	wrdreg $0x60  }
0xb0: {  	[dreg:$0x2] =	wrdreg s2  }
0xb1: {  	[dreg:$0x3] =	wrdreg s19  }
0xb2: {  	[dreg:$0x4] =	wrdreg s4  }
0xb3: {  	[dreg:$0x5] =	wrdreg $0x9  }
0xb4: {  	_ =	task.clear_ibuf [dreg:s9], $0x6FFFF;
	_ =	strace $0x90000046  }
0xb5: {  	s29 =	simm.s32 $0x9;
	_ =	strace $0x80000048  }
0xb6: {  	_ =	swait.ge [sflag:s29], $0x1  }
0xb7: {  	[sflag:s29] =	ssyncadd.s32 $0xFFFFFFFF  }
0xb8: {  	_ =	strace $0x90000048  }
0xb9: {  	_ =	sfence  }
0xba: {  	s30 =	sld [smem:$0x0];
	_ =	sdelay $0x2  }
0xbb: {  	s31 =	sshll.u32 s1, $0xD;
	s1 =	sshrl.u32 s1, $0x2  }
0xbc: {  	s3 =	sand.u32 $0x4000, s31;
	s1 =	sadd.s32 s1, s30  }
0xbd: {  	s0 =	sor.u32 s3, s0;
	s1 =	sshll.u32 s1, $0x11  }
0xbe: {  	s0 =	sor.u32 s1, s0  }
0xbf: {  	s0 =	sadd.s32 $0x8F2B, s0  }
0xc0: {  	[sflag:s0] =	ssyncadd.remote.s32 $0x1  }
0xc1: {  	_ =	sfence.sel $0xFFFF  }
0xc2: {  	[dreg:$0x0] =	wrdreg $0xFFFFFFFF;
	(pc) =	sbr.abs _section_cstart, $3  }
0xc3: {  	[dreg:$0x1] =	wrdreg $0xFFFFFFFF  }
0xc4: {  	_ =	task.clear_ibuf [dreg:s9], $0x2FFFF;
	_ =	strace $0x9FFFFFFF  }
0xc5: {  	(tm) =	ssettm $0x7FFFFFFF  }
tec
execute0_lowered:
.L_overlay_start_1:
0x0: {  	(tag) =	ssettag $0x1  }
0x1: {  	s4 =	srdreg.scid;
	s5 =	stileid.u32  }
0x2: {  	s0 =	rddreg [dreg:$0x0];
	s4 =	sand.u32 $0x1, s4;
	s5 =	sshll.u32 s5, $0x1  }
0x3: {  	s2 =	rddreg [dreg:$0x1];
	s6 =	ssub.s32 $0x2, s4;
	s4 =	sor.u32 s4, s5  }
0x4: {  	s1 =	rddreg [dreg:$0x2];
	s3 =	simm.s32 $0x0;
	s7 =	sshll.u32 s4, $0x8  }
0x5: {  	[smem:$0x7FF] =	sst s3;
	s13 =	sshll.u32 s4, $0x10;
	s7 =	sadd.s32 s0, s7  }
0x6: {  	_ =	strace $0x80000047;
	s0 =	sadd.s32 s1, s13;
	[dreg:$0x4] =	wrdreg s7  }
0x7: {  	s14 =	sadd.s32 $0x80, s7;
	[dreg:$0x5] =	wrdreg s0  }
0x8: {  	s15 =	sadd.s32 $0x1000, s0;
	[dreg:$0x6] =	wrdreg s14  }
0x9: {  	s16 =	sadd.s32 $0x2000, s0;
	[dreg:$0x7] =	wrdreg s15  }
0xa: {  	s17 =	sadd.s32 $0x3000, s0;
	[dreg:$0x8] =	wrdreg s16  }
0xb: {  	s18 =	sadd.s32 $0x4000, s0;
	[dreg:$0x9] =	wrdreg s17  }
0xc: {  	s19 =	sadd.s32 $0x5000, s0;
	[dreg:$0xa] =	wrdreg s18  }
0xd: {  	s28 =	simm.s32 $0x800;
	s20 =	sadd.s32 $0x6000, s0;
	[dreg:$0xb] =	wrdreg s19  }
0xe: {  	s10 =	simm.s32 $0x4000;
	s21 =	sadd.s32 $0x7000, s0;
	[dreg:$0xc] =	wrdreg s20  }
0xf: {  	s11 =	simm.s32 $0x4800;
	s22 =	sadd.s32 $0x8000, s0;
	[dreg:$0xd] =	wrdreg s21  }
0x10: {  	s8 =	sadd.s32 $0x300, s2;
	s23 =	sadd.s32 $0x9000, s0;
	[dreg:$0xe] =	wrdreg s22  }
0x11: {  	s5 =	sadd.s32 $0x100, s2;
	s24 =	sadd.s32 $0xA000, s0;
	[dreg:$0xf] =	wrdreg s23  }
0x12: {  	s12 =	sshrl.u32 s6, $0x1;
	s25 =	sadd.s32 $0xB000, s0;
	[dreg:$0x10] =	wrdreg s24  }
0x13: {  	s4 =	simm.s32 $0x3;
	s26 =	sadd.s32 $0xC000, s0;
	[dreg:$0x11] =	wrdreg s25  }
0x14: {  	s9 =	ssub.s32 s6, s12;
	s29 =	sadd.s32 $0xD000, s0;
	[dreg:$0x12] =	wrdreg s26  }
0x15: {  	s6 =	sadd.s32 $0x200, s2;
	s30 =	sadd.s32 $0xE000, s0;
	[dreg:$0x13] =	wrdreg s29  }
0x16: {  	s12 =	simm.s32 $0x5000;
	s0 =	sadd.s32 $0xF000, s0;
	[dreg:$0x14] =	wrdreg s30  }
0x17: {  	s13 =	simm.s32 $0x5800;
	s31 =	smax.u32 s9, $0x1;
	[dreg:$0x15] =	wrdreg s0  }
0x18: {  	s9 =	simm.s32 $0x3800;
	s7 =	simm.s32 $0x1;
	[dreg:$0x16] =	wrdreg s31  }
0x19: {  	s14 =	simm.s32 $0x6000;
	s15 =	simm.s32 $0x6800;
	s16 =	simm.s32 $0x7000  }
0x1a: {  	v2 =	vlaneseq.u32;
	s17 =	simm.s32 $0x7800;
	s18 =	simm.s32 $0x8000;
	s19 =	simm.s32 $0x8800  }
0x1b: {  	vm0 =	vmmov $0xffff;
	v1 =	vshrl.u32 v2, $0x3;
	s20 =	simm.s32 $0x10800;
	s24 =	simm.s32 $0x2;
	s25 =	simm.s32 $0x4  }
0x1c: {  	v0 =	vand.u32 $0x7, v2;
	v2 =	vor.u32 $0x8, v2;
	v1 =	vmul.u32 $0x8, v1;
	s21 =	simm.s32 $0x5;
	s22 =	simm.s32 $0x6;
	s23 =	simm.s32 $0x0  }
.LBB2_1:
0x1d: {  	s0 =	rddreg [dreg:$0x4];
	s1 =	simm.s32 $0x7  }
0x1e: {  	[tilespmem:s3], [sflag:$0x7] =	stream.linear.gather [hbm4b:s0+s3], $0x400, $0x38;
	[tilespmem:$0x18800] =	vst v63  }
0x1f: {  	_ =	swait.ge [sflag:s1], $0x400  }
0x20: {  	[sflag:s1] =	ssyncset.done $0x0  }
0x21: {  	[sflag:s1] =	ssyncadd.s32 $0xFFFFFC00  }
0x22: {  	v3 =	vld [tilespmem:$0x0];
	_ =	sdelay $0x4  }
0x23: {  	v4 =	vshll.u32 v3, $0x3  }
0x24: {  	v3 =	vand.u32 $0x7, v3;
	v4 =	vand.u32 $0xFFFFFFC0, v4  }
0x25: {  	v3 =	vor.u32 v3, v4  }
0x26: {  	v4 =	vperm.xlane v3, v0;
	_ =	sdelay $0x1  }
0x27: {  	v4 =	vadd.s32 v1, v4;
	_ =	sdelay $0x4  }
0x28: {  	[tilespmem:s28], [sflag:$0x1] =	stream.indirect_vreg.gather [hbm4b:s2+s3], $0x80, v4, vm0, $0xb8;
	[tilespmem:$0x18800] =	vst v63  }
0x29: {  	s31 =	simm.s32 $0x1000;
	v3 =	vperm.xlane v3, v2  }
0x2a: {  	[tilespmem:s31], [sflag:$0x1] =	stream.indirect_vreg.gather [hbm4b:s5+s3], $0x80, v4, vm0, $0xb8;
	[tilespmem:$0x18800] =	vst v63  }
0x2b: {  	s26 =	simm.s32 $0x1800;
	v3 =	vadd.s32 v1, v3  }
0x2c: {  	[tilespmem:s26], [sflag:$0x1] =	stream.indirect_vreg.gather [hbm4b:s6+s3], $0x80, v4, vm0, $0xb8;
	[tilespmem:$0x18800] =	vst v63  }
0x2d: {  	s31 =	simm.s32 $0x2000  }
0x2e: {  	[tilespmem:s31], [sflag:$0x1] =	stream.indirect_vreg.gather [hbm4b:s8+s3], $0x80, v4, vm0, $0xb8;
	[tilespmem:$0x18800] =	vst v63  }
0x2f: {  	s26 =	simm.s32 $0x2800  }
0x30: {  	[tilespmem:s26], [sflag:$0x1] =	stream.indirect_vreg.gather [hbm4b:s2+s3], $0x80, v3, vm0, $0xb8;
	[tilespmem:$0x18800] =	vst v63  }
0x31: {  	s31 =	simm.s32 $0x3000  }
0x32: {  	[tilespmem:s31], [sflag:$0x1] =	stream.indirect_vreg.gather [hbm4b:s5+s3], $0x80, v3, vm0, $0xb8;
	[tilespmem:$0x18800] =	vst v63  }
0x33: {  	_ = 	snop  }
0x34: {  	[tilespmem:s9], [sflag:$0x1] =	stream.indirect_vreg.gather [hbm4b:s6+s3], $0x80, v3, vm0, $0xb8;
	[tilespmem:$0x18800] =	vst v63  }
0x35: {  	_ = 	snop  }
0x36: {  	[tilespmem:s10], [sflag:$0x1] =	stream.indirect_vreg.gather [hbm4b:s8+s3], $0x80, v3, vm0, $0xb8;
	[tilespmem:$0x18800] =	vst v63  }
0x37: {  	v3 =	vld [tilespmem:$0x10];
	_ =	sdelay $0x4  }
0x38: {  	v59 =	vshll.u32 v3, $0x3  }
0x39: {  	v3 =	vand.u32 $0x7, v3;
	v4 =	vand.u32 $0xFFFFFFC0, v59  }
0x3a: {  	v3 =	vor.u32 v3, v4  }
0x3b: {  	v4 =	vperm.xlane v3, v0;
	_ =	sdelay $0x1  }
0x3c: {  	v4 =	vadd.s32 v1, v4;
	_ =	sdelay $0x4  }
0x3d: {  	[tilespmem:s11], [sflag:$0x1] =	stream.indirect_vreg.gather [hbm4b:s2+s3], $0x80, v4, vm0, $0xb8;
	[tilespmem:$0x18800] =	vst v63  }
0x3e: {  	v3 =	vperm.xlane v3, v2  }
0x3f: {  	[tilespmem:s12], [sflag:$0x1] =	stream.indirect_vreg.gather [hbm4b:s5+s3], $0x80, v4, vm0, $0xb8;
	[tilespmem:$0x18800] =	vst v63  }
0x40: {  	v3 =	vadd.s32 v1, v3  }
0x41: {  	[tilespmem:s13], [sflag:$0x1] =	stream.indirect_vreg.gather [hbm4b:s6+s3], $0x80, v4, vm0, $0xb8;
	[tilespmem:$0x18800] =	vst v63  }
0x42: {  	_ = 	snop  }
0x43: {  	[tilespmem:s14], [sflag:$0x1] =	stream.indirect_vreg.gather [hbm4b:s8+s3], $0x80, v4, vm0, $0xb8;
	[tilespmem:$0x18800] =	vst v63  }
0x44: {  	_ = 	snop  }
0x45: {  	[tilespmem:s15], [sflag:$0x1] =	stream.indirect_vreg.gather [hbm4b:s2+s3], $0x80, v3, vm0, $0xb8;
	[tilespmem:$0x18800] =	vst v63  }
0x46: {  	_ = 	snop  }
0x47: {  	[tilespmem:s16], [sflag:$0x1] =	stream.indirect_vreg.gather [hbm4b:s5+s3], $0x80, v3, vm0, $0xb8;
	[tilespmem:$0x18800] =	vst v63  }
0x48: {  	_ = 	snop  }
0x49: {  	[tilespmem:s17], [sflag:$0x1] =	stream.indirect_vreg.gather [hbm4b:s6+s3], $0x80, v3, vm0, $0xb8;
	[tilespmem:$0x18800] =	vst v63  }
0x4a: {  	_ = 	snop  }
0x4b: {  	[tilespmem:s18], [sflag:$0x1] =	stream.indirect_vreg.gather [hbm4b:s8+s3], $0x80, v3, vm0, $0xb8;
	[tilespmem:$0x18800] =	vst v63  }
0x4c: {  	v3 =	vld [tilespmem:$0x80];
	_ =	sdelay $0x4  }
0x4d: {  	v60 =	vshll.u32 v3, $0x3  }
0x4e: {  	v3 =	vand.u32 $0x7, v3;
	v4 =	vand.u32 $0xFFFFFFC0, v60  }
0x4f: {  	v3 =	vor.u32 v3, v4  }
0x50: {  	v4 =	vperm.xlane v3, v0;
	_ =	sdelay $0x1  }
0x51: {  	v4 =	vadd.s32 v1, v4;
	_ =	sdelay $0x4  }
0x52: {  	[tilespmem:s19], [sflag:$0x2] =	stream.indirect_vreg.gather [hbm4b:s2+s3], $0x80, v4, vm0, $0xb8;
	[tilespmem:$0x18800] =	vst v63  }
0x53: {  	s26 =	simm.s32 $0x9000;
	v3 =	vperm.xlane v3, v2  }
0x54: {  	[tilespmem:s26], [sflag:$0x2] =	stream.indirect_vreg.gather [hbm4b:s5+s3], $0x80, v4, vm0, $0xb8;
	[tilespmem:$0x18800] =	vst v63  }
0x55: {  	s31 =	simm.s32 $0x9800;
	v3 =	vadd.s32 v1, v3  }
0x56: {  	[tilespmem:s31], [sflag:$0x2] =	stream.indirect_vreg.gather [hbm4b:s6+s3], $0x80, v4, vm0, $0xb8;
	[tilespmem:$0x18800] =	vst v63  }
0x57: {  	s26 =	simm.s32 $0xA000  }
0x58: {  	[tilespmem:s26], [sflag:$0x2] =	stream.indirect_vreg.gather [hbm4b:s8+s3], $0x80, v4, vm0, $0xb8;
	[tilespmem:$0x18800] =	vst v63  }
0x59: {  	s31 =	simm.s32 $0xA800  }
0x5a: {  	[tilespmem:s31], [sflag:$0x2] =	stream.indirect_vreg.gather [hbm4b:s2+s3], $0x80, v3, vm0, $0xb8;
	[tilespmem:$0x18800] =	vst v63  }
0x5b: {  	s26 =	simm.s32 $0xB000  }
0x5c: {  	[tilespmem:s26], [sflag:$0x2] =	stream.indirect_vreg.gather [hbm4b:s5+s3], $0x80, v3, vm0, $0xb8;
	[tilespmem:$0x18800] =	vst v63  }
0x5d: {  	s31 =	simm.s32 $0xB800  }
0x5e: {  	[tilespmem:s31], [sflag:$0x2] =	stream.indirect_vreg.gather [hbm4b:s6+s3], $0x80, v3, vm0, $0xb8;
	[tilespmem:$0x18800] =	vst v63  }
0x5f: {  	s26 =	simm.s32 $0xC000  }
0x60: {  	[tilespmem:s26], [sflag:$0x2] =	stream.indirect_vreg.gather [hbm4b:s8+s3], $0x80, v3, vm0, $0xb8;
	[tilespmem:$0x18800] =	vst v63  }
0x61: {  	v3 =	vld [tilespmem:$0x90];
	_ =	sdelay $0x4  }
0x62: {  	v61 =	vshll.u32 v3, $0x3  }
0x63: {  	v3 =	vand.u32 $0x7, v3;
	v4 =	vand.u32 $0xFFFFFFC0, v61  }
0x64: {  	v3 =	vor.u32 v3, v4  }
0x65: {  	v4 =	vperm.xlane v3, v0;
	_ =	sdelay $0x1  }
0x66: {  	v4 =	vadd.s32 v1, v4;
	_ =	sdelay $0x3  }
0x67: {  	s31 =	simm.s32 $0xC800  }
0x68: {  	[tilespmem:s31], [sflag:$0x2] =	stream.indirect_vreg.gather [hbm4b:s2+s3], $0x80, v4, vm0, $0xb8;
	[tilespmem:$0x18800] =	vst v63  }
0x69: {  	s26 =	simm.s32 $0xD000;
	v3 =	vperm.xlane v3, v2  }
0x6a: {  	[tilespmem:s26], [sflag:$0x2] =	stream.indirect_vreg.gather [hbm4b:s5+s3], $0x80, v4, vm0, $0xb8;
	[tilespmem:$0x18800] =	vst v63  }
0x6b: {  	v3 =	vadd.s32 v1, v3;
	s31 =	simm.s32 $0xD800  }
0x6c: {  	[tilespmem:s31], [sflag:$0x2] =	stream.indirect_vreg.gather [hbm4b:s6+s3], $0x80, v4, vm0, $0xb8;
	[tilespmem:$0x18800] =	vst v63  }
0x6d: {  	s26 =	simm.s32 $0xE000  }
0x6e: {  	[tilespmem:s26], [sflag:$0x2] =	stream.indirect_vreg.gather [hbm4b:s8+s3], $0x80, v4, vm0, $0xb8;
	[tilespmem:$0x18800] =	vst v63  }
0x6f: {  	s31 =	simm.s32 $0xE800  }
0x70: {  	[tilespmem:s31], [sflag:$0x2] =	stream.indirect_vreg.gather [hbm4b:s2+s3], $0x80, v3, vm0, $0xb8;
	[tilespmem:$0x18800] =	vst v63  }
0x71: {  	s26 =	simm.s32 $0xF000  }
0x72: {  	[tilespmem:s26], [sflag:$0x2] =	stream.indirect_vreg.gather [hbm4b:s5+s3], $0x80, v3, vm0, $0xb8;
	[tilespmem:$0x18800] =	vst v63  }
0x73: {  	s31 =	simm.s32 $0xF800  }
0x74: {  	[tilespmem:s31], [sflag:$0x2] =	stream.indirect_vreg.gather [hbm4b:s6+s3], $0x80, v3, vm0, $0xb8;
	[tilespmem:$0x18800] =	vst v63  }
0x75: {  	s26 =	simm.s32 $0x10000  }
0x76: {  	[tilespmem:s26], [sflag:$0x2] =	stream.indirect_vreg.gather [hbm4b:s8+s3], $0x80, v3, vm0, $0xb8;
	[tilespmem:$0x18800] =	vst v63  }
0x77: {  	s31 =	rddreg [dreg:$0x6];
	s26 =	simm.s32 $0x400  }
0x78: {  	[tilespmem:s26], [sflag:$0x7] =	stream.linear.gather [hbm4b:s31+s3], $0x400, $0x38;
	[tilespmem:$0x18800] =	vst v63  }
0x79: {  	_ =	swait.ge [sflag:s1], $0x400  }
0x7a: {  	[sflag:s1] =	ssyncset.done $0x0  }
0x7b: {  	[sflag:s1] =	ssyncadd.s32 $0xFFFFFC00  }
0x7c: {  	_ =	swait.ge [sflag:s7], $0x8000  }
0x7d: {  	[sflag:s7] =	ssyncset.done $0x0  }
0x7e: {  	[sflag:s7] =	ssyncadd.s32 $0xFFFF8000  }
0x7f: {  	v3 =	vld [tilespmem:$0x100];
	_ =	sdelay $0x4  }
0x80: {  	v62 =	vshll.u32 v3, $0x3  }
0x81: {  	v3 =	vand.u32 $0x7, v3;
	v4 =	vand.u32 $0xFFFFFFC0, v62  }
0x82: {  	v3 =	vor.u32 v3, v4  }
0x83: {  	v4 =	vperm.xlane v3, v0;
	_ =	sdelay $0x1  }
0x84: {  	v4 =	vadd.s32 v1, v4;
	_ =	sdelay $0x4  }
0x85: {  	[tilespmem:s20], [sflag:$0x3] =	stream.indirect_vreg.gather [hbm4b:s2+s3], $0x80, v4, vm0, $0xb8;
	[tilespmem:$0x18800] =	vst v63  }
0x86: {  	s1 =	simm.s32 $0x11000;
	v3 =	vperm.xlane v3, v2  }
0x87: {  	[tilespmem:s1], [sflag:$0x3] =	stream.indirect_vreg.gather [hbm4b:s5+s3], $0x80, v4, vm0, $0xb8;
	[tilespmem:$0x18800] =	vst v63  }
0x88: {  	s26 =	simm.s32 $0x11800;
	v3 =	vadd.s32 v1, v3  }
0x89: {  	[tilespmem:s26], [sflag:$0x3] =	stream.indirect_vreg.gather [hbm4b:s6+s3], $0x80, v4, vm0, $0xb8;
	[tilespmem:$0x18800] =	vst v63  }
0x8a: {  	s31 =	simm.s32 $0x12000  }
0x8b: {  	[tilespmem:s31], [sflag:$0x3] =	stream.indirect_vreg.gather [hbm4b:s8+s3], $0x80, v4, vm0, $0xb8;
	[tilespmem:$0x18800] =	vst v63  }
0x8c: {  	s1 =	simm.s32 $0x12800  }
0x8d: {  	[tilespmem:s1], [sflag:$0x3] =	stream.indirect_vreg.gather [hbm4b:s2+s3], $0x80, v3, vm0, $0xb8;
	[tilespmem:$0x18800] =	vst v63  }
0x8e: {  	s26 =	simm.s32 $0x13000  }
0x8f: {  	[tilespmem:s26], [sflag:$0x3] =	stream.indirect_vreg.gather [hbm4b:s5+s3], $0x80, v3, vm0, $0xb8;
	[tilespmem:$0x18800] =	vst v63  }
0x90: {  	s31 =	simm.s32 $0x13800  }
0x91: {  	[tilespmem:s31], [sflag:$0x3] =	stream.indirect_vreg.gather [hbm4b:s6+s3], $0x80, v3, vm0, $0xb8;
	[tilespmem:$0x18800] =	vst v63  }
0x92: {  	s1 =	simm.s32 $0x14000  }
0x93: {  	[tilespmem:s1], [sflag:$0x3] =	stream.indirect_vreg.gather [hbm4b:s8+s3], $0x80, v3, vm0, $0xb8;
	[tilespmem:$0x18800] =	vst v63  }
0x94: {  	v3 =	vld [tilespmem:$0x110];
	_ =	sdelay $0x4  }
0x95: {  	v63 =	vshll.u32 v3, $0x3  }
0x96: {  	v3 =	vand.u32 $0x7, v3;
	v4 =	vand.u32 $0xFFFFFFC0, v63  }
0x97: {  	v3 =	vor.u32 v3, v4  }
0x98: {  	v4 =	vperm.xlane v3, v0;
	_ =	sdelay $0x1  }
0x99: {  	v4 =	vadd.s32 v1, v4;
	_ =	sdelay $0x3  }
0x9a: {  	s26 =	simm.s32 $0x14800  }
0x9b: {  	[tilespmem:s26], [sflag:$0x3] =	stream.indirect_vreg.gather [hbm4b:s2+s3], $0x80, v4, vm0, $0xb8;
	[tilespmem:$0x18800] =	vst v63  }
0x9c: {  	s31 =	simm.s32 $0x15000;
	v3 =	vperm.xlane v3, v2  }
0x9d: {  	[tilespmem:s31], [sflag:$0x3] =	stream.indirect_vreg.gather [hbm4b:s5+s3], $0x80, v4, vm0, $0xb8;
	[tilespmem:$0x18800] =	vst v63  }
0x9e: {  	s1 =	simm.s32 $0x15800;
	v3 =	vadd.s32 v1, v3  }
0x9f: {  	[tilespmem:s1], [sflag:$0x3] =	stream.indirect_vreg.gather [hbm4b:s6+s3], $0x80, v4, vm0, $0xb8;
	[tilespmem:$0x18800] =	vst v63  }
0xa0: {  	s26 =	simm.s32 $0x16000  }
0xa1: {  	[tilespmem:s26], [sflag:$0x3] =	stream.indirect_vreg.gather [hbm4b:s8+s3], $0x80, v4, vm0, $0xb8;
	[tilespmem:$0x18800] =	vst v63  }
0xa2: {  	s31 =	simm.s32 $0x16800  }
0xa3: {  	[tilespmem:s31], [sflag:$0x3] =	stream.indirect_vreg.gather [hbm4b:s2+s3], $0x80, v3, vm0, $0xb8;
	[tilespmem:$0x18800] =	vst v63  }
0xa4: {  	s1 =	simm.s32 $0x17000  }
0xa5: {  	[tilespmem:s1], [sflag:$0x3] =	stream.indirect_vreg.gather [hbm4b:s5+s3], $0x80, v3, vm0, $0xb8;
	[tilespmem:$0x18800] =	vst v63  }
0xa6: {  	s29 =	simm.s32 $0x0;
	s26 =	simm.s32 $0x17800  }
0xa7: {  	[tilespmem:s26], [sflag:$0x3] =	stream.indirect_vreg.gather [hbm4b:s6+s3], $0x80, v3, vm0, $0xb8;
	[tilespmem:$0x18800] =	vst v63  }
0xa8: {  	s30 =	simm.s32 $0x0;
	s31 =	simm.s32 $0x18000;
	s26 =	simm.s32 $0x0  }
0xa9: {  	[tilespmem:s31], [sflag:$0x3] =	stream.indirect_vreg.gather [hbm4b:s8+s3], $0x80, v3, vm0, $0xb8;
	[tilespmem:$0x18800] =	vst v63  }
.LBB2_2:
0xaa: {  	s0 =	sshll.u32 s29, $0x2;
	s1 =	sand.u32 $0x7, s26  }
0xab: {  	s0 =	sand.u32 $0xFFFF8000, s0;
	s1 =	sshll.u32 s1, $0x9  }
0xac: {  	s0 =	sor.u32 s1, s0  }
0xad: {  	s0 =	sshrl.u32 s0, $0x2  }
0xae: {  	s31 =	sor.u32 $0x840, s0  }
0xaf: {  	v4 =	vld [tilespmem:s31+$0xFFFFFFC0];
	_ =	sdelay $0x1  }
0xb0: {  	v7 =	vld [tilespmem:s31+$0xFFFFFFD0]  }
0xb1: {  	v9 =	vld [tilespmem:s31+$0xFFFFFFE0]  }
0xb2: {  	v5 =	vld [tilespmem:s31+$0x0]  }
0xb3: {  	v3 =	vld [tilespmem:s31+$0x10];
	v8 =	vmul.f32 $3.200000000e+01, v4  }
0xb4: {  	v6 =	vld [tilespmem:s31+$0x20]  }
0xb5: {  	v4 =	vld [tilespmem:s31+$0x30];
	[tilespmem:s31+$0xFFFFFFC0] =	vst v8;
	v8 =	vmul.f32 $3.200000000e+01, v7  }
0xb6: {  	s0 =	simm.s32 $0x0;
	s1 =	sadd.s32 $0x400, s31;
	v9 =	vmul.f32 $3.200000000e+01, v9;
	v7 =	vld [tilespmem:s31+$0xFFFFFFF0]  }
.LBB2_3:
0xb7: {  	v10 =	vld [tilespmem:s1+$0xFFFFFFC0];
	[tilespmem:s31+$0xFFFFFFD0] =	vst v8;
	v5 =	vmul.f32 $3.200000000e+01, v5  }
0xb8: {  	s0 =	sadd.s32 $0x8, s0;
	v8 =	vld [tilespmem:s1+$0xFFFFFFD0];
	[tilespmem:s31+$0xFFFFFFE0] =	vst v9;
	v3 =	vmul.f32 $3.200000000e+01, v3  }
0xb9: {  	p0 =	slt.u32 s0, $0x38;
	v9 =	vld [tilespmem:s1+$0xFFFFFFE0];
	[tilespmem:s31+$0x0] =	vst v5;
	v6 =	vmul.f32 $3.200000000e+01, v6  }
.Ltmp0:
0xba: {  	v5 =	vld [tilespmem:s1+$0x0];
	[tilespmem:s31+$0x10] =	vst v3;
	v4 =	vmul.f32 $3.200000000e+01, v4;
	(pc) =	sbr.rel @p0 .LBB2_3-.Ltmp0, $4  }
0xbb: {  	v3 =	vld [tilespmem:s1+$0x10];
	v7 =	vmul.f32 $3.200000000e+01, v7;
	[tilespmem:s31+$0x20] =	vst v6  }
0xbc: {  	v10 =	vmul.f32 $3.200000000e+01, v10;
	v6 =	vld [tilespmem:s1+$0x20];
	[tilespmem:s31+$0x30] =	vst v4  }
0xbd: {  	v8 =	vmul.f32 $3.200000000e+01, v8;
	v4 =	vld [tilespmem:s1+$0x30];
	[tilespmem:s31+$0xFFFFFFF0] =	vst v7;
	s31 =	smov.u32 s1  }
0xbe: {  	s1 =	sadd.s32 $0x400, s1;
	[tilespmem:s31+$0xFFFFFFC0] =	vst v10;
	v9 =	vmul.f32 $3.200000000e+01, v9;
	v7 =	vld [tilespmem:s31+$0xFFFFFFF0]  }
0xbf: {  	[tilespmem:s31+$0xFFFFFFD0] =	vst v8;
	v5 =	vmul.f32 $3.200000000e+01, v5;
	s30 =	sadd.s32 $0x1, s30  }
0xc0: {  	[tilespmem:s31+$0xFFFFFFE0] =	vst v9;
	v3 =	vmul.f32 $3.200000000e+01, v3;
	p0 =	sne.s32 s30, $0x20  }
.Ltmp1:
0xc1: {  	[tilespmem:s31+$0x0] =	vst v5;
	v62 =	vmul.f32 $3.200000000e+01, v6;
	(pc) =	sbr.rel @p0 .LBB2_2-.Ltmp1, $4  }
0xc2: {  	[tilespmem:s31+$0x10] =	vst v3;
	v3 =	vmul.f32 $3.200000000e+01, v4  }
0xc3: {  	v63 =	vmul.f32 $3.200000000e+01, v7;
	[tilespmem:s31+$0x20] =	vst v62  }
0xc4: {  	[tilespmem:s31+$0x30] =	vst v3  }
0xc5: {  	s29 =	sadd.s32 $0x400, s29;
	s26 =	sadd.s32 $0x1, s26;
	[tilespmem:s31+$0xFFFFFFF0] =	vst v63  }
0xc6: {  	s26 =	simm.s32 $0x0;
	s0 =	rddreg [dreg:$0x5]  }
0xc7: {  	[hbm4b:s0+s26] =	stream.linear.scatter [tilespmem:s28], [sflag:$0x4], $0x8000, $0x38;
	[tilespmem:$0x18800] =	vst v63  }
0xc8: {  	_ =	swait.ge [sflag:s24], $0x8000  }
0xc9: {  	[sflag:s24] =	ssyncset.done $0x0  }
0xca: {  	[sflag:s24] =	ssyncadd.s32 $0xFFFF8000  }
0xcb: {  	_ =	swait.ge [sflag:s25], $0x8000  }
0xcc: {  	[sflag:s25] =	ssyncset.done $0x0  }
0xcd: {  	[sflag:s25] =	ssyncadd.s32 $0xFFFF8000  }
0xce: {  	v3 =	vld [tilespmem:$0x180];
	_ =	sdelay $0x4  }
0xcf: {  	v4 =	vshll.u32 v3, $0x3  }
0xd0: {  	v3 =	vand.u32 $0x7, v3;
	v4 =	vand.u32 $0xFFFFFFC0, v4  }
0xd1: {  	v3 =	vor.u32 v3, v4  }
0xd2: {  	v4 =	vperm.xlane v3, v0;
	_ =	sdelay $0x1  }
0xd3: {  	v4 =	vadd.s32 v1, v4;
	_ =	sdelay $0x4  }
0xd4: {  	[tilespmem:s28], [sflag:$0x1] =	stream.indirect_vreg.gather [hbm4b:s2+s26], $0x80, v4, vm0, $0xb8;
	[tilespmem:$0x18800] =	vst v63  }
0xd5: {  	s31 =	simm.s32 $0x1000;
	v3 =	vperm.xlane v3, v2  }
0xd6: {  	[tilespmem:s31], [sflag:$0x1] =	stream.indirect_vreg.gather [hbm4b:s5+s26], $0x80, v4, vm0, $0xb8;
	[tilespmem:$0x18800] =	vst v63  }
0xd7: {  	s1 =	simm.s32 $0x1800;
	v3 =	vadd.s32 v1, v3  }
0xd8: {  	[tilespmem:s1], [sflag:$0x1] =	stream.indirect_vreg.gather [hbm4b:s6+s26], $0x80, v4, vm0, $0xb8;
	[tilespmem:$0x18800] =	vst v63  }
0xd9: {  	s31 =	simm.s32 $0x2000  }
0xda: {  	[tilespmem:s31], [sflag:$0x1] =	stream.indirect_vreg.gather [hbm4b:s8+s26], $0x80, v4, vm0, $0xb8;
	[tilespmem:$0x18800] =	vst v63  }
0xdb: {  	s1 =	simm.s32 $0x2800  }
0xdc: {  	[tilespmem:s1], [sflag:$0x1] =	stream.indirect_vreg.gather [hbm4b:s2+s26], $0x80, v3, vm0, $0xb8;
	[tilespmem:$0x18800] =	vst v63  }
0xdd: {  	s31 =	simm.s32 $0x3000  }
0xde: {  	[tilespmem:s31], [sflag:$0x1] =	stream.indirect_vreg.gather [hbm4b:s5+s26], $0x80, v3, vm0, $0xb8;
	[tilespmem:$0x18800] =	vst v63  }
0xdf: {  	_ = 	snop  }
0xe0: {  	[tilespmem:s9], [sflag:$0x1] =	stream.indirect_vreg.gather [hbm4b:s6+s26], $0x80, v3, vm0, $0xb8;
	[tilespmem:$0x18800] =	vst v63  }
0xe1: {  	_ = 	snop  }
0xe2: {  	[tilespmem:s10], [sflag:$0x1] =	stream.indirect_vreg.gather [hbm4b:s8+s26], $0x80, v3, vm0, $0xb8;
	[tilespmem:$0x18800] =	vst v63  }
0xe3: {  	v3 =	vld [tilespmem:$0x190];
	_ =	sdelay $0x4  }
0xe4: {  	v63 =	vshll.u32 v3, $0x3  }
0xe5: {  	v3 =	vand.u32 $0x7, v3;
	v4 =	vand.u32 $0xFFFFFFC0, v63  }
0xe6: {  	v3 =	vor.u32 v3, v4  }
0xe7: {  	v4 =	vperm.xlane v3, v0;
	_ =	sdelay $0x1  }
0xe8: {  	v4 =	vadd.s32 v1, v4;
	_ =	sdelay $0x4  }
0xe9: {  	[tilespmem:s11], [sflag:$0x1] =	stream.indirect_vreg.gather [hbm4b:s2+s26], $0x80, v4, vm0, $0xb8;
	[tilespmem:$0x18800] =	vst v63  }
0xea: {  	v3 =	vperm.xlane v3, v2  }
0xeb: {  	[tilespmem:s12], [sflag:$0x1] =	stream.indirect_vreg.gather [hbm4b:s5+s26], $0x80, v4, vm0, $0xb8;
	[tilespmem:$0x18800] =	vst v63  }
0xec: {  	v3 =	vadd.s32 v1, v3  }
0xed: {  	[tilespmem:s13], [sflag:$0x1] =	stream.indirect_vreg.gather [hbm4b:s6+s26], $0x80, v4, vm0, $0xb8;
	[tilespmem:$0x18800] =	vst v63  }
0xee: {  	_ = 	snop  }
0xef: {  	[tilespmem:s14], [sflag:$0x1] =	stream.indirect_vreg.gather [hbm4b:s8+s26], $0x80, v4, vm0, $0xb8;
	[tilespmem:$0x18800] =	vst v63  }
0xf0: {  	_ = 	snop  }
0xf1: {  	[tilespmem:s15], [sflag:$0x1] =	stream.indirect_vreg.gather [hbm4b:s2+s26], $0x80, v3, vm0, $0xb8;
	[tilespmem:$0x18800] =	vst v63  }
0xf2: {  	_ = 	snop  }
0xf3: {  	[tilespmem:s16], [sflag:$0x1] =	stream.indirect_vreg.gather [hbm4b:s5+s26], $0x80, v3, vm0, $0xb8;
	[tilespmem:$0x18800] =	vst v63  }
0xf4: {  	_ = 	snop  }
0xf5: {  	[tilespmem:s17], [sflag:$0x1] =	stream.indirect_vreg.gather [hbm4b:s6+s26], $0x80, v3, vm0, $0xb8;
	[tilespmem:$0x18800] =	vst v63  }
0xf6: {  	s29 =	simm.s32 $0x0;
	s30 =	simm.s32 $0x0  }
0xf7: {  	[tilespmem:s18], [sflag:$0x1] =	stream.indirect_vreg.gather [hbm4b:s8+s26], $0x80, v3, vm0, $0xb8;
	[tilespmem:$0x18800] =	vst v63  }
.LBB2_6:
0xf8: {  	s0 =	sshll.u32 s29, $0x2;
	s1 =	sand.u32 $0x7, s26  }
0xf9: {  	s0 =	sand.u32 $0xFFFF8000, s0;
	s1 =	sshll.u32 s1, $0x9  }
0xfa: {  	s0 =	sor.u32 s1, s0  }
0xfb: {  	s0 =	sshrl.u32 s0, $0x2  }
0xfc: {  	s31 =	sadd.s32 $0x8840, s0  }
0xfd: {  	v4 =	vld [tilespmem:s31+$0xFFFFFFC0];
	_ =	sdelay $0x1  }
0xfe: {  	v7 =	vld [tilespmem:s31+$0xFFFFFFD0]  }
0xff: {  	v9 =	vld [tilespmem:s31+$0xFFFFFFE0]  }
0x100: {  	v5 =	vld [tilespmem:s31+$0x0]  }
0x101: {  	v3 =	vld [tilespmem:s31+$0x10];
	v8 =	vmul.f32 $3.200000000e+01, v4  }
0x102: {  	v6 =	vld [tilespmem:s31+$0x20]  }
0x103: {  	v4 =	vld [tilespmem:s31+$0x30];
	[tilespmem:s31+$0xFFFFFFC0] =	vst v8;
	v8 =	vmul.f32 $3.200000000e+01, v7  }
0x104: {  	s0 =	simm.s32 $0x0;
	s1 =	sadd.s32 $0x400, s31;
	v9 =	vmul.f32 $3.200000000e+01, v9;
	v7 =	vld [tilespmem:s31+$0xFFFFFFF0]  }
.LBB2_7:
0x105: {  	v10 =	vld [tilespmem:s1+$0xFFFFFFC0];
	[tilespmem:s31+$0xFFFFFFD0] =	vst v8;
	v5 =	vmul.f32 $3.200000000e+01, v5  }
0x106: {  	s0 =	sadd.s32 $0x8, s0;
	v8 =	vld [tilespmem:s1+$0xFFFFFFD0];
	[tilespmem:s31+$0xFFFFFFE0] =	vst v9;
	v3 =	vmul.f32 $3.200000000e+01, v3  }
0x107: {  	p0 =	slt.u32 s0, $0x38;
	v9 =	vld [tilespmem:s1+$0xFFFFFFE0];
	[tilespmem:s31+$0x0] =	vst v5;
	v6 =	vmul.f32 $3.200000000e+01, v6  }
.Ltmp2:
0x108: {  	v5 =	vld [tilespmem:s1+$0x0];
	[tilespmem:s31+$0x10] =	vst v3;
	v4 =	vmul.f32 $3.200000000e+01, v4;
	(pc) =	sbr.rel @p0 .LBB2_7-.Ltmp2, $4  }
0x109: {  	v3 =	vld [tilespmem:s1+$0x10];
	v7 =	vmul.f32 $3.200000000e+01, v7;
	[tilespmem:s31+$0x20] =	vst v6  }
0x10a: {  	v10 =	vmul.f32 $3.200000000e+01, v10;
	v6 =	vld [tilespmem:s1+$0x20];
	[tilespmem:s31+$0x30] =	vst v4  }
0x10b: {  	v8 =	vmul.f32 $3.200000000e+01, v8;
	v4 =	vld [tilespmem:s1+$0x30];
	[tilespmem:s31+$0xFFFFFFF0] =	vst v7;
	s31 =	smov.u32 s1  }
0x10c: {  	s1 =	sadd.s32 $0x400, s1;
	[tilespmem:s31+$0xFFFFFFC0] =	vst v10;
	v9 =	vmul.f32 $3.200000000e+01, v9;
	v7 =	vld [tilespmem:s31+$0xFFFFFFF0]  }
0x10d: {  	[tilespmem:s31+$0xFFFFFFD0] =	vst v8;
	v5 =	vmul.f32 $3.200000000e+01, v5;
	s30 =	sadd.s32 $0x1, s30  }
0x10e: {  	[tilespmem:s31+$0xFFFFFFE0] =	vst v9;
	v3 =	vmul.f32 $3.200000000e+01, v3;
	p0 =	sne.s32 s30, $0x20  }
.Ltmp3:
0x10f: {  	[tilespmem:s31+$0x0] =	vst v5;
	v62 =	vmul.f32 $3.200000000e+01, v6;
	(pc) =	sbr.rel @p0 .LBB2_6-.Ltmp3, $4  }
0x110: {  	[tilespmem:s31+$0x10] =	vst v3;
	v3 =	vmul.f32 $3.200000000e+01, v4  }
0x111: {  	v63 =	vmul.f32 $3.200000000e+01, v7;
	[tilespmem:s31+$0x20] =	vst v62  }
0x112: {  	[tilespmem:s31+$0x30] =	vst v3  }
0x113: {  	s29 =	sadd.s32 $0x400, s29;
	s26 =	sadd.s32 $0x1, s26;
	[tilespmem:s31+$0xFFFFFFF0] =	vst v63  }
0x114: {  	s26 =	simm.s32 $0x0;
	s0 =	rddreg [dreg:$0x7]  }
0x115: {  	[hbm4b:s0+s26] =	stream.linear.scatter [tilespmem:s19], [sflag:$0x5], $0x8000, $0x38;
	[tilespmem:$0x18800] =	vst v63  }
0x116: {  	_ =	swait.ge [sflag:s4], $0x8000  }
0x117: {  	[sflag:s4] =	ssyncset.done $0x0  }
0x118: {  	[sflag:s4] =	ssyncadd.s32 $0xFFFF8000  }
0x119: {  	_ =	swait.ge [sflag:s21], $0x8000  }
0x11a: {  	[sflag:s21] =	ssyncset.done $0x0  }
0x11b: {  	[sflag:s21] =	ssyncadd.s32 $0xFFFF8000  }
0x11c: {  	v3 =	vld [tilespmem:$0x200];
	_ =	sdelay $0x4  }
0x11d: {  	v4 =	vshll.u32 v3, $0x3  }
0x11e: {  	v3 =	vand.u32 $0x7, v3;
	v4 =	vand.u32 $0xFFFFFFC0, v4  }
0x11f: {  	v3 =	vor.u32 v3, v4  }
0x120: {  	v4 =	vperm.xlane v3, v0;
	_ =	sdelay $0x1  }
0x121: {  	v4 =	vadd.s32 v1, v4;
	_ =	sdelay $0x4  }
0x122: {  	[tilespmem:s19], [sflag:$0x2] =	stream.indirect_vreg.gather [hbm4b:s2+s26], $0x80, v4, vm0, $0xb8;
	[tilespmem:$0x18800] =	vst v63  }
0x123: {  	s31 =	simm.s32 $0x9000;
	v3 =	vperm.xlane v3, v2  }
0x124: {  	[tilespmem:s31], [sflag:$0x2] =	stream.indirect_vreg.gather [hbm4b:s5+s26], $0x80, v4, vm0, $0xb8;
	[tilespmem:$0x18800] =	vst v63  }
0x125: {  	s1 =	simm.s32 $0x9800;
	v3 =	vadd.s32 v1, v3  }
0x126: {  	[tilespmem:s1], [sflag:$0x2] =	stream.indirect_vreg.gather [hbm4b:s6+s26], $0x80, v4, vm0, $0xb8;
	[tilespmem:$0x18800] =	vst v63  }
0x127: {  	s31 =	simm.s32 $0xA000  }
0x128: {  	[tilespmem:s31], [sflag:$0x2] =	stream.indirect_vreg.gather [hbm4b:s8+s26], $0x80, v4, vm0, $0xb8;
	[tilespmem:$0x18800] =	vst v63  }
0x129: {  	s1 =	simm.s32 $0xA800  }
0x12a: {  	[tilespmem:s1], [sflag:$0x2] =	stream.indirect_vreg.gather [hbm4b:s2+s26], $0x80, v3, vm0, $0xb8;
	[tilespmem:$0x18800] =	vst v63  }
0x12b: {  	s31 =	simm.s32 $0xB000  }
0x12c: {  	[tilespmem:s31], [sflag:$0x2] =	stream.indirect_vreg.gather [hbm4b:s5+s26], $0x80, v3, vm0, $0xb8;
	[tilespmem:$0x18800] =	vst v63  }
0x12d: {  	s1 =	simm.s32 $0xB800  }
0x12e: {  	[tilespmem:s1], [sflag:$0x2] =	stream.indirect_vreg.gather [hbm4b:s6+s26], $0x80, v3, vm0, $0xb8;
	[tilespmem:$0x18800] =	vst v63  }
0x12f: {  	s31 =	simm.s32 $0xC000  }
0x130: {  	[tilespmem:s31], [sflag:$0x2] =	stream.indirect_vreg.gather [hbm4b:s8+s26], $0x80, v3, vm0, $0xb8;
	[tilespmem:$0x18800] =	vst v63  }
0x131: {  	v3 =	vld [tilespmem:$0x210];
	_ =	sdelay $0x4  }
0x132: {  	v63 =	vshll.u32 v3, $0x3  }
0x133: {  	v3 =	vand.u32 $0x7, v3;
	v4 =	vand.u32 $0xFFFFFFC0, v63  }
0x134: {  	v3 =	vor.u32 v3, v4  }
0x135: {  	v4 =	vperm.xlane v3, v0;
	_ =	sdelay $0x1  }
0x136: {  	v4 =	vadd.s32 v1, v4;
	_ =	sdelay $0x3  }
0x137: {  	s1 =	simm.s32 $0xC800  }
0x138: {  	[tilespmem:s1], [sflag:$0x2] =	stream.indirect_vreg.gather [hbm4b:s2+s26], $0x80, v4, vm0, $0xb8;
	[tilespmem:$0x18800] =	vst v63  }
0x139: {  	s31 =	simm.s32 $0xD000;
	v3 =	vperm.xlane v3, v2  }
0x13a: {  	[tilespmem:s31], [sflag:$0x2] =	stream.indirect_vreg.gather [hbm4b:s5+s26], $0x80, v4, vm0, $0xb8;
	[tilespmem:$0x18800] =	vst v63  }
0x13b: {  	v3 =	vadd.s32 v1, v3;
	s1 =	simm.s32 $0xD800  }
0x13c: {  	[tilespmem:s1], [sflag:$0x2] =	stream.indirect_vreg.gather [hbm4b:s6+s26], $0x80, v4, vm0, $0xb8;
	[tilespmem:$0x18800] =	vst v63  }
0x13d: {  	s31 =	simm.s32 $0xE000  }
0x13e: {  	[tilespmem:s31], [sflag:$0x2] =	stream.indirect_vreg.gather [hbm4b:s8+s26], $0x80, v4, vm0, $0xb8;
	[tilespmem:$0x18800] =	vst v63  }
0x13f: {  	s1 =	simm.s32 $0xE800  }
0x140: {  	[tilespmem:s1], [sflag:$0x2] =	stream.indirect_vreg.gather [hbm4b:s2+s26], $0x80, v3, vm0, $0xb8;
	[tilespmem:$0x18800] =	vst v63  }
0x141: {  	s31 =	simm.s32 $0xF000  }
0x142: {  	[tilespmem:s31], [sflag:$0x2] =	stream.indirect_vreg.gather [hbm4b:s5+s26], $0x80, v3, vm0, $0xb8;
	[tilespmem:$0x18800] =	vst v63  }
0x143: {  	s1 =	simm.s32 $0xF800  }
0x144: {  	[tilespmem:s1], [sflag:$0x2] =	stream.indirect_vreg.gather [hbm4b:s6+s26], $0x80, v3, vm0, $0xb8;
	[tilespmem:$0x18800] =	vst v63  }
0x145: {  	s29 =	simm.s32 $0x0;
	s30 =	simm.s32 $0x0;
	s31 =	simm.s32 $0x10000  }
0x146: {  	[tilespmem:s31], [sflag:$0x2] =	stream.indirect_vreg.gather [hbm4b:s8+s26], $0x80, v3, vm0, $0xb8;
	[tilespmem:$0x18800] =	vst v63  }
.LBB2_10:
0x147: {  	s0 =	sshll.u32 s29, $0x2;
	s1 =	sand.u32 $0x7, s26  }
0x148: {  	s0 =	sand.u32 $0xFFFF8000, s0;
	s1 =	sshll.u32 s1, $0x9  }
0x149: {  	s0 =	sor.u32 s1, s0  }
0x14a: {  	s0 =	sshrl.u32 s0, $0x2  }
0x14b: {  	s31 =	sadd.s32 $0x10840, s0  }
0x14c: {  	v4 =	vld [tilespmem:s31+$0xFFFFFFC0];
	_ =	sdelay $0x1  }
0x14d: {  	v7 =	vld [tilespmem:s31+$0xFFFFFFD0]  }
0x14e: {  	v9 =	vld [tilespmem:s31+$0xFFFFFFE0]  }
0x14f: {  	v5 =	vld [tilespmem:s31+$0x0]  }
0x150: {  	v3 =	vld [tilespmem:s31+$0x10];
	v8 =	vmul.f32 $3.200000000e+01, v4  }
0x151: {  	v6 =	vld [tilespmem:s31+$0x20]  }
0x152: {  	v4 =	vld [tilespmem:s31+$0x30];
	[tilespmem:s31+$0xFFFFFFC0] =	vst v8;
	v8 =	vmul.f32 $3.200000000e+01, v7  }
0x153: {  	s0 =	simm.s32 $0x0;
	s1 =	sadd.s32 $0x400, s31;
	v9 =	vmul.f32 $3.200000000e+01, v9;
	v7 =	vld [tilespmem:s31+$0xFFFFFFF0]  }
.LBB2_11:
0x154: {  	v10 =	vld [tilespmem:s1+$0xFFFFFFC0];
	[tilespmem:s31+$0xFFFFFFD0] =	vst v8;
	v5 =	vmul.f32 $3.200000000e+01, v5  }
0x155: {  	s0 =	sadd.s32 $0x8, s0;
	v8 =	vld [tilespmem:s1+$0xFFFFFFD0];
	[tilespmem:s31+$0xFFFFFFE0] =	vst v9;
	v3 =	vmul.f32 $3.200000000e+01, v3  }
0x156: {  	p0 =	slt.u32 s0, $0x38;
	v9 =	vld [tilespmem:s1+$0xFFFFFFE0];
	[tilespmem:s31+$0x0] =	vst v5;
	v6 =	vmul.f32 $3.200000000e+01, v6  }
.Ltmp4:
0x157: {  	v5 =	vld [tilespmem:s1+$0x0];
	[tilespmem:s31+$0x10] =	vst v3;
	v4 =	vmul.f32 $3.200000000e+01, v4;
	(pc) =	sbr.rel @p0 .LBB2_11-.Ltmp4, $4  }
0x158: {  	v3 =	vld [tilespmem:s1+$0x10];
	v7 =	vmul.f32 $3.200000000e+01, v7;
	[tilespmem:s31+$0x20] =	vst v6  }
0x159: {  	v10 =	vmul.f32 $3.200000000e+01, v10;
	v6 =	vld [tilespmem:s1+$0x20];
	[tilespmem:s31+$0x30] =	vst v4  }
0x15a: {  	v8 =	vmul.f32 $3.200000000e+01, v8;
	v4 =	vld [tilespmem:s1+$0x30];
	[tilespmem:s31+$0xFFFFFFF0] =	vst v7;
	s31 =	smov.u32 s1  }
0x15b: {  	s1 =	sadd.s32 $0x400, s1;
	[tilespmem:s31+$0xFFFFFFC0] =	vst v10;
	v9 =	vmul.f32 $3.200000000e+01, v9;
	v7 =	vld [tilespmem:s31+$0xFFFFFFF0]  }
0x15c: {  	[tilespmem:s31+$0xFFFFFFD0] =	vst v8;
	v5 =	vmul.f32 $3.200000000e+01, v5;
	s30 =	sadd.s32 $0x1, s30  }
0x15d: {  	[tilespmem:s31+$0xFFFFFFE0] =	vst v9;
	v3 =	vmul.f32 $3.200000000e+01, v3;
	p0 =	sne.s32 s30, $0x20  }
.Ltmp5:
0x15e: {  	[tilespmem:s31+$0x0] =	vst v5;
	v62 =	vmul.f32 $3.200000000e+01, v6;
	(pc) =	sbr.rel @p0 .LBB2_10-.Ltmp5, $4  }
0x15f: {  	[tilespmem:s31+$0x10] =	vst v3;
	v3 =	vmul.f32 $3.200000000e+01, v4  }
0x160: {  	v63 =	vmul.f32 $3.200000000e+01, v7;
	[tilespmem:s31+$0x20] =	vst v62  }
0x161: {  	[tilespmem:s31+$0x30] =	vst v3  }
0x162: {  	s29 =	sadd.s32 $0x400, s29;
	s26 =	sadd.s32 $0x1, s26;
	[tilespmem:s31+$0xFFFFFFF0] =	vst v63  }
0x163: {  	s26 =	simm.s32 $0x0;
	s0 =	rddreg [dreg:$0x8]  }
0x164: {  	[hbm4b:s0+s26] =	stream.linear.scatter [tilespmem:s20], [sflag:$0x6], $0x8000, $0x38;
	[tilespmem:$0x18800] =	vst v63  }
0x165: {  	_ =	swait.ge [sflag:s7], $0x8000  }
0x166: {  	[sflag:s7] =	ssyncset.done $0x0  }
0x167: {  	[sflag:s7] =	ssyncadd.s32 $0xFFFF8000  }
0x168: {  	_ =	swait.ge [sflag:s22], $0x8000  }
0x169: {  	[sflag:s22] =	ssyncset.done $0x0  }
0x16a: {  	[sflag:s22] =	ssyncadd.s32 $0xFFFF8000  }
0x16b: {  	v3 =	vld [tilespmem:$0x280];
	_ =	sdelay $0x4  }
0x16c: {  	v4 =	vshll.u32 v3, $0x3  }
0x16d: {  	v3 =	vand.u32 $0x7, v3;
	v4 =	vand.u32 $0xFFFFFFC0, v4  }
0x16e: {  	v3 =	vor.u32 v3, v4  }
0x16f: {  	v4 =	vperm.xlane v3, v0;
	_ =	sdelay $0x1  }
0x170: {  	v4 =	vadd.s32 v1, v4;
	_ =	sdelay $0x4  }
0x171: {  	[tilespmem:s20], [sflag:$0x3] =	stream.indirect_vreg.gather [hbm4b:s2+s26], $0x80, v4, vm0, $0xb8;
	[tilespmem:$0x18800] =	vst v63  }
0x172: {  	s31 =	simm.s32 $0x11000;
	v3 =	vperm.xlane v3, v2  }
0x173: {  	[tilespmem:s31], [sflag:$0x3] =	stream.indirect_vreg.gather [hbm4b:s5+s26], $0x80, v4, vm0, $0xb8;
	[tilespmem:$0x18800] =	vst v63  }
0x174: {  	s1 =	simm.s32 $0x11800;
	v3 =	vadd.s32 v1, v3  }
0x175: {  	[tilespmem:s1], [sflag:$0x3] =	stream.indirect_vreg.gather [hbm4b:s6+s26], $0x80, v4, vm0, $0xb8;
	[tilespmem:$0x18800] =	vst v63  }
0x176: {  	s31 =	simm.s32 $0x12000  }
0x177: {  	[tilespmem:s31], [sflag:$0x3] =	stream.indirect_vreg.gather [hbm4b:s8+s26], $0x80, v4, vm0, $0xb8;
	[tilespmem:$0x18800] =	vst v63  }
0x178: {  	s1 =	simm.s32 $0x12800  }
0x179: {  	[tilespmem:s1], [sflag:$0x3] =	stream.indirect_vreg.gather [hbm4b:s2+s26], $0x80, v3, vm0, $0xb8;
	[tilespmem:$0x18800] =	vst v63  }
0x17a: {  	s31 =	simm.s32 $0x13000  }
0x17b: {  	[tilespmem:s31], [sflag:$0x3] =	stream.indirect_vreg.gather [hbm4b:s5+s26], $0x80, v3, vm0, $0xb8;
	[tilespmem:$0x18800] =	vst v63  }
0x17c: {  	s1 =	simm.s32 $0x13800  }
0x17d: {  	[tilespmem:s1], [sflag:$0x3] =	stream.indirect_vreg.gather [hbm4b:s6+s26], $0x80, v3, vm0, $0xb8;
	[tilespmem:$0x18800] =	vst v63  }
0x17e: {  	s31 =	simm.s32 $0x14000  }
0x17f: {  	[tilespmem:s31], [sflag:$0x3] =	stream.indirect_vreg.gather [hbm4b:s8+s26], $0x80, v3, vm0, $0xb8;
	[tilespmem:$0x18800] =	vst v63  }
0x180: {  	v3 =	vld [tilespmem:$0x290];
	_ =	sdelay $0x4  }
0x181: {  	v63 =	vshll.u32 v3, $0x3  }
0x182: {  	v3 =	vand.u32 $0x7, v3;
	v4 =	vand.u32 $0xFFFFFFC0, v63  }
0x183: {  	v3 =	vor.u32 v3, v4  }
0x184: {  	v4 =	vperm.xlane v3, v0;
	_ =	sdelay $0x1  }
0x185: {  	v4 =	vadd.s32 v1, v4;
	_ =	sdelay $0x3  }
0x186: {  	s1 =	simm.s32 $0x14800  }
0x187: {  	[tilespmem:s1], [sflag:$0x3] =	stream.indirect_vreg.gather [hbm4b:s2+s26], $0x80, v4, vm0, $0xb8;
	[tilespmem:$0x18800] =	vst v63  }
0x188: {  	s31 =	simm.s32 $0x15000;
	v3 =	vperm.xlane v3, v2  }
0x189: {  	[tilespmem:s31], [sflag:$0x3] =	stream.indirect_vreg.gather [hbm4b:s5+s26], $0x80, v4, vm0, $0xb8;
	[tilespmem:$0x18800] =	vst v63  }
0x18a: {  	v3 =	vadd.s32 v1, v3;
	s1 =	simm.s32 $0x15800  }
0x18b: {  	[tilespmem:s1], [sflag:$0x3] =	stream.indirect_vreg.gather [hbm4b:s6+s26], $0x80, v4, vm0, $0xb8;
	[tilespmem:$0x18800] =	vst v63  }
0x18c: {  	s31 =	simm.s32 $0x16000  }
0x18d: {  	[tilespmem:s31], [sflag:$0x3] =	stream.indirect_vreg.gather [hbm4b:s8+s26], $0x80, v4, vm0, $0xb8;
	[tilespmem:$0x18800] =	vst v63  }
0x18e: {  	s1 =	simm.s32 $0x16800  }
0x18f: {  	[tilespmem:s1], [sflag:$0x3] =	stream.indirect_vreg.gather [hbm4b:s2+s26], $0x80, v3, vm0, $0xb8;
	[tilespmem:$0x18800] =	vst v63  }
0x190: {  	s31 =	simm.s32 $0x17000  }
0x191: {  	[tilespmem:s31], [sflag:$0x3] =	stream.indirect_vreg.gather [hbm4b:s5+s26], $0x80, v3, vm0, $0xb8;
	[tilespmem:$0x18800] =	vst v63  }
0x192: {  	s1 =	simm.s32 $0x17800  }
0x193: {  	[tilespmem:s1], [sflag:$0x3] =	stream.indirect_vreg.gather [hbm4b:s6+s26], $0x80, v3, vm0, $0xb8;
	[tilespmem:$0x18800] =	vst v63  }
0x194: {  	s29 =	simm.s32 $0x0;
	s30 =	simm.s32 $0x0;
	s31 =	simm.s32 $0x18000  }
0x195: {  	[tilespmem:s31], [sflag:$0x3] =	stream.indirect_vreg.gather [hbm4b:s8+s26], $0x80, v3, vm0, $0xb8;
	[tilespmem:$0x18800] =	vst v63  }
.LBB2_14:
0x196: {  	s0 =	sshll.u32 s29, $0x2;
	s1 =	sand.u32 $0x7, s26  }
0x197: {  	s0 =	sand.u32 $0xFFFF8000, s0;
	s1 =	sshll.u32 s1, $0x9  }
0x198: {  	s0 =	sor.u32 s1, s0  }
0x199: {  	s0 =	sshrl.u32 s0, $0x2  }
0x19a: {  	s31 =	sor.u32 $0x840, s0  }
0x19b: {  	v4 =	vld [tilespmem:s31+$0xFFFFFFC0];
	_ =	sdelay $0x1  }
0x19c: {  	v7 =	vld [tilespmem:s31+$0xFFFFFFD0]  }
0x19d: {  	v9 =	vld [tilespmem:s31+$0xFFFFFFE0]  }
0x19e: {  	v5 =	vld [tilespmem:s31+$0x0]  }
0x19f: {  	v3 =	vld [tilespmem:s31+$0x10];
	v8 =	vmul.f32 $3.200000000e+01, v4  }
0x1a0: {  	v6 =	vld [tilespmem:s31+$0x20]  }
0x1a1: {  	v4 =	vld [tilespmem:s31+$0x30];
	[tilespmem:s31+$0xFFFFFFC0] =	vst v8;
	v8 =	vmul.f32 $3.200000000e+01, v7  }
0x1a2: {  	s0 =	simm.s32 $0x0;
	s1 =	sadd.s32 $0x400, s31;
	v9 =	vmul.f32 $3.200000000e+01, v9;
	v7 =	vld [tilespmem:s31+$0xFFFFFFF0]  }
.LBB2_15:
0x1a3: {  	v10 =	vld [tilespmem:s1+$0xFFFFFFC0];
	[tilespmem:s31+$0xFFFFFFD0] =	vst v8;
	v5 =	vmul.f32 $3.200000000e+01, v5  }
0x1a4: {  	s0 =	sadd.s32 $0x8, s0;
	v8 =	vld [tilespmem:s1+$0xFFFFFFD0];
	[tilespmem:s31+$0xFFFFFFE0] =	vst v9;
	v3 =	vmul.f32 $3.200000000e+01, v3  }
0x1a5: {  	p0 =	slt.u32 s0, $0x38;
	v9 =	vld [tilespmem:s1+$0xFFFFFFE0];
	[tilespmem:s31+$0x0] =	vst v5;
	v6 =	vmul.f32 $3.200000000e+01, v6  }
.Ltmp6:
0x1a6: {  	v5 =	vld [tilespmem:s1+$0x0];
	[tilespmem:s31+$0x10] =	vst v3;
	v4 =	vmul.f32 $3.200000000e+01, v4;
	(pc) =	sbr.rel @p0 .LBB2_15-.Ltmp6, $4  }
0x1a7: {  	v3 =	vld [tilespmem:s1+$0x10];
	v7 =	vmul.f32 $3.200000000e+01, v7;
	[tilespmem:s31+$0x20] =	vst v6  }
0x1a8: {  	v10 =	vmul.f32 $3.200000000e+01, v10;
	v6 =	vld [tilespmem:s1+$0x20];
	[tilespmem:s31+$0x30] =	vst v4  }
0x1a9: {  	v8 =	vmul.f32 $3.200000000e+01, v8;
	v4 =	vld [tilespmem:s1+$0x30];
	[tilespmem:s31+$0xFFFFFFF0] =	vst v7;
	s31 =	smov.u32 s1  }
0x1aa: {  	s1 =	sadd.s32 $0x400, s1;
	[tilespmem:s31+$0xFFFFFFC0] =	vst v10;
	v9 =	vmul.f32 $3.200000000e+01, v9;
	v7 =	vld [tilespmem:s31+$0xFFFFFFF0]  }
0x1ab: {  	[tilespmem:s31+$0xFFFFFFD0] =	vst v8;
	v5 =	vmul.f32 $3.200000000e+01, v5;
	s30 =	sadd.s32 $0x1, s30  }
0x1ac: {  	[tilespmem:s31+$0xFFFFFFE0] =	vst v9;
	v3 =	vmul.f32 $3.200000000e+01, v3;
	p0 =	sne.s32 s30, $0x20  }
.Ltmp7:
0x1ad: {  	[tilespmem:s31+$0x0] =	vst v5;
	v62 =	vmul.f32 $3.200000000e+01, v6;
	(pc) =	sbr.rel @p0 .LBB2_14-.Ltmp7, $4  }
0x1ae: {  	[tilespmem:s31+$0x10] =	vst v3;
	v3 =	vmul.f32 $3.200000000e+01, v4  }
0x1af: {  	v63 =	vmul.f32 $3.200000000e+01, v7;
	[tilespmem:s31+$0x20] =	vst v62  }
0x1b0: {  	[tilespmem:s31+$0x30] =	vst v3  }
0x1b1: {  	s29 =	sadd.s32 $0x400, s29;
	s26 =	sadd.s32 $0x1, s26;
	[tilespmem:s31+$0xFFFFFFF0] =	vst v63  }
0x1b2: {  	s26 =	simm.s32 $0x0;
	s0 =	rddreg [dreg:$0x9]  }
0x1b3: {  	[hbm4b:s0+s26] =	stream.linear.scatter [tilespmem:s28], [sflag:$0x4], $0x8000, $0x38;
	[tilespmem:$0x18800] =	vst v63  }
0x1b4: {  	_ =	swait.ge [sflag:s24], $0x8000  }
0x1b5: {  	[sflag:s24] =	ssyncset.done $0x0  }
0x1b6: {  	[sflag:s24] =	ssyncadd.s32 $0xFFFF8000  }
0x1b7: {  	_ =	swait.ge [sflag:s25], $0x8000  }
0x1b8: {  	[sflag:s25] =	ssyncset.done $0x0  }
0x1b9: {  	[sflag:s25] =	ssyncadd.s32 $0xFFFF8000  }
0x1ba: {  	v3 =	vld [tilespmem:$0x300];
	_ =	sdelay $0x4  }
0x1bb: {  	v4 =	vshll.u32 v3, $0x3  }
0x1bc: {  	v3 =	vand.u32 $0x7, v3;
	v4 =	vand.u32 $0xFFFFFFC0, v4  }
0x1bd: {  	v3 =	vor.u32 v3, v4  }
0x1be: {  	v4 =	vperm.xlane v3, v0;
	_ =	sdelay $0x1  }
0x1bf: {  	v4 =	vadd.s32 v1, v4;
	_ =	sdelay $0x4  }
0x1c0: {  	[tilespmem:s28], [sflag:$0x1] =	stream.indirect_vreg.gather [hbm4b:s2+s26], $0x80, v4, vm0, $0xb8;
	[tilespmem:$0x18800] =	vst v63  }
0x1c1: {  	s31 =	simm.s32 $0x1000;
	v3 =	vperm.xlane v3, v2  }
0x1c2: {  	[tilespmem:s31], [sflag:$0x1] =	stream.indirect_vreg.gather [hbm4b:s5+s26], $0x80, v4, vm0, $0xb8;
	[tilespmem:$0x18800] =	vst v63  }
0x1c3: {  	s1 =	simm.s32 $0x1800;
	v3 =	vadd.s32 v1, v3  }
0x1c4: {  	[tilespmem:s1], [sflag:$0x1] =	stream.indirect_vreg.gather [hbm4b:s6+s26], $0x80, v4, vm0, $0xb8;
	[tilespmem:$0x18800] =	vst v63  }
0x1c5: {  	s31 =	simm.s32 $0x2000  }
0x1c6: {  	[tilespmem:s31], [sflag:$0x1] =	stream.indirect_vreg.gather [hbm4b:s8+s26], $0x80, v4, vm0, $0xb8;
	[tilespmem:$0x18800] =	vst v63  }
0x1c7: {  	s1 =	simm.s32 $0x2800  }
0x1c8: {  	[tilespmem:s1], [sflag:$0x1] =	stream.indirect_vreg.gather [hbm4b:s2+s26], $0x80, v3, vm0, $0xb8;
	[tilespmem:$0x18800] =	vst v63  }
0x1c9: {  	s31 =	simm.s32 $0x3000  }
0x1ca: {  	[tilespmem:s31], [sflag:$0x1] =	stream.indirect_vreg.gather [hbm4b:s5+s26], $0x80, v3, vm0, $0xb8;
	[tilespmem:$0x18800] =	vst v63  }
0x1cb: {  	_ = 	snop  }
0x1cc: {  	[tilespmem:s9], [sflag:$0x1] =	stream.indirect_vreg.gather [hbm4b:s6+s26], $0x80, v3, vm0, $0xb8;
	[tilespmem:$0x18800] =	vst v63  }
0x1cd: {  	_ = 	snop  }
0x1ce: {  	[tilespmem:s10], [sflag:$0x1] =	stream.indirect_vreg.gather [hbm4b:s8+s26], $0x80, v3, vm0, $0xb8;
	[tilespmem:$0x18800] =	vst v63  }
0x1cf: {  	v3 =	vld [tilespmem:$0x310];
	_ =	sdelay $0x4  }
0x1d0: {  	v63 =	vshll.u32 v3, $0x3  }
0x1d1: {  	v3 =	vand.u32 $0x7, v3;
	v4 =	vand.u32 $0xFFFFFFC0, v63  }
0x1d2: {  	v3 =	vor.u32 v3, v4  }
0x1d3: {  	v4 =	vperm.xlane v3, v0;
	_ =	sdelay $0x1  }
0x1d4: {  	v4 =	vadd.s32 v1, v4;
	_ =	sdelay $0x4  }
0x1d5: {  	[tilespmem:s11], [sflag:$0x1] =	stream.indirect_vreg.gather [hbm4b:s2+s26], $0x80, v4, vm0, $0xb8;
	[tilespmem:$0x18800] =	vst v63  }
0x1d6: {  	v3 =	vperm.xlane v3, v2  }
0x1d7: {  	[tilespmem:s12], [sflag:$0x1] =	stream.indirect_vreg.gather [hbm4b:s5+s26], $0x80, v4, vm0, $0xb8;
	[tilespmem:$0x18800] =	vst v63  }
0x1d8: {  	v3 =	vadd.s32 v1, v3  }
0x1d9: {  	[tilespmem:s13], [sflag:$0x1] =	stream.indirect_vreg.gather [hbm4b:s6+s26], $0x80, v4, vm0, $0xb8;
	[tilespmem:$0x18800] =	vst v63  }
0x1da: {  	_ = 	snop  }
0x1db: {  	[tilespmem:s14], [sflag:$0x1] =	stream.indirect_vreg.gather [hbm4b:s8+s26], $0x80, v4, vm0, $0xb8;
	[tilespmem:$0x18800] =	vst v63  }
0x1dc: {  	_ = 	snop  }
0x1dd: {  	[tilespmem:s15], [sflag:$0x1] =	stream.indirect_vreg.gather [hbm4b:s2+s26], $0x80, v3, vm0, $0xb8;
	[tilespmem:$0x18800] =	vst v63  }
0x1de: {  	_ = 	snop  }
0x1df: {  	[tilespmem:s16], [sflag:$0x1] =	stream.indirect_vreg.gather [hbm4b:s5+s26], $0x80, v3, vm0, $0xb8;
	[tilespmem:$0x18800] =	vst v63  }
0x1e0: {  	_ = 	snop  }
0x1e1: {  	[tilespmem:s17], [sflag:$0x1] =	stream.indirect_vreg.gather [hbm4b:s6+s26], $0x80, v3, vm0, $0xb8;
	[tilespmem:$0x18800] =	vst v63  }
0x1e2: {  	s29 =	simm.s32 $0x0;
	s30 =	simm.s32 $0x0  }
0x1e3: {  	[tilespmem:s18], [sflag:$0x1] =	stream.indirect_vreg.gather [hbm4b:s8+s26], $0x80, v3, vm0, $0xb8;
	[tilespmem:$0x18800] =	vst v63  }
.LBB2_18:
0x1e4: {  	s0 =	sshll.u32 s29, $0x2;
	s1 =	sand.u32 $0x7, s26  }
0x1e5: {  	s0 =	sand.u32 $0xFFFF8000, s0;
	s1 =	sshll.u32 s1, $0x9  }
0x1e6: {  	s0 =	sor.u32 s1, s0  }
0x1e7: {  	s0 =	sshrl.u32 s0, $0x2  }
0x1e8: {  	s31 =	sadd.s32 $0x8840, s0  }
0x1e9: {  	v4 =	vld [tilespmem:s31+$0xFFFFFFC0];
	_ =	sdelay $0x1  }
0x1ea: {  	v7 =	vld [tilespmem:s31+$0xFFFFFFD0]  }
0x1eb: {  	v9 =	vld [tilespmem:s31+$0xFFFFFFE0]  }
0x1ec: {  	v5 =	vld [tilespmem:s31+$0x0]  }
0x1ed: {  	v3 =	vld [tilespmem:s31+$0x10];
	v8 =	vmul.f32 $3.200000000e+01, v4  }
0x1ee: {  	v6 =	vld [tilespmem:s31+$0x20]  }
0x1ef: {  	v4 =	vld [tilespmem:s31+$0x30];
	[tilespmem:s31+$0xFFFFFFC0] =	vst v8;
	v8 =	vmul.f32 $3.200000000e+01, v7  }
0x1f0: {  	s0 =	simm.s32 $0x0;
	s1 =	sadd.s32 $0x400, s31;
	v9 =	vmul.f32 $3.200000000e+01, v9;
	v7 =	vld [tilespmem:s31+$0xFFFFFFF0]  }
.LBB2_19:
0x1f1: {  	v10 =	vld [tilespmem:s1+$0xFFFFFFC0];
	[tilespmem:s31+$0xFFFFFFD0] =	vst v8;
	v5 =	vmul.f32 $3.200000000e+01, v5  }
0x1f2: {  	s0 =	sadd.s32 $0x8, s0;
	v8 =	vld [tilespmem:s1+$0xFFFFFFD0];
	[tilespmem:s31+$0xFFFFFFE0] =	vst v9;
	v3 =	vmul.f32 $3.200000000e+01, v3  }
0x1f3: {  	p0 =	slt.u32 s0, $0x38;
	v9 =	vld [tilespmem:s1+$0xFFFFFFE0];
	[tilespmem:s31+$0x0] =	vst v5;
	v6 =	vmul.f32 $3.200000000e+01, v6  }
.Ltmp8:
0x1f4: {  	v5 =	vld [tilespmem:s1+$0x0];
	[tilespmem:s31+$0x10] =	vst v3;
	v4 =	vmul.f32 $3.200000000e+01, v4;
	(pc) =	sbr.rel @p0 .LBB2_19-.Ltmp8, $4  }
0x1f5: {  	v3 =	vld [tilespmem:s1+$0x10];
	v7 =	vmul.f32 $3.200000000e+01, v7;
	[tilespmem:s31+$0x20] =	vst v6  }
0x1f6: {  	v10 =	vmul.f32 $3.200000000e+01, v10;
	v6 =	vld [tilespmem:s1+$0x20];
	[tilespmem:s31+$0x30] =	vst v4  }
0x1f7: {  	v8 =	vmul.f32 $3.200000000e+01, v8;
	v4 =	vld [tilespmem:s1+$0x30];
	[tilespmem:s31+$0xFFFFFFF0] =	vst v7;
	s31 =	smov.u32 s1  }
0x1f8: {  	s1 =	sadd.s32 $0x400, s1;
	[tilespmem:s31+$0xFFFFFFC0] =	vst v10;
	v9 =	vmul.f32 $3.200000000e+01, v9;
	v7 =	vld [tilespmem:s31+$0xFFFFFFF0]  }
0x1f9: {  	[tilespmem:s31+$0xFFFFFFD0] =	vst v8;
	v5 =	vmul.f32 $3.200000000e+01, v5;
	s30 =	sadd.s32 $0x1, s30  }
0x1fa: {  	[tilespmem:s31+$0xFFFFFFE0] =	vst v9;
	v3 =	vmul.f32 $3.200000000e+01, v3;
	p0 =	sne.s32 s30, $0x20  }
.Ltmp9:
0x1fb: {  	[tilespmem:s31+$0x0] =	vst v5;
	v62 =	vmul.f32 $3.200000000e+01, v6;
	(pc) =	sbr.rel @p0 .LBB2_18-.Ltmp9, $4  }
0x1fc: {  	[tilespmem:s31+$0x10] =	vst v3;
	v3 =	vmul.f32 $3.200000000e+01, v4  }
0x1fd: {  	v63 =	vmul.f32 $3.200000000e+01, v7;
	[tilespmem:s31+$0x20] =	vst v62  }
0x1fe: {  	[tilespmem:s31+$0x30] =	vst v3  }
0x1ff: {  	s29 =	sadd.s32 $0x400, s29;
	s26 =	sadd.s32 $0x1, s26;
	[tilespmem:s31+$0xFFFFFFF0] =	vst v63  }
0x200: {  	s26 =	simm.s32 $0x0;
	s0 =	rddreg [dreg:$0xa]  }
0x201: {  	[hbm4b:s0+s26] =	stream.linear.scatter [tilespmem:s19], [sflag:$0x5], $0x8000, $0x38;
	[tilespmem:$0x18800] =	vst v63  }
0x202: {  	_ =	swait.ge [sflag:s4], $0x8000  }
0x203: {  	[sflag:s4] =	ssyncset.done $0x0  }
0x204: {  	[sflag:s4] =	ssyncadd.s32 $0xFFFF8000  }
0x205: {  	_ =	swait.ge [sflag:s21], $0x8000  }
0x206: {  	[sflag:s21] =	ssyncset.done $0x0  }
0x207: {  	[sflag:s21] =	ssyncadd.s32 $0xFFFF8000  }
0x208: {  	v3 =	vld [tilespmem:$0x380];
	_ =	sdelay $0x4  }
0x209: {  	v4 =	vshll.u32 v3, $0x3  }
0x20a: {  	v3 =	vand.u32 $0x7, v3;
	v4 =	vand.u32 $0xFFFFFFC0, v4  }
0x20b: {  	v3 =	vor.u32 v3, v4  }
0x20c: {  	v4 =	vperm.xlane v3, v0;
	_ =	sdelay $0x1  }
0x20d: {  	v4 =	vadd.s32 v1, v4;
	_ =	sdelay $0x4  }
0x20e: {  	[tilespmem:s19], [sflag:$0x2] =	stream.indirect_vreg.gather [hbm4b:s2+s26], $0x80, v4, vm0, $0xb8;
	[tilespmem:$0x18800] =	vst v63  }
0x20f: {  	s31 =	simm.s32 $0x9000;
	v3 =	vperm.xlane v3, v2  }
0x210: {  	[tilespmem:s31], [sflag:$0x2] =	stream.indirect_vreg.gather [hbm4b:s5+s26], $0x80, v4, vm0, $0xb8;
	[tilespmem:$0x18800] =	vst v63  }
0x211: {  	s1 =	simm.s32 $0x9800;
	v3 =	vadd.s32 v1, v3  }
0x212: {  	[tilespmem:s1], [sflag:$0x2] =	stream.indirect_vreg.gather [hbm4b:s6+s26], $0x80, v4, vm0, $0xb8;
	[tilespmem:$0x18800] =	vst v63  }
0x213: {  	s31 =	simm.s32 $0xA000  }
0x214: {  	[tilespmem:s31], [sflag:$0x2] =	stream.indirect_vreg.gather [hbm4b:s8+s26], $0x80, v4, vm0, $0xb8;
	[tilespmem:$0x18800] =	vst v63  }
0x215: {  	s1 =	simm.s32 $0xA800  }
0x216: {  	[tilespmem:s1], [sflag:$0x2] =	stream.indirect_vreg.gather [hbm4b:s2+s26], $0x80, v3, vm0, $0xb8;
	[tilespmem:$0x18800] =	vst v63  }
0x217: {  	s31 =	simm.s32 $0xB000  }
0x218: {  	[tilespmem:s31], [sflag:$0x2] =	stream.indirect_vreg.gather [hbm4b:s5+s26], $0x80, v3, vm0, $0xb8;
	[tilespmem:$0x18800] =	vst v63  }
0x219: {  	s1 =	simm.s32 $0xB800  }
0x21a: {  	[tilespmem:s1], [sflag:$0x2] =	stream.indirect_vreg.gather [hbm4b:s6+s26], $0x80, v3, vm0, $0xb8;
	[tilespmem:$0x18800] =	vst v63  }
0x21b: {  	s31 =	simm.s32 $0xC000  }
0x21c: {  	[tilespmem:s31], [sflag:$0x2] =	stream.indirect_vreg.gather [hbm4b:s8+s26], $0x80, v3, vm0, $0xb8;
	[tilespmem:$0x18800] =	vst v63  }
0x21d: {  	v3 =	vld [tilespmem:$0x390];
	_ =	sdelay $0x4  }
0x21e: {  	v63 =	vshll.u32 v3, $0x3  }
0x21f: {  	v3 =	vand.u32 $0x7, v3;
	v4 =	vand.u32 $0xFFFFFFC0, v63  }
0x220: {  	v3 =	vor.u32 v3, v4  }
0x221: {  	v4 =	vperm.xlane v3, v0;
	_ =	sdelay $0x1  }
0x222: {  	v4 =	vadd.s32 v1, v4;
	_ =	sdelay $0x3  }
0x223: {  	s1 =	simm.s32 $0xC800  }
0x224: {  	[tilespmem:s1], [sflag:$0x2] =	stream.indirect_vreg.gather [hbm4b:s2+s26], $0x80, v4, vm0, $0xb8;
	[tilespmem:$0x18800] =	vst v63  }
0x225: {  	s31 =	simm.s32 $0xD000;
	v3 =	vperm.xlane v3, v2  }
0x226: {  	[tilespmem:s31], [sflag:$0x2] =	stream.indirect_vreg.gather [hbm4b:s5+s26], $0x80, v4, vm0, $0xb8;
	[tilespmem:$0x18800] =	vst v63  }
0x227: {  	v3 =	vadd.s32 v1, v3;
	s1 =	simm.s32 $0xD800  }
0x228: {  	[tilespmem:s1], [sflag:$0x2] =	stream.indirect_vreg.gather [hbm4b:s6+s26], $0x80, v4, vm0, $0xb8;
	[tilespmem:$0x18800] =	vst v63  }
0x229: {  	s31 =	simm.s32 $0xE000  }
0x22a: {  	[tilespmem:s31], [sflag:$0x2] =	stream.indirect_vreg.gather [hbm4b:s8+s26], $0x80, v4, vm0, $0xb8;
	[tilespmem:$0x18800] =	vst v63  }
0x22b: {  	s1 =	simm.s32 $0xE800  }
0x22c: {  	[tilespmem:s1], [sflag:$0x2] =	stream.indirect_vreg.gather [hbm4b:s2+s26], $0x80, v3, vm0, $0xb8;
	[tilespmem:$0x18800] =	vst v63  }
0x22d: {  	s31 =	simm.s32 $0xF000  }
0x22e: {  	[tilespmem:s31], [sflag:$0x2] =	stream.indirect_vreg.gather [hbm4b:s5+s26], $0x80, v3, vm0, $0xb8;
	[tilespmem:$0x18800] =	vst v63  }
0x22f: {  	s1 =	simm.s32 $0xF800  }
0x230: {  	[tilespmem:s1], [sflag:$0x2] =	stream.indirect_vreg.gather [hbm4b:s6+s26], $0x80, v3, vm0, $0xb8;
	[tilespmem:$0x18800] =	vst v63  }
0x231: {  	s29 =	simm.s32 $0x0;
	s30 =	simm.s32 $0x0;
	s31 =	simm.s32 $0x10000  }
0x232: {  	[tilespmem:s31], [sflag:$0x2] =	stream.indirect_vreg.gather [hbm4b:s8+s26], $0x80, v3, vm0, $0xb8;
	[tilespmem:$0x18800] =	vst v63  }
.LBB2_22:
0x233: {  	s0 =	sshll.u32 s29, $0x2;
	s1 =	sand.u32 $0x7, s26  }
0x234: {  	s0 =	sand.u32 $0xFFFF8000, s0;
	s1 =	sshll.u32 s1, $0x9  }
0x235: {  	s0 =	sor.u32 s1, s0  }
0x236: {  	s0 =	sshrl.u32 s0, $0x2  }
0x237: {  	s31 =	sadd.s32 $0x10840, s0  }
0x238: {  	v4 =	vld [tilespmem:s31+$0xFFFFFFC0];
	_ =	sdelay $0x1  }
0x239: {  	v7 =	vld [tilespmem:s31+$0xFFFFFFD0]  }
0x23a: {  	v9 =	vld [tilespmem:s31+$0xFFFFFFE0]  }
0x23b: {  	v5 =	vld [tilespmem:s31+$0x0]  }
0x23c: {  	v3 =	vld [tilespmem:s31+$0x10];
	v8 =	vmul.f32 $3.200000000e+01, v4  }
0x23d: {  	v6 =	vld [tilespmem:s31+$0x20]  }
0x23e: {  	v4 =	vld [tilespmem:s31+$0x30];
	[tilespmem:s31+$0xFFFFFFC0] =	vst v8;
	v8 =	vmul.f32 $3.200000000e+01, v7  }
0x23f: {  	s0 =	simm.s32 $0x0;
	s1 =	sadd.s32 $0x400, s31;
	v9 =	vmul.f32 $3.200000000e+01, v9;
	v7 =	vld [tilespmem:s31+$0xFFFFFFF0]  }
.LBB2_23:
0x240: {  	v10 =	vld [tilespmem:s1+$0xFFFFFFC0];
	[tilespmem:s31+$0xFFFFFFD0] =	vst v8;
	v5 =	vmul.f32 $3.200000000e+01, v5  }
0x241: {  	s0 =	sadd.s32 $0x8, s0;
	v8 =	vld [tilespmem:s1+$0xFFFFFFD0];
	[tilespmem:s31+$0xFFFFFFE0] =	vst v9;
	v3 =	vmul.f32 $3.200000000e+01, v3  }
0x242: {  	p0 =	slt.u32 s0, $0x38;
	v9 =	vld [tilespmem:s1+$0xFFFFFFE0];
	[tilespmem:s31+$0x0] =	vst v5;
	v6 =	vmul.f32 $3.200000000e+01, v6  }
.Ltmp10:
0x243: {  	v5 =	vld [tilespmem:s1+$0x0];
	[tilespmem:s31+$0x10] =	vst v3;
	v4 =	vmul.f32 $3.200000000e+01, v4;
	(pc) =	sbr.rel @p0 .LBB2_23-.Ltmp10, $4  }
0x244: {  	v3 =	vld [tilespmem:s1+$0x10];
	v7 =	vmul.f32 $3.200000000e+01, v7;
	[tilespmem:s31+$0x20] =	vst v6  }
0x245: {  	v10 =	vmul.f32 $3.200000000e+01, v10;
	v6 =	vld [tilespmem:s1+$0x20];
	[tilespmem:s31+$0x30] =	vst v4  }
0x246: {  	v8 =	vmul.f32 $3.200000000e+01, v8;
	v4 =	vld [tilespmem:s1+$0x30];
	[tilespmem:s31+$0xFFFFFFF0] =	vst v7;
	s31 =	smov.u32 s1  }
0x247: {  	s1 =	sadd.s32 $0x400, s1;
	[tilespmem:s31+$0xFFFFFFC0] =	vst v10;
	v9 =	vmul.f32 $3.200000000e+01, v9;
	v7 =	vld [tilespmem:s31+$0xFFFFFFF0]  }
0x248: {  	[tilespmem:s31+$0xFFFFFFD0] =	vst v8;
	v5 =	vmul.f32 $3.200000000e+01, v5;
	s30 =	sadd.s32 $0x1, s30  }
0x249: {  	[tilespmem:s31+$0xFFFFFFE0] =	vst v9;
	v3 =	vmul.f32 $3.200000000e+01, v3;
	p0 =	sne.s32 s30, $0x20  }
.Ltmp11:
0x24a: {  	[tilespmem:s31+$0x0] =	vst v5;
	v62 =	vmul.f32 $3.200000000e+01, v6;
	(pc) =	sbr.rel @p0 .LBB2_22-.Ltmp11, $4  }
0x24b: {  	[tilespmem:s31+$0x10] =	vst v3;
	v3 =	vmul.f32 $3.200000000e+01, v4  }
0x24c: {  	v63 =	vmul.f32 $3.200000000e+01, v7;
	[tilespmem:s31+$0x20] =	vst v62  }
0x24d: {  	[tilespmem:s31+$0x30] =	vst v3  }
0x24e: {  	s29 =	sadd.s32 $0x400, s29;
	s26 =	sadd.s32 $0x1, s26;
	[tilespmem:s31+$0xFFFFFFF0] =	vst v63  }
0x24f: {  	s26 =	simm.s32 $0x0;
	s0 =	rddreg [dreg:$0xb]  }
0x250: {  	[hbm4b:s0+s26] =	stream.linear.scatter [tilespmem:s20], [sflag:$0x6], $0x8000, $0x38;
	[tilespmem:$0x18800] =	vst v63  }
0x251: {  	_ =	swait.ge [sflag:s7], $0x8000  }
0x252: {  	[sflag:s7] =	ssyncset.done $0x0  }
0x253: {  	[sflag:s7] =	ssyncadd.s32 $0xFFFF8000  }
0x254: {  	_ =	swait.ge [sflag:s22], $0x8000  }
0x255: {  	[sflag:s22] =	ssyncset.done $0x0  }
0x256: {  	[sflag:s22] =	ssyncadd.s32 $0xFFFF8000  }
0x257: {  	v3 =	vld [tilespmem:$0x400];
	_ =	sdelay $0x4  }
0x258: {  	v4 =	vshll.u32 v3, $0x3  }
0x259: {  	v3 =	vand.u32 $0x7, v3;
	v4 =	vand.u32 $0xFFFFFFC0, v4  }
0x25a: {  	v3 =	vor.u32 v3, v4  }
0x25b: {  	v4 =	vperm.xlane v3, v0;
	_ =	sdelay $0x1  }
0x25c: {  	v4 =	vadd.s32 v1, v4;
	_ =	sdelay $0x4  }
0x25d: {  	[tilespmem:s20], [sflag:$0x3] =	stream.indirect_vreg.gather [hbm4b:s2+s26], $0x80, v4, vm0, $0xb8;
	[tilespmem:$0x18800] =	vst v63  }
0x25e: {  	s31 =	simm.s32 $0x11000;
	v3 =	vperm.xlane v3, v2  }
0x25f: {  	[tilespmem:s31], [sflag:$0x3] =	stream.indirect_vreg.gather [hbm4b:s5+s26], $0x80, v4, vm0, $0xb8;
	[tilespmem:$0x18800] =	vst v63  }
0x260: {  	s1 =	simm.s32 $0x11800;
	v3 =	vadd.s32 v1, v3  }
0x261: {  	[tilespmem:s1], [sflag:$0x3] =	stream.indirect_vreg.gather [hbm4b:s6+s26], $0x80, v4, vm0, $0xb8;
	[tilespmem:$0x18800] =	vst v63  }
0x262: {  	s31 =	simm.s32 $0x12000  }
0x263: {  	[tilespmem:s31], [sflag:$0x3] =	stream.indirect_vreg.gather [hbm4b:s8+s26], $0x80, v4, vm0, $0xb8;
	[tilespmem:$0x18800] =	vst v63  }
0x264: {  	s1 =	simm.s32 $0x12800  }
0x265: {  	[tilespmem:s1], [sflag:$0x3] =	stream.indirect_vreg.gather [hbm4b:s2+s26], $0x80, v3, vm0, $0xb8;
	[tilespmem:$0x18800] =	vst v63  }
0x266: {  	s31 =	simm.s32 $0x13000  }
0x267: {  	[tilespmem:s31], [sflag:$0x3] =	stream.indirect_vreg.gather [hbm4b:s5+s26], $0x80, v3, vm0, $0xb8;
	[tilespmem:$0x18800] =	vst v63  }
0x268: {  	s1 =	simm.s32 $0x13800  }
0x269: {  	[tilespmem:s1], [sflag:$0x3] =	stream.indirect_vreg.gather [hbm4b:s6+s26], $0x80, v3, vm0, $0xb8;
	[tilespmem:$0x18800] =	vst v63  }
0x26a: {  	s31 =	simm.s32 $0x14000  }
0x26b: {  	[tilespmem:s31], [sflag:$0x3] =	stream.indirect_vreg.gather [hbm4b:s8+s26], $0x80, v3, vm0, $0xb8;
	[tilespmem:$0x18800] =	vst v63  }
0x26c: {  	v3 =	vld [tilespmem:$0x410];
	_ =	sdelay $0x4  }
0x26d: {  	v63 =	vshll.u32 v3, $0x3  }
0x26e: {  	v3 =	vand.u32 $0x7, v3;
	v4 =	vand.u32 $0xFFFFFFC0, v63  }
0x26f: {  	v3 =	vor.u32 v3, v4  }
0x270: {  	v4 =	vperm.xlane v3, v0;
	_ =	sdelay $0x1  }
0x271: {  	v4 =	vadd.s32 v1, v4;
	_ =	sdelay $0x3  }
0x272: {  	s1 =	simm.s32 $0x14800  }
0x273: {  	[tilespmem:s1], [sflag:$0x3] =	stream.indirect_vreg.gather [hbm4b:s2+s26], $0x80, v4, vm0, $0xb8;
	[tilespmem:$0x18800] =	vst v63  }
0x274: {  	s31 =	simm.s32 $0x15000;
	v3 =	vperm.xlane v3, v2  }
0x275: {  	[tilespmem:s31], [sflag:$0x3] =	stream.indirect_vreg.gather [hbm4b:s5+s26], $0x80, v4, vm0, $0xb8;
	[tilespmem:$0x18800] =	vst v63  }
0x276: {  	v3 =	vadd.s32 v1, v3;
	s1 =	simm.s32 $0x15800  }
0x277: {  	[tilespmem:s1], [sflag:$0x3] =	stream.indirect_vreg.gather [hbm4b:s6+s26], $0x80, v4, vm0, $0xb8;
	[tilespmem:$0x18800] =	vst v63  }
0x278: {  	s31 =	simm.s32 $0x16000  }
0x279: {  	[tilespmem:s31], [sflag:$0x3] =	stream.indirect_vreg.gather [hbm4b:s8+s26], $0x80, v4, vm0, $0xb8;
	[tilespmem:$0x18800] =	vst v63  }
0x27a: {  	s1 =	simm.s32 $0x16800  }
0x27b: {  	[tilespmem:s1], [sflag:$0x3] =	stream.indirect_vreg.gather [hbm4b:s2+s26], $0x80, v3, vm0, $0xb8;
	[tilespmem:$0x18800] =	vst v63  }
0x27c: {  	s31 =	simm.s32 $0x17000  }
0x27d: {  	[tilespmem:s31], [sflag:$0x3] =	stream.indirect_vreg.gather [hbm4b:s5+s26], $0x80, v3, vm0, $0xb8;
	[tilespmem:$0x18800] =	vst v63  }
0x27e: {  	s1 =	simm.s32 $0x17800  }
0x27f: {  	[tilespmem:s1], [sflag:$0x3] =	stream.indirect_vreg.gather [hbm4b:s6+s26], $0x80, v3, vm0, $0xb8;
	[tilespmem:$0x18800] =	vst v63  }
0x280: {  	s29 =	simm.s32 $0x0;
	s30 =	simm.s32 $0x0;
	s31 =	simm.s32 $0x18000  }
0x281: {  	[tilespmem:s31], [sflag:$0x3] =	stream.indirect_vreg.gather [hbm4b:s8+s26], $0x80, v3, vm0, $0xb8;
	[tilespmem:$0x18800] =	vst v63  }
.LBB2_26:
0x282: {  	s0 =	sshll.u32 s29, $0x2;
	s1 =	sand.u32 $0x7, s26  }
0x283: {  	s0 =	sand.u32 $0xFFFF8000, s0;
	s1 =	sshll.u32 s1, $0x9  }
0x284: {  	s0 =	sor.u32 s1, s0  }
0x285: {  	s0 =	sshrl.u32 s0, $0x2  }
0x286: {  	s31 =	sor.u32 $0x840, s0  }
0x287: {  	v4 =	vld [tilespmem:s31+$0xFFFFFFC0];
	_ =	sdelay $0x1  }
0x288: {  	v7 =	vld [tilespmem:s31+$0xFFFFFFD0]  }
0x289: {  	v9 =	vld [tilespmem:s31+$0xFFFFFFE0]  }
0x28a: {  	v5 =	vld [tilespmem:s31+$0x0]  }
0x28b: {  	v3 =	vld [tilespmem:s31+$0x10];
	v8 =	vmul.f32 $3.200000000e+01, v4  }
0x28c: {  	v6 =	vld [tilespmem:s31+$0x20]  }
0x28d: {  	v4 =	vld [tilespmem:s31+$0x30];
	[tilespmem:s31+$0xFFFFFFC0] =	vst v8;
	v8 =	vmul.f32 $3.200000000e+01, v7  }
0x28e: {  	s0 =	simm.s32 $0x0;
	s1 =	sadd.s32 $0x400, s31;
	v9 =	vmul.f32 $3.200000000e+01, v9;
	v7 =	vld [tilespmem:s31+$0xFFFFFFF0]  }
.LBB2_27:
0x28f: {  	v10 =	vld [tilespmem:s1+$0xFFFFFFC0];
	[tilespmem:s31+$0xFFFFFFD0] =	vst v8;
	v5 =	vmul.f32 $3.200000000e+01, v5  }
0x290: {  	s0 =	sadd.s32 $0x8, s0;
	v8 =	vld [tilespmem:s1+$0xFFFFFFD0];
	[tilespmem:s31+$0xFFFFFFE0] =	vst v9;
	v3 =	vmul.f32 $3.200000000e+01, v3  }
0x291: {  	p0 =	slt.u32 s0, $0x38;
	v9 =	vld [tilespmem:s1+$0xFFFFFFE0];
	[tilespmem:s31+$0x0] =	vst v5;
	v6 =	vmul.f32 $3.200000000e+01, v6  }
.Ltmp12:
0x292: {  	v5 =	vld [tilespmem:s1+$0x0];
	[tilespmem:s31+$0x10] =	vst v3;
	v4 =	vmul.f32 $3.200000000e+01, v4;
	(pc) =	sbr.rel @p0 .LBB2_27-.Ltmp12, $4  }
0x293: {  	v3 =	vld [tilespmem:s1+$0x10];
	v7 =	vmul.f32 $3.200000000e+01, v7;
	[tilespmem:s31+$0x20] =	vst v6  }
0x294: {  	v10 =	vmul.f32 $3.200000000e+01, v10;
	v6 =	vld [tilespmem:s1+$0x20];
	[tilespmem:s31+$0x30] =	vst v4  }
0x295: {  	v8 =	vmul.f32 $3.200000000e+01, v8;
	v4 =	vld [tilespmem:s1+$0x30];
	[tilespmem:s31+$0xFFFFFFF0] =	vst v7;
	s31 =	smov.u32 s1  }
0x296: {  	s1 =	sadd.s32 $0x400, s1;
	[tilespmem:s31+$0xFFFFFFC0] =	vst v10;
	v9 =	vmul.f32 $3.200000000e+01, v9;
	v7 =	vld [tilespmem:s31+$0xFFFFFFF0]  }
0x297: {  	[tilespmem:s31+$0xFFFFFFD0] =	vst v8;
	v5 =	vmul.f32 $3.200000000e+01, v5;
	s30 =	sadd.s32 $0x1, s30  }
0x298: {  	[tilespmem:s31+$0xFFFFFFE0] =	vst v9;
	v3 =	vmul.f32 $3.200000000e+01, v3;
	p0 =	sne.s32 s30, $0x20  }
.Ltmp13:
0x299: {  	[tilespmem:s31+$0x0] =	vst v5;
	v62 =	vmul.f32 $3.200000000e+01, v6;
	(pc) =	sbr.rel @p0 .LBB2_26-.Ltmp13, $4  }
0x29a: {  	[tilespmem:s31+$0x10] =	vst v3;
	v3 =	vmul.f32 $3.200000000e+01, v4  }
0x29b: {  	v63 =	vmul.f32 $3.200000000e+01, v7;
	[tilespmem:s31+$0x20] =	vst v62  }
0x29c: {  	[tilespmem:s31+$0x30] =	vst v3  }
0x29d: {  	s29 =	sadd.s32 $0x400, s29;
	s26 =	sadd.s32 $0x1, s26;
	[tilespmem:s31+$0xFFFFFFF0] =	vst v63  }
0x29e: {  	s26 =	simm.s32 $0x0;
	s0 =	rddreg [dreg:$0xc]  }
0x29f: {  	[hbm4b:s0+s26] =	stream.linear.scatter [tilespmem:s28], [sflag:$0x4], $0x8000, $0x38;
	[tilespmem:$0x18800] =	vst v63  }
0x2a0: {  	_ =	swait.ge [sflag:s24], $0x8000  }
0x2a1: {  	[sflag:s24] =	ssyncset.done $0x0  }
0x2a2: {  	[sflag:s24] =	ssyncadd.s32 $0xFFFF8000  }
0x2a3: {  	_ =	swait.ge [sflag:s25], $0x8000  }
0x2a4: {  	[sflag:s25] =	ssyncset.done $0x0  }
0x2a5: {  	[sflag:s25] =	ssyncadd.s32 $0xFFFF8000  }
0x2a6: {  	v3 =	vld [tilespmem:$0x480];
	_ =	sdelay $0x4  }
0x2a7: {  	v4 =	vshll.u32 v3, $0x3  }
0x2a8: {  	v3 =	vand.u32 $0x7, v3;
	v4 =	vand.u32 $0xFFFFFFC0, v4  }
0x2a9: {  	v3 =	vor.u32 v3, v4  }
0x2aa: {  	v4 =	vperm.xlane v3, v0;
	_ =	sdelay $0x1  }
0x2ab: {  	v4 =	vadd.s32 v1, v4;
	_ =	sdelay $0x4  }
0x2ac: {  	[tilespmem:s28], [sflag:$0x1] =	stream.indirect_vreg.gather [hbm4b:s2+s26], $0x80, v4, vm0, $0xb8;
	[tilespmem:$0x18800] =	vst v63  }
0x2ad: {  	s31 =	simm.s32 $0x1000;
	v3 =	vperm.xlane v3, v2  }
0x2ae: {  	[tilespmem:s31], [sflag:$0x1] =	stream.indirect_vreg.gather [hbm4b:s5+s26], $0x80, v4, vm0, $0xb8;
	[tilespmem:$0x18800] =	vst v63  }
0x2af: {  	s1 =	simm.s32 $0x1800;
	v3 =	vadd.s32 v1, v3  }
0x2b0: {  	[tilespmem:s1], [sflag:$0x1] =	stream.indirect_vreg.gather [hbm4b:s6+s26], $0x80, v4, vm0, $0xb8;
	[tilespmem:$0x18800] =	vst v63  }
0x2b1: {  	s31 =	simm.s32 $0x2000  }
0x2b2: {  	[tilespmem:s31], [sflag:$0x1] =	stream.indirect_vreg.gather [hbm4b:s8+s26], $0x80, v4, vm0, $0xb8;
	[tilespmem:$0x18800] =	vst v63  }
0x2b3: {  	s1 =	simm.s32 $0x2800  }
0x2b4: {  	[tilespmem:s1], [sflag:$0x1] =	stream.indirect_vreg.gather [hbm4b:s2+s26], $0x80, v3, vm0, $0xb8;
	[tilespmem:$0x18800] =	vst v63  }
0x2b5: {  	s31 =	simm.s32 $0x3000  }
0x2b6: {  	[tilespmem:s31], [sflag:$0x1] =	stream.indirect_vreg.gather [hbm4b:s5+s26], $0x80, v3, vm0, $0xb8;
	[tilespmem:$0x18800] =	vst v63  }
0x2b7: {  	_ = 	snop  }
0x2b8: {  	[tilespmem:s9], [sflag:$0x1] =	stream.indirect_vreg.gather [hbm4b:s6+s26], $0x80, v3, vm0, $0xb8;
	[tilespmem:$0x18800] =	vst v63  }
0x2b9: {  	_ = 	snop  }
0x2ba: {  	[tilespmem:s10], [sflag:$0x1] =	stream.indirect_vreg.gather [hbm4b:s8+s26], $0x80, v3, vm0, $0xb8;
	[tilespmem:$0x18800] =	vst v63  }
0x2bb: {  	v3 =	vld [tilespmem:$0x490];
	_ =	sdelay $0x4  }
0x2bc: {  	v63 =	vshll.u32 v3, $0x3  }
0x2bd: {  	v3 =	vand.u32 $0x7, v3;
	v4 =	vand.u32 $0xFFFFFFC0, v63  }
0x2be: {  	v3 =	vor.u32 v3, v4  }
0x2bf: {  	v4 =	vperm.xlane v3, v0;
	_ =	sdelay $0x1  }
0x2c0: {  	v4 =	vadd.s32 v1, v4;
	_ =	sdelay $0x4  }
0x2c1: {  	[tilespmem:s11], [sflag:$0x1] =	stream.indirect_vreg.gather [hbm4b:s2+s26], $0x80, v4, vm0, $0xb8;
	[tilespmem:$0x18800] =	vst v63  }
0x2c2: {  	v3 =	vperm.xlane v3, v2  }
0x2c3: {  	[tilespmem:s12], [sflag:$0x1] =	stream.indirect_vreg.gather [hbm4b:s5+s26], $0x80, v4, vm0, $0xb8;
	[tilespmem:$0x18800] =	vst v63  }
0x2c4: {  	v3 =	vadd.s32 v1, v3  }
0x2c5: {  	[tilespmem:s13], [sflag:$0x1] =	stream.indirect_vreg.gather [hbm4b:s6+s26], $0x80, v4, vm0, $0xb8;
	[tilespmem:$0x18800] =	vst v63  }
0x2c6: {  	_ = 	snop  }
0x2c7: {  	[tilespmem:s14], [sflag:$0x1] =	stream.indirect_vreg.gather [hbm4b:s8+s26], $0x80, v4, vm0, $0xb8;
	[tilespmem:$0x18800] =	vst v63  }
0x2c8: {  	_ = 	snop  }
0x2c9: {  	[tilespmem:s15], [sflag:$0x1] =	stream.indirect_vreg.gather [hbm4b:s2+s26], $0x80, v3, vm0, $0xb8;
	[tilespmem:$0x18800] =	vst v63  }
0x2ca: {  	_ = 	snop  }
0x2cb: {  	[tilespmem:s16], [sflag:$0x1] =	stream.indirect_vreg.gather [hbm4b:s5+s26], $0x80, v3, vm0, $0xb8;
	[tilespmem:$0x18800] =	vst v63  }
0x2cc: {  	_ = 	snop  }
0x2cd: {  	[tilespmem:s17], [sflag:$0x1] =	stream.indirect_vreg.gather [hbm4b:s6+s26], $0x80, v3, vm0, $0xb8;
	[tilespmem:$0x18800] =	vst v63  }
0x2ce: {  	s29 =	simm.s32 $0x0;
	s30 =	simm.s32 $0x0  }
0x2cf: {  	[tilespmem:s18], [sflag:$0x1] =	stream.indirect_vreg.gather [hbm4b:s8+s26], $0x80, v3, vm0, $0xb8;
	[tilespmem:$0x18800] =	vst v63  }
.LBB2_30:
0x2d0: {  	s0 =	sshll.u32 s29, $0x2;
	s1 =	sand.u32 $0x7, s26  }
0x2d1: {  	s0 =	sand.u32 $0xFFFF8000, s0;
	s1 =	sshll.u32 s1, $0x9  }
0x2d2: {  	s0 =	sor.u32 s1, s0  }
0x2d3: {  	s0 =	sshrl.u32 s0, $0x2  }
0x2d4: {  	s31 =	sadd.s32 $0x8840, s0  }
0x2d5: {  	v4 =	vld [tilespmem:s31+$0xFFFFFFC0];
	_ =	sdelay $0x1  }
0x2d6: {  	v7 =	vld [tilespmem:s31+$0xFFFFFFD0]  }
0x2d7: {  	v9 =	vld [tilespmem:s31+$0xFFFFFFE0]  }
0x2d8: {  	v5 =	vld [tilespmem:s31+$0x0]  }
0x2d9: {  	v3 =	vld [tilespmem:s31+$0x10];
	v8 =	vmul.f32 $3.200000000e+01, v4  }
0x2da: {  	v6 =	vld [tilespmem:s31+$0x20]  }
0x2db: {  	v4 =	vld [tilespmem:s31+$0x30];
	[tilespmem:s31+$0xFFFFFFC0] =	vst v8;
	v8 =	vmul.f32 $3.200000000e+01, v7  }
0x2dc: {  	s0 =	simm.s32 $0x0;
	s1 =	sadd.s32 $0x400, s31;
	v9 =	vmul.f32 $3.200000000e+01, v9;
	v7 =	vld [tilespmem:s31+$0xFFFFFFF0]  }
.LBB2_31:
0x2dd: {  	v10 =	vld [tilespmem:s1+$0xFFFFFFC0];
	[tilespmem:s31+$0xFFFFFFD0] =	vst v8;
	v5 =	vmul.f32 $3.200000000e+01, v5  }
0x2de: {  	s0 =	sadd.s32 $0x8, s0;
	v8 =	vld [tilespmem:s1+$0xFFFFFFD0];
	[tilespmem:s31+$0xFFFFFFE0] =	vst v9;
	v3 =	vmul.f32 $3.200000000e+01, v3  }
0x2df: {  	p0 =	slt.u32 s0, $0x38;
	v9 =	vld [tilespmem:s1+$0xFFFFFFE0];
	[tilespmem:s31+$0x0] =	vst v5;
	v6 =	vmul.f32 $3.200000000e+01, v6  }
.Ltmp14:
0x2e0: {  	v5 =	vld [tilespmem:s1+$0x0];
	[tilespmem:s31+$0x10] =	vst v3;
	v4 =	vmul.f32 $3.200000000e+01, v4;
	(pc) =	sbr.rel @p0 .LBB2_31-.Ltmp14, $4  }
0x2e1: {  	v3 =	vld [tilespmem:s1+$0x10];
	v7 =	vmul.f32 $3.200000000e+01, v7;
	[tilespmem:s31+$0x20] =	vst v6  }
0x2e2: {  	v10 =	vmul.f32 $3.200000000e+01, v10;
	v6 =	vld [tilespmem:s1+$0x20];
	[tilespmem:s31+$0x30] =	vst v4  }
0x2e3: {  	v8 =	vmul.f32 $3.200000000e+01, v8;
	v4 =	vld [tilespmem:s1+$0x30];
	[tilespmem:s31+$0xFFFFFFF0] =	vst v7;
	s31 =	smov.u32 s1  }
0x2e4: {  	s1 =	sadd.s32 $0x400, s1;
	[tilespmem:s31+$0xFFFFFFC0] =	vst v10;
	v9 =	vmul.f32 $3.200000000e+01, v9;
	v7 =	vld [tilespmem:s31+$0xFFFFFFF0]  }
0x2e5: {  	[tilespmem:s31+$0xFFFFFFD0] =	vst v8;
	v5 =	vmul.f32 $3.200000000e+01, v5;
	s30 =	sadd.s32 $0x1, s30  }
0x2e6: {  	[tilespmem:s31+$0xFFFFFFE0] =	vst v9;
	v3 =	vmul.f32 $3.200000000e+01, v3;
	p0 =	sne.s32 s30, $0x20  }
.Ltmp15:
0x2e7: {  	[tilespmem:s31+$0x0] =	vst v5;
	v62 =	vmul.f32 $3.200000000e+01, v6;
	(pc) =	sbr.rel @p0 .LBB2_30-.Ltmp15, $4  }
0x2e8: {  	[tilespmem:s31+$0x10] =	vst v3;
	v3 =	vmul.f32 $3.200000000e+01, v4  }
0x2e9: {  	v63 =	vmul.f32 $3.200000000e+01, v7;
	[tilespmem:s31+$0x20] =	vst v62  }
0x2ea: {  	[tilespmem:s31+$0x30] =	vst v3  }
0x2eb: {  	s29 =	sadd.s32 $0x400, s29;
	s26 =	sadd.s32 $0x1, s26;
	[tilespmem:s31+$0xFFFFFFF0] =	vst v63  }
0x2ec: {  	s26 =	simm.s32 $0x0;
	s0 =	rddreg [dreg:$0xd]  }
0x2ed: {  	[hbm4b:s0+s26] =	stream.linear.scatter [tilespmem:s19], [sflag:$0x5], $0x8000, $0x38;
	[tilespmem:$0x18800] =	vst v63  }
0x2ee: {  	_ =	swait.ge [sflag:s4], $0x8000  }
0x2ef: {  	[sflag:s4] =	ssyncset.done $0x0  }
0x2f0: {  	[sflag:s4] =	ssyncadd.s32 $0xFFFF8000  }
0x2f1: {  	_ =	swait.ge [sflag:s21], $0x8000  }
0x2f2: {  	[sflag:s21] =	ssyncset.done $0x0  }
0x2f3: {  	[sflag:s21] =	ssyncadd.s32 $0xFFFF8000  }
0x2f4: {  	v3 =	vld [tilespmem:$0x500];
	_ =	sdelay $0x4  }
0x2f5: {  	v4 =	vshll.u32 v3, $0x3  }
0x2f6: {  	v3 =	vand.u32 $0x7, v3;
	v4 =	vand.u32 $0xFFFFFFC0, v4  }
0x2f7: {  	v3 =	vor.u32 v3, v4  }
0x2f8: {  	v4 =	vperm.xlane v3, v0;
	_ =	sdelay $0x1  }
0x2f9: {  	v4 =	vadd.s32 v1, v4;
	_ =	sdelay $0x4  }
0x2fa: {  	[tilespmem:s19], [sflag:$0x2] =	stream.indirect_vreg.gather [hbm4b:s2+s26], $0x80, v4, vm0, $0xb8;
	[tilespmem:$0x18800] =	vst v63  }
0x2fb: {  	s31 =	simm.s32 $0x9000;
	v3 =	vperm.xlane v3, v2  }
0x2fc: {  	[tilespmem:s31], [sflag:$0x2] =	stream.indirect_vreg.gather [hbm4b:s5+s26], $0x80, v4, vm0, $0xb8;
	[tilespmem:$0x18800] =	vst v63  }
0x2fd: {  	s1 =	simm.s32 $0x9800;
	v3 =	vadd.s32 v1, v3  }
0x2fe: {  	[tilespmem:s1], [sflag:$0x2] =	stream.indirect_vreg.gather [hbm4b:s6+s26], $0x80, v4, vm0, $0xb8;
	[tilespmem:$0x18800] =	vst v63  }
0x2ff: {  	s31 =	simm.s32 $0xA000  }
0x300: {  	[tilespmem:s31], [sflag:$0x2] =	stream.indirect_vreg.gather [hbm4b:s8+s26], $0x80, v4, vm0, $0xb8;
	[tilespmem:$0x18800] =	vst v63  }
0x301: {  	s1 =	simm.s32 $0xA800  }
0x302: {  	[tilespmem:s1], [sflag:$0x2] =	stream.indirect_vreg.gather [hbm4b:s2+s26], $0x80, v3, vm0, $0xb8;
	[tilespmem:$0x18800] =	vst v63  }
0x303: {  	s31 =	simm.s32 $0xB000  }
0x304: {  	[tilespmem:s31], [sflag:$0x2] =	stream.indirect_vreg.gather [hbm4b:s5+s26], $0x80, v3, vm0, $0xb8;
	[tilespmem:$0x18800] =	vst v63  }
0x305: {  	s1 =	simm.s32 $0xB800  }
0x306: {  	[tilespmem:s1], [sflag:$0x2] =	stream.indirect_vreg.gather [hbm4b:s6+s26], $0x80, v3, vm0, $0xb8;
	[tilespmem:$0x18800] =	vst v63  }
0x307: {  	s31 =	simm.s32 $0xC000  }
0x308: {  	[tilespmem:s31], [sflag:$0x2] =	stream.indirect_vreg.gather [hbm4b:s8+s26], $0x80, v3, vm0, $0xb8;
	[tilespmem:$0x18800] =	vst v63  }
0x309: {  	v3 =	vld [tilespmem:$0x510];
	_ =	sdelay $0x4  }
0x30a: {  	v63 =	vshll.u32 v3, $0x3  }
0x30b: {  	v3 =	vand.u32 $0x7, v3;
	v4 =	vand.u32 $0xFFFFFFC0, v63  }
0x30c: {  	v3 =	vor.u32 v3, v4  }
0x30d: {  	v4 =	vperm.xlane v3, v0;
	_ =	sdelay $0x1  }
0x30e: {  	v4 =	vadd.s32 v1, v4;
	_ =	sdelay $0x3  }
0x30f: {  	s1 =	simm.s32 $0xC800  }
0x310: {  	[tilespmem:s1], [sflag:$0x2] =	stream.indirect_vreg.gather [hbm4b:s2+s26], $0x80, v4, vm0, $0xb8;
	[tilespmem:$0x18800] =	vst v63  }
0x311: {  	s31 =	simm.s32 $0xD000;
	v3 =	vperm.xlane v3, v2  }
0x312: {  	[tilespmem:s31], [sflag:$0x2] =	stream.indirect_vreg.gather [hbm4b:s5+s26], $0x80, v4, vm0, $0xb8;
	[tilespmem:$0x18800] =	vst v63  }
0x313: {  	v3 =	vadd.s32 v1, v3;
	s1 =	simm.s32 $0xD800  }
0x314: {  	[tilespmem:s1], [sflag:$0x2] =	stream.indirect_vreg.gather [hbm4b:s6+s26], $0x80, v4, vm0, $0xb8;
	[tilespmem:$0x18800] =	vst v63  }
0x315: {  	s31 =	simm.s32 $0xE000  }
0x316: {  	[tilespmem:s31], [sflag:$0x2] =	stream.indirect_vreg.gather [hbm4b:s8+s26], $0x80, v4, vm0, $0xb8;
	[tilespmem:$0x18800] =	vst v63  }
0x317: {  	s1 =	simm.s32 $0xE800  }
0x318: {  	[tilespmem:s1], [sflag:$0x2] =	stream.indirect_vreg.gather [hbm4b:s2+s26], $0x80, v3, vm0, $0xb8;
	[tilespmem:$0x18800] =	vst v63  }
0x319: {  	s31 =	simm.s32 $0xF000  }
0x31a: {  	[tilespmem:s31], [sflag:$0x2] =	stream.indirect_vreg.gather [hbm4b:s5+s26], $0x80, v3, vm0, $0xb8;
	[tilespmem:$0x18800] =	vst v63  }
0x31b: {  	s1 =	simm.s32 $0xF800  }
0x31c: {  	[tilespmem:s1], [sflag:$0x2] =	stream.indirect_vreg.gather [hbm4b:s6+s26], $0x80, v3, vm0, $0xb8;
	[tilespmem:$0x18800] =	vst v63  }
0x31d: {  	s29 =	simm.s32 $0x0;
	s30 =	simm.s32 $0x0;
	s31 =	simm.s32 $0x10000  }
0x31e: {  	[tilespmem:s31], [sflag:$0x2] =	stream.indirect_vreg.gather [hbm4b:s8+s26], $0x80, v3, vm0, $0xb8;
	[tilespmem:$0x18800] =	vst v63  }
.LBB2_34:
0x31f: {  	s0 =	sshll.u32 s29, $0x2;
	s1 =	sand.u32 $0x7, s26  }
0x320: {  	s0 =	sand.u32 $0xFFFF8000, s0;
	s1 =	sshll.u32 s1, $0x9  }
0x321: {  	s0 =	sor.u32 s1, s0  }
0x322: {  	s0 =	sshrl.u32 s0, $0x2  }
0x323: {  	s31 =	sadd.s32 $0x10840, s0  }
0x324: {  	v4 =	vld [tilespmem:s31+$0xFFFFFFC0];
	_ =	sdelay $0x1  }
0x325: {  	v7 =	vld [tilespmem:s31+$0xFFFFFFD0]  }
0x326: {  	v9 =	vld [tilespmem:s31+$0xFFFFFFE0]  }
0x327: {  	v5 =	vld [tilespmem:s31+$0x0]  }
0x328: {  	v3 =	vld [tilespmem:s31+$0x10];
	v8 =	vmul.f32 $3.200000000e+01, v4  }
0x329: {  	v6 =	vld [tilespmem:s31+$0x20]  }
0x32a: {  	v4 =	vld [tilespmem:s31+$0x30];
	[tilespmem:s31+$0xFFFFFFC0] =	vst v8;
	v8 =	vmul.f32 $3.200000000e+01, v7  }
0x32b: {  	s0 =	simm.s32 $0x0;
	s1 =	sadd.s32 $0x400, s31;
	v9 =	vmul.f32 $3.200000000e+01, v9;
	v7 =	vld [tilespmem:s31+$0xFFFFFFF0]  }
.LBB2_35:
0x32c: {  	v10 =	vld [tilespmem:s1+$0xFFFFFFC0];
	[tilespmem:s31+$0xFFFFFFD0] =	vst v8;
	v5 =	vmul.f32 $3.200000000e+01, v5  }
0x32d: {  	s0 =	sadd.s32 $0x8, s0;
	v8 =	vld [tilespmem:s1+$0xFFFFFFD0];
	[tilespmem:s31+$0xFFFFFFE0] =	vst v9;
	v3 =	vmul.f32 $3.200000000e+01, v3  }
0x32e: {  	p0 =	slt.u32 s0, $0x38;
	v9 =	vld [tilespmem:s1+$0xFFFFFFE0];
	[tilespmem:s31+$0x0] =	vst v5;
	v6 =	vmul.f32 $3.200000000e+01, v6  }
.Ltmp16:
0x32f: {  	v5 =	vld [tilespmem:s1+$0x0];
	[tilespmem:s31+$0x10] =	vst v3;
	v4 =	vmul.f32 $3.200000000e+01, v4;
	(pc) =	sbr.rel @p0 .LBB2_35-.Ltmp16, $4  }
0x330: {  	v3 =	vld [tilespmem:s1+$0x10];
	v7 =	vmul.f32 $3.200000000e+01, v7;
	[tilespmem:s31+$0x20] =	vst v6  }
0x331: {  	v10 =	vmul.f32 $3.200000000e+01, v10;
	v6 =	vld [tilespmem:s1+$0x20];
	[tilespmem:s31+$0x30] =	vst v4  }
0x332: {  	v8 =	vmul.f32 $3.200000000e+01, v8;
	v4 =	vld [tilespmem:s1+$0x30];
	[tilespmem:s31+$0xFFFFFFF0] =	vst v7;
	s31 =	smov.u32 s1  }
0x333: {  	s1 =	sadd.s32 $0x400, s1;
	[tilespmem:s31+$0xFFFFFFC0] =	vst v10;
	v9 =	vmul.f32 $3.200000000e+01, v9;
	v7 =	vld [tilespmem:s31+$0xFFFFFFF0]  }
0x334: {  	[tilespmem:s31+$0xFFFFFFD0] =	vst v8;
	v5 =	vmul.f32 $3.200000000e+01, v5;
	s30 =	sadd.s32 $0x1, s30  }
0x335: {  	[tilespmem:s31+$0xFFFFFFE0] =	vst v9;
	v3 =	vmul.f32 $3.200000000e+01, v3;
	p0 =	sne.s32 s30, $0x20  }
.Ltmp17:
0x336: {  	[tilespmem:s31+$0x0] =	vst v5;
	v62 =	vmul.f32 $3.200000000e+01, v6;
	(pc) =	sbr.rel @p0 .LBB2_34-.Ltmp17, $4  }
0x337: {  	[tilespmem:s31+$0x10] =	vst v3;
	v3 =	vmul.f32 $3.200000000e+01, v4  }
0x338: {  	v63 =	vmul.f32 $3.200000000e+01, v7;
	[tilespmem:s31+$0x20] =	vst v62  }
0x339: {  	[tilespmem:s31+$0x30] =	vst v3  }
0x33a: {  	s29 =	sadd.s32 $0x400, s29;
	s26 =	sadd.s32 $0x1, s26;
	[tilespmem:s31+$0xFFFFFFF0] =	vst v63  }
0x33b: {  	s26 =	simm.s32 $0x0;
	s0 =	rddreg [dreg:$0xe]  }
0x33c: {  	[hbm4b:s0+s26] =	stream.linear.scatter [tilespmem:s20], [sflag:$0x6], $0x8000, $0x38;
	[tilespmem:$0x18800] =	vst v63  }
0x33d: {  	_ =	swait.ge [sflag:s7], $0x8000  }
0x33e: {  	[sflag:s7] =	ssyncset.done $0x0  }
0x33f: {  	[sflag:s7] =	ssyncadd.s32 $0xFFFF8000  }
0x340: {  	_ =	swait.ge [sflag:s22], $0x8000  }
0x341: {  	[sflag:s22] =	ssyncset.done $0x0  }
0x342: {  	[sflag:s22] =	ssyncadd.s32 $0xFFFF8000  }
0x343: {  	v3 =	vld [tilespmem:$0x580];
	_ =	sdelay $0x4  }
0x344: {  	v4 =	vshll.u32 v3, $0x3  }
0x345: {  	v3 =	vand.u32 $0x7, v3;
	v4 =	vand.u32 $0xFFFFFFC0, v4  }
0x346: {  	v3 =	vor.u32 v3, v4  }
0x347: {  	v4 =	vperm.xlane v3, v0;
	_ =	sdelay $0x1  }
0x348: {  	v4 =	vadd.s32 v1, v4;
	_ =	sdelay $0x4  }
0x349: {  	[tilespmem:s20], [sflag:$0x3] =	stream.indirect_vreg.gather [hbm4b:s2+s26], $0x80, v4, vm0, $0xb8;
	[tilespmem:$0x18800] =	vst v63  }
0x34a: {  	s31 =	simm.s32 $0x11000;
	v3 =	vperm.xlane v3, v2  }
0x34b: {  	[tilespmem:s31], [sflag:$0x3] =	stream.indirect_vreg.gather [hbm4b:s5+s26], $0x80, v4, vm0, $0xb8;
	[tilespmem:$0x18800] =	vst v63  }
0x34c: {  	s1 =	simm.s32 $0x11800;
	v3 =	vadd.s32 v1, v3  }
0x34d: {  	[tilespmem:s1], [sflag:$0x3] =	stream.indirect_vreg.gather [hbm4b:s6+s26], $0x80, v4, vm0, $0xb8;
	[tilespmem:$0x18800] =	vst v63  }
0x34e: {  	s31 =	simm.s32 $0x12000  }
0x34f: {  	[tilespmem:s31], [sflag:$0x3] =	stream.indirect_vreg.gather [hbm4b:s8+s26], $0x80, v4, vm0, $0xb8;
	[tilespmem:$0x18800] =	vst v63  }
0x350: {  	s1 =	simm.s32 $0x12800  }
0x351: {  	[tilespmem:s1], [sflag:$0x3] =	stream.indirect_vreg.gather [hbm4b:s2+s26], $0x80, v3, vm0, $0xb8;
	[tilespmem:$0x18800] =	vst v63  }
0x352: {  	s31 =	simm.s32 $0x13000  }
0x353: {  	[tilespmem:s31], [sflag:$0x3] =	stream.indirect_vreg.gather [hbm4b:s5+s26], $0x80, v3, vm0, $0xb8;
	[tilespmem:$0x18800] =	vst v63  }
0x354: {  	s1 =	simm.s32 $0x13800  }
0x355: {  	[tilespmem:s1], [sflag:$0x3] =	stream.indirect_vreg.gather [hbm4b:s6+s26], $0x80, v3, vm0, $0xb8;
	[tilespmem:$0x18800] =	vst v63  }
0x356: {  	s31 =	simm.s32 $0x14000  }
0x357: {  	[tilespmem:s31], [sflag:$0x3] =	stream.indirect_vreg.gather [hbm4b:s8+s26], $0x80, v3, vm0, $0xb8;
	[tilespmem:$0x18800] =	vst v63  }
0x358: {  	v3 =	vld [tilespmem:$0x590];
	_ =	sdelay $0x4  }
0x359: {  	v63 =	vshll.u32 v3, $0x3  }
0x35a: {  	v3 =	vand.u32 $0x7, v3;
	v4 =	vand.u32 $0xFFFFFFC0, v63  }
0x35b: {  	v3 =	vor.u32 v3, v4  }
0x35c: {  	v4 =	vperm.xlane v3, v0;
	_ =	sdelay $0x1  }
0x35d: {  	v4 =	vadd.s32 v1, v4;
	_ =	sdelay $0x3  }
0x35e: {  	s1 =	simm.s32 $0x14800  }
0x35f: {  	[tilespmem:s1], [sflag:$0x3] =	stream.indirect_vreg.gather [hbm4b:s2+s26], $0x80, v4, vm0, $0xb8;
	[tilespmem:$0x18800] =	vst v63  }
0x360: {  	s31 =	simm.s32 $0x15000;
	v3 =	vperm.xlane v3, v2  }
0x361: {  	[tilespmem:s31], [sflag:$0x3] =	stream.indirect_vreg.gather [hbm4b:s5+s26], $0x80, v4, vm0, $0xb8;
	[tilespmem:$0x18800] =	vst v63  }
0x362: {  	v3 =	vadd.s32 v1, v3;
	s1 =	simm.s32 $0x15800  }
0x363: {  	[tilespmem:s1], [sflag:$0x3] =	stream.indirect_vreg.gather [hbm4b:s6+s26], $0x80, v4, vm0, $0xb8;
	[tilespmem:$0x18800] =	vst v63  }
0x364: {  	s31 =	simm.s32 $0x16000  }
0x365: {  	[tilespmem:s31], [sflag:$0x3] =	stream.indirect_vreg.gather [hbm4b:s8+s26], $0x80, v4, vm0, $0xb8;
	[tilespmem:$0x18800] =	vst v63  }
0x366: {  	s1 =	simm.s32 $0x16800  }
0x367: {  	[tilespmem:s1], [sflag:$0x3] =	stream.indirect_vreg.gather [hbm4b:s2+s26], $0x80, v3, vm0, $0xb8;
	[tilespmem:$0x18800] =	vst v63  }
0x368: {  	s31 =	simm.s32 $0x17000  }
0x369: {  	[tilespmem:s31], [sflag:$0x3] =	stream.indirect_vreg.gather [hbm4b:s5+s26], $0x80, v3, vm0, $0xb8;
	[tilespmem:$0x18800] =	vst v63  }
0x36a: {  	s1 =	simm.s32 $0x17800  }
0x36b: {  	[tilespmem:s1], [sflag:$0x3] =	stream.indirect_vreg.gather [hbm4b:s6+s26], $0x80, v3, vm0, $0xb8;
	[tilespmem:$0x18800] =	vst v63  }
0x36c: {  	s29 =	simm.s32 $0x0;
	s30 =	simm.s32 $0x0;
	s31 =	simm.s32 $0x18000  }
0x36d: {  	[tilespmem:s31], [sflag:$0x3] =	stream.indirect_vreg.gather [hbm4b:s8+s26], $0x80, v3, vm0, $0xb8;
	[tilespmem:$0x18800] =	vst v63  }
.LBB2_38:
0x36e: {  	s0 =	sshll.u32 s29, $0x2;
	s1 =	sand.u32 $0x7, s26  }
0x36f: {  	s0 =	sand.u32 $0xFFFF8000, s0;
	s1 =	sshll.u32 s1, $0x9  }
0x370: {  	s0 =	sor.u32 s1, s0  }
0x371: {  	s0 =	sshrl.u32 s0, $0x2  }
0x372: {  	s31 =	sor.u32 $0x840, s0  }
0x373: {  	v4 =	vld [tilespmem:s31+$0xFFFFFFC0];
	_ =	sdelay $0x1  }
0x374: {  	v7 =	vld [tilespmem:s31+$0xFFFFFFD0]  }
0x375: {  	v9 =	vld [tilespmem:s31+$0xFFFFFFE0]  }
0x376: {  	v5 =	vld [tilespmem:s31+$0x0]  }
0x377: {  	v3 =	vld [tilespmem:s31+$0x10];
	v8 =	vmul.f32 $3.200000000e+01, v4  }
0x378: {  	v6 =	vld [tilespmem:s31+$0x20]  }
0x379: {  	v4 =	vld [tilespmem:s31+$0x30];
	[tilespmem:s31+$0xFFFFFFC0] =	vst v8;
	v8 =	vmul.f32 $3.200000000e+01, v7  }
0x37a: {  	s0 =	simm.s32 $0x0;
	s1 =	sadd.s32 $0x400, s31;
	v9 =	vmul.f32 $3.200000000e+01, v9;
	v7 =	vld [tilespmem:s31+$0xFFFFFFF0]  }
.LBB2_39:
0x37b: {  	v10 =	vld [tilespmem:s1+$0xFFFFFFC0];
	[tilespmem:s31+$0xFFFFFFD0] =	vst v8;
	v5 =	vmul.f32 $3.200000000e+01, v5  }
0x37c: {  	s0 =	sadd.s32 $0x8, s0;
	v8 =	vld [tilespmem:s1+$0xFFFFFFD0];
	[tilespmem:s31+$0xFFFFFFE0] =	vst v9;
	v3 =	vmul.f32 $3.200000000e+01, v3  }
0x37d: {  	p0 =	slt.u32 s0, $0x38;
	v9 =	vld [tilespmem:s1+$0xFFFFFFE0];
	[tilespmem:s31+$0x0] =	vst v5;
	v6 =	vmul.f32 $3.200000000e+01, v6  }
.Ltmp18:
0x37e: {  	v5 =	vld [tilespmem:s1+$0x0];
	[tilespmem:s31+$0x10] =	vst v3;
	v4 =	vmul.f32 $3.200000000e+01, v4;
	(pc) =	sbr.rel @p0 .LBB2_39-.Ltmp18, $4  }
0x37f: {  	v3 =	vld [tilespmem:s1+$0x10];
	v7 =	vmul.f32 $3.200000000e+01, v7;
	[tilespmem:s31+$0x20] =	vst v6  }
0x380: {  	v10 =	vmul.f32 $3.200000000e+01, v10;
	v6 =	vld [tilespmem:s1+$0x20];
	[tilespmem:s31+$0x30] =	vst v4  }
0x381: {  	v8 =	vmul.f32 $3.200000000e+01, v8;
	v4 =	vld [tilespmem:s1+$0x30];
	[tilespmem:s31+$0xFFFFFFF0] =	vst v7;
	s31 =	smov.u32 s1  }
0x382: {  	s1 =	sadd.s32 $0x400, s1;
	[tilespmem:s31+$0xFFFFFFC0] =	vst v10;
	v9 =	vmul.f32 $3.200000000e+01, v9;
	v7 =	vld [tilespmem:s31+$0xFFFFFFF0]  }
0x383: {  	[tilespmem:s31+$0xFFFFFFD0] =	vst v8;
	v5 =	vmul.f32 $3.200000000e+01, v5;
	s30 =	sadd.s32 $0x1, s30  }
0x384: {  	[tilespmem:s31+$0xFFFFFFE0] =	vst v9;
	v3 =	vmul.f32 $3.200000000e+01, v3;
	p0 =	sne.s32 s30, $0x20  }
.Ltmp19:
0x385: {  	[tilespmem:s31+$0x0] =	vst v5;
	v62 =	vmul.f32 $3.200000000e+01, v6;
	(pc) =	sbr.rel @p0 .LBB2_38-.Ltmp19, $4  }
0x386: {  	[tilespmem:s31+$0x10] =	vst v3;
	v3 =	vmul.f32 $3.200000000e+01, v4  }
0x387: {  	v63 =	vmul.f32 $3.200000000e+01, v7;
	[tilespmem:s31+$0x20] =	vst v62  }
0x388: {  	[tilespmem:s31+$0x30] =	vst v3  }
0x389: {  	s29 =	sadd.s32 $0x400, s29;
	s26 =	sadd.s32 $0x1, s26;
	[tilespmem:s31+$0xFFFFFFF0] =	vst v63  }
0x38a: {  	s26 =	simm.s32 $0x0;
	s0 =	rddreg [dreg:$0xf]  }
0x38b: {  	[hbm4b:s0+s26] =	stream.linear.scatter [tilespmem:s28], [sflag:$0x4], $0x8000, $0x38;
	[tilespmem:$0x18800] =	vst v63  }
0x38c: {  	_ =	swait.ge [sflag:s24], $0x8000  }
0x38d: {  	[sflag:s24] =	ssyncset.done $0x0  }
0x38e: {  	[sflag:s24] =	ssyncadd.s32 $0xFFFF8000  }
0x38f: {  	_ =	swait.ge [sflag:s25], $0x8000  }
0x390: {  	[sflag:s25] =	ssyncset.done $0x0  }
0x391: {  	[sflag:s25] =	ssyncadd.s32 $0xFFFF8000  }
0x392: {  	v3 =	vld [tilespmem:$0x600];
	_ =	sdelay $0x4  }
0x393: {  	v4 =	vshll.u32 v3, $0x3  }
0x394: {  	v3 =	vand.u32 $0x7, v3;
	v4 =	vand.u32 $0xFFFFFFC0, v4  }
0x395: {  	v3 =	vor.u32 v3, v4  }
0x396: {  	v4 =	vperm.xlane v3, v0;
	_ =	sdelay $0x1  }
0x397: {  	v4 =	vadd.s32 v1, v4;
	_ =	sdelay $0x4  }
0x398: {  	[tilespmem:s28], [sflag:$0x1] =	stream.indirect_vreg.gather [hbm4b:s2+s26], $0x80, v4, vm0, $0xb8;
	[tilespmem:$0x18800] =	vst v63  }
0x399: {  	s31 =	simm.s32 $0x1000;
	v3 =	vperm.xlane v3, v2  }
0x39a: {  	[tilespmem:s31], [sflag:$0x1] =	stream.indirect_vreg.gather [hbm4b:s5+s26], $0x80, v4, vm0, $0xb8;
	[tilespmem:$0x18800] =	vst v63  }
0x39b: {  	s1 =	simm.s32 $0x1800;
	v3 =	vadd.s32 v1, v3  }
0x39c: {  	[tilespmem:s1], [sflag:$0x1] =	stream.indirect_vreg.gather [hbm4b:s6+s26], $0x80, v4, vm0, $0xb8;
	[tilespmem:$0x18800] =	vst v63  }
0x39d: {  	s31 =	simm.s32 $0x2000  }
0x39e: {  	[tilespmem:s31], [sflag:$0x1] =	stream.indirect_vreg.gather [hbm4b:s8+s26], $0x80, v4, vm0, $0xb8;
	[tilespmem:$0x18800] =	vst v63  }
0x39f: {  	s1 =	simm.s32 $0x2800  }
0x3a0: {  	[tilespmem:s1], [sflag:$0x1] =	stream.indirect_vreg.gather [hbm4b:s2+s26], $0x80, v3, vm0, $0xb8;
	[tilespmem:$0x18800] =	vst v63  }
0x3a1: {  	s31 =	simm.s32 $0x3000  }
0x3a2: {  	[tilespmem:s31], [sflag:$0x1] =	stream.indirect_vreg.gather [hbm4b:s5+s26], $0x80, v3, vm0, $0xb8;
	[tilespmem:$0x18800] =	vst v63  }
0x3a3: {  	_ = 	snop  }
0x3a4: {  	[tilespmem:s9], [sflag:$0x1] =	stream.indirect_vreg.gather [hbm4b:s6+s26], $0x80, v3, vm0, $0xb8;
	[tilespmem:$0x18800] =	vst v63  }
0x3a5: {  	_ = 	snop  }
0x3a6: {  	[tilespmem:s10], [sflag:$0x1] =	stream.indirect_vreg.gather [hbm4b:s8+s26], $0x80, v3, vm0, $0xb8;
	[tilespmem:$0x18800] =	vst v63  }
0x3a7: {  	v3 =	vld [tilespmem:$0x610];
	_ =	sdelay $0x4  }
0x3a8: {  	v63 =	vshll.u32 v3, $0x3  }
0x3a9: {  	v3 =	vand.u32 $0x7, v3;
	v4 =	vand.u32 $0xFFFFFFC0, v63  }
0x3aa: {  	v3 =	vor.u32 v3, v4  }
0x3ab: {  	v4 =	vperm.xlane v3, v0;
	_ =	sdelay $0x1  }
0x3ac: {  	v4 =	vadd.s32 v1, v4;
	_ =	sdelay $0x4  }
0x3ad: {  	[tilespmem:s11], [sflag:$0x1] =	stream.indirect_vreg.gather [hbm4b:s2+s26], $0x80, v4, vm0, $0xb8;
	[tilespmem:$0x18800] =	vst v63  }
0x3ae: {  	v3 =	vperm.xlane v3, v2  }
0x3af: {  	[tilespmem:s12], [sflag:$0x1] =	stream.indirect_vreg.gather [hbm4b:s5+s26], $0x80, v4, vm0, $0xb8;
	[tilespmem:$0x18800] =	vst v63  }
0x3b0: {  	v3 =	vadd.s32 v1, v3  }
0x3b1: {  	[tilespmem:s13], [sflag:$0x1] =	stream.indirect_vreg.gather [hbm4b:s6+s26], $0x80, v4, vm0, $0xb8;
	[tilespmem:$0x18800] =	vst v63  }
0x3b2: {  	_ = 	snop  }
0x3b3: {  	[tilespmem:s14], [sflag:$0x1] =	stream.indirect_vreg.gather [hbm4b:s8+s26], $0x80, v4, vm0, $0xb8;
	[tilespmem:$0x18800] =	vst v63  }
0x3b4: {  	_ = 	snop  }
0x3b5: {  	[tilespmem:s15], [sflag:$0x1] =	stream.indirect_vreg.gather [hbm4b:s2+s26], $0x80, v3, vm0, $0xb8;
	[tilespmem:$0x18800] =	vst v63  }
0x3b6: {  	_ = 	snop  }
0x3b7: {  	[tilespmem:s16], [sflag:$0x1] =	stream.indirect_vreg.gather [hbm4b:s5+s26], $0x80, v3, vm0, $0xb8;
	[tilespmem:$0x18800] =	vst v63  }
0x3b8: {  	_ = 	snop  }
0x3b9: {  	[tilespmem:s17], [sflag:$0x1] =	stream.indirect_vreg.gather [hbm4b:s6+s26], $0x80, v3, vm0, $0xb8;
	[tilespmem:$0x18800] =	vst v63  }
0x3ba: {  	s29 =	simm.s32 $0x0;
	s30 =	simm.s32 $0x0  }
0x3bb: {  	[tilespmem:s18], [sflag:$0x1] =	stream.indirect_vreg.gather [hbm4b:s8+s26], $0x80, v3, vm0, $0xb8;
	[tilespmem:$0x18800] =	vst v63  }
.LBB2_42:
0x3bc: {  	s0 =	sshll.u32 s29, $0x2;
	s1 =	sand.u32 $0x7, s26  }
0x3bd: {  	s0 =	sand.u32 $0xFFFF8000, s0;
	s1 =	sshll.u32 s1, $0x9  }
0x3be: {  	s0 =	sor.u32 s1, s0  }
0x3bf: {  	s0 =	sshrl.u32 s0, $0x2  }
0x3c0: {  	s31 =	sadd.s32 $0x8840, s0  }
0x3c1: {  	v4 =	vld [tilespmem:s31+$0xFFFFFFC0];
	_ =	sdelay $0x1  }
0x3c2: {  	v7 =	vld [tilespmem:s31+$0xFFFFFFD0]  }
0x3c3: {  	v9 =	vld [tilespmem:s31+$0xFFFFFFE0]  }
0x3c4: {  	v5 =	vld [tilespmem:s31+$0x0]  }
0x3c5: {  	v3 =	vld [tilespmem:s31+$0x10];
	v8 =	vmul.f32 $3.200000000e+01, v4  }
0x3c6: {  	v6 =	vld [tilespmem:s31+$0x20]  }
0x3c7: {  	v4 =	vld [tilespmem:s31+$0x30];
	[tilespmem:s31+$0xFFFFFFC0] =	vst v8;
	v8 =	vmul.f32 $3.200000000e+01, v7  }
0x3c8: {  	s0 =	simm.s32 $0x0;
	s1 =	sadd.s32 $0x400, s31;
	v9 =	vmul.f32 $3.200000000e+01, v9;
	v7 =	vld [tilespmem:s31+$0xFFFFFFF0]  }
.LBB2_43:
0x3c9: {  	v10 =	vld [tilespmem:s1+$0xFFFFFFC0];
	[tilespmem:s31+$0xFFFFFFD0] =	vst v8;
	v5 =	vmul.f32 $3.200000000e+01, v5  }
0x3ca: {  	s0 =	sadd.s32 $0x8, s0;
	v8 =	vld [tilespmem:s1+$0xFFFFFFD0];
	[tilespmem:s31+$0xFFFFFFE0] =	vst v9;
	v3 =	vmul.f32 $3.200000000e+01, v3  }
0x3cb: {  	p0 =	slt.u32 s0, $0x38;
	v9 =	vld [tilespmem:s1+$0xFFFFFFE0];
	[tilespmem:s31+$0x0] =	vst v5;
	v6 =	vmul.f32 $3.200000000e+01, v6  }
.Ltmp20:
0x3cc: {  	v5 =	vld [tilespmem:s1+$0x0];
	[tilespmem:s31+$0x10] =	vst v3;
	v4 =	vmul.f32 $3.200000000e+01, v4;
	(pc) =	sbr.rel @p0 .LBB2_43-.Ltmp20, $4  }
0x3cd: {  	v3 =	vld [tilespmem:s1+$0x10];
	v7 =	vmul.f32 $3.200000000e+01, v7;
	[tilespmem:s31+$0x20] =	vst v6  }
0x3ce: {  	v10 =	vmul.f32 $3.200000000e+01, v10;
	v6 =	vld [tilespmem:s1+$0x20];
	[tilespmem:s31+$0x30] =	vst v4  }
0x3cf: {  	v8 =	vmul.f32 $3.200000000e+01, v8;
	v4 =	vld [tilespmem:s1+$0x30];
	[tilespmem:s31+$0xFFFFFFF0] =	vst v7;
	s31 =	smov.u32 s1  }
0x3d0: {  	s1 =	sadd.s32 $0x400, s1;
	[tilespmem:s31+$0xFFFFFFC0] =	vst v10;
	v9 =	vmul.f32 $3.200000000e+01, v9;
	v7 =	vld [tilespmem:s31+$0xFFFFFFF0]  }
0x3d1: {  	[tilespmem:s31+$0xFFFFFFD0] =	vst v8;
	v5 =	vmul.f32 $3.200000000e+01, v5;
	s30 =	sadd.s32 $0x1, s30  }
0x3d2: {  	[tilespmem:s31+$0xFFFFFFE0] =	vst v9;
	v3 =	vmul.f32 $3.200000000e+01, v3;
	p0 =	sne.s32 s30, $0x20  }
.Ltmp21:
0x3d3: {  	[tilespmem:s31+$0x0] =	vst v5;
	v62 =	vmul.f32 $3.200000000e+01, v6;
	(pc) =	sbr.rel @p0 .LBB2_42-.Ltmp21, $4  }
0x3d4: {  	[tilespmem:s31+$0x10] =	vst v3;
	v3 =	vmul.f32 $3.200000000e+01, v4  }
0x3d5: {  	v63 =	vmul.f32 $3.200000000e+01, v7;
	[tilespmem:s31+$0x20] =	vst v62  }
0x3d6: {  	[tilespmem:s31+$0x30] =	vst v3  }
0x3d7: {  	s29 =	sadd.s32 $0x400, s29;
	s26 =	sadd.s32 $0x1, s26;
	[tilespmem:s31+$0xFFFFFFF0] =	vst v63  }
0x3d8: {  	s26 =	simm.s32 $0x0;
	s0 =	rddreg [dreg:$0x10]  }
0x3d9: {  	[hbm4b:s0+s26] =	stream.linear.scatter [tilespmem:s19], [sflag:$0x5], $0x8000, $0x38;
	[tilespmem:$0x18800] =	vst v63  }
0x3da: {  	_ =	swait.ge [sflag:s4], $0x8000  }
0x3db: {  	[sflag:s4] =	ssyncset.done $0x0  }
0x3dc: {  	[sflag:s4] =	ssyncadd.s32 $0xFFFF8000  }
0x3dd: {  	_ =	swait.ge [sflag:s21], $0x8000  }
0x3de: {  	[sflag:s21] =	ssyncset.done $0x0  }
0x3df: {  	[sflag:s21] =	ssyncadd.s32 $0xFFFF8000  }
0x3e0: {  	v3 =	vld [tilespmem:$0x680];
	_ =	sdelay $0x4  }
0x3e1: {  	v4 =	vshll.u32 v3, $0x3  }
0x3e2: {  	v3 =	vand.u32 $0x7, v3;
	v4 =	vand.u32 $0xFFFFFFC0, v4  }
0x3e3: {  	v3 =	vor.u32 v3, v4  }
0x3e4: {  	v4 =	vperm.xlane v3, v0;
	_ =	sdelay $0x1  }
0x3e5: {  	v4 =	vadd.s32 v1, v4;
	_ =	sdelay $0x4  }
0x3e6: {  	[tilespmem:s19], [sflag:$0x2] =	stream.indirect_vreg.gather [hbm4b:s2+s26], $0x80, v4, vm0, $0xb8;
	[tilespmem:$0x18800] =	vst v63  }
0x3e7: {  	s31 =	simm.s32 $0x9000;
	v3 =	vperm.xlane v3, v2  }
0x3e8: {  	[tilespmem:s31], [sflag:$0x2] =	stream.indirect_vreg.gather [hbm4b:s5+s26], $0x80, v4, vm0, $0xb8;
	[tilespmem:$0x18800] =	vst v63  }
0x3e9: {  	s1 =	simm.s32 $0x9800;
	v3 =	vadd.s32 v1, v3  }
0x3ea: {  	[tilespmem:s1], [sflag:$0x2] =	stream.indirect_vreg.gather [hbm4b:s6+s26], $0x80, v4, vm0, $0xb8;
	[tilespmem:$0x18800] =	vst v63  }
0x3eb: {  	s31 =	simm.s32 $0xA000  }
0x3ec: {  	[tilespmem:s31], [sflag:$0x2] =	stream.indirect_vreg.gather [hbm4b:s8+s26], $0x80, v4, vm0, $0xb8;
	[tilespmem:$0x18800] =	vst v63  }
0x3ed: {  	s1 =	simm.s32 $0xA800  }
0x3ee: {  	[tilespmem:s1], [sflag:$0x2] =	stream.indirect_vreg.gather [hbm4b:s2+s26], $0x80, v3, vm0, $0xb8;
	[tilespmem:$0x18800] =	vst v63  }
0x3ef: {  	s31 =	simm.s32 $0xB000  }
0x3f0: {  	[tilespmem:s31], [sflag:$0x2] =	stream.indirect_vreg.gather [hbm4b:s5+s26], $0x80, v3, vm0, $0xb8;
	[tilespmem:$0x18800] =	vst v63  }
0x3f1: {  	s1 =	simm.s32 $0xB800  }
0x3f2: {  	[tilespmem:s1], [sflag:$0x2] =	stream.indirect_vreg.gather [hbm4b:s6+s26], $0x80, v3, vm0, $0xb8;
	[tilespmem:$0x18800] =	vst v63  }
0x3f3: {  	s31 =	simm.s32 $0xC000  }
0x3f4: {  	[tilespmem:s31], [sflag:$0x2] =	stream.indirect_vreg.gather [hbm4b:s8+s26], $0x80, v3, vm0, $0xb8;
	[tilespmem:$0x18800] =	vst v63  }
0x3f5: {  	v3 =	vld [tilespmem:$0x690];
	_ =	sdelay $0x4  }
0x3f6: {  	v63 =	vshll.u32 v3, $0x3  }
0x3f7: {  	v3 =	vand.u32 $0x7, v3;
	v4 =	vand.u32 $0xFFFFFFC0, v63  }
0x3f8: {  	v3 =	vor.u32 v3, v4  }
0x3f9: {  	v4 =	vperm.xlane v3, v0;
	_ =	sdelay $0x1  }
0x3fa: {  	v4 =	vadd.s32 v1, v4;
	_ =	sdelay $0x3  }
0x3fb: {  	s1 =	simm.s32 $0xC800  }
0x3fc: {  	[tilespmem:s1], [sflag:$0x2] =	stream.indirect_vreg.gather [hbm4b:s2+s26], $0x80, v4, vm0, $0xb8;
	[tilespmem:$0x18800] =	vst v63  }
0x3fd: {  	s31 =	simm.s32 $0xD000;
	v3 =	vperm.xlane v3, v2  }
0x3fe: {  	[tilespmem:s31], [sflag:$0x2] =	stream.indirect_vreg.gather [hbm4b:s5+s26], $0x80, v4, vm0, $0xb8;
	[tilespmem:$0x18800] =	vst v63  }
0x3ff: {  	v3 =	vadd.s32 v1, v3;
	s1 =	simm.s32 $0xD800  }
0x400: {  	[tilespmem:s1], [sflag:$0x2] =	stream.indirect_vreg.gather [hbm4b:s6+s26], $0x80, v4, vm0, $0xb8;
	[tilespmem:$0x18800] =	vst v63  }
0x401: {  	s31 =	simm.s32 $0xE000  }
0x402: {  	[tilespmem:s31], [sflag:$0x2] =	stream.indirect_vreg.gather [hbm4b:s8+s26], $0x80, v4, vm0, $0xb8;
	[tilespmem:$0x18800] =	vst v63  }
0x403: {  	s1 =	simm.s32 $0xE800  }
0x404: {  	[tilespmem:s1], [sflag:$0x2] =	stream.indirect_vreg.gather [hbm4b:s2+s26], $0x80, v3, vm0, $0xb8;
	[tilespmem:$0x18800] =	vst v63  }
0x405: {  	s31 =	simm.s32 $0xF000  }
0x406: {  	[tilespmem:s31], [sflag:$0x2] =	stream.indirect_vreg.gather [hbm4b:s5+s26], $0x80, v3, vm0, $0xb8;
	[tilespmem:$0x18800] =	vst v63  }
0x407: {  	s1 =	simm.s32 $0xF800  }
0x408: {  	[tilespmem:s1], [sflag:$0x2] =	stream.indirect_vreg.gather [hbm4b:s6+s26], $0x80, v3, vm0, $0xb8;
	[tilespmem:$0x18800] =	vst v63  }
0x409: {  	s29 =	simm.s32 $0x0;
	s30 =	simm.s32 $0x0;
	s31 =	simm.s32 $0x10000  }
0x40a: {  	[tilespmem:s31], [sflag:$0x2] =	stream.indirect_vreg.gather [hbm4b:s8+s26], $0x80, v3, vm0, $0xb8;
	[tilespmem:$0x18800] =	vst v63  }
.LBB2_46:
0x40b: {  	s0 =	sshll.u32 s29, $0x2;
	s1 =	sand.u32 $0x7, s26  }
0x40c: {  	s0 =	sand.u32 $0xFFFF8000, s0;
	s1 =	sshll.u32 s1, $0x9  }
0x40d: {  	s0 =	sor.u32 s1, s0  }
0x40e: {  	s0 =	sshrl.u32 s0, $0x2  }
0x40f: {  	s31 =	sadd.s32 $0x10840, s0  }
0x410: {  	v4 =	vld [tilespmem:s31+$0xFFFFFFC0];
	_ =	sdelay $0x1  }
0x411: {  	v7 =	vld [tilespmem:s31+$0xFFFFFFD0]  }
0x412: {  	v9 =	vld [tilespmem:s31+$0xFFFFFFE0]  }
0x413: {  	v5 =	vld [tilespmem:s31+$0x0]  }
0x414: {  	v3 =	vld [tilespmem:s31+$0x10];
	v8 =	vmul.f32 $3.200000000e+01, v4  }
0x415: {  	v6 =	vld [tilespmem:s31+$0x20]  }
0x416: {  	v4 =	vld [tilespmem:s31+$0x30];
	[tilespmem:s31+$0xFFFFFFC0] =	vst v8;
	v8 =	vmul.f32 $3.200000000e+01, v7  }
0x417: {  	s0 =	simm.s32 $0x0;
	s1 =	sadd.s32 $0x400, s31;
	v9 =	vmul.f32 $3.200000000e+01, v9;
	v7 =	vld [tilespmem:s31+$0xFFFFFFF0]  }
.LBB2_47:
0x418: {  	v10 =	vld [tilespmem:s1+$0xFFFFFFC0];
	[tilespmem:s31+$0xFFFFFFD0] =	vst v8;
	v5 =	vmul.f32 $3.200000000e+01, v5  }
0x419: {  	s0 =	sadd.s32 $0x8, s0;
	v8 =	vld [tilespmem:s1+$0xFFFFFFD0];
	[tilespmem:s31+$0xFFFFFFE0] =	vst v9;
	v3 =	vmul.f32 $3.200000000e+01, v3  }
0x41a: {  	p0 =	slt.u32 s0, $0x38;
	v9 =	vld [tilespmem:s1+$0xFFFFFFE0];
	[tilespmem:s31+$0x0] =	vst v5;
	v6 =	vmul.f32 $3.200000000e+01, v6  }
.Ltmp22:
0x41b: {  	v5 =	vld [tilespmem:s1+$0x0];
	[tilespmem:s31+$0x10] =	vst v3;
	v4 =	vmul.f32 $3.200000000e+01, v4;
	(pc) =	sbr.rel @p0 .LBB2_47-.Ltmp22, $4  }
0x41c: {  	v3 =	vld [tilespmem:s1+$0x10];
	v7 =	vmul.f32 $3.200000000e+01, v7;
	[tilespmem:s31+$0x20] =	vst v6  }
0x41d: {  	v10 =	vmul.f32 $3.200000000e+01, v10;
	v6 =	vld [tilespmem:s1+$0x20];
	[tilespmem:s31+$0x30] =	vst v4  }
0x41e: {  	v8 =	vmul.f32 $3.200000000e+01, v8;
	v4 =	vld [tilespmem:s1+$0x30];
	[tilespmem:s31+$0xFFFFFFF0] =	vst v7;
	s31 =	smov.u32 s1  }
0x41f: {  	s1 =	sadd.s32 $0x400, s1;
	[tilespmem:s31+$0xFFFFFFC0] =	vst v10;
	v9 =	vmul.f32 $3.200000000e+01, v9;
	v7 =	vld [tilespmem:s31+$0xFFFFFFF0]  }
0x420: {  	[tilespmem:s31+$0xFFFFFFD0] =	vst v8;
	v5 =	vmul.f32 $3.200000000e+01, v5;
	s30 =	sadd.s32 $0x1, s30  }
0x421: {  	[tilespmem:s31+$0xFFFFFFE0] =	vst v9;
	v3 =	vmul.f32 $3.200000000e+01, v3;
	p0 =	sne.s32 s30, $0x20  }
.Ltmp23:
0x422: {  	[tilespmem:s31+$0x0] =	vst v5;
	v62 =	vmul.f32 $3.200000000e+01, v6;
	(pc) =	sbr.rel @p0 .LBB2_46-.Ltmp23, $4  }
0x423: {  	[tilespmem:s31+$0x10] =	vst v3;
	v3 =	vmul.f32 $3.200000000e+01, v4  }
0x424: {  	v63 =	vmul.f32 $3.200000000e+01, v7;
	[tilespmem:s31+$0x20] =	vst v62  }
0x425: {  	[tilespmem:s31+$0x30] =	vst v3  }
0x426: {  	s29 =	sadd.s32 $0x400, s29;
	s26 =	sadd.s32 $0x1, s26;
	[tilespmem:s31+$0xFFFFFFF0] =	vst v63  }
0x427: {  	s26 =	simm.s32 $0x0;
	s0 =	rddreg [dreg:$0x11]  }
0x428: {  	[hbm4b:s0+s26] =	stream.linear.scatter [tilespmem:s20], [sflag:$0x6], $0x8000, $0x38;
	[tilespmem:$0x18800] =	vst v63  }
0x429: {  	_ =	swait.ge [sflag:s7], $0x8000  }
0x42a: {  	[sflag:s7] =	ssyncset.done $0x0  }
0x42b: {  	[sflag:s7] =	ssyncadd.s32 $0xFFFF8000  }
0x42c: {  	_ =	swait.ge [sflag:s22], $0x8000  }
0x42d: {  	[sflag:s22] =	ssyncset.done $0x0  }
0x42e: {  	[sflag:s22] =	ssyncadd.s32 $0xFFFF8000  }
0x42f: {  	v3 =	vld [tilespmem:$0x700];
	_ =	sdelay $0x4  }
0x430: {  	v4 =	vshll.u32 v3, $0x3  }
0x431: {  	v3 =	vand.u32 $0x7, v3;
	v4 =	vand.u32 $0xFFFFFFC0, v4  }
0x432: {  	v3 =	vor.u32 v3, v4  }
0x433: {  	v4 =	vperm.xlane v3, v0;
	_ =	sdelay $0x1  }
0x434: {  	v4 =	vadd.s32 v1, v4;
	_ =	sdelay $0x4  }
0x435: {  	[tilespmem:s20], [sflag:$0x3] =	stream.indirect_vreg.gather [hbm4b:s2+s26], $0x80, v4, vm0, $0xb8;
	[tilespmem:$0x18800] =	vst v63  }
0x436: {  	s31 =	simm.s32 $0x11000;
	v3 =	vperm.xlane v3, v2  }
0x437: {  	[tilespmem:s31], [sflag:$0x3] =	stream.indirect_vreg.gather [hbm4b:s5+s26], $0x80, v4, vm0, $0xb8;
	[tilespmem:$0x18800] =	vst v63  }
0x438: {  	s1 =	simm.s32 $0x11800;
	v3 =	vadd.s32 v1, v3  }
0x439: {  	[tilespmem:s1], [sflag:$0x3] =	stream.indirect_vreg.gather [hbm4b:s6+s26], $0x80, v4, vm0, $0xb8;
	[tilespmem:$0x18800] =	vst v63  }
0x43a: {  	s31 =	simm.s32 $0x12000  }
0x43b: {  	[tilespmem:s31], [sflag:$0x3] =	stream.indirect_vreg.gather [hbm4b:s8+s26], $0x80, v4, vm0, $0xb8;
	[tilespmem:$0x18800] =	vst v63  }
0x43c: {  	s1 =	simm.s32 $0x12800  }
0x43d: {  	[tilespmem:s1], [sflag:$0x3] =	stream.indirect_vreg.gather [hbm4b:s2+s26], $0x80, v3, vm0, $0xb8;
	[tilespmem:$0x18800] =	vst v63  }
0x43e: {  	s31 =	simm.s32 $0x13000  }
0x43f: {  	[tilespmem:s31], [sflag:$0x3] =	stream.indirect_vreg.gather [hbm4b:s5+s26], $0x80, v3, vm0, $0xb8;
	[tilespmem:$0x18800] =	vst v63  }
0x440: {  	s1 =	simm.s32 $0x13800  }
0x441: {  	[tilespmem:s1], [sflag:$0x3] =	stream.indirect_vreg.gather [hbm4b:s6+s26], $0x80, v3, vm0, $0xb8;
	[tilespmem:$0x18800] =	vst v63  }
0x442: {  	s31 =	simm.s32 $0x14000  }
0x443: {  	[tilespmem:s31], [sflag:$0x3] =	stream.indirect_vreg.gather [hbm4b:s8+s26], $0x80, v3, vm0, $0xb8;
	[tilespmem:$0x18800] =	vst v63  }
0x444: {  	v3 =	vld [tilespmem:$0x710];
	_ =	sdelay $0x4  }
0x445: {  	v63 =	vshll.u32 v3, $0x3  }
0x446: {  	v3 =	vand.u32 $0x7, v3;
	v4 =	vand.u32 $0xFFFFFFC0, v63  }
0x447: {  	v3 =	vor.u32 v3, v4  }
0x448: {  	v4 =	vperm.xlane v3, v0;
	_ =	sdelay $0x1  }
0x449: {  	v4 =	vadd.s32 v1, v4;
	_ =	sdelay $0x3  }
0x44a: {  	s1 =	simm.s32 $0x14800  }
0x44b: {  	[tilespmem:s1], [sflag:$0x3] =	stream.indirect_vreg.gather [hbm4b:s2+s26], $0x80, v4, vm0, $0xb8;
	[tilespmem:$0x18800] =	vst v63  }
0x44c: {  	s31 =	simm.s32 $0x15000;
	v3 =	vperm.xlane v3, v2  }
0x44d: {  	[tilespmem:s31], [sflag:$0x3] =	stream.indirect_vreg.gather [hbm4b:s5+s26], $0x80, v4, vm0, $0xb8;
	[tilespmem:$0x18800] =	vst v63  }
0x44e: {  	v3 =	vadd.s32 v1, v3;
	s1 =	simm.s32 $0x15800  }
0x44f: {  	[tilespmem:s1], [sflag:$0x3] =	stream.indirect_vreg.gather [hbm4b:s6+s26], $0x80, v4, vm0, $0xb8;
	[tilespmem:$0x18800] =	vst v63  }
0x450: {  	s31 =	simm.s32 $0x16000  }
0x451: {  	[tilespmem:s31], [sflag:$0x3] =	stream.indirect_vreg.gather [hbm4b:s8+s26], $0x80, v4, vm0, $0xb8;
	[tilespmem:$0x18800] =	vst v63  }
0x452: {  	s1 =	simm.s32 $0x16800  }
0x453: {  	[tilespmem:s1], [sflag:$0x3] =	stream.indirect_vreg.gather [hbm4b:s2+s26], $0x80, v3, vm0, $0xb8;
	[tilespmem:$0x18800] =	vst v63  }
0x454: {  	s31 =	simm.s32 $0x17000  }
0x455: {  	[tilespmem:s31], [sflag:$0x3] =	stream.indirect_vreg.gather [hbm4b:s5+s26], $0x80, v3, vm0, $0xb8;
	[tilespmem:$0x18800] =	vst v63  }
0x456: {  	s1 =	simm.s32 $0x17800  }
0x457: {  	[tilespmem:s1], [sflag:$0x3] =	stream.indirect_vreg.gather [hbm4b:s6+s26], $0x80, v3, vm0, $0xb8;
	[tilespmem:$0x18800] =	vst v63  }
0x458: {  	s29 =	simm.s32 $0x0;
	s30 =	simm.s32 $0x0;
	s31 =	simm.s32 $0x18000  }
0x459: {  	[tilespmem:s31], [sflag:$0x3] =	stream.indirect_vreg.gather [hbm4b:s8+s26], $0x80, v3, vm0, $0xb8;
	[tilespmem:$0x18800] =	vst v63  }
.LBB2_50:
0x45a: {  	s0 =	sshll.u32 s29, $0x2;
	s1 =	sand.u32 $0x7, s26  }
0x45b: {  	s0 =	sand.u32 $0xFFFF8000, s0;
	s1 =	sshll.u32 s1, $0x9  }
0x45c: {  	s0 =	sor.u32 s1, s0  }
0x45d: {  	s0 =	sshrl.u32 s0, $0x2  }
0x45e: {  	s31 =	sor.u32 $0x840, s0  }
0x45f: {  	v4 =	vld [tilespmem:s31+$0xFFFFFFC0];
	_ =	sdelay $0x1  }
0x460: {  	v7 =	vld [tilespmem:s31+$0xFFFFFFD0]  }
0x461: {  	v9 =	vld [tilespmem:s31+$0xFFFFFFE0]  }
0x462: {  	v5 =	vld [tilespmem:s31+$0x0]  }
0x463: {  	v3 =	vld [tilespmem:s31+$0x10];
	v8 =	vmul.f32 $3.200000000e+01, v4  }
0x464: {  	v6 =	vld [tilespmem:s31+$0x20]  }
0x465: {  	v4 =	vld [tilespmem:s31+$0x30];
	[tilespmem:s31+$0xFFFFFFC0] =	vst v8;
	v8 =	vmul.f32 $3.200000000e+01, v7  }
0x466: {  	s0 =	simm.s32 $0x0;
	s1 =	sadd.s32 $0x400, s31;
	v9 =	vmul.f32 $3.200000000e+01, v9;
	v7 =	vld [tilespmem:s31+$0xFFFFFFF0]  }
.LBB2_51:
0x467: {  	v10 =	vld [tilespmem:s1+$0xFFFFFFC0];
	[tilespmem:s31+$0xFFFFFFD0] =	vst v8;
	v5 =	vmul.f32 $3.200000000e+01, v5  }
0x468: {  	s0 =	sadd.s32 $0x8, s0;
	v8 =	vld [tilespmem:s1+$0xFFFFFFD0];
	[tilespmem:s31+$0xFFFFFFE0] =	vst v9;
	v3 =	vmul.f32 $3.200000000e+01, v3  }
0x469: {  	p0 =	slt.u32 s0, $0x38;
	v9 =	vld [tilespmem:s1+$0xFFFFFFE0];
	[tilespmem:s31+$0x0] =	vst v5;
	v6 =	vmul.f32 $3.200000000e+01, v6  }
.Ltmp24:
0x46a: {  	v5 =	vld [tilespmem:s1+$0x0];
	[tilespmem:s31+$0x10] =	vst v3;
	v4 =	vmul.f32 $3.200000000e+01, v4;
	(pc) =	sbr.rel @p0 .LBB2_51-.Ltmp24, $4  }
0x46b: {  	v3 =	vld [tilespmem:s1+$0x10];
	v7 =	vmul.f32 $3.200000000e+01, v7;
	[tilespmem:s31+$0x20] =	vst v6  }
0x46c: {  	v10 =	vmul.f32 $3.200000000e+01, v10;
	v6 =	vld [tilespmem:s1+$0x20];
	[tilespmem:s31+$0x30] =	vst v4  }
0x46d: {  	v8 =	vmul.f32 $3.200000000e+01, v8;
	v4 =	vld [tilespmem:s1+$0x30];
	[tilespmem:s31+$0xFFFFFFF0] =	vst v7;
	s31 =	smov.u32 s1  }
0x46e: {  	s1 =	sadd.s32 $0x400, s1;
	[tilespmem:s31+$0xFFFFFFC0] =	vst v10;
	v9 =	vmul.f32 $3.200000000e+01, v9;
	v7 =	vld [tilespmem:s31+$0xFFFFFFF0]  }
0x46f: {  	[tilespmem:s31+$0xFFFFFFD0] =	vst v8;
	v5 =	vmul.f32 $3.200000000e+01, v5;
	s30 =	sadd.s32 $0x1, s30  }
0x470: {  	[tilespmem:s31+$0xFFFFFFE0] =	vst v9;
	v3 =	vmul.f32 $3.200000000e+01, v3;
	p0 =	sne.s32 s30, $0x20  }
.Ltmp25:
0x471: {  	[tilespmem:s31+$0x0] =	vst v5;
	v62 =	vmul.f32 $3.200000000e+01, v6;
	(pc) =	sbr.rel @p0 .LBB2_50-.Ltmp25, $4  }
0x472: {  	[tilespmem:s31+$0x10] =	vst v3;
	v3 =	vmul.f32 $3.200000000e+01, v4  }
0x473: {  	v63 =	vmul.f32 $3.200000000e+01, v7;
	[tilespmem:s31+$0x20] =	vst v62  }
0x474: {  	[tilespmem:s31+$0x30] =	vst v3  }
0x475: {  	s29 =	sadd.s32 $0x400, s29;
	s26 =	sadd.s32 $0x1, s26;
	[tilespmem:s31+$0xFFFFFFF0] =	vst v63  }
0x476: {  	s26 =	simm.s32 $0x0;
	s0 =	rddreg [dreg:$0x12]  }
0x477: {  	[hbm4b:s0+s26] =	stream.linear.scatter [tilespmem:s28], [sflag:$0x4], $0x8000, $0x38;
	[tilespmem:$0x18800] =	vst v63  }
0x478: {  	_ =	swait.ge [sflag:s24], $0x8000  }
0x479: {  	[sflag:s24] =	ssyncset.done $0x0  }
0x47a: {  	[sflag:s24] =	ssyncadd.s32 $0xFFFF8000  }
0x47b: {  	_ =	swait.ge [sflag:s25], $0x8000  }
0x47c: {  	[sflag:s25] =	ssyncset.done $0x0  }
0x47d: {  	[sflag:s25] =	ssyncadd.s32 $0xFFFF8000  }
0x47e: {  	v3 =	vld [tilespmem:$0x780];
	_ =	sdelay $0x4  }
0x47f: {  	v4 =	vshll.u32 v3, $0x3  }
0x480: {  	v3 =	vand.u32 $0x7, v3;
	v4 =	vand.u32 $0xFFFFFFC0, v4  }
0x481: {  	v3 =	vor.u32 v3, v4  }
0x482: {  	v4 =	vperm.xlane v3, v0;
	_ =	sdelay $0x1  }
0x483: {  	v4 =	vadd.s32 v1, v4;
	_ =	sdelay $0x4  }
0x484: {  	[tilespmem:s28], [sflag:$0x1] =	stream.indirect_vreg.gather [hbm4b:s2+s26], $0x80, v4, vm0, $0xb8;
	[tilespmem:$0x18800] =	vst v63  }
0x485: {  	s31 =	simm.s32 $0x1000;
	v3 =	vperm.xlane v3, v2  }
0x486: {  	[tilespmem:s31], [sflag:$0x1] =	stream.indirect_vreg.gather [hbm4b:s5+s26], $0x80, v4, vm0, $0xb8;
	[tilespmem:$0x18800] =	vst v63  }
0x487: {  	s1 =	simm.s32 $0x1800;
	v3 =	vadd.s32 v1, v3  }
0x488: {  	[tilespmem:s1], [sflag:$0x1] =	stream.indirect_vreg.gather [hbm4b:s6+s26], $0x80, v4, vm0, $0xb8;
	[tilespmem:$0x18800] =	vst v63  }
0x489: {  	s31 =	simm.s32 $0x2000  }
0x48a: {  	[tilespmem:s31], [sflag:$0x1] =	stream.indirect_vreg.gather [hbm4b:s8+s26], $0x80, v4, vm0, $0xb8;
	[tilespmem:$0x18800] =	vst v63  }
0x48b: {  	s1 =	simm.s32 $0x2800  }
0x48c: {  	[tilespmem:s1], [sflag:$0x1] =	stream.indirect_vreg.gather [hbm4b:s2+s26], $0x80, v3, vm0, $0xb8;
	[tilespmem:$0x18800] =	vst v63  }
0x48d: {  	s31 =	simm.s32 $0x3000  }
0x48e: {  	[tilespmem:s31], [sflag:$0x1] =	stream.indirect_vreg.gather [hbm4b:s5+s26], $0x80, v3, vm0, $0xb8;
	[tilespmem:$0x18800] =	vst v63  }
0x48f: {  	_ = 	snop  }
0x490: {  	[tilespmem:s9], [sflag:$0x1] =	stream.indirect_vreg.gather [hbm4b:s6+s26], $0x80, v3, vm0, $0xb8;
	[tilespmem:$0x18800] =	vst v63  }
0x491: {  	_ = 	snop  }
0x492: {  	[tilespmem:s10], [sflag:$0x1] =	stream.indirect_vreg.gather [hbm4b:s8+s26], $0x80, v3, vm0, $0xb8;
	[tilespmem:$0x18800] =	vst v63  }
0x493: {  	v3 =	vld [tilespmem:$0x790];
	_ =	sdelay $0x4  }
0x494: {  	v63 =	vshll.u32 v3, $0x3  }
0x495: {  	v3 =	vand.u32 $0x7, v3;
	v4 =	vand.u32 $0xFFFFFFC0, v63  }
0x496: {  	v3 =	vor.u32 v3, v4  }
0x497: {  	v4 =	vperm.xlane v3, v0;
	_ =	sdelay $0x1  }
0x498: {  	v4 =	vadd.s32 v1, v4;
	_ =	sdelay $0x4  }
0x499: {  	[tilespmem:s11], [sflag:$0x1] =	stream.indirect_vreg.gather [hbm4b:s2+s26], $0x80, v4, vm0, $0xb8;
	[tilespmem:$0x18800] =	vst v63  }
0x49a: {  	v3 =	vperm.xlane v3, v2  }
0x49b: {  	[tilespmem:s12], [sflag:$0x1] =	stream.indirect_vreg.gather [hbm4b:s5+s26], $0x80, v4, vm0, $0xb8;
	[tilespmem:$0x18800] =	vst v63  }
0x49c: {  	v3 =	vadd.s32 v1, v3  }
0x49d: {  	[tilespmem:s13], [sflag:$0x1] =	stream.indirect_vreg.gather [hbm4b:s6+s26], $0x80, v4, vm0, $0xb8;
	[tilespmem:$0x18800] =	vst v63  }
0x49e: {  	_ = 	snop  }
0x49f: {  	[tilespmem:s14], [sflag:$0x1] =	stream.indirect_vreg.gather [hbm4b:s8+s26], $0x80, v4, vm0, $0xb8;
	[tilespmem:$0x18800] =	vst v63  }
0x4a0: {  	_ = 	snop  }
0x4a1: {  	[tilespmem:s15], [sflag:$0x1] =	stream.indirect_vreg.gather [hbm4b:s2+s26], $0x80, v3, vm0, $0xb8;
	[tilespmem:$0x18800] =	vst v63  }
0x4a2: {  	_ = 	snop  }
0x4a3: {  	[tilespmem:s16], [sflag:$0x1] =	stream.indirect_vreg.gather [hbm4b:s5+s26], $0x80, v3, vm0, $0xb8;
	[tilespmem:$0x18800] =	vst v63  }
0x4a4: {  	_ = 	snop  }
0x4a5: {  	[tilespmem:s17], [sflag:$0x1] =	stream.indirect_vreg.gather [hbm4b:s6+s26], $0x80, v3, vm0, $0xb8;
	[tilespmem:$0x18800] =	vst v63  }
0x4a6: {  	s29 =	simm.s32 $0x0;
	s30 =	simm.s32 $0x0  }
0x4a7: {  	[tilespmem:s18], [sflag:$0x1] =	stream.indirect_vreg.gather [hbm4b:s8+s26], $0x80, v3, vm0, $0xb8;
	[tilespmem:$0x18800] =	vst v63  }
.LBB2_54:
0x4a8: {  	s0 =	sshll.u32 s29, $0x2;
	s1 =	sand.u32 $0x7, s26  }
0x4a9: {  	s0 =	sand.u32 $0xFFFF8000, s0;
	s1 =	sshll.u32 s1, $0x9  }
0x4aa: {  	s0 =	sor.u32 s1, s0  }
0x4ab: {  	s0 =	sshrl.u32 s0, $0x2  }
0x4ac: {  	s31 =	sadd.s32 $0x8840, s0  }
0x4ad: {  	v4 =	vld [tilespmem:s31+$0xFFFFFFC0];
	_ =	sdelay $0x1  }
0x4ae: {  	v7 =	vld [tilespmem:s31+$0xFFFFFFD0]  }
0x4af: {  	v9 =	vld [tilespmem:s31+$0xFFFFFFE0]  }
0x4b0: {  	v5 =	vld [tilespmem:s31+$0x0]  }
0x4b1: {  	v3 =	vld [tilespmem:s31+$0x10];
	v8 =	vmul.f32 $3.200000000e+01, v4  }
0x4b2: {  	v6 =	vld [tilespmem:s31+$0x20]  }
0x4b3: {  	v4 =	vld [tilespmem:s31+$0x30];
	[tilespmem:s31+$0xFFFFFFC0] =	vst v8;
	v8 =	vmul.f32 $3.200000000e+01, v7  }
0x4b4: {  	s0 =	simm.s32 $0x0;
	s1 =	sadd.s32 $0x400, s31;
	v9 =	vmul.f32 $3.200000000e+01, v9;
	v7 =	vld [tilespmem:s31+$0xFFFFFFF0]  }
.LBB2_55:
0x4b5: {  	v10 =	vld [tilespmem:s1+$0xFFFFFFC0];
	[tilespmem:s31+$0xFFFFFFD0] =	vst v8;
	v5 =	vmul.f32 $3.200000000e+01, v5  }
0x4b6: {  	s0 =	sadd.s32 $0x8, s0;
	v8 =	vld [tilespmem:s1+$0xFFFFFFD0];
	[tilespmem:s31+$0xFFFFFFE0] =	vst v9;
	v3 =	vmul.f32 $3.200000000e+01, v3  }
0x4b7: {  	p0 =	slt.u32 s0, $0x38;
	v9 =	vld [tilespmem:s1+$0xFFFFFFE0];
	[tilespmem:s31+$0x0] =	vst v5;
	v6 =	vmul.f32 $3.200000000e+01, v6  }
.Ltmp26:
0x4b8: {  	v5 =	vld [tilespmem:s1+$0x0];
	[tilespmem:s31+$0x10] =	vst v3;
	v4 =	vmul.f32 $3.200000000e+01, v4;
	(pc) =	sbr.rel @p0 .LBB2_55-.Ltmp26, $4  }
0x4b9: {  	v3 =	vld [tilespmem:s1+$0x10];
	v7 =	vmul.f32 $3.200000000e+01, v7;
	[tilespmem:s31+$0x20] =	vst v6  }
0x4ba: {  	v10 =	vmul.f32 $3.200000000e+01, v10;
	v6 =	vld [tilespmem:s1+$0x20];
	[tilespmem:s31+$0x30] =	vst v4  }
0x4bb: {  	v8 =	vmul.f32 $3.200000000e+01, v8;
	v4 =	vld [tilespmem:s1+$0x30];
	[tilespmem:s31+$0xFFFFFFF0] =	vst v7;
	s31 =	smov.u32 s1  }
0x4bc: {  	s1 =	sadd.s32 $0x400, s1;
	[tilespmem:s31+$0xFFFFFFC0] =	vst v10;
	v9 =	vmul.f32 $3.200000000e+01, v9;
	v7 =	vld [tilespmem:s31+$0xFFFFFFF0]  }
0x4bd: {  	[tilespmem:s31+$0xFFFFFFD0] =	vst v8;
	v5 =	vmul.f32 $3.200000000e+01, v5;
	s30 =	sadd.s32 $0x1, s30  }
0x4be: {  	[tilespmem:s31+$0xFFFFFFE0] =	vst v9;
	v3 =	vmul.f32 $3.200000000e+01, v3;
	p0 =	sne.s32 s30, $0x20  }
.Ltmp27:
0x4bf: {  	[tilespmem:s31+$0x0] =	vst v5;
	v62 =	vmul.f32 $3.200000000e+01, v6;
	(pc) =	sbr.rel @p0 .LBB2_54-.Ltmp27, $4  }
0x4c0: {  	[tilespmem:s31+$0x10] =	vst v3;
	v3 =	vmul.f32 $3.200000000e+01, v4  }
0x4c1: {  	v63 =	vmul.f32 $3.200000000e+01, v7;
	[tilespmem:s31+$0x20] =	vst v62  }
0x4c2: {  	[tilespmem:s31+$0x30] =	vst v3  }
0x4c3: {  	s29 =	sadd.s32 $0x400, s29;
	s26 =	sadd.s32 $0x1, s26;
	[tilespmem:s31+$0xFFFFFFF0] =	vst v63  }
0x4c4: {  	s26 =	simm.s32 $0x0;
	s0 =	rddreg [dreg:$0x13]  }
0x4c5: {  	[hbm4b:s0+s26] =	stream.linear.scatter [tilespmem:s19], [sflag:$0x5], $0x8000, $0x38;
	[tilespmem:$0x18800] =	vst v63  }
0x4c6: {  	_ =	swait.ge [sflag:s4], $0x8000  }
0x4c7: {  	[sflag:s4] =	ssyncset.done $0x0  }
0x4c8: {  	s29 =	simm.s32 $0x0;
	s30 =	simm.s32 $0x0;
	[sflag:s4] =	ssyncadd.s32 $0xFFFF8000  }
.LBB2_58:
0x4c9: {  	s0 =	sshll.u32 s29, $0x2;
	s1 =	sand.u32 $0x7, s26  }
0x4ca: {  	s0 =	sand.u32 $0xFFFF8000, s0;
	s1 =	sshll.u32 s1, $0x9  }
0x4cb: {  	s0 =	sor.u32 s1, s0  }
0x4cc: {  	s0 =	sshrl.u32 s0, $0x2  }
0x4cd: {  	s31 =	sadd.s32 $0x10840, s0  }
0x4ce: {  	v4 =	vld [tilespmem:s31+$0xFFFFFFC0];
	_ =	sdelay $0x1  }
0x4cf: {  	v7 =	vld [tilespmem:s31+$0xFFFFFFD0]  }
0x4d0: {  	v9 =	vld [tilespmem:s31+$0xFFFFFFE0]  }
0x4d1: {  	v5 =	vld [tilespmem:s31+$0x0]  }
0x4d2: {  	v3 =	vld [tilespmem:s31+$0x10];
	v8 =	vmul.f32 $3.200000000e+01, v4  }
0x4d3: {  	v6 =	vld [tilespmem:s31+$0x20]  }
0x4d4: {  	v4 =	vld [tilespmem:s31+$0x30];
	[tilespmem:s31+$0xFFFFFFC0] =	vst v8;
	v8 =	vmul.f32 $3.200000000e+01, v7  }
0x4d5: {  	s0 =	simm.s32 $0x0;
	s1 =	sadd.s32 $0x400, s31;
	v9 =	vmul.f32 $3.200000000e+01, v9;
	v7 =	vld [tilespmem:s31+$0xFFFFFFF0]  }
.LBB2_59:
0x4d6: {  	v10 =	vld [tilespmem:s1+$0xFFFFFFC0];
	[tilespmem:s31+$0xFFFFFFD0] =	vst v8;
	v5 =	vmul.f32 $3.200000000e+01, v5  }
0x4d7: {  	s0 =	sadd.s32 $0x8, s0;
	v8 =	vld [tilespmem:s1+$0xFFFFFFD0];
	[tilespmem:s31+$0xFFFFFFE0] =	vst v9;
	v3 =	vmul.f32 $3.200000000e+01, v3  }
0x4d8: {  	p0 =	slt.u32 s0, $0x38;
	v9 =	vld [tilespmem:s1+$0xFFFFFFE0];
	[tilespmem:s31+$0x0] =	vst v5;
	v6 =	vmul.f32 $3.200000000e+01, v6  }
.Ltmp28:
0x4d9: {  	v5 =	vld [tilespmem:s1+$0x0];
	[tilespmem:s31+$0x10] =	vst v3;
	v4 =	vmul.f32 $3.200000000e+01, v4;
	(pc) =	sbr.rel @p0 .LBB2_59-.Ltmp28, $4  }
0x4da: {  	v3 =	vld [tilespmem:s1+$0x10];
	v7 =	vmul.f32 $3.200000000e+01, v7;
	[tilespmem:s31+$0x20] =	vst v6  }
0x4db: {  	v10 =	vmul.f32 $3.200000000e+01, v10;
	v6 =	vld [tilespmem:s1+$0x20];
	[tilespmem:s31+$0x30] =	vst v4  }
0x4dc: {  	v8 =	vmul.f32 $3.200000000e+01, v8;
	v4 =	vld [tilespmem:s1+$0x30];
	[tilespmem:s31+$0xFFFFFFF0] =	vst v7;
	s31 =	smov.u32 s1  }
0x4dd: {  	s1 =	sadd.s32 $0x400, s1;
	[tilespmem:s31+$0xFFFFFFC0] =	vst v10;
	v9 =	vmul.f32 $3.200000000e+01, v9;
	v7 =	vld [tilespmem:s31+$0xFFFFFFF0]  }
0x4de: {  	[tilespmem:s31+$0xFFFFFFD0] =	vst v8;
	v5 =	vmul.f32 $3.200000000e+01, v5;
	s30 =	sadd.s32 $0x1, s30  }
0x4df: {  	[tilespmem:s31+$0xFFFFFFE0] =	vst v9;
	v3 =	vmul.f32 $3.200000000e+01, v3;
	p0 =	sne.s32 s30, $0x20  }
.Ltmp29:
0x4e0: {  	[tilespmem:s31+$0x0] =	vst v5;
	v62 =	vmul.f32 $3.200000000e+01, v6;
	(pc) =	sbr.rel @p0 .LBB2_58-.Ltmp29, $4  }
0x4e1: {  	[tilespmem:s31+$0x10] =	vst v3;
	v3 =	vmul.f32 $3.200000000e+01, v4  }
0x4e2: {  	v63 =	vmul.f32 $3.200000000e+01, v7;
	[tilespmem:s31+$0x20] =	vst v62  }
0x4e3: {  	[tilespmem:s31+$0x30] =	vst v3  }
0x4e4: {  	s29 =	sadd.s32 $0x400, s29;
	s26 =	sadd.s32 $0x1, s26;
	[tilespmem:s31+$0xFFFFFFF0] =	vst v63  }
0x4e5: {  	s26 =	simm.s32 $0x0;
	s0 =	rddreg [dreg:$0x14]  }
0x4e6: {  	[hbm4b:s0+s26] =	stream.linear.scatter [tilespmem:s20], [sflag:$0x6], $0x8000, $0x38;
	[tilespmem:$0x18800] =	vst v63  }
0x4e7: {  	_ =	swait.ge [sflag:s7], $0x8000  }
0x4e8: {  	[sflag:s7] =	ssyncset.done $0x0  }
0x4e9: {  	s29 =	simm.s32 $0x0;
	s30 =	simm.s32 $0x0;
	[sflag:s7] =	ssyncadd.s32 $0xFFFF8000  }
.LBB2_62:
0x4ea: {  	s0 =	sshll.u32 s29, $0x2;
	s1 =	sand.u32 $0x7, s26  }
0x4eb: {  	s0 =	sand.u32 $0xFFFF8000, s0;
	s1 =	sshll.u32 s1, $0x9  }
0x4ec: {  	s0 =	sor.u32 s1, s0  }
0x4ed: {  	s0 =	sshrl.u32 s0, $0x2  }
0x4ee: {  	s31 =	sor.u32 $0x840, s0  }
0x4ef: {  	v4 =	vld [tilespmem:s31+$0xFFFFFFC0];
	_ =	sdelay $0x1  }
0x4f0: {  	v7 =	vld [tilespmem:s31+$0xFFFFFFD0]  }
0x4f1: {  	v9 =	vld [tilespmem:s31+$0xFFFFFFE0]  }
0x4f2: {  	v5 =	vld [tilespmem:s31+$0x0]  }
0x4f3: {  	v3 =	vld [tilespmem:s31+$0x10];
	v8 =	vmul.f32 $3.200000000e+01, v4  }
0x4f4: {  	v6 =	vld [tilespmem:s31+$0x20]  }
0x4f5: {  	v4 =	vld [tilespmem:s31+$0x30];
	[tilespmem:s31+$0xFFFFFFC0] =	vst v8;
	v8 =	vmul.f32 $3.200000000e+01, v7  }
0x4f6: {  	s0 =	simm.s32 $0x0;
	s1 =	sadd.s32 $0x400, s31;
	v9 =	vmul.f32 $3.200000000e+01, v9;
	v7 =	vld [tilespmem:s31+$0xFFFFFFF0]  }
.LBB2_63:
0x4f7: {  	v10 =	vld [tilespmem:s1+$0xFFFFFFC0];
	[tilespmem:s31+$0xFFFFFFD0] =	vst v8;
	v5 =	vmul.f32 $3.200000000e+01, v5  }
0x4f8: {  	s0 =	sadd.s32 $0x8, s0;
	v8 =	vld [tilespmem:s1+$0xFFFFFFD0];
	[tilespmem:s31+$0xFFFFFFE0] =	vst v9;
	v3 =	vmul.f32 $3.200000000e+01, v3  }
0x4f9: {  	p0 =	slt.u32 s0, $0x38;
	v9 =	vld [tilespmem:s1+$0xFFFFFFE0];
	[tilespmem:s31+$0x0] =	vst v5;
	v6 =	vmul.f32 $3.200000000e+01, v6  }
.Ltmp30:
0x4fa: {  	v5 =	vld [tilespmem:s1+$0x0];
	[tilespmem:s31+$0x10] =	vst v3;
	v4 =	vmul.f32 $3.200000000e+01, v4;
	(pc) =	sbr.rel @p0 .LBB2_63-.Ltmp30, $4  }
0x4fb: {  	v3 =	vld [tilespmem:s1+$0x10];
	v7 =	vmul.f32 $3.200000000e+01, v7;
	[tilespmem:s31+$0x20] =	vst v6  }
0x4fc: {  	v10 =	vmul.f32 $3.200000000e+01, v10;
	v6 =	vld [tilespmem:s1+$0x20];
	[tilespmem:s31+$0x30] =	vst v4  }
0x4fd: {  	v8 =	vmul.f32 $3.200000000e+01, v8;
	v4 =	vld [tilespmem:s1+$0x30];
	[tilespmem:s31+$0xFFFFFFF0] =	vst v7;
	s31 =	smov.u32 s1  }
0x4fe: {  	s1 =	sadd.s32 $0x400, s1;
	[tilespmem:s31+$0xFFFFFFC0] =	vst v10;
	v9 =	vmul.f32 $3.200000000e+01, v9;
	v7 =	vld [tilespmem:s31+$0xFFFFFFF0]  }
0x4ff: {  	[tilespmem:s31+$0xFFFFFFD0] =	vst v8;
	v5 =	vmul.f32 $3.200000000e+01, v5;
	s30 =	sadd.s32 $0x1, s30  }
0x500: {  	[tilespmem:s31+$0xFFFFFFE0] =	vst v9;
	v3 =	vmul.f32 $3.200000000e+01, v3;
	p0 =	sne.s32 s30, $0x20  }
.Ltmp31:
0x501: {  	[tilespmem:s31+$0x0] =	vst v5;
	v62 =	vmul.f32 $3.200000000e+01, v6;
	(pc) =	sbr.rel @p0 .LBB2_62-.Ltmp31, $4  }
0x502: {  	[tilespmem:s31+$0x10] =	vst v3;
	v3 =	vmul.f32 $3.200000000e+01, v4  }
0x503: {  	v63 =	vmul.f32 $3.200000000e+01, v7;
	[tilespmem:s31+$0x20] =	vst v62  }
0x504: {  	[tilespmem:s31+$0x30] =	vst v3  }
0x505: {  	s29 =	sadd.s32 $0x400, s29;
	s26 =	sadd.s32 $0x1, s26;
	[tilespmem:s31+$0xFFFFFFF0] =	vst v63  }
0x506: {  	s0 =	rddreg [dreg:$0x15]  }
0x507: {  	[hbm4b:s0+s3] =	stream.linear.scatter [tilespmem:s28], [sflag:$0x4], $0x8000, $0x38;
	[tilespmem:$0x18800] =	vst v63  }
0x508: {  	_ =	swait.ge [sflag:s22], $0x8000  }
0x509: {  	[sflag:s22] =	ssyncset.done $0x0  }
0x50a: {  	[sflag:s22] =	ssyncadd.s32 $0xFFFF8000  }
0x50b: {  	_ =	swait.ge [sflag:s25], $0x8000  }
0x50c: {  	s23 =	sadd.s32 $0x1, s23;
	s31 =	rddreg [dreg:$0x16]  }
0x50d: {  	p0 =	sne.s32 s23, s31  }
.Ltmp32:
0x50e: {  	_ = 	snop;
	(pc) =	sbr.rel @p0 .LBB2_1-.Ltmp32, $3  }
0x50f: {  	_ =	sdelay $0x1  }
0x510: {  	[sflag:s25] =	ssyncset.done $0x0  }
0x511: {  	[sflag:s25] =	ssyncadd.s32 $0xFFFF8000  }
0x512: {  	_ =	sfence.sel $0x180000  }
0x513: {  	[bflag:$0x0] =	sbarrier.arrive $0xFFFF  }
0x514: {  	_ =	strace $0x90000047  }
0x515: {  	s0 =	stileid.u32;
	[bflag:$0x2] =	sbarrier.arrive $0xFFFF  }
0x516: {  	p0 =	sne.s32 s0, $0x0;
	s0 =	rddreg [dreg:$0x3]  }
0x517: {  	s0 =	sadd.s32 @!p0 $0x100000, s0  }
0x518: {  	[sflag:s0] =	ssyncadd.tile.s32 @!p0 $0x1;
	_ =	shalt  }
.Lfunc_end2:
_tile_overlayer_lowered:
.L_overlay_start_2:
0x519: {  	(tag) =	ssettag $0x2  }
0x51a: {  	s0 =	rddreg [dreg:$0x0];
	s2 =	stileid.u32  }
0x51b: {  	s1 =	rddreg [dreg:$0x1];
	p0 =	sne.s32 s2, $0x0  }
0x51c: {  	s3 =	rddreg [dreg:$0x2];
	[bflag:$0x3] =	sbarrier.arrive $0xFFFF;
	s2 =	simm.s32 @!p0 $0x1C07  }
0x51d: {  	[timem:s3], [sflag:s2] =	dma.local @!p0 [hbm:s0], s1  }
0x51e: {  	s0 =	simm.s32 @!p0 $0x7  }
0x51f: {  	_ =	swait.ge @!p0 [sflag:s0], s1  }
0x520: {  	s1 =	ssub.s32 @!p0 $0x0, s1;
	[sflag:s0] =	ssyncset.done @!p0 $0x0  }
0x521: {  	[sflag:s0] =	ssyncadd.s32 @!p0 s1  }
0x522: {  	[bflag:$0x3] =	sbarrier.arrive $0xFFFF  }
0x523: {  	_ =	shalt  }

</sc_bundles>
